<compile_context>
chip_gen: v7x
topology: tpu7x:2x2x1
jax: 0.10.2.dev20260603
libtpu: 0.0.44.dev20260713+nightly
codegen_flags: <defaults>
</compile_context>

<pallas_src>
import functools

import numpy as np
import jax
import jax.numpy as jnp
from jax import lax
from jax.experimental import pallas as pl
from jax.experimental.pallas import tpu as pltpu
from jax.experimental.pallas import tpu_sc as plsc

D = 128
DW = D // 2
K = 32
OUT = 384
NC = 2
NS = 16
NW = NC * NS
BP = 10240
C = 8
CK = C * K
N_TBL = 10000
CB0 = 320
CB1 = 320
CBMAX = max(CB0, CB1)

_p = np.arange(OUT // 3)
_j, _o = _p // 32, _p % 32
PERM = np.where(_o < 16, 32 * _j + 2 * _o, 32 * _j + 2 * (_o - 16) + 1)


def _sc_gather_mean(nodes_p, adj2d, dis2d, table_i32):
    mesh = plsc.VectorSubcoreMesh(core_axis_name="c", subcore_axis_name="s",
                                  num_cores=NC, num_subcores=NS)

    @functools.partial(
        pl.kernel,
        out_type=(
            jax.ShapeDtypeStruct((BP, DW), jnp.int32),
            jax.ShapeDtypeStruct((BP, D), jnp.float32),
            jax.ShapeDtypeStruct((BP, D), jnp.float32),
        ),
        mesh=mesh,
        compiler_params=pltpu.CompilerParams(use_tc_tiling_on_sc=False),
        scratch_types=[
            pltpu.VMEM((CBMAX // C, C), jnp.int32),
            pltpu.VMEM((CBMAX // 4, 128), jnp.int32),
            pltpu.VMEM((CBMAX // 4, 128), jnp.int32),
            [pltpu.VMEM((C, DW), jnp.int32)] * 2,
            [pltpu.VMEM((CK, DW), jnp.int32)] * 2,
            [pltpu.VMEM((CK, DW), jnp.int32)] * 2,
            [pltpu.VMEM((C, D), jnp.float32)] * 2,
            [pltpu.VMEM((C, D), jnp.float32)] * 2,
            [pltpu.SemaphoreType.DMA] * 2,
            [pltpu.SemaphoreType.DMA] * 2,
        ],
    )
    def sc_kernel(nodes_hbm, adj_hbm, dis_hbm, tbl_hbm,
                  self_out, adj_out, dis_out,
                  nidx, aidx, didx, srows, arows, drows, amean, dmean,
                  gsem, wsem):
        sid = lax.axis_index("s")

        def run_worker(nbase, nchunk):
            with jax.named_scope("stage_idx"):
                pltpu.sync_copy(nodes_hbm.at[pl.ds(nbase // C, nchunk)],
                                nidx.at[pl.ds(0, nchunk)])
                pltpu.sync_copy(adj_hbm.at[pl.ds(nbase // 4, 2 * nchunk)],
                                aidx.at[pl.ds(0, 2 * nchunk)])
                pltpu.sync_copy(dis_hbm.at[pl.ds(nbase // 4, 2 * nchunk)],
                                didx.at[pl.ds(0, 2 * nchunk)])

            def gather_cps(c, s, make_only):
                mk = pltpu.make_async_copy if make_only else pltpu.async_copy
                return [
                    mk(tbl_hbm.at[nidx.at[c]], srows[s], gsem[s]),
                    mk(tbl_hbm.at[aidx.at[2 * c]],
                       arows[s].at[pl.ds(0, 128)], gsem[s]),
                    mk(tbl_hbm.at[aidx.at[2 * c + 1]],
                       arows[s].at[pl.ds(128, 128)], gsem[s]),
                    mk(tbl_hbm.at[didx.at[2 * c]],
                       drows[s].at[pl.ds(0, 128)], gsem[s]),
                    mk(tbl_hbm.at[didx.at[2 * c + 1]],
                       drows[s].at[pl.ds(128, 128)], gsem[s]),
                ]

            def wb_cps(base, s, make_only):
                mk = pltpu.make_async_copy if make_only else pltpu.async_copy
                return [
                    mk(srows[s], self_out.at[pl.ds(base, C)], wsem[s]),
                    mk(amean[s], adj_out.at[pl.ds(base, C)], wsem[s]),
                    mk(dmean[s], dis_out.at[pl.ds(base, C)], wsem[s]),
                ]

            gather_cps(0, 0, False)

            inv_k = jnp.full((16,), 1.0 / K, jnp.float32)

            def pair_body(t, carry):
                for s in range(2):
                    c = 2 * t + s
                    base = nbase + c * C

                    with jax.named_scope("fire"):
                        @pl.when(c + 1 < nchunk)
                        def _():
                            gather_cps(c + 1, 1 - s, False)

                    with jax.named_scope("gwait"):
                        for cp in gather_cps(c, s, True):
                            cp.wait()

                    with jax.named_scope("wbwait"):
                        @pl.when(c >= 2)
                        def _():
                            for cp in wb_cps(base, s, True):
                                cp.wait()

                    ar, dr = arows[s], drows[s]
                    am, dm = amean[s], dmean[s]
                    himask = jnp.full((16,), -65536, jnp.int32)

                    def node_body(i, carry2):
                        rb = i * K
                        for d in range(4):
                            sl = pl.ds(d * 16, 16)

                            def kacc(k4, accs):
                                aa, ab, da, db = accs
                                for u in range(4):
                                    r = rb + k4 * 4 + u
                                    wa = ar[r, sl]
                                    wd = dr[r, sl]
                                    aa = aa + lax.bitcast_convert_type(
                                        wa << 16, jnp.float32)
                                    ab = ab + lax.bitcast_convert_type(
                                        wa & himask, jnp.float32)
                                    da = da + lax.bitcast_convert_type(
                                        wd << 16, jnp.float32)
                                    db = db + lax.bitcast_convert_type(
                                        wd & himask, jnp.float32)
                                return (aa, ab, da, db)

                            zero = jnp.zeros((16,), jnp.float32)
                            aa, ab, da, db = lax.fori_loop(
                                0, K // 4, kacc, (zero, zero, zero, zero))
                            am[i, pl.ds(d * 32, 16)] = aa * inv_k
                            am[i, pl.ds(d * 32 + 16, 16)] = ab * inv_k
                            dm[i, pl.ds(d * 32, 16)] = da * inv_k
                            dm[i, pl.ds(d * 32 + 16, 16)] = db * inv_k
                        return carry2

                    with jax.named_scope("acc"):
                        lax.fori_loop(0, C, node_body, 0)
                    wb_cps(base, s, False)
                return carry

            lax.fori_loop(0, nchunk // 2, pair_body, 0)

            for s in range(2):
                base = nbase + (nchunk - 2 + s) * C
                for cp in wb_cps(base, s, True):
                    cp.wait()

        @pl.when(lax.axis_index("c") == 0)
        def _():
            run_worker(sid * CB0, CB0 // C)

        if CB1:
            @pl.when(lax.axis_index("c") == 1)
            def _():
                run_worker(NS * CB0 + sid * CB1, CB1 // C)

    return sc_kernel(nodes_p, adj2d, dis2d, table_i32)


def _tc_finish(selfs_bf, adjm, dism, wt_self, wt_adj_p, wt_dis_p, bias2d):
    BM = 512

    def body(s_ref, a_ref, d_ref, ws_ref, wa_ref, wd_ref, b_ref, o_ref):
        s = s_ref[...].astype(jnp.float32)
        hs = jnp.dot(s, ws_ref[...], preferred_element_type=jnp.float32)
        ha = jnp.dot(a_ref[...], wa_ref[...], preferred_element_type=jnp.float32)
        hd = jnp.dot(d_ref[...], wd_ref[...], preferred_element_type=jnp.float32)
        h = jnp.concatenate([hs, ha, hd], axis=-1) + b_ref[...]
        h = jnp.where(h >= 0, h, 0.2 * h)
        n = jnp.sqrt(jnp.sum(h * h, axis=-1, keepdims=True))
        o_ref[...] = h / jnp.maximum(n, 1e-12)

    return pl.pallas_call(
        body,
        grid=(BP // BM,),
        in_specs=[
            pl.BlockSpec((BM, D), lambda i: (i, 0)),
            pl.BlockSpec((BM, D), lambda i: (i, 0)),
            pl.BlockSpec((BM, D), lambda i: (i, 0)),
            pl.BlockSpec((D, D), lambda i: (0, 0)),
            pl.BlockSpec((D, D), lambda i: (0, 0)),
            pl.BlockSpec((D, D), lambda i: (0, 0)),
            pl.BlockSpec((1, OUT), lambda i: (0, 0)),
        ],
        out_specs=pl.BlockSpec((BM, OUT), lambda i: (i, 0)),
        out_shape=jax.ShapeDtypeStruct((N_TBL, OUT), jnp.float32),
    )(selfs_bf, adjm, dism, wt_self, wt_adj_p, wt_dis_p, bias2d)


def kernel(nodes, adj_neighbors, dis_neighbors, feat_table,
           W_self, W_adj, W_dis, bias):
    b = nodes.shape[0]
    pad = BP - b
    pad_n = (jnp.arange(pad, dtype=jnp.int32) * 41) % N_TBL
    pad_k = (jnp.arange(pad * K, dtype=jnp.int32) * 41).reshape(pad, K) % N_TBL
    nodes_p = jnp.concatenate([nodes, pad_n]).reshape(BP // C, C)
    adj_p = jnp.concatenate(
        [adj_neighbors, pad_k]).reshape(BP * K // 128, 128)
    dis_p = jnp.concatenate(
        [dis_neighbors, pad_k]).reshape(BP * K // 128, 128)

    tbl_bf = feat_table.astype(jnp.bfloat16)
    tbl_i32 = lax.bitcast_convert_type(tbl_bf.reshape(-1, DW, 2), jnp.int32)

    selfw, adjm, dism = _sc_gather_mean(nodes_p, adj_p, dis_p, tbl_i32)
    selfs_bf = lax.bitcast_convert_type(selfw, jnp.bfloat16).reshape(BP, D)

    out = _tc_finish(selfs_bf, adjm, dism,
                     W_self.T, W_adj.T[PERM], W_dis.T[PERM],
                     bias.reshape(1, OUT))
    return out

# --- scband reference (transcript-rebuilt; emitter-appended) ---
"""Pipeline reference for scband-sage-layer-841813590040 (READ-ONLY COPY).

The authoritative reference and input builder live on the scoring server;
editing this copy changes nothing except your own understanding.
"""

import jax, jax.numpy as jnp
import numpy as np

N_NODES = 10000
D_FEAT = 128
OUT_DIM = 384
B = 10000
K = 32


def setup_inputs(seed: int = 0) -> dict:
    key = jax.random.key(seed)
    k1, k2, k3, k4, k5, k6, k7, k8 = jax.random.split(key, 8)
    nodes = jax.random.randint(k1, (B,), 0, N_NODES, dtype=jnp.int32)
    adj_neighbors = jax.random.randint(k2, (B, K), 0, N_NODES, dtype=jnp.int32)
    dis_neighbors = jax.random.randint(k3, (B, K), 0, N_NODES, dtype=jnp.int32)
    # learned parameters
    feat_table = jax.random.normal(k4, (N_NODES, D_FEAT), dtype=jnp.float32)
    d3 = OUT_DIM // 3
    # nn.Linear weight layout: [out_features, in_features], init uniform(-0.1, 0.1)
    W_self = jax.random.uniform(k5, (d3, D_FEAT), dtype=jnp.float32, minval=-0.1, maxval=0.1)
    W_adj = jax.random.uniform(k6, (d3, D_FEAT), dtype=jnp.float32, minval=-0.1, maxval=0.1)
    W_dis = jax.random.uniform(k7, (d3, D_FEAT), dtype=jnp.float32, minval=-0.1, maxval=0.1)
    bias = jnp.zeros((OUT_DIM,), dtype=jnp.float32)
    return {
        "nodes": nodes,
        "adj_neighbors": adj_neighbors,
        "dis_neighbors": dis_neighbors,
        "feat_table": feat_table,
        "W_self": W_self,
        "W_adj": W_adj,
        "W_dis": W_dis,
        "bias": bias,
    }


def reference(nodes, adj_neighbors, dis_neighbors, feat_table, W_self, W_adj, W_dis, bias):
    # self features: embedding gather (id2feat)
    self_feats = jnp.take(feat_table, nodes, axis=0)  # [B, D_FEAT]
    # MeanAggregator over adj neighbors: gather then mean (each sampled neighbor weight 1/K)
    adj_feats = jnp.take(feat_table, adj_neighbors, axis=0).mean(axis=1)  # [B, D_FEAT]
    # MeanAggregator over dis neighbors
    dis_feats = jnp.take(feat_table, dis_neighbors, axis=0).mean(axis=1)  # [B, D_FEAT]
    # linear transforms (no bias), dropout p=0.0 so identity
    h_self = self_feats @ W_self.T
    h_adj = adj_feats @ W_adj.T
    h_dis = dis_feats @ W_dis.T
    feats = jnp.concatenate((h_self, h_adj, h_dis), axis=-1) + bias
    feats = jax.nn.leaky_relu(feats, negative_slope=0.2)
    # F.normalize(p=2, dim=-1)
    norm = jnp.linalg.norm(feats, axis=-1, keepdims=True)
    feats = feats / jnp.maximum(norm, 1e-12)
    return feats

if __name__ == "__main__":
    import jax
    _d = setup_inputs()
    print(jax.jit(kernel)(*tuple(_d.values())))

</pallas_src>

<mosaic_0001>
#map = affine_map<(d0, d1) -> (0, 0)>
module attributes {stable_mosaic.version = 14 : i64} {
  func.func @sc_kernel(%arg0: i32, %arg1: i32, %arg2: memref<1280x8xi32, #tpu.memory_space<hbm>>, %arg3: memref<2560x128xi32, #tpu.memory_space<hbm>>, %arg4: memref<2560x128xi32, #tpu.memory_space<hbm>>, %arg5: memref<10000x64xi32, #tpu.memory_space<hbm>>, %arg6: memref<10240x64xi32, #tpu.memory_space<hbm>>, %arg7: memref<10240x128xf32, #tpu.memory_space<hbm>>, %arg8: memref<10240x128xf32, #tpu.memory_space<hbm>>, %arg9: memref<40x8xi32, #tpu.memory_space<vmem>>, %arg10: memref<80x128xi32, #tpu.memory_space<vmem>>, %arg11: memref<80x128xi32, #tpu.memory_space<vmem>>, %arg12: memref<8x64xi32, #tpu.memory_space<vmem>>, %arg13: memref<8x64xi32, #tpu.memory_space<vmem>>, %arg14: memref<256x64xi32, #tpu.memory_space<vmem>>, %arg15: memref<256x64xi32, #tpu.memory_space<vmem>>, %arg16: memref<256x64xi32, #tpu.memory_space<vmem>>, %arg17: memref<256x64xi32, #tpu.memory_space<vmem>>, %arg18: memref<8x128xf32, #tpu.memory_space<vmem>>, %arg19: memref<8x128xf32, #tpu.memory_space<vmem>>, %arg20: memref<8x128xf32, #tpu.memory_space<vmem>>, %arg21: memref<8x128xf32, #tpu.memory_space<vmem>>, %arg22: memref<!tpu.dma_semaphore, #tpu.memory_space<semaphore_mem>>, %arg23: memref<!tpu.dma_semaphore, #tpu.memory_space<semaphore_mem>>, %arg24: memref<!tpu.dma_semaphore, #tpu.memory_space<semaphore_mem>>, %arg25: memref<!tpu.dma_semaphore, #tpu.memory_space<semaphore_mem>>) attributes {dimension_semantics = [#tpu.dimension_semantics<core_parallel>, #tpu.dimension_semantics<subcore_parallel>], iteration_bounds = array<i64: 2, 16>, scalar_prefetch = 0 : i64, scratch_operands = 17 : i64, tpu.core_type = #tpu.core_type<sc_vector_subcore>, window_params = [{transform_indices = #map}, {transform_indices = #map}, {transform_indices = #map}, {transform_indices = #map}, {transform_indices = #map}, {transform_indices = #map}, {transform_indices = #map}]} {
    %eq3A = arith.constant 0 : i32
    %eq3A_0 = arith.cmpi eq, %arg0, %eq3A : i32
    %convert_element_type3A = arith.extui %eq3A_0 : i1 to i32
    %cond3A = arith.constant 0 : i32
    %cond3A_1 = arith.cmpi ne, %convert_element_type3A, %cond3A : i32
    scf.if %cond3A_1 {
      %mul3A = arith.constant 320 : i32
      %mul3A_7 = arith.muli %arg1, %mul3A : i32
      %jit3A = arith.constant 8 : i32
      "tpu.trace_start"() <{level = 10 : i32, message = "stage_idx"}> : () -> ()
      %div3A = arith.divsi %mul3A_7, %jit3A : i32
      %sign3A = arith.constant 0 : i32
      %sign3A_8 = arith.cmpi sgt, %mul3A_7, %sign3A : i32
      %sign3A_9 = arith.extui %sign3A_8 : i1 to i32
      %sign3A_10 = arith.constant 0 : i32
      %sign3A_11 = arith.cmpi slt, %mul3A_7, %sign3A_10 : i32
      %sign3A_12 = arith.extui %sign3A_11 : i1 to i32
      %sign3A_13 = arith.subi %sign3A_9, %sign3A_12 : i32
      %sign3A_14 = arith.constant 0 : i32
      %sign3A_15 = arith.cmpi sgt, %jit3A, %sign3A_14 : i32
      %sign3A_16 = arith.extui %sign3A_15 : i1 to i32
      %sign3A_17 = arith.constant 0 : i32
      %sign3A_18 = arith.cmpi slt, %jit3A, %sign3A_17 : i32
      %sign3A_19 = arith.extui %sign3A_18 : i1 to i32
      %sign3A_20 = arith.subi %sign3A_16, %sign3A_19 : i32
      %ne3A = arith.cmpi ne, %sign3A_13, %sign3A_20 : i32
      %rem3A = arith.remsi %mul3A_7, %jit3A : i32
      %ne3A_21 = arith.constant 0 : i32
      %ne3A_22 = arith.cmpi ne, %rem3A, %ne3A_21 : i32
      %and3A = arith.andi %ne3A, %ne3A_22 : i1
      %sub3A = arith.constant 1 : i32
      %sub3A_23 = arith.subi %div3A, %sub3A : i32
      %select_n3A = arith.select %and3A, %sub3A_23, %div3A : i32
      "tpu.region"() ({
        %run_scoped3A = tpu.sem_alloc : memref<!tpu.dma_semaphore, #tpu.memory_space<semaphore_mem>>
        %dma_start3A_150 = arith.constant 0 : i32
        %dma_start3A_151 = arith.constant 0 : i32
        %dma_start3A_152 = tpu.memref_slice %arg9[%dma_start3A_150, %dma_start3A_151] : memref<40x8xi32, #tpu.memory_space<vmem>> -> memref<40x8xi32, #tpu.memory_space<vmem>>
        %dma_start3A_153 = arith.constant 0 : i32
        %dma_start3A_154 = tpu.memref_slice %arg2[%select_n3A, %dma_start3A_153] : memref<1280x8xi32, #tpu.memory_space<hbm>> -> memref<40x8xi32, #tpu.memory_space<hbm>>
        %dma_start3A_155 = arith.constant 0 : i32
        %dma_start3A_156 = arith.constant 0 : i32
        %dma_start3A_157 = tpu.memref_slice %arg9[%dma_start3A_155, %dma_start3A_156] : memref<40x8xi32, #tpu.memory_space<vmem>> -> memref<40x8xi32, #tpu.memory_space<vmem>>
        %dma_start3A_158 = arith.constant 0 : i32
        %dma_start3A_159 = tpu.memref_slice %arg2[%select_n3A, %dma_start3A_158] : memref<1280x8xi32, #tpu.memory_space<hbm>> -> memref<40x8xi32, #tpu.memory_space<hbm>>
        tpu.enqueue_dma source(%dma_start3A_159 : memref<40x8xi32, #tpu.memory_space<hbm>>) target(%dma_start3A_157 : memref<40x8xi32, #tpu.memory_space<vmem>>) target_semaphore(%run_scoped3A : memref<!tpu.dma_semaphore, #tpu.memory_space<semaphore_mem>>)
        %dma_wait3A_160 = arith.constant 0 : i32
        %dma_wait3A_161 = arith.constant 0 : i32
        %dma_wait3A_162 = tpu.memref_slice %arg9[%dma_wait3A_160, %dma_wait3A_161] : memref<40x8xi32, #tpu.memory_space<vmem>> -> memref<40x8xi32, #tpu.memory_space<vmem>>
        %dma_wait3A_163 = arith.constant 0 : i32
        %dma_wait3A_164 = tpu.memref_slice %arg2[%select_n3A, %dma_wait3A_163] : memref<1280x8xi32, #tpu.memory_space<hbm>> -> memref<40x8xi32, #tpu.memory_space<hbm>>
        %dma_wait3A_165 = arith.constant 0 : i32
        %dma_wait3A_166 = arith.constant 0 : i32
        %dma_wait3A_167 = tpu.memref_slice %arg9[%dma_wait3A_165, %dma_wait3A_166] : memref<40x8xi32, #tpu.memory_space<vmem>> -> memref<40x8xi32, #tpu.memory_space<vmem>>
        %dma_wait3A_168 = arith.constant 0 : i32
        %dma_wait3A_169 = tpu.memref_slice %arg2[%select_n3A, %dma_wait3A_168] : memref<1280x8xi32, #tpu.memory_space<hbm>> -> memref<40x8xi32, #tpu.memory_space<hbm>>
        tpu.wait_dma2 semaphore(%run_scoped3A : memref<!tpu.dma_semaphore, #tpu.memory_space<semaphore_mem>>) src(%dma_wait3A_169 : memref<40x8xi32, #tpu.memory_space<hbm>>) dst(%dma_wait3A_167 : memref<40x8xi32, #tpu.memory_space<vmem>>)
        tpu.yield
      }) : () -> ()
      %jit3A_24 = arith.constant 4 : i32
      %div3A_25 = arith.divsi %mul3A_7, %jit3A_24 : i32
      %sign3A_26 = arith.constant 0 : i32
      %sign3A_27 = arith.cmpi sgt, %mul3A_7, %sign3A_26 : i32
      %sign3A_28 = arith.extui %sign3A_27 : i1 to i32
      %sign3A_29 = arith.constant 0 : i32
      %sign3A_30 = arith.cmpi slt, %mul3A_7, %sign3A_29 : i32
      %sign3A_31 = arith.extui %sign3A_30 : i1 to i32
      %sign3A_32 = arith.subi %sign3A_28, %sign3A_31 : i32
      %sign3A_33 = arith.constant 0 : i32
      %sign3A_34 = arith.cmpi sgt, %jit3A_24, %sign3A_33 : i32
      %sign3A_35 = arith.extui %sign3A_34 : i1 to i32
      %sign3A_36 = arith.constant 0 : i32
      %sign3A_37 = arith.cmpi slt, %jit3A_24, %sign3A_36 : i32
      %sign3A_38 = arith.extui %sign3A_37 : i1 to i32
      %sign3A_39 = arith.subi %sign3A_35, %sign3A_38 : i32
      %ne3A_40 = arith.cmpi ne, %sign3A_32, %sign3A_39 : i32
      %rem3A_41 = arith.remsi %mul3A_7, %jit3A_24 : i32
      %ne3A_42 = arith.constant 0 : i32
      %ne3A_43 = arith.cmpi ne, %rem3A_41, %ne3A_42 : i32
      %and3A_44 = arith.andi %ne3A_40, %ne3A_43 : i1
      %sub3A_45 = arith.constant 1 : i32
      %sub3A_46 = arith.subi %div3A_25, %sub3A_45 : i32
      %select_n3A_47 = arith.select %and3A_44, %sub3A_46, %div3A_25 : i32
      "tpu.region"() ({
        %run_scoped3A = tpu.sem_alloc : memref<!tpu.dma_semaphore, #tpu.memory_space<semaphore_mem>>
        %dma_start3A_150 = arith.constant 0 : i32
        %dma_start3A_151 = arith.constant 0 : i32
        %dma_start3A_152 = tpu.memref_slice %arg10[%dma_start3A_150, %dma_start3A_151] : memref<80x128xi32, #tpu.memory_space<vmem>> -> memref<80x128xi32, #tpu.memory_space<vmem>>
        %dma_start3A_153 = arith.constant 0 : i32
        %dma_start3A_154 = tpu.memref_slice %arg3[%select_n3A_47, %dma_start3A_153] : memref<2560x128xi32, #tpu.memory_space<hbm>> -> memref<80x128xi32, #tpu.memory_space<hbm>>
        %dma_start3A_155 = arith.constant 0 : i32
        %dma_start3A_156 = arith.constant 0 : i32
        %dma_start3A_157 = tpu.memref_slice %arg10[%dma_start3A_155, %dma_start3A_156] : memref<80x128xi32, #tpu.memory_space<vmem>> -> memref<80x128xi32, #tpu.memory_space<vmem>>
        %dma_start3A_158 = arith.constant 0 : i32
        %dma_start3A_159 = tpu.memref_slice %arg3[%select_n3A_47, %dma_start3A_158] : memref<2560x128xi32, #tpu.memory_space<hbm>> -> memref<80x128xi32, #tpu.memory_space<hbm>>
        tpu.enqueue_dma source(%dma_start3A_159 : memref<80x128xi32, #tpu.memory_space<hbm>>) target(%dma_start3A_157 : memref<80x128xi32, #tpu.memory_space<vmem>>) target_semaphore(%run_scoped3A : memref<!tpu.dma_semaphore, #tpu.memory_space<semaphore_mem>>)
        %dma_wait3A_160 = arith.constant 0 : i32
        %dma_wait3A_161 = arith.constant 0 : i32
        %dma_wait3A_162 = tpu.memref_slice %arg10[%dma_wait3A_160, %dma_wait3A_161] : memref<80x128xi32, #tpu.memory_space<vmem>> -> memref<80x128xi32, #tpu.memory_space<vmem>>
        %dma_wait3A_163 = arith.constant 0 : i32
        %dma_wait3A_164 = tpu.memref_slice %arg3[%select_n3A_47, %dma_wait3A_163] : memref<2560x128xi32, #tpu.memory_space<hbm>> -> memref<80x128xi32, #tpu.memory_space<hbm>>
        %dma_wait3A_165 = arith.constant 0 : i32
        %dma_wait3A_166 = arith.constant 0 : i32
        %dma_wait3A_167 = tpu.memref_slice %arg10[%dma_wait3A_165, %dma_wait3A_166] : memref<80x128xi32, #tpu.memory_space<vmem>> -> memref<80x128xi32, #tpu.memory_space<vmem>>
        %dma_wait3A_168 = arith.constant 0 : i32
        %dma_wait3A_169 = tpu.memref_slice %arg3[%select_n3A_47, %dma_wait3A_168] : memref<2560x128xi32, #tpu.memory_space<hbm>> -> memref<80x128xi32, #tpu.memory_space<hbm>>
        tpu.wait_dma2 semaphore(%run_scoped3A : memref<!tpu.dma_semaphore, #tpu.memory_space<semaphore_mem>>) src(%dma_wait3A_169 : memref<80x128xi32, #tpu.memory_space<hbm>>) dst(%dma_wait3A_167 : memref<80x128xi32, #tpu.memory_space<vmem>>)
        tpu.yield
      }) : () -> ()
      %jit3A_48 = arith.constant 4 : i32
      %div3A_49 = arith.divsi %mul3A_7, %jit3A_48 : i32
      %sign3A_50 = arith.constant 0 : i32
      %sign3A_51 = arith.cmpi sgt, %mul3A_7, %sign3A_50 : i32
      %sign3A_52 = arith.extui %sign3A_51 : i1 to i32
      %sign3A_53 = arith.constant 0 : i32
      %sign3A_54 = arith.cmpi slt, %mul3A_7, %sign3A_53 : i32
      %sign3A_55 = arith.extui %sign3A_54 : i1 to i32
      %sign3A_56 = arith.subi %sign3A_52, %sign3A_55 : i32
      %sign3A_57 = arith.constant 0 : i32
      %sign3A_58 = arith.cmpi sgt, %jit3A_48, %sign3A_57 : i32
      %sign3A_59 = arith.extui %sign3A_58 : i1 to i32
      %sign3A_60 = arith.constant 0 : i32
      %sign3A_61 = arith.cmpi slt, %jit3A_48, %sign3A_60 : i32
      %sign3A_62 = arith.extui %sign3A_61 : i1 to i32
      %sign3A_63 = arith.subi %sign3A_59, %sign3A_62 : i32
      %ne3A_64 = arith.cmpi ne, %sign3A_56, %sign3A_63 : i32
      %rem3A_65 = arith.remsi %mul3A_7, %jit3A_48 : i32
      %ne3A_66 = arith.constant 0 : i32
      %ne3A_67 = arith.cmpi ne, %rem3A_65, %ne3A_66 : i32
      %and3A_68 = arith.andi %ne3A_64, %ne3A_67 : i1
      %sub3A_69 = arith.constant 1 : i32
      %sub3A_70 = arith.subi %div3A_49, %sub3A_69 : i32
      %select_n3A_71 = arith.select %and3A_68, %sub3A_70, %div3A_49 : i32
      "tpu.region"() ({
        %run_scoped3A = tpu.sem_alloc : memref<!tpu.dma_semaphore, #tpu.memory_space<semaphore_mem>>
        %dma_start3A_150 = arith.constant 0 : i32
        %dma_start3A_151 = arith.constant 0 : i32
        %dma_start3A_152 = tpu.memref_slice %arg11[%dma_start3A_150, %dma_start3A_151] : memref<80x128xi32, #tpu.memory_space<vmem>> -> memref<80x128xi32, #tpu.memory_space<vmem>>
        %dma_start3A_153 = arith.constant 0 : i32
        %dma_start3A_154 = tpu.memref_slice %arg4[%select_n3A_71, %dma_start3A_153] : memref<2560x128xi32, #tpu.memory_space<hbm>> -> memref<80x128xi32, #tpu.memory_space<hbm>>
        %dma_start3A_155 = arith.constant 0 : i32
        %dma_start3A_156 = arith.constant 0 : i32
        %dma_start3A_157 = tpu.memref_slice %arg11[%dma_start3A_155, %dma_start3A_156] : memref<80x128xi32, #tpu.memory_space<vmem>> -> memref<80x128xi32, #tpu.memory_space<vmem>>
        %dma_start3A_158 = arith.constant 0 : i32
        %dma_start3A_159 = tpu.memref_slice %arg4[%select_n3A_71, %dma_start3A_158] : memref<2560x128xi32, #tpu.memory_space<hbm>> -> memref<80x128xi32, #tpu.memory_space<hbm>>
        tpu.enqueue_dma source(%dma_start3A_159 : memref<80x128xi32, #tpu.memory_space<hbm>>) target(%dma_start3A_157 : memref<80x128xi32, #tpu.memory_space<vmem>>) target_semaphore(%run_scoped3A : memref<!tpu.dma_semaphore, #tpu.memory_space<semaphore_mem>>)
        %dma_wait3A_160 = arith.constant 0 : i32
        %dma_wait3A_161 = arith.constant 0 : i32
        %dma_wait3A_162 = tpu.memref_slice %arg11[%dma_wait3A_160, %dma_wait3A_161] : memref<80x128xi32, #tpu.memory_space<vmem>> -> memref<80x128xi32, #tpu.memory_space<vmem>>
        %dma_wait3A_163 = arith.constant 0 : i32
        %dma_wait3A_164 = tpu.memref_slice %arg4[%select_n3A_71, %dma_wait3A_163] : memref<2560x128xi32, #tpu.memory_space<hbm>> -> memref<80x128xi32, #tpu.memory_space<hbm>>
        %dma_wait3A_165 = arith.constant 0 : i32
        %dma_wait3A_166 = arith.constant 0 : i32
        %dma_wait3A_167 = tpu.memref_slice %arg11[%dma_wait3A_165, %dma_wait3A_166] : memref<80x128xi32, #tpu.memory_space<vmem>> -> memref<80x128xi32, #tpu.memory_space<vmem>>
        %dma_wait3A_168 = arith.constant 0 : i32
        %dma_wait3A_169 = tpu.memref_slice %arg4[%select_n3A_71, %dma_wait3A_168] : memref<2560x128xi32, #tpu.memory_space<hbm>> -> memref<80x128xi32, #tpu.memory_space<hbm>>
        tpu.wait_dma2 semaphore(%run_scoped3A : memref<!tpu.dma_semaphore, #tpu.memory_space<semaphore_mem>>) src(%dma_wait3A_169 : memref<80x128xi32, #tpu.memory_space<hbm>>) dst(%dma_wait3A_167 : memref<80x128xi32, #tpu.memory_space<vmem>>)
        tpu.yield
      }) : () -> ()
      %dma_start3A = arith.constant 0 : i32
      "tpu.trace_stop"() : () -> ()
      %dma_start3A_72 = arith.constant 0 : i32
      %dma_start3A_73 = tpu.memref_slice %arg9[%dma_start3A, %dma_start3A_72] : memref<40x8xi32, #tpu.memory_space<vmem>> -> memref<1x8xi32, #tpu.memory_space<vmem>>
      %dma_start3A_74 = tpu.memref_squeeze %dma_start3A_73 : memref<1x8xi32, #tpu.memory_space<vmem>> -> memref<8xi32, #tpu.memory_space<vmem>>
      %dma_start3A_75 = arith.constant 0 : i32
      %dma_start3A_76 = arith.constant 0 : i32
      %dma_start3A_77 = tpu.memref_slice %arg5[%dma_start3A_75, %dma_start3A_76] : memref<10000x64xi32, #tpu.memory_space<hbm>> -> memref<10000x64xi32, #tpu.memory_space<hbm>>
      tpu.enqueue_indirect_dma source(%dma_start3A_77 : memref<10000x64xi32, #tpu.memory_space<hbm>>) target(%arg12 : memref<8x64xi32, #tpu.memory_space<vmem>>) offsets(%dma_start3A_74 : memref<8xi32, #tpu.memory_space<vmem>>) semaphore(%arg22 : memref<!tpu.dma_semaphore, #tpu.memory_space<semaphore_mem>>)
      %dma_start3A_78 = arith.constant 0 : i32
      %dma_start3A_79 = arith.constant 0 : i32
      %dma_start3A_80 = arith.constant 0 : i32
      %dma_start3A_81 = tpu.memref_slice %arg14[%dma_start3A_79, %dma_start3A_80] : memref<256x64xi32, #tpu.memory_space<vmem>> -> memref<128x64xi32, #tpu.memory_space<vmem>>
      %dma_start3A_82 = arith.constant 0 : i32
      %dma_start3A_83 = tpu.memref_slice %arg10[%dma_start3A_78, %dma_start3A_82] : memref<80x128xi32, #tpu.memory_space<vmem>> -> memref<1x128xi32, #tpu.memory_space<vmem>>
      %dma_start3A_84 = tpu.memref_squeeze %dma_start3A_83 : memref<1x128xi32, #tpu.memory_space<vmem>> -> memref<128xi32, #tpu.memory_space<vmem>>
      %dma_start3A_85 = arith.constant 0 : i32
      %dma_start3A_86 = arith.constant 0 : i32
      %dma_start3A_87 = tpu.memref_slice %arg5[%dma_start3A_85, %dma_start3A_86] : memref<10000x64xi32, #tpu.memory_space<hbm>> -> memref<10000x64xi32, #tpu.memory_space<hbm>>
      tpu.enqueue_indirect_dma source(%dma_start3A_87 : memref<10000x64xi32, #tpu.memory_space<hbm>>) target(%dma_start3A_81 : memref<128x64xi32, #tpu.memory_space<vmem>>) offsets(%dma_start3A_84 : memref<128xi32, #tpu.memory_space<vmem>>) semaphore(%arg22 : memref<!tpu.dma_semaphore, #tpu.memory_space<semaphore_mem>>)
      %dma_start3A_88 = arith.constant 1 : i32
      %dma_start3A_89 = arith.constant 128 : i32
      %dma_start3A_90 = arith.constant 0 : i32
      %dma_start3A_91 = tpu.memref_slice %arg14[%dma_start3A_89, %dma_start3A_90] : memref<256x64xi32, #tpu.memory_space<vmem>> -> memref<128x64xi32, #tpu.memory_space<vmem>>
      %dma_start3A_92 = arith.constant 0 : i32
      %dma_start3A_93 = tpu.memref_slice %arg10[%dma_start3A_88, %dma_start3A_92] : memref<80x128xi32, #tpu.memory_space<vmem>> -> memref<1x128xi32, #tpu.memory_space<vmem>>
      %dma_start3A_94 = tpu.memref_squeeze %dma_start3A_93 : memref<1x128xi32, #tpu.memory_space<vmem>> -> memref<128xi32, #tpu.memory_space<vmem>>
      %dma_start3A_95 = arith.constant 0 : i32
      %dma_start3A_96 = arith.constant 0 : i32
      %dma_start3A_97 = tpu.memref_slice %arg5[%dma_start3A_95, %dma_start3A_96] : memref<10000x64xi32, #tpu.memory_space<hbm>> -> memref<10000x64xi32, #tpu.memory_space<hbm>>
      tpu.enqueue_indirect_dma source(%dma_start3A_97 : memref<10000x64xi32, #tpu.memory_space<hbm>>) target(%dma_start3A_91 : memref<128x64xi32, #tpu.memory_space<vmem>>) offsets(%dma_start3A_94 : memref<128xi32, #tpu.memory_space<vmem>>) semaphore(%arg22 : memref<!tpu.dma_semaphore, #tpu.memory_space<semaphore_mem>>)
      %dma_start3A_98 = arith.constant 0 : i32
      %dma_start3A_99 = arith.constant 0 : i32
      %dma_start3A_100 = arith.constant 0 : i32
      %dma_start3A_101 = tpu.memref_slice %arg16[%dma_start3A_99, %dma_start3A_100] : memref<256x64xi32, #tpu.memory_space<vmem>> -> memref<128x64xi32, #tpu.memory_space<vmem>>
      %dma_start3A_102 = arith.constant 0 : i32
      %dma_start3A_103 = tpu.memref_slice %arg11[%dma_start3A_98, %dma_start3A_102] : memref<80x128xi32, #tpu.memory_space<vmem>> -> memref<1x128xi32, #tpu.memory_space<vmem>>
      %dma_start3A_104 = tpu.memref_squeeze %dma_start3A_103 : memref<1x128xi32, #tpu.memory_space<vmem>> -> memref<128xi32, #tpu.memory_space<vmem>>
      %dma_start3A_105 = arith.constant 0 : i32
      %dma_start3A_106 = arith.constant 0 : i32
      %dma_start3A_107 = tpu.memref_slice %arg5[%dma_start3A_105, %dma_start3A_106] : memref<10000x64xi32, #tpu.memory_space<hbm>> -> memref<10000x64xi32, #tpu.memory_space<hbm>>
      tpu.enqueue_indirect_dma source(%dma_start3A_107 : memref<10000x64xi32, #tpu.memory_space<hbm>>) target(%dma_start3A_101 : memref<128x64xi32, #tpu.memory_space<vmem>>) offsets(%dma_start3A_104 : memref<128xi32, #tpu.memory_space<vmem>>) semaphore(%arg22 : memref<!tpu.dma_semaphore, #tpu.memory_space<semaphore_mem>>)
      %dma_start3A_108 = arith.constant 1 : i32
      %dma_start3A_109 = arith.constant 128 : i32
      %dma_start3A_110 = arith.constant 0 : i32
      %dma_start3A_111 = tpu.memref_slice %arg16[%dma_start3A_109, %dma_start3A_110] : memref<256x64xi32, #tpu.memory_space<vmem>> -> memref<128x64xi32, #tpu.memory_space<vmem>>
      %dma_start3A_112 = arith.constant 0 : i32
      %dma_start3A_113 = tpu.memref_slice %arg11[%dma_start3A_108, %dma_start3A_112] : memref<80x128xi32, #tpu.memory_space<vmem>> -> memref<1x128xi32, #tpu.memory_space<vmem>>
      %dma_start3A_114 = tpu.memref_squeeze %dma_start3A_113 : memref<1x128xi32, #tpu.memory_space<vmem>> -> memref<128xi32, #tpu.memory_space<vmem>>
      %dma_start3A_115 = arith.constant 0 : i32
      %dma_start3A_116 = arith.constant 0 : i32
      %dma_start3A_117 = tpu.memref_slice %arg5[%dma_start3A_115, %dma_start3A_116] : memref<10000x64xi32, #tpu.memory_space<hbm>> -> memref<10000x64xi32, #tpu.memory_space<hbm>>
      tpu.enqueue_indirect_dma source(%dma_start3A_117 : memref<10000x64xi32, #tpu.memory_space<hbm>>) target(%dma_start3A_111 : memref<128x64xi32, #tpu.memory_space<vmem>>) offsets(%dma_start3A_114 : memref<128xi32, #tpu.memory_space<vmem>>) semaphore(%arg22 : memref<!tpu.dma_semaphore, #tpu.memory_space<semaphore_mem>>)
      %broadcast_in_dim3A = arith.constant 3.125000e-02 : f32
      %broadcast_in_dim3A_118 = vector.broadcast %broadcast_in_dim3A : f32 to vector<16xf32>
      %scan3A = arith.constant 0 : i32
      %scan3A_119 = arith.constant 0 : i32
      %scan3A_120 = arith.constant 20 : i32
      %scan3A_121 = arith.addi %scan3A_119, %scan3A_120 : i32
      %scan3A_122 = arith.constant 1 : i32
      scf.for %scan3A_150 = %scan3A_119 to %scan3A_121 step %scan3A_122  : i32 {
        %mul3A_151 = arith.constant 2 : i32
        %mul3A_152 = arith.muli %mul3A_151, %scan3A_150 : i32
        %add3A_153 = arith.constant 0 : i32
        %add3A_154 = arith.addi %mul3A_152, %add3A_153 : i32
        %mul3A_155 = arith.constant 8 : i32
        %mul3A_156 = arith.muli %add3A_154, %mul3A_155 : i32
        %add3A_157 = arith.addi %mul3A_7, %mul3A_156 : i32
        "tpu.trace_start"() <{level = 10 : i32, message = "fire"}> : () -> ()
        %add3A_158 = arith.constant 1 : i32
        %add3A_159 = arith.addi %add3A_154, %add3A_158 : i32
        %lt3A = arith.constant 40 : i32
        %lt3A_160 = arith.cmpi slt, %add3A_159, %lt3A : i32
        %convert_element_type3A_161 = arith.extui %lt3A_160 : i1 to i32
        %cond3A_162 = arith.constant 0 : i32
        %cond3A_163 = arith.cmpi ne, %convert_element_type3A_161, %cond3A_162 : i32
        scf.if %cond3A_163 {
          %add3A_335 = arith.constant 1 : i32
          %add3A_336 = arith.addi %add3A_154, %add3A_335 : i32
          %dma_start3A_337 = arith.constant 0 : i32
          %dma_start3A_338 = tpu.memref_slice %arg9[%add3A_336, %dma_start3A_337] : memref<40x8xi32, #tpu.memory_space<vmem>> -> memref<1x8xi32, #tpu.memory_space<vmem>>
          %dma_start3A_339 = tpu.memref_squeeze %dma_start3A_338 : memref<1x8xi32, #tpu.memory_space<vmem>> -> memref<8xi32, #tpu.memory_space<vmem>>
          %dma_start3A_340 = arith.constant 0 : i32
          %dma_start3A_341 = arith.constant 0 : i32
          %dma_start3A_342 = tpu.memref_slice %arg5[%dma_start3A_340, %dma_start3A_341] : memref<10000x64xi32, #tpu.memory_space<hbm>> -> memref<10000x64xi32, #tpu.memory_space<hbm>>
          tpu.enqueue_indirect_dma source(%dma_start3A_342 : memref<10000x64xi32, #tpu.memory_space<hbm>>) target(%arg13 : memref<8x64xi32, #tpu.memory_space<vmem>>) offsets(%dma_start3A_339 : memref<8xi32, #tpu.memory_space<vmem>>) semaphore(%arg23 : memref<!tpu.dma_semaphore, #tpu.memory_space<semaphore_mem>>)
          %mul3A_343 = arith.constant 2 : i32
          %mul3A_344 = arith.muli %mul3A_343, %add3A_336 : i32
          %dma_start3A_345 = arith.constant 0 : i32
          %dma_start3A_346 = arith.constant 0 : i32
          %dma_start3A_347 = tpu.memref_slice %arg15[%dma_start3A_345, %dma_start3A_346] : memref<256x64xi32, #tpu.memory_space<vmem>> -> memref<128x64xi32, #tpu.memory_space<vmem>>
          %dma_start3A_348 = arith.constant 0 : i32
          %dma_start3A_349 = tpu.memref_slice %arg10[%mul3A_344, %dma_start3A_348] : memref<80x128xi32, #tpu.memory_space<vmem>> -> memref<1x128xi32, #tpu.memory_space<vmem>>
          %dma_start3A_350 = tpu.memref_squeeze %dma_start3A_349 : memref<1x128xi32, #tpu.memory_space<vmem>> -> memref<128xi32, #tpu.memory_space<vmem>>
          %dma_start3A_351 = arith.constant 0 : i32
          %dma_start3A_352 = arith.constant 0 : i32
          %dma_start3A_353 = tpu.memref_slice %arg5[%dma_start3A_351, %dma_start3A_352] : memref<10000x64xi32, #tpu.memory_space<hbm>> -> memref<10000x64xi32, #tpu.memory_space<hbm>>
          tpu.enqueue_indirect_dma source(%dma_start3A_353 : memref<10000x64xi32, #tpu.memory_space<hbm>>) target(%dma_start3A_347 : memref<128x64xi32, #tpu.memory_space<vmem>>) offsets(%dma_start3A_350 : memref<128xi32, #tpu.memory_space<vmem>>) semaphore(%arg23 : memref<!tpu.dma_semaphore, #tpu.memory_space<semaphore_mem>>)
          %mul3A_354 = arith.constant 2 : i32
          %mul3A_355 = arith.muli %mul3A_354, %add3A_336 : i32
          %add3A_356 = arith.constant 1 : i32
          %add3A_357 = arith.addi %mul3A_355, %add3A_356 : i32
          %dma_start3A_358 = arith.constant 128 : i32
          %dma_start3A_359 = arith.constant 0 : i32
          %dma_start3A_360 = tpu.memref_slice %arg15[%dma_start3A_358, %dma_start3A_359] : memref<256x64xi32, #tpu.memory_space<vmem>> -> memref<128x64xi32, #tpu.memory_space<vmem>>
          %dma_start3A_361 = arith.constant 0 : i32
          %dma_start3A_362 = tpu.memref_slice %arg10[%add3A_357, %dma_start3A_361] : memref<80x128xi32, #tpu.memory_space<vmem>> -> memref<1x128xi32, #tpu.memory_space<vmem>>
          %dma_start3A_363 = tpu.memref_squeeze %dma_start3A_362 : memref<1x128xi32, #tpu.memory_space<vmem>> -> memref<128xi32, #tpu.memory_space<vmem>>
          %dma_start3A_364 = arith.constant 0 : i32
          %dma_start3A_365 = arith.constant 0 : i32
          %dma_start3A_366 = tpu.memref_slice %arg5[%dma_start3A_364, %dma_start3A_365] : memref<10000x64xi32, #tpu.memory_space<hbm>> -> memref<10000x64xi32, #tpu.memory_space<hbm>>
          tpu.enqueue_indirect_dma source(%dma_start3A_366 : memref<10000x64xi32, #tpu.memory_space<hbm>>) target(%dma_start3A_360 : memref<128x64xi32, #tpu.memory_space<vmem>>) offsets(%dma_start3A_363 : memref<128xi32, #tpu.memory_space<vmem>>) semaphore(%arg23 : memref<!tpu.dma_semaphore, #tpu.memory_space<semaphore_mem>>)
          %mul3A_367 = arith.constant 2 : i32
          %mul3A_368 = arith.muli %mul3A_367, %add3A_336 : i32
          %dma_start3A_369 = arith.constant 0 : i32
          %dma_start3A_370 = arith.constant 0 : i32
          %dma_start3A_371 = tpu.memref_slice %arg17[%dma_start3A_369, %dma_start3A_370] : memref<256x64xi32, #tpu.memory_space<vmem>> -> memref<128x64xi32, #tpu.memory_space<vmem>>
          %dma_start3A_372 = arith.constant 0 : i32
          %dma_start3A_373 = tpu.memref_slice %arg11[%mul3A_368, %dma_start3A_372] : memref<80x128xi32, #tpu.memory_space<vmem>> -> memref<1x128xi32, #tpu.memory_space<vmem>>
          %dma_start3A_374 = tpu.memref_squeeze %dma_start3A_373 : memref<1x128xi32, #tpu.memory_space<vmem>> -> memref<128xi32, #tpu.memory_space<vmem>>
          %dma_start3A_375 = arith.constant 0 : i32
          %dma_start3A_376 = arith.constant 0 : i32
          %dma_start3A_377 = tpu.memref_slice %arg5[%dma_start3A_375, %dma_start3A_376] : memref<10000x64xi32, #tpu.memory_space<hbm>> -> memref<10000x64xi32, #tpu.memory_space<hbm>>
          tpu.enqueue_indirect_dma source(%dma_start3A_377 : memref<10000x64xi32, #tpu.memory_space<hbm>>) target(%dma_start3A_371 : memref<128x64xi32, #tpu.memory_space<vmem>>) offsets(%dma_start3A_374 : memref<128xi32, #tpu.memory_space<vmem>>) semaphore(%arg23 : memref<!tpu.dma_semaphore, #tpu.memory_space<semaphore_mem>>)
          %mul3A_378 = arith.constant 2 : i32
          %mul3A_379 = arith.muli %mul3A_378, %add3A_336 : i32
          %add3A_380 = arith.constant 1 : i32
          %add3A_381 = arith.addi %mul3A_379, %add3A_380 : i32
          %dma_start3A_382 = arith.constant 128 : i32
          %dma_start3A_383 = arith.constant 0 : i32
          %dma_start3A_384 = tpu.memref_slice %arg17[%dma_start3A_382, %dma_start3A_383] : memref<256x64xi32, #tpu.memory_space<vmem>> -> memref<128x64xi32, #tpu.memory_space<vmem>>
          %dma_start3A_385 = arith.constant 0 : i32
          %dma_start3A_386 = tpu.memref_slice %arg11[%add3A_381, %dma_start3A_385] : memref<80x128xi32, #tpu.memory_space<vmem>> -> memref<1x128xi32, #tpu.memory_space<vmem>>
          %dma_start3A_387 = tpu.memref_squeeze %dma_start3A_386 : memref<1x128xi32, #tpu.memory_space<vmem>> -> memref<128xi32, #tpu.memory_space<vmem>>
          %dma_start3A_388 = arith.constant 0 : i32
          %dma_start3A_389 = arith.constant 0 : i32
          %dma_start3A_390 = tpu.memref_slice %arg5[%dma_start3A_388, %dma_start3A_389] : memref<10000x64xi32, #tpu.memory_space<hbm>> -> memref<10000x64xi32, #tpu.memory_space<hbm>>
          tpu.enqueue_indirect_dma source(%dma_start3A_390 : memref<10000x64xi32, #tpu.memory_space<hbm>>) target(%dma_start3A_384 : memref<128x64xi32, #tpu.memory_space<vmem>>) offsets(%dma_start3A_387 : memref<128xi32, #tpu.memory_space<vmem>>) semaphore(%arg23 : memref<!tpu.dma_semaphore, #tpu.memory_space<semaphore_mem>>)
        } else {
        }
        "tpu.trace_stop"() : () -> ()
        "tpu.trace_start"() <{level = 10 : i32, message = "gwait"}> : () -> ()
        %mul3A_164 = arith.constant 2 : i32
        %mul3A_165 = arith.muli %mul3A_164, %add3A_154 : i32
        %mul3A_166 = arith.constant 2 : i32
        %mul3A_167 = arith.muli %mul3A_166, %add3A_154 : i32
        %add3A_168 = arith.constant 1 : i32
        %add3A_169 = arith.addi %mul3A_167, %add3A_168 : i32
        %mul3A_170 = arith.constant 2 : i32
        %mul3A_171 = arith.muli %mul3A_170, %add3A_154 : i32
        %mul3A_172 = arith.constant 2 : i32
        %mul3A_173 = arith.muli %mul3A_172, %add3A_154 : i32
        %add3A_174 = arith.constant 1 : i32
        %add3A_175 = arith.addi %mul3A_173, %add3A_174 : i32
        %dma_wait3A_176 = arith.constant 0 : i32
        %dma_wait3A_177 = tpu.memref_slice %arg9[%add3A_154, %dma_wait3A_176] : memref<40x8xi32, #tpu.memory_space<vmem>> -> memref<1x8xi32, #tpu.memory_space<vmem>>
        %dma_wait3A_178 = tpu.memref_squeeze %dma_wait3A_177 : memref<1x8xi32, #tpu.memory_space<vmem>> -> memref<8xi32, #tpu.memory_space<vmem>>
        %dma_wait3A_179 = arith.constant 0 : i32
        %dma_wait3A_180 = arith.constant 0 : i32
        %dma_wait3A_181 = tpu.memref_slice %arg5[%dma_wait3A_179, %dma_wait3A_180] : memref<10000x64xi32, #tpu.memory_space<hbm>> -> memref<10000x64xi32, #tpu.memory_space<hbm>>
        tpu.wait_indirect_dma semaphore(%arg22 : memref<!tpu.dma_semaphore, #tpu.memory_space<semaphore_mem>>) src(%dma_wait3A_181 : memref<10000x64xi32, #tpu.memory_space<hbm>>) dst(%arg12 : memref<8x64xi32, #tpu.memory_space<vmem>>)
        %dma_wait3A_182 = arith.constant 0 : i32
        %dma_wait3A_183 = arith.constant 0 : i32
        %dma_wait3A_184 = tpu.memref_slice %arg14[%dma_wait3A_182, %dma_wait3A_183] : memref<256x64xi32, #tpu.memory_space<vmem>> -> memref<128x64xi32, #tpu.memory_space<vmem>>
        %dma_wait3A_185 = arith.constant 0 : i32
        %dma_wait3A_186 = tpu.memref_slice %arg10[%mul3A_165, %dma_wait3A_185] : memref<80x128xi32, #tpu.memory_space<vmem>> -> memref<1x128xi32, #tpu.memory_space<vmem>>
        %dma_wait3A_187 = tpu.memref_squeeze %dma_wait3A_186 : memref<1x128xi32, #tpu.memory_space<vmem>> -> memref<128xi32, #tpu.memory_space<vmem>>
        %dma_wait3A_188 = arith.constant 0 : i32
        %dma_wait3A_189 = arith.constant 0 : i32
        %dma_wait3A_190 = tpu.memref_slice %arg5[%dma_wait3A_188, %dma_wait3A_189] : memref<10000x64xi32, #tpu.memory_space<hbm>> -> memref<10000x64xi32, #tpu.memory_space<hbm>>
        tpu.wait_indirect_dma semaphore(%arg22 : memref<!tpu.dma_semaphore, #tpu.memory_space<semaphore_mem>>) src(%dma_wait3A_190 : memref<10000x64xi32, #tpu.memory_space<hbm>>) dst(%dma_wait3A_184 : memref<128x64xi32, #tpu.memory_space<vmem>>)
        %dma_wait3A_191 = arith.constant 128 : i32
        %dma_wait3A_192 = arith.constant 0 : i32
        %dma_wait3A_193 = tpu.memref_slice %arg14[%dma_wait3A_191, %dma_wait3A_192] : memref<256x64xi32, #tpu.memory_space<vmem>> -> memref<128x64xi32, #tpu.memory_space<vmem>>
        %dma_wait3A_194 = arith.constant 0 : i32
        %dma_wait3A_195 = tpu.memref_slice %arg10[%add3A_169, %dma_wait3A_194] : memref<80x128xi32, #tpu.memory_space<vmem>> -> memref<1x128xi32, #tpu.memory_space<vmem>>
        %dma_wait3A_196 = tpu.memref_squeeze %dma_wait3A_195 : memref<1x128xi32, #tpu.memory_space<vmem>> -> memref<128xi32, #tpu.memory_space<vmem>>
        %dma_wait3A_197 = arith.constant 0 : i32
        %dma_wait3A_198 = arith.constant 0 : i32
        %dma_wait3A_199 = tpu.memref_slice %arg5[%dma_wait3A_197, %dma_wait3A_198] : memref<10000x64xi32, #tpu.memory_space<hbm>> -> memref<10000x64xi32, #tpu.memory_space<hbm>>
        tpu.wait_indirect_dma semaphore(%arg22 : memref<!tpu.dma_semaphore, #tpu.memory_space<semaphore_mem>>) src(%dma_wait3A_199 : memref<10000x64xi32, #tpu.memory_space<hbm>>) dst(%dma_wait3A_193 : memref<128x64xi32, #tpu.memory_space<vmem>>)
        %dma_wait3A_200 = arith.constant 0 : i32
        %dma_wait3A_201 = arith.constant 0 : i32
        %dma_wait3A_202 = tpu.memref_slice %arg16[%dma_wait3A_200, %dma_wait3A_201] : memref<256x64xi32, #tpu.memory_space<vmem>> -> memref<128x64xi32, #tpu.memory_space<vmem>>
        %dma_wait3A_203 = arith.constant 0 : i32
        %dma_wait3A_204 = tpu.memref_slice %arg11[%mul3A_171, %dma_wait3A_203] : memref<80x128xi32, #tpu.memory_space<vmem>> -> memref<1x128xi32, #tpu.memory_space<vmem>>
        %dma_wait3A_205 = tpu.memref_squeeze %dma_wait3A_204 : memref<1x128xi32, #tpu.memory_space<vmem>> -> memref<128xi32, #tpu.memory_space<vmem>>
        %dma_wait3A_206 = arith.constant 0 : i32
        %dma_wait3A_207 = arith.constant 0 : i32
        %dma_wait3A_208 = tpu.memref_slice %arg5[%dma_wait3A_206, %dma_wait3A_207] : memref<10000x64xi32, #tpu.memory_space<hbm>> -> memref<10000x64xi32, #tpu.memory_space<hbm>>
        tpu.wait_indirect_dma semaphore(%arg22 : memref<!tpu.dma_semaphore, #tpu.memory_space<semaphore_mem>>) src(%dma_wait3A_208 : memref<10000x64xi32, #tpu.memory_space<hbm>>) dst(%dma_wait3A_202 : memref<128x64xi32, #tpu.memory_space<vmem>>)
        %dma_wait3A_209 = arith.constant 128 : i32
        %dma_wait3A_210 = arith.constant 0 : i32
        %dma_wait3A_211 = tpu.memref_slice %arg16[%dma_wait3A_209, %dma_wait3A_210] : memref<256x64xi32, #tpu.memory_space<vmem>> -> memref<128x64xi32, #tpu.memory_space<vmem>>
        %dma_wait3A_212 = arith.constant 0 : i32
        %dma_wait3A_213 = tpu.memref_slice %arg11[%add3A_175, %dma_wait3A_212] : memref<80x128xi32, #tpu.memory_space<vmem>> -> memref<1x128xi32, #tpu.memory_space<vmem>>
        %dma_wait3A_214 = tpu.memref_squeeze %dma_wait3A_213 : memref<1x128xi32, #tpu.memory_space<vmem>> -> memref<128xi32, #tpu.memory_space<vmem>>
        %dma_wait3A_215 = arith.constant 0 : i32
        %dma_wait3A_216 = arith.constant 0 : i32
        %dma_wait3A_217 = tpu.memref_slice %arg5[%dma_wait3A_215, %dma_wait3A_216] : memref<10000x64xi32, #tpu.memory_space<hbm>> -> memref<10000x64xi32, #tpu.memory_space<hbm>>
        tpu.wait_indirect_dma semaphore(%arg22 : memref<!tpu.dma_semaphore, #tpu.memory_space<semaphore_mem>>) src(%dma_wait3A_217 : memref<10000x64xi32, #tpu.memory_space<hbm>>) dst(%dma_wait3A_211 : memref<128x64xi32, #tpu.memory_space<vmem>>)
        %ge3A = arith.constant 2 : i32
        "tpu.trace_stop"() : () -> ()
        "tpu.trace_start"() <{level = 10 : i32, message = "wbwait"}> : () -> ()
        %ge3A_218 = arith.cmpi sge, %add3A_154, %ge3A : i32
        %convert_element_type3A_219 = arith.extui %ge3A_218 : i1 to i32
        %cond3A_220 = arith.constant 0 : i32
        %cond3A_221 = arith.cmpi ne, %convert_element_type3A_219, %cond3A_220 : i32
        scf.if %cond3A_221 {
          %dma_wait3A_335 = arith.constant 0 : i32
          %dma_wait3A_336 = tpu.memref_slice %arg6[%add3A_157, %dma_wait3A_335] : memref<10240x64xi32, #tpu.memory_space<hbm>> -> memref<8x64xi32, #tpu.memory_space<hbm>>
          %dma_wait3A_337 = arith.constant 0 : i32
          %dma_wait3A_338 = tpu.memref_slice %arg6[%add3A_157, %dma_wait3A_337] : memref<10240x64xi32, #tpu.memory_space<hbm>> -> memref<8x64xi32, #tpu.memory_space<hbm>>
          tpu.wait_dma2 semaphore(%arg24 : memref<!tpu.dma_semaphore, #tpu.memory_space<semaphore_mem>>) src(%arg12 : memref<8x64xi32, #tpu.memory_space<vmem>>) dst(%dma_wait3A_338 : memref<8x64xi32, #tpu.memory_space<hbm>>)
          %dma_wait3A_339 = arith.constant 0 : i32
          %dma_wait3A_340 = tpu.memref_slice %arg7[%add3A_157, %dma_wait3A_339] : memref<10240x128xf32, #tpu.memory_space<hbm>> -> memref<8x128xf32, #tpu.memory_space<hbm>>
          %dma_wait3A_341 = arith.constant 0 : i32
          %dma_wait3A_342 = tpu.memref_slice %arg7[%add3A_157, %dma_wait3A_341] : memref<10240x128xf32, #tpu.memory_space<hbm>> -> memref<8x128xf32, #tpu.memory_space<hbm>>
          tpu.wait_dma2 semaphore(%arg24 : memref<!tpu.dma_semaphore, #tpu.memory_space<semaphore_mem>>) src(%arg18 : memref<8x128xf32, #tpu.memory_space<vmem>>) dst(%dma_wait3A_342 : memref<8x128xf32, #tpu.memory_space<hbm>>)
          %dma_wait3A_343 = arith.constant 0 : i32
          %dma_wait3A_344 = tpu.memref_slice %arg8[%add3A_157, %dma_wait3A_343] : memref<10240x128xf32, #tpu.memory_space<hbm>> -> memref<8x128xf32, #tpu.memory_space<hbm>>
          %dma_wait3A_345 = arith.constant 0 : i32
          %dma_wait3A_346 = tpu.memref_slice %arg8[%add3A_157, %dma_wait3A_345] : memref<10240x128xf32, #tpu.memory_space<hbm>> -> memref<8x128xf32, #tpu.memory_space<hbm>>
          tpu.wait_dma2 semaphore(%arg24 : memref<!tpu.dma_semaphore, #tpu.memory_space<semaphore_mem>>) src(%arg20 : memref<8x128xf32, #tpu.memory_space<vmem>>) dst(%dma_wait3A_346 : memref<8x128xf32, #tpu.memory_space<hbm>>)
        } else {
        }
        %broadcast_in_dim3A_222 = arith.constant -65536 : i32
        "tpu.trace_stop"() : () -> ()
        %broadcast_in_dim3A_223 = vector.broadcast %broadcast_in_dim3A_222 : i32 to vector<16xi32>
        "tpu.trace_start"() <{level = 10 : i32, message = "acc"}> : () -> ()
        %scan3A_224 = arith.constant 0 : i32
        %scan3A_225 = arith.constant 0 : i32
        %scan3A_226 = arith.constant 8 : i32
        %scan3A_227 = arith.addi %scan3A_225, %scan3A_226 : i32
        %scan3A_228 = arith.constant 1 : i32
        scf.for %scan3A_335 = %scan3A_225 to %scan3A_227 step %scan3A_228  : i32 {
          %mul3A_336 = arith.constant 32 : i32
          %mul3A_337 = arith.muli %scan3A_335, %mul3A_336 : i32
          %broadcast_in_dim3A_338 = arith.constant 0.000000e+00 : f32
          %broadcast_in_dim3A_339 = vector.broadcast %broadcast_in_dim3A_338 : f32 to vector<16xf32>
          %scan3A_340 = arith.constant 0 : i32
          %scan3A_341 = arith.constant 8 : i32
          %scan3A_342 = arith.addi %scan3A_340, %scan3A_341 : i32
          %scan3A_343 = arith.constant 1 : i32
          %scan3A_344:4 = scf.for %scan3A_465 = %scan3A_340 to %scan3A_342 step %scan3A_343 iter_args(%scan3A_466 = %broadcast_in_dim3A_339, %scan3A_467 = %broadcast_in_dim3A_339, %scan3A_468 = %broadcast_in_dim3A_339, %scan3A_469 = %broadcast_in_dim3A_339) -> (vector<16xf32>, vector<16xf32>, vector<16xf32>, vector<16xf32>)  : i32 {
            %mul3A_470 = arith.constant 4 : i32
            %mul3A_471 = arith.muli %scan3A_465, %mul3A_470 : i32
            %add3A_472 = arith.addi %mul3A_337, %mul3A_471 : i32
            %add3A_473 = arith.constant 0 : i32
            %add3A_474 = arith.addi %add3A_472, %add3A_473 : i32
            %get3A = arith.index_cast %add3A_474 : i32 to index
            %get3A_475 = arith.constant 0 : index
            %get3A_476 = tpu.vector_load %arg14[%get3A, %get3A_475] {strides = array<i32>} : memref<256x64xi32, #tpu.memory_space<vmem>>, vector<1x16xi32>,
            %get3A_477 = vector.shape_cast %get3A_476 : vector<1x16xi32> to vector<16xi32>
            %get3A_478 = arith.index_cast %add3A_474 : i32 to index
            %get3A_479 = arith.constant 0 : index
            %get3A_480 = tpu.vector_load %arg16[%get3A_478, %get3A_479] {strides = array<i32>} : memref<256x64xi32, #tpu.memory_space<vmem>>, vector<1x16xi32>,
            %get3A_481 = vector.shape_cast %get3A_480 : vector<1x16xi32> to vector<16xi32>
            %shift_left3A = arith.constant 16 : i32
            %shift_left3A_482 = vector.broadcast %shift_left3A : i32 to vector<16xi32>
            %shift_left3A_483 = arith.shli %get3A_477, %shift_left3A_482 : vector<16xi32>
            %bitcast_convert_type3A = tpu.bitcast %shift_left3A_483 : vector<16xi32> -> vector<16xf32>
            %add3A_484 = arith.addf %scan3A_466, %bitcast_convert_type3A : vector<16xf32>
            %and3A_485 = arith.andi %get3A_477, %broadcast_in_dim3A_223 : vector<16xi32>
            %bitcast_convert_type3A_486 = tpu.bitcast %and3A_485 : vector<16xi32> -> vector<16xf32>
            %add3A_487 = arith.addf %scan3A_467, %bitcast_convert_type3A_486 : vector<16xf32>
            %shift_left3A_488 = arith.constant 16 : i32
            %shift_left3A_489 = vector.broadcast %shift_left3A_488 : i32 to vector<16xi32>
            %shift_left3A_490 = arith.shli %get3A_481, %shift_left3A_489 : vector<16xi32>
            %bitcast_convert_type3A_491 = tpu.bitcast %shift_left3A_490 : vector<16xi32> -> vector<16xf32>
            %add3A_492 = arith.addf %scan3A_468, %bitcast_convert_type3A_491 : vector<16xf32>
            %and3A_493 = arith.andi %get3A_481, %broadcast_in_dim3A_223 : vector<16xi32>
            %bitcast_convert_type3A_494 = tpu.bitcast %and3A_493 : vector<16xi32> -> vector<16xf32>
            %add3A_495 = arith.addf %scan3A_469, %bitcast_convert_type3A_494 : vector<16xf32>
            %mul3A_496 = arith.constant 4 : i32
            %mul3A_497 = arith.muli %scan3A_465, %mul3A_496 : i32
            %add3A_498 = arith.addi %mul3A_337, %mul3A_497 : i32
            %add3A_499 = arith.constant 1 : i32
            %add3A_500 = arith.addi %add3A_498, %add3A_499 : i32
            %get3A_501 = arith.index_cast %add3A_500 : i32 to index
            %get3A_502 = arith.constant 0 : index
            %get3A_503 = tpu.vector_load %arg14[%get3A_501, %get3A_502] {strides = array<i32>} : memref<256x64xi32, #tpu.memory_space<vmem>>, vector<1x16xi32>,
            %get3A_504 = vector.shape_cast %get3A_503 : vector<1x16xi32> to vector<16xi32>
            %get3A_505 = arith.index_cast %add3A_500 : i32 to index
            %get3A_506 = arith.constant 0 : index
            %get3A_507 = tpu.vector_load %arg16[%get3A_505, %get3A_506] {strides = array<i32>} : memref<256x64xi32, #tpu.memory_space<vmem>>, vector<1x16xi32>,
            %get3A_508 = vector.shape_cast %get3A_507 : vector<1x16xi32> to vector<16xi32>
            %shift_left3A_509 = arith.constant 16 : i32
            %shift_left3A_510 = vector.broadcast %shift_left3A_509 : i32 to vector<16xi32>
            %shift_left3A_511 = arith.shli %get3A_504, %shift_left3A_510 : vector<16xi32>
            %bitcast_convert_type3A_512 = tpu.bitcast %shift_left3A_511 : vector<16xi32> -> vector<16xf32>
            %add3A_513 = arith.addf %add3A_484, %bitcast_convert_type3A_512 : vector<16xf32>
            %and3A_514 = arith.andi %get3A_504, %broadcast_in_dim3A_223 : vector<16xi32>
            %bitcast_convert_type3A_515 = tpu.bitcast %and3A_514 : vector<16xi32> -> vector<16xf32>
            %add3A_516 = arith.addf %add3A_487, %bitcast_convert_type3A_515 : vector<16xf32>
            %shift_left3A_517 = arith.constant 16 : i32
            %shift_left3A_518 = vector.broadcast %shift_left3A_517 : i32 to vector<16xi32>
            %shift_left3A_519 = arith.shli %get3A_508, %shift_left3A_518 : vector<16xi32>
            %bitcast_convert_type3A_520 = tpu.bitcast %shift_left3A_519 : vector<16xi32> -> vector<16xf32>
            %add3A_521 = arith.addf %add3A_492, %bitcast_convert_type3A_520 : vector<16xf32>
            %and3A_522 = arith.andi %get3A_508, %broadcast_in_dim3A_223 : vector<16xi32>
            %bitcast_convert_type3A_523 = tpu.bitcast %and3A_522 : vector<16xi32> -> vector<16xf32>
            %add3A_524 = arith.addf %add3A_495, %bitcast_convert_type3A_523 : vector<16xf32>
            %mul3A_525 = arith.constant 4 : i32
            %mul3A_526 = arith.muli %scan3A_465, %mul3A_525 : i32
            %add3A_527 = arith.addi %mul3A_337, %mul3A_526 : i32
            %add3A_528 = arith.constant 2 : i32
            %add3A_529 = arith.addi %add3A_527, %add3A_528 : i32
            %get3A_530 = arith.index_cast %add3A_529 : i32 to index
            %get3A_531 = arith.constant 0 : index
            %get3A_532 = tpu.vector_load %arg14[%get3A_530, %get3A_531] {strides = array<i32>} : memref<256x64xi32, #tpu.memory_space<vmem>>, vector<1x16xi32>,
            %get3A_533 = vector.shape_cast %get3A_532 : vector<1x16xi32> to vector<16xi32>
            %get3A_534 = arith.index_cast %add3A_529 : i32 to index
            %get3A_535 = arith.constant 0 : index
            %get3A_536 = tpu.vector_load %arg16[%get3A_534, %get3A_535] {strides = array<i32>} : memref<256x64xi32, #tpu.memory_space<vmem>>, vector<1x16xi32>,
            %get3A_537 = vector.shape_cast %get3A_536 : vector<1x16xi32> to vector<16xi32>
            %shift_left3A_538 = arith.constant 16 : i32
            %shift_left3A_539 = vector.broadcast %shift_left3A_538 : i32 to vector<16xi32>
            %shift_left3A_540 = arith.shli %get3A_533, %shift_left3A_539 : vector<16xi32>
            %bitcast_convert_type3A_541 = tpu.bitcast %shift_left3A_540 : vector<16xi32> -> vector<16xf32>
            %add3A_542 = arith.addf %add3A_513, %bitcast_convert_type3A_541 : vector<16xf32>
            %and3A_543 = arith.andi %get3A_533, %broadcast_in_dim3A_223 : vector<16xi32>
            %bitcast_convert_type3A_544 = tpu.bitcast %and3A_543 : vector<16xi32> -> vector<16xf32>
            %add3A_545 = arith.addf %add3A_516, %bitcast_convert_type3A_544 : vector<16xf32>
            %shift_left3A_546 = arith.constant 16 : i32
            %shift_left3A_547 = vector.broadcast %shift_left3A_546 : i32 to vector<16xi32>
            %shift_left3A_548 = arith.shli %get3A_537, %shift_left3A_547 : vector<16xi32>
            %bitcast_convert_type3A_549 = tpu.bitcast %shift_left3A_548 : vector<16xi32> -> vector<16xf32>
            %add3A_550 = arith.addf %add3A_521, %bitcast_convert_type3A_549 : vector<16xf32>
            %and3A_551 = arith.andi %get3A_537, %broadcast_in_dim3A_223 : vector<16xi32>
            %bitcast_convert_type3A_552 = tpu.bitcast %and3A_551 : vector<16xi32> -> vector<16xf32>
            %add3A_553 = arith.addf %add3A_524, %bitcast_convert_type3A_552 : vector<16xf32>
            %mul3A_554 = arith.constant 4 : i32
            %mul3A_555 = arith.muli %scan3A_465, %mul3A_554 : i32
            %add3A_556 = arith.addi %mul3A_337, %mul3A_555 : i32
            %add3A_557 = arith.constant 3 : i32
            %add3A_558 = arith.addi %add3A_556, %add3A_557 : i32
            %get3A_559 = arith.index_cast %add3A_558 : i32 to index
            %get3A_560 = arith.constant 0 : index
            %get3A_561 = tpu.vector_load %arg14[%get3A_559, %get3A_560] {strides = array<i32>} : memref<256x64xi32, #tpu.memory_space<vmem>>, vector<1x16xi32>,
            %get3A_562 = vector.shape_cast %get3A_561 : vector<1x16xi32> to vector<16xi32>
            %get3A_563 = arith.index_cast %add3A_558 : i32 to index
            %get3A_564 = arith.constant 0 : index
            %get3A_565 = tpu.vector_load %arg16[%get3A_563, %get3A_564] {strides = array<i32>} : memref<256x64xi32, #tpu.memory_space<vmem>>, vector<1x16xi32>,
            %get3A_566 = vector.shape_cast %get3A_565 : vector<1x16xi32> to vector<16xi32>
            %shift_left3A_567 = arith.constant 16 : i32
            %shift_left3A_568 = vector.broadcast %shift_left3A_567 : i32 to vector<16xi32>
            %shift_left3A_569 = arith.shli %get3A_562, %shift_left3A_568 : vector<16xi32>
            %bitcast_convert_type3A_570 = tpu.bitcast %shift_left3A_569 : vector<16xi32> -> vector<16xf32>
            %add3A_571 = arith.addf %add3A_542, %bitcast_convert_type3A_570 : vector<16xf32>
            %and3A_572 = arith.andi %get3A_562, %broadcast_in_dim3A_223 : vector<16xi32>
            %bitcast_convert_type3A_573 = tpu.bitcast %and3A_572 : vector<16xi32> -> vector<16xf32>
            %add3A_574 = arith.addf %add3A_545, %bitcast_convert_type3A_573 : vector<16xf32>
            %shift_left3A_575 = arith.constant 16 : i32
            %shift_left3A_576 = vector.broadcast %shift_left3A_575 : i32 to vector<16xi32>
            %shift_left3A_577 = arith.shli %get3A_566, %shift_left3A_576 : vector<16xi32>
            %bitcast_convert_type3A_578 = tpu.bitcast %shift_left3A_577 : vector<16xi32> -> vector<16xf32>
            %add3A_579 = arith.addf %add3A_550, %bitcast_convert_type3A_578 : vector<16xf32>
            %and3A_580 = arith.andi %get3A_566, %broadcast_in_dim3A_223 : vector<16xi32>
            %bitcast_convert_type3A_581 = tpu.bitcast %and3A_580 : vector<16xi32> -> vector<16xf32>
            %add3A_582 = arith.addf %add3A_553, %bitcast_convert_type3A_581 : vector<16xf32>
            scf.yield %add3A_571, %add3A_574, %add3A_579, %add3A_582 : vector<16xf32>, vector<16xf32>, vector<16xf32>, vector<16xf32>
          }
          %scan3A_345 = arith.constant 8 : i32
          %mul3A_346 = arith.mulf %scan3A_344#0, %broadcast_in_dim3A_118 : vector<16xf32>
          %swap3A = arith.index_cast %scan3A_335 : i32 to index
          %swap3A_347 = arith.constant 0 : index
          %swap3A_348 = tpu.vector_load %arg18[%swap3A, %swap3A_347] {strides = array<i32>} : memref<8x128xf32, #tpu.memory_space<vmem>>, vector<1x16xf32>,
          %swap3A_349 = vector.shape_cast %swap3A_348 : vector<1x16xf32> to vector<16xf32>
          %swap3A_350 = vector.shape_cast %mul3A_346 : vector<16xf32> to vector<1x16xf32>
          tpu.vector_store %arg18[%swap3A, %swap3A_347], %swap3A_350 {strides = array<i32>} : memref<8x128xf32, #tpu.memory_space<vmem>>, vector<1x16xf32>,
          %mul3A_351 = arith.mulf %scan3A_344#1, %broadcast_in_dim3A_118 : vector<16xf32>
          %swap3A_352 = arith.index_cast %scan3A_335 : i32 to index
          %swap3A_353 = arith.constant 16 : index
          %swap3A_354 = tpu.vector_load %arg18[%swap3A_352, %swap3A_353] {strides = array<i32>} : memref<8x128xf32, #tpu.memory_space<vmem>>, vector<1x16xf32>,
          %swap3A_355 = vector.shape_cast %swap3A_354 : vector<1x16xf32> to vector<16xf32>
          %swap3A_356 = vector.shape_cast %mul3A_351 : vector<16xf32> to vector<1x16xf32>
          tpu.vector_store %arg18[%swap3A_352, %swap3A_353], %swap3A_356 {strides = array<i32>} : memref<8x128xf32, #tpu.memory_space<vmem>>, vector<1x16xf32>,
          %mul3A_357 = arith.mulf %scan3A_344#2, %broadcast_in_dim3A_118 : vector<16xf32>
          %swap3A_358 = arith.index_cast %scan3A_335 : i32 to index
          %swap3A_359 = arith.constant 0 : index
          %swap3A_360 = tpu.vector_load %arg20[%swap3A_358, %swap3A_359] {strides = array<i32>} : memref<8x128xf32, #tpu.memory_space<vmem>>, vector<1x16xf32>,
          %swap3A_361 = vector.shape_cast %swap3A_360 : vector<1x16xf32> to vector<16xf32>
          %swap3A_362 = vector.shape_cast %mul3A_357 : vector<16xf32> to vector<1x16xf32>
          tpu.vector_store %arg20[%swap3A_358, %swap3A_359], %swap3A_362 {strides = array<i32>} : memref<8x128xf32, #tpu.memory_space<vmem>>, vector<1x16xf32>,
          %mul3A_363 = arith.mulf %scan3A_344#3, %broadcast_in_dim3A_118 : vector<16xf32>
          %swap3A_364 = arith.index_cast %scan3A_335 : i32 to index
          %swap3A_365 = arith.constant 16 : index
          %swap3A_366 = tpu.vector_load %arg20[%swap3A_364, %swap3A_365] {strides = array<i32>} : memref<8x128xf32, #tpu.memory_space<vmem>>, vector<1x16xf32>,
          %swap3A_367 = vector.shape_cast %swap3A_366 : vector<1x16xf32> to vector<16xf32>
          %swap3A_368 = vector.shape_cast %mul3A_363 : vector<16xf32> to vector<1x16xf32>
          tpu.vector_store %arg20[%swap3A_364, %swap3A_365], %swap3A_368 {strides = array<i32>} : memref<8x128xf32, #tpu.memory_space<vmem>>, vector<1x16xf32>,
          %broadcast_in_dim3A_369 = arith.constant 0.000000e+00 : f32
          %broadcast_in_dim3A_370 = vector.broadcast %broadcast_in_dim3A_369 : f32 to vector<16xf32>
          %scan3A_371 = arith.constant 0 : i32
          %scan3A_372 = arith.constant 8 : i32
          %scan3A_373 = arith.addi %scan3A_371, %scan3A_372 : i32
          %scan3A_374 = arith.constant 1 : i32
          %scan3A_375:4 = scf.for %scan3A_465 = %scan3A_371 to %scan3A_373 step %scan3A_374 iter_args(%scan3A_466 = %broadcast_in_dim3A_370, %scan3A_467 = %broadcast_in_dim3A_370, %scan3A_468 = %broadcast_in_dim3A_370, %scan3A_469 = %broadcast_in_dim3A_370) -> (vector<16xf32>, vector<16xf32>, vector<16xf32>, vector<16xf32>)  : i32 {
            %mul3A_470 = arith.constant 4 : i32
            %mul3A_471 = arith.muli %scan3A_465, %mul3A_470 : i32
            %add3A_472 = arith.addi %mul3A_337, %mul3A_471 : i32
            %add3A_473 = arith.constant 0 : i32
            %add3A_474 = arith.addi %add3A_472, %add3A_473 : i32
            %get3A = arith.index_cast %add3A_474 : i32 to index
            %get3A_475 = arith.constant 16 : index
            %get3A_476 = tpu.vector_load %arg14[%get3A, %get3A_475] {strides = array<i32>} : memref<256x64xi32, #tpu.memory_space<vmem>>, vector<1x16xi32>,
            %get3A_477 = vector.shape_cast %get3A_476 : vector<1x16xi32> to vector<16xi32>
            %get3A_478 = arith.index_cast %add3A_474 : i32 to index
            %get3A_479 = arith.constant 16 : index
            %get3A_480 = tpu.vector_load %arg16[%get3A_478, %get3A_479] {strides = array<i32>} : memref<256x64xi32, #tpu.memory_space<vmem>>, vector<1x16xi32>,
            %get3A_481 = vector.shape_cast %get3A_480 : vector<1x16xi32> to vector<16xi32>
            %shift_left3A = arith.constant 16 : i32
            %shift_left3A_482 = vector.broadcast %shift_left3A : i32 to vector<16xi32>
            %shift_left3A_483 = arith.shli %get3A_477, %shift_left3A_482 : vector<16xi32>
            %bitcast_convert_type3A = tpu.bitcast %shift_left3A_483 : vector<16xi32> -> vector<16xf32>
            %add3A_484 = arith.addf %scan3A_466, %bitcast_convert_type3A : vector<16xf32>
            %and3A_485 = arith.andi %get3A_477, %broadcast_in_dim3A_223 : vector<16xi32>
            %bitcast_convert_type3A_486 = tpu.bitcast %and3A_485 : vector<16xi32> -> vector<16xf32>
            %add3A_487 = arith.addf %scan3A_467, %bitcast_convert_type3A_486 : vector<16xf32>
            %shift_left3A_488 = arith.constant 16 : i32
            %shift_left3A_489 = vector.broadcast %shift_left3A_488 : i32 to vector<16xi32>
            %shift_left3A_490 = arith.shli %get3A_481, %shift_left3A_489 : vector<16xi32>
            %bitcast_convert_type3A_491 = tpu.bitcast %shift_left3A_490 : vector<16xi32> -> vector<16xf32>
            %add3A_492 = arith.addf %scan3A_468, %bitcast_convert_type3A_491 : vector<16xf32>
            %and3A_493 = arith.andi %get3A_481, %broadcast_in_dim3A_223 : vector<16xi32>
            %bitcast_convert_type3A_494 = tpu.bitcast %and3A_493 : vector<16xi32> -> vector<16xf32>
            %add3A_495 = arith.addf %scan3A_469, %bitcast_convert_type3A_494 : vector<16xf32>
            %mul3A_496 = arith.constant 4 : i32
            %mul3A_497 = arith.muli %scan3A_465, %mul3A_496 : i32
            %add3A_498 = arith.addi %mul3A_337, %mul3A_497 : i32
            %add3A_499 = arith.constant 1 : i32
            %add3A_500 = arith.addi %add3A_498, %add3A_499 : i32
            %get3A_501 = arith.index_cast %add3A_500 : i32 to index
            %get3A_502 = arith.constant 16 : index
            %get3A_503 = tpu.vector_load %arg14[%get3A_501, %get3A_502] {strides = array<i32>} : memref<256x64xi32, #tpu.memory_space<vmem>>, vector<1x16xi32>,
            %get3A_504 = vector.shape_cast %get3A_503 : vector<1x16xi32> to vector<16xi32>
            %get3A_505 = arith.index_cast %add3A_500 : i32 to index
            %get3A_506 = arith.constant 16 : index
            %get3A_507 = tpu.vector_load %arg16[%get3A_505, %get3A_506] {strides = array<i32>} : memref<256x64xi32, #tpu.memory_space<vmem>>, vector<1x16xi32>,
            %get3A_508 = vector.shape_cast %get3A_507 : vector<1x16xi32> to vector<16xi32>
            %shift_left3A_509 = arith.constant 16 : i32
            %shift_left3A_510 = vector.broadcast %shift_left3A_509 : i32 to vector<16xi32>
            %shift_left3A_511 = arith.shli %get3A_504, %shift_left3A_510 : vector<16xi32>
            %bitcast_convert_type3A_512 = tpu.bitcast %shift_left3A_511 : vector<16xi32> -> vector<16xf32>
            %add3A_513 = arith.addf %add3A_484, %bitcast_convert_type3A_512 : vector<16xf32>
            %and3A_514 = arith.andi %get3A_504, %broadcast_in_dim3A_223 : vector<16xi32>
            %bitcast_convert_type3A_515 = tpu.bitcast %and3A_514 : vector<16xi32> -> vector<16xf32>
            %add3A_516 = arith.addf %add3A_487, %bitcast_convert_type3A_515 : vector<16xf32>
            %shift_left3A_517 = arith.constant 16 : i32
            %shift_left3A_518 = vector.broadcast %shift_left3A_517 : i32 to vector<16xi32>
            %shift_left3A_519 = arith.shli %get3A_508, %shift_left3A_518 : vector<16xi32>
            %bitcast_convert_type3A_520 = tpu.bitcast %shift_left3A_519 : vector<16xi32> -> vector<16xf32>
            %add3A_521 = arith.addf %add3A_492, %bitcast_convert_type3A_520 : vector<16xf32>
            %and3A_522 = arith.andi %get3A_508, %broadcast_in_dim3A_223 : vector<16xi32>
            %bitcast_convert_type3A_523 = tpu.bitcast %and3A_522 : vector<16xi32> -> vector<16xf32>
            %add3A_524 = arith.addf %add3A_495, %bitcast_convert_type3A_523 : vector<16xf32>
            %mul3A_525 = arith.constant 4 : i32
            %mul3A_526 = arith.muli %scan3A_465, %mul3A_525 : i32
            %add3A_527 = arith.addi %mul3A_337, %mul3A_526 : i32
            %add3A_528 = arith.constant 2 : i32
            %add3A_529 = arith.addi %add3A_527, %add3A_528 : i32
            %get3A_530 = arith.index_cast %add3A_529 : i32 to index
            %get3A_531 = arith.constant 16 : index
            %get3A_532 = tpu.vector_load %arg14[%get3A_530, %get3A_531] {strides = array<i32>} : memref<256x64xi32, #tpu.memory_space<vmem>>, vector<1x16xi32>,
            %get3A_533 = vector.shape_cast %get3A_532 : vector<1x16xi32> to vector<16xi32>
            %get3A_534 = arith.index_cast %add3A_529 : i32 to index
            %get3A_535 = arith.constant 16 : index
            %get3A_536 = tpu.vector_load %arg16[%get3A_534, %get3A_535] {strides = array<i32>} : memref<256x64xi32, #tpu.memory_space<vmem>>, vector<1x16xi32>,
            %get3A_537 = vector.shape_cast %get3A_536 : vector<1x16xi32> to vector<16xi32>
            %shift_left3A_538 = arith.constant 16 : i32
            %shift_left3A_539 = vector.broadcast %shift_left3A_538 : i32 to vector<16xi32>
            %shift_left3A_540 = arith.shli %get3A_533, %shift_left3A_539 : vector<16xi32>
            %bitcast_convert_type3A_541 = tpu.bitcast %shift_left3A_540 : vector<16xi32> -> vector<16xf32>
            %add3A_542 = arith.addf %add3A_513, %bitcast_convert_type3A_541 : vector<16xf32>
            %and3A_543 = arith.andi %get3A_533, %broadcast_in_dim3A_223 : vector<16xi32>
            %bitcast_convert_type3A_544 = tpu.bitcast %and3A_543 : vector<16xi32> -> vector<16xf32>
            %add3A_545 = arith.addf %add3A_516, %bitcast_convert_type3A_544 : vector<16xf32>
            %shift_left3A_546 = arith.constant 16 : i32
            %shift_left3A_547 = vector.broadcast %shift_left3A_546 : i32 to vector<16xi32>
            %shift_left3A_548 = arith.shli %get3A_537, %shift_left3A_547 : vector<16xi32>
            %bitcast_convert_type3A_549 = tpu.bitcast %shift_left3A_548 : vector<16xi32> -> vector<16xf32>
            %add3A_550 = arith.addf %add3A_521, %bitcast_convert_type3A_549 : vector<16xf32>
            %and3A_551 = arith.andi %get3A_537, %broadcast_in_dim3A_223 : vector<16xi32>
            %bitcast_convert_type3A_552 = tpu.bitcast %and3A_551 : vector<16xi32> -> vector<16xf32>
            %add3A_553 = arith.addf %add3A_524, %bitcast_convert_type3A_552 : vector<16xf32>
            %mul3A_554 = arith.constant 4 : i32
            %mul3A_555 = arith.muli %scan3A_465, %mul3A_554 : i32
            %add3A_556 = arith.addi %mul3A_337, %mul3A_555 : i32
            %add3A_557 = arith.constant 3 : i32
            %add3A_558 = arith.addi %add3A_556, %add3A_557 : i32
            %get3A_559 = arith.index_cast %add3A_558 : i32 to index
            %get3A_560 = arith.constant 16 : index
            %get3A_561 = tpu.vector_load %arg14[%get3A_559, %get3A_560] {strides = array<i32>} : memref<256x64xi32, #tpu.memory_space<vmem>>, vector<1x16xi32>,
            %get3A_562 = vector.shape_cast %get3A_561 : vector<1x16xi32> to vector<16xi32>
            %get3A_563 = arith.index_cast %add3A_558 : i32 to index
            %get3A_564 = arith.constant 16 : index
            %get3A_565 = tpu.vector_load %arg16[%get3A_563, %get3A_564] {strides = array<i32>} : memref<256x64xi32, #tpu.memory_space<vmem>>, vector<1x16xi32>,
            %get3A_566 = vector.shape_cast %get3A_565 : vector<1x16xi32> to vector<16xi32>
            %shift_left3A_567 = arith.constant 16 : i32
            %shift_left3A_568 = vector.broadcast %shift_left3A_567 : i32 to vector<16xi32>
            %shift_left3A_569 = arith.shli %get3A_562, %shift_left3A_568 : vector<16xi32>
            %bitcast_convert_type3A_570 = tpu.bitcast %shift_left3A_569 : vector<16xi32> -> vector<16xf32>
            %add3A_571 = arith.addf %add3A_542, %bitcast_convert_type3A_570 : vector<16xf32>
            %and3A_572 = arith.andi %get3A_562, %broadcast_in_dim3A_223 : vector<16xi32>
            %bitcast_convert_type3A_573 = tpu.bitcast %and3A_572 : vector<16xi32> -> vector<16xf32>
            %add3A_574 = arith.addf %add3A_545, %bitcast_convert_type3A_573 : vector<16xf32>
            %shift_left3A_575 = arith.constant 16 : i32
            %shift_left3A_576 = vector.broadcast %shift_left3A_575 : i32 to vector<16xi32>
            %shift_left3A_577 = arith.shli %get3A_566, %shift_left3A_576 : vector<16xi32>
            %bitcast_convert_type3A_578 = tpu.bitcast %shift_left3A_577 : vector<16xi32> -> vector<16xf32>
            %add3A_579 = arith.addf %add3A_550, %bitcast_convert_type3A_578 : vector<16xf32>
            %and3A_580 = arith.andi %get3A_566, %broadcast_in_dim3A_223 : vector<16xi32>
            %bitcast_convert_type3A_581 = tpu.bitcast %and3A_580 : vector<16xi32> -> vector<16xf32>
            %add3A_582 = arith.addf %add3A_553, %bitcast_convert_type3A_581 : vector<16xf32>
            scf.yield %add3A_571, %add3A_574, %add3A_579, %add3A_582 : vector<16xf32>, vector<16xf32>, vector<16xf32>, vector<16xf32>
          }
          %scan3A_376 = arith.constant 8 : i32
          %mul3A_377 = arith.mulf %scan3A_375#0, %broadcast_in_dim3A_118 : vector<16xf32>
          %swap3A_378 = arith.index_cast %scan3A_335 : i32 to index
          %swap3A_379 = arith.constant 32 : index
          %swap3A_380 = tpu.vector_load %arg18[%swap3A_378, %swap3A_379] {strides = array<i32>} : memref<8x128xf32, #tpu.memory_space<vmem>>, vector<1x16xf32>,
          %swap3A_381 = vector.shape_cast %swap3A_380 : vector<1x16xf32> to vector<16xf32>
          %swap3A_382 = vector.shape_cast %mul3A_377 : vector<16xf32> to vector<1x16xf32>
          tpu.vector_store %arg18[%swap3A_378, %swap3A_379], %swap3A_382 {strides = array<i32>} : memref<8x128xf32, #tpu.memory_space<vmem>>, vector<1x16xf32>,
          %mul3A_383 = arith.mulf %scan3A_375#1, %broadcast_in_dim3A_118 : vector<16xf32>
          %swap3A_384 = arith.index_cast %scan3A_335 : i32 to index
          %swap3A_385 = arith.constant 48 : index
          %swap3A_386 = tpu.vector_load %arg18[%swap3A_384, %swap3A_385] {strides = array<i32>} : memref<8x128xf32, #tpu.memory_space<vmem>>, vector<1x16xf32>,
          %swap3A_387 = vector.shape_cast %swap3A_386 : vector<1x16xf32> to vector<16xf32>
          %swap3A_388 = vector.shape_cast %mul3A_383 : vector<16xf32> to vector<1x16xf32>
          tpu.vector_store %arg18[%swap3A_384, %swap3A_385], %swap3A_388 {strides = array<i32>} : memref<8x128xf32, #tpu.memory_space<vmem>>, vector<1x16xf32>,
          %mul3A_389 = arith.mulf %scan3A_375#2, %broadcast_in_dim3A_118 : vector<16xf32>
          %swap3A_390 = arith.index_cast %scan3A_335 : i32 to index
          %swap3A_391 = arith.constant 32 : index
          %swap3A_392 = tpu.vector_load %arg20[%swap3A_390, %swap3A_391] {strides = array<i32>} : memref<8x128xf32, #tpu.memory_space<vmem>>, vector<1x16xf32>,
          %swap3A_393 = vector.shape_cast %swap3A_392 : vector<1x16xf32> to vector<16xf32>
          %swap3A_394 = vector.shape_cast %mul3A_389 : vector<16xf32> to vector<1x16xf32>
          tpu.vector_store %arg20[%swap3A_390, %swap3A_391], %swap3A_394 {strides = array<i32>} : memref<8x128xf32, #tpu.memory_space<vmem>>, vector<1x16xf32>,
          %mul3A_395 = arith.mulf %scan3A_375#3, %broadcast_in_dim3A_118 : vector<16xf32>
          %swap3A_396 = arith.index_cast %scan3A_335 : i32 to index
          %swap3A_397 = arith.constant 48 : index
          %swap3A_398 = tpu.vector_load %arg20[%swap3A_396, %swap3A_397] {strides = array<i32>} : memref<8x128xf32, #tpu.memory_space<vmem>>, vector<1x16xf32>,
          %swap3A_399 = vector.shape_cast %swap3A_398 : vector<1x16xf32> to vector<16xf32>
          %swap3A_400 = vector.shape_cast %mul3A_395 : vector<16xf32> to vector<1x16xf32>
          tpu.vector_store %arg20[%swap3A_396, %swap3A_397], %swap3A_400 {strides = array<i32>} : memref<8x128xf32, #tpu.memory_space<vmem>>, vector<1x16xf32>,
          %broadcast_in_dim3A_401 = arith.constant 0.000000e+00 : f32
          %broadcast_in_dim3A_402 = vector.broadcast %broadcast_in_dim3A_401 : f32 to vector<16xf32>
          %scan3A_403 = arith.constant 0 : i32
          %scan3A_404 = arith.constant 8 : i32
          %scan3A_405 = arith.addi %scan3A_403, %scan3A_404 : i32
          %scan3A_406 = arith.constant 1 : i32
          %scan3A_407:4 = scf.for %scan3A_465 = %scan3A_403 to %scan3A_405 step %scan3A_406 iter_args(%scan3A_466 = %broadcast_in_dim3A_402, %scan3A_467 = %broadcast_in_dim3A_402, %scan3A_468 = %broadcast_in_dim3A_402, %scan3A_469 = %broadcast_in_dim3A_402) -> (vector<16xf32>, vector<16xf32>, vector<16xf32>, vector<16xf32>)  : i32 {
            %mul3A_470 = arith.constant 4 : i32
            %mul3A_471 = arith.muli %scan3A_465, %mul3A_470 : i32
            %add3A_472 = arith.addi %mul3A_337, %mul3A_471 : i32
            %add3A_473 = arith.constant 0 : i32
            %add3A_474 = arith.addi %add3A_472, %add3A_473 : i32
            %get3A = arith.index_cast %add3A_474 : i32 to index
            %get3A_475 = arith.constant 32 : index
            %get3A_476 = tpu.vector_load %arg14[%get3A, %get3A_475] {strides = array<i32>} : memref<256x64xi32, #tpu.memory_space<vmem>>, vector<1x16xi32>,
            %get3A_477 = vector.shape_cast %get3A_476 : vector<1x16xi32> to vector<16xi32>
            %get3A_478 = arith.index_cast %add3A_474 : i32 to index
            %get3A_479 = arith.constant 32 : index
            %get3A_480 = tpu.vector_load %arg16[%get3A_478, %get3A_479] {strides = array<i32>} : memref<256x64xi32, #tpu.memory_space<vmem>>, vector<1x16xi32>,
            %get3A_481 = vector.shape_cast %get3A_480 : vector<1x16xi32> to vector<16xi32>
            %shift_left3A = arith.constant 16 : i32
            %shift_left3A_482 = vector.broadcast %shift_left3A : i32 to vector<16xi32>
            %shift_left3A_483 = arith.shli %get3A_477, %shift_left3A_482 : vector<16xi32>
            %bitcast_convert_type3A = tpu.bitcast %shift_left3A_483 : vector<16xi32> -> vector<16xf32>
            %add3A_484 = arith.addf %scan3A_466, %bitcast_convert_type3A : vector<16xf32>
            %and3A_485 = arith.andi %get3A_477, %broadcast_in_dim3A_223 : vector<16xi32>
            %bitcast_convert_type3A_486 = tpu.bitcast %and3A_485 : vector<16xi32> -> vector<16xf32>
            %add3A_487 = arith.addf %scan3A_467, %bitcast_convert_type3A_486 : vector<16xf32>
            %shift_left3A_488 = arith.constant 16 : i32
            %shift_left3A_489 = vector.broadcast %shift_left3A_488 : i32 to vector<16xi32>
            %shift_left3A_490 = arith.shli %get3A_481, %shift_left3A_489 : vector<16xi32>
            %bitcast_convert_type3A_491 = tpu.bitcast %shift_left3A_490 : vector<16xi32> -> vector<16xf32>
            %add3A_492 = arith.addf %scan3A_468, %bitcast_convert_type3A_491 : vector<16xf32>
            %and3A_493 = arith.andi %get3A_481, %broadcast_in_dim3A_223 : vector<16xi32>
            %bitcast_convert_type3A_494 = tpu.bitcast %and3A_493 : vector<16xi32> -> vector<16xf32>
            %add3A_495 = arith.addf %scan3A_469, %bitcast_convert_type3A_494 : vector<16xf32>
            %mul3A_496 = arith.constant 4 : i32
            %mul3A_497 = arith.muli %scan3A_465, %mul3A_496 : i32
            %add3A_498 = arith.addi %mul3A_337, %mul3A_497 : i32
            %add3A_499 = arith.constant 1 : i32
            %add3A_500 = arith.addi %add3A_498, %add3A_499 : i32
            %get3A_501 = arith.index_cast %add3A_500 : i32 to index
            %get3A_502 = arith.constant 32 : index
            %get3A_503 = tpu.vector_load %arg14[%get3A_501, %get3A_502] {strides = array<i32>} : memref<256x64xi32, #tpu.memory_space<vmem>>, vector<1x16xi32>,
            %get3A_504 = vector.shape_cast %get3A_503 : vector<1x16xi32> to vector<16xi32>
            %get3A_505 = arith.index_cast %add3A_500 : i32 to index
            %get3A_506 = arith.constant 32 : index
            %get3A_507 = tpu.vector_load %arg16[%get3A_505, %get3A_506] {strides = array<i32>} : memref<256x64xi32, #tpu.memory_space<vmem>>, vector<1x16xi32>,
            %get3A_508 = vector.shape_cast %get3A_507 : vector<1x16xi32> to vector<16xi32>
            %shift_left3A_509 = arith.constant 16 : i32
            %shift_left3A_510 = vector.broadcast %shift_left3A_509 : i32 to vector<16xi32>
            %shift_left3A_511 = arith.shli %get3A_504, %shift_left3A_510 : vector<16xi32>
            %bitcast_convert_type3A_512 = tpu.bitcast %shift_left3A_511 : vector<16xi32> -> vector<16xf32>
            %add3A_513 = arith.addf %add3A_484, %bitcast_convert_type3A_512 : vector<16xf32>
            %and3A_514 = arith.andi %get3A_504, %broadcast_in_dim3A_223 : vector<16xi32>
            %bitcast_convert_type3A_515 = tpu.bitcast %and3A_514 : vector<16xi32> -> vector<16xf32>
            %add3A_516 = arith.addf %add3A_487, %bitcast_convert_type3A_515 : vector<16xf32>
            %shift_left3A_517 = arith.constant 16 : i32
            %shift_left3A_518 = vector.broadcast %shift_left3A_517 : i32 to vector<16xi32>
            %shift_left3A_519 = arith.shli %get3A_508, %shift_left3A_518 : vector<16xi32>
            %bitcast_convert_type3A_520 = tpu.bitcast %shift_left3A_519 : vector<16xi32> -> vector<16xf32>
            %add3A_521 = arith.addf %add3A_492, %bitcast_convert_type3A_520 : vector<16xf32>
            %and3A_522 = arith.andi %get3A_508, %broadcast_in_dim3A_223 : vector<16xi32>
            %bitcast_convert_type3A_523 = tpu.bitcast %and3A_522 : vector<16xi32> -> vector<16xf32>
            %add3A_524 = arith.addf %add3A_495, %bitcast_convert_type3A_523 : vector<16xf32>
            %mul3A_525 = arith.constant 4 : i32
            %mul3A_526 = arith.muli %scan3A_465, %mul3A_525 : i32
            %add3A_527 = arith.addi %mul3A_337, %mul3A_526 : i32
            %add3A_528 = arith.constant 2 : i32
            %add3A_529 = arith.addi %add3A_527, %add3A_528 : i32
            %get3A_530 = arith.index_cast %add3A_529 : i32 to index
            %get3A_531 = arith.constant 32 : index
            %get3A_532 = tpu.vector_load %arg14[%get3A_530, %get3A_531] {strides = array<i32>} : memref<256x64xi32, #tpu.memory_space<vmem>>, vector<1x16xi32>,
            %get3A_533 = vector.shape_cast %get3A_532 : vector<1x16xi32> to vector<16xi32>
            %get3A_534 = arith.index_cast %add3A_529 : i32 to index
            %get3A_535 = arith.constant 32 : index
            %get3A_536 = tpu.vector_load %arg16[%get3A_534, %get3A_535] {strides = array<i32>} : memref<256x64xi32, #tpu.memory_space<vmem>>, vector<1x16xi32>,
            %get3A_537 = vector.shape_cast %get3A_536 : vector<1x16xi32> to vector<16xi32>
            %shift_left3A_538 = arith.constant 16 : i32
            %shift_left3A_539 = vector.broadcast %shift_left3A_538 : i32 to vector<16xi32>
            %shift_left3A_540 = arith.shli %get3A_533, %shift_left3A_539 : vector<16xi32>
            %bitcast_convert_type3A_541 = tpu.bitcast %shift_left3A_540 : vector<16xi32> -> vector<16xf32>
            %add3A_542 = arith.addf %add3A_513, %bitcast_convert_type3A_541 : vector<16xf32>
            %and3A_543 = arith.andi %get3A_533, %broadcast_in_dim3A_223 : vector<16xi32>
            %bitcast_convert_type3A_544 = tpu.bitcast %and3A_543 : vector<16xi32> -> vector<16xf32>
            %add3A_545 = arith.addf %add3A_516, %bitcast_convert_type3A_544 : vector<16xf32>
            %shift_left3A_546 = arith.constant 16 : i32
            %shift_left3A_547 = vector.broadcast %shift_left3A_546 : i32 to vector<16xi32>
            %shift_left3A_548 = arith.shli %get3A_537, %shift_left3A_547 : vector<16xi32>
            %bitcast_convert_type3A_549 = tpu.bitcast %shift_left3A_548 : vector<16xi32> -> vector<16xf32>
            %add3A_550 = arith.addf %add3A_521, %bitcast_convert_type3A_549 : vector<16xf32>
            %and3A_551 = arith.andi %get3A_537, %broadcast_in_dim3A_223 : vector<16xi32>
            %bitcast_convert_type3A_552 = tpu.bitcast %and3A_551 : vector<16xi32> -> vector<16xf32>
            %add3A_553 = arith.addf %add3A_524, %bitcast_convert_type3A_552 : vector<16xf32>
            %mul3A_554 = arith.constant 4 : i32
            %mul3A_555 = arith.muli %scan3A_465, %mul3A_554 : i32
            %add3A_556 = arith.addi %mul3A_337, %mul3A_555 : i32
            %add3A_557 = arith.constant 3 : i32
            %add3A_558 = arith.addi %add3A_556, %add3A_557 : i32
            %get3A_559 = arith.index_cast %add3A_558 : i32 to index
            %get3A_560 = arith.constant 32 : index
            %get3A_561 = tpu.vector_load %arg14[%get3A_559, %get3A_560] {strides = array<i32>} : memref<256x64xi32, #tpu.memory_space<vmem>>, vector<1x16xi32>,
            %get3A_562 = vector.shape_cast %get3A_561 : vector<1x16xi32> to vector<16xi32>
            %get3A_563 = arith.index_cast %add3A_558 : i32 to index
            %get3A_564 = arith.constant 32 : index
            %get3A_565 = tpu.vector_load %arg16[%get3A_563, %get3A_564] {strides = array<i32>} : memref<256x64xi32, #tpu.memory_space<vmem>>, vector<1x16xi32>,
            %get3A_566 = vector.shape_cast %get3A_565 : vector<1x16xi32> to vector<16xi32>
            %shift_left3A_567 = arith.constant 16 : i32
            %shift_left3A_568 = vector.broadcast %shift_left3A_567 : i32 to vector<16xi32>
            %shift_left3A_569 = arith.shli %get3A_562, %shift_left3A_568 : vector<16xi32>
            %bitcast_convert_type3A_570 = tpu.bitcast %shift_left3A_569 : vector<16xi32> -> vector<16xf32>
            %add3A_571 = arith.addf %add3A_542, %bitcast_convert_type3A_570 : vector<16xf32>
            %and3A_572 = arith.andi %get3A_562, %broadcast_in_dim3A_223 : vector<16xi32>
            %bitcast_convert_type3A_573 = tpu.bitcast %and3A_572 : vector<16xi32> -> vector<16xf32>
            %add3A_574 = arith.addf %add3A_545, %bitcast_convert_type3A_573 : vector<16xf32>
            %shift_left3A_575 = arith.constant 16 : i32
            %shift_left3A_576 = vector.broadcast %shift_left3A_575 : i32 to vector<16xi32>
            %shift_left3A_577 = arith.shli %get3A_566, %shift_left3A_576 : vector<16xi32>
            %bitcast_convert_type3A_578 = tpu.bitcast %shift_left3A_577 : vector<16xi32> -> vector<16xf32>
            %add3A_579 = arith.addf %add3A_550, %bitcast_convert_type3A_578 : vector<16xf32>
            %and3A_580 = arith.andi %get3A_566, %broadcast_in_dim3A_223 : vector<16xi32>
            %bitcast_convert_type3A_581 = tpu.bitcast %and3A_580 : vector<16xi32> -> vector<16xf32>
            %add3A_582 = arith.addf %add3A_553, %bitcast_convert_type3A_581 : vector<16xf32>
            scf.yield %add3A_571, %add3A_574, %add3A_579, %add3A_582 : vector<16xf32>, vector<16xf32>, vector<16xf32>, vector<16xf32>
          }
          %scan3A_408 = arith.constant 8 : i32
          %mul3A_409 = arith.mulf %scan3A_407#0, %broadcast_in_dim3A_118 : vector<16xf32>
          %swap3A_410 = arith.index_cast %scan3A_335 : i32 to index
          %swap3A_411 = arith.constant 64 : index
          %swap3A_412 = tpu.vector_load %arg18[%swap3A_410, %swap3A_411] {strides = array<i32>} : memref<8x128xf32, #tpu.memory_space<vmem>>, vector<1x16xf32>,
          %swap3A_413 = vector.shape_cast %swap3A_412 : vector<1x16xf32> to vector<16xf32>
          %swap3A_414 = vector.shape_cast %mul3A_409 : vector<16xf32> to vector<1x16xf32>
          tpu.vector_store %arg18[%swap3A_410, %swap3A_411], %swap3A_414 {strides = array<i32>} : memref<8x128xf32, #tpu.memory_space<vmem>>, vector<1x16xf32>,
          %mul3A_415 = arith.mulf %scan3A_407#1, %broadcast_in_dim3A_118 : vector<16xf32>
          %swap3A_416 = arith.index_cast %scan3A_335 : i32 to index
          %swap3A_417 = arith.constant 80 : index
          %swap3A_418 = tpu.vector_load %arg18[%swap3A_416, %swap3A_417] {strides = array<i32>} : memref<8x128xf32, #tpu.memory_space<vmem>>, vector<1x16xf32>,
          %swap3A_419 = vector.shape_cast %swap3A_418 : vector<1x16xf32> to vector<16xf32>
          %swap3A_420 = vector.shape_cast %mul3A_415 : vector<16xf32> to vector<1x16xf32>
          tpu.vector_store %arg18[%swap3A_416, %swap3A_417], %swap3A_420 {strides = array<i32>} : memref<8x128xf32, #tpu.memory_space<vmem>>, vector<1x16xf32>,
          %mul3A_421 = arith.mulf %scan3A_407#2, %broadcast_in_dim3A_118 : vector<16xf32>
          %swap3A_422 = arith.index_cast %scan3A_335 : i32 to index
          %swap3A_423 = arith.constant 64 : index
          %swap3A_424 = tpu.vector_load %arg20[%swap3A_422, %swap3A_423] {strides = array<i32>} : memref<8x128xf32, #tpu.memory_space<vmem>>, vector<1x16xf32>,
          %swap3A_425 = vector.shape_cast %swap3A_424 : vector<1x16xf32> to vector<16xf32>
          %swap3A_426 = vector.shape_cast %mul3A_421 : vector<16xf32> to vector<1x16xf32>
          tpu.vector_store %arg20[%swap3A_422, %swap3A_423], %swap3A_426 {strides = array<i32>} : memref<8x128xf32, #tpu.memory_space<vmem>>, vector<1x16xf32>,
          %mul3A_427 = arith.mulf %scan3A_407#3, %broadcast_in_dim3A_118 : vector<16xf32>
          %swap3A_428 = arith.index_cast %scan3A_335 : i32 to index
          %swap3A_429 = arith.constant 80 : index
          %swap3A_430 = tpu.vector_load %arg20[%swap3A_428, %swap3A_429] {strides = array<i32>} : memref<8x128xf32, #tpu.memory_space<vmem>>, vector<1x16xf32>,
          %swap3A_431 = vector.shape_cast %swap3A_430 : vector<1x16xf32> to vector<16xf32>
          %swap3A_432 = vector.shape_cast %mul3A_427 : vector<16xf32> to vector<1x16xf32>
          tpu.vector_store %arg20[%swap3A_428, %swap3A_429], %swap3A_432 {strides = array<i32>} : memref<8x128xf32, #tpu.memory_space<vmem>>, vector<1x16xf32>,
          %broadcast_in_dim3A_433 = arith.constant 0.000000e+00 : f32
          %broadcast_in_dim3A_434 = vector.broadcast %broadcast_in_dim3A_433 : f32 to vector<16xf32>
          %scan3A_435 = arith.constant 0 : i32
          %scan3A_436 = arith.constant 8 : i32
          %scan3A_437 = arith.addi %scan3A_435, %scan3A_436 : i32
          %scan3A_438 = arith.constant 1 : i32
          %scan3A_439:4 = scf.for %scan3A_465 = %scan3A_435 to %scan3A_437 step %scan3A_438 iter_args(%scan3A_466 = %broadcast_in_dim3A_434, %scan3A_467 = %broadcast_in_dim3A_434, %scan3A_468 = %broadcast_in_dim3A_434, %scan3A_469 = %broadcast_in_dim3A_434) -> (vector<16xf32>, vector<16xf32>, vector<16xf32>, vector<16xf32>)  : i32 {
            %mul3A_470 = arith.constant 4 : i32
            %mul3A_471 = arith.muli %scan3A_465, %mul3A_470 : i32
            %add3A_472 = arith.addi %mul3A_337, %mul3A_471 : i32
            %add3A_473 = arith.constant 0 : i32
            %add3A_474 = arith.addi %add3A_472, %add3A_473 : i32
            %get3A = arith.index_cast %add3A_474 : i32 to index
            %get3A_475 = arith.constant 48 : index
            %get3A_476 = tpu.vector_load %arg14[%get3A, %get3A_475] {strides = array<i32>} : memref<256x64xi32, #tpu.memory_space<vmem>>, vector<1x16xi32>,
            %get3A_477 = vector.shape_cast %get3A_476 : vector<1x16xi32> to vector<16xi32>
            %get3A_478 = arith.index_cast %add3A_474 : i32 to index
            %get3A_479 = arith.constant 48 : index
            %get3A_480 = tpu.vector_load %arg16[%get3A_478, %get3A_479] {strides = array<i32>} : memref<256x64xi32, #tpu.memory_space<vmem>>, vector<1x16xi32>,
            %get3A_481 = vector.shape_cast %get3A_480 : vector<1x16xi32> to vector<16xi32>
            %shift_left3A = arith.constant 16 : i32
            %shift_left3A_482 = vector.broadcast %shift_left3A : i32 to vector<16xi32>
            %shift_left3A_483 = arith.shli %get3A_477, %shift_left3A_482 : vector<16xi32>
            %bitcast_convert_type3A = tpu.bitcast %shift_left3A_483 : vector<16xi32> -> vector<16xf32>
            %add3A_484 = arith.addf %scan3A_466, %bitcast_convert_type3A : vector<16xf32>
            %and3A_485 = arith.andi %get3A_477, %broadcast_in_dim3A_223 : vector<16xi32>
            %bitcast_convert_type3A_486 = tpu.bitcast %and3A_485 : vector<16xi32> -> vector<16xf32>
            %add3A_487 = arith.addf %scan3A_467, %bitcast_convert_type3A_486 : vector<16xf32>
            %shift_left3A_488 = arith.constant 16 : i32
            %shift_left3A_489 = vector.broadcast %shift_left3A_488 : i32 to vector<16xi32>
            %shift_left3A_490 = arith.shli %get3A_481, %shift_left3A_489 : vector<16xi32>
            %bitcast_convert_type3A_491 = tpu.bitcast %shift_left3A_490 : vector<16xi32> -> vector<16xf32>
            %add3A_492 = arith.addf %scan3A_468, %bitcast_convert_type3A_491 : vector<16xf32>
            %and3A_493 = arith.andi %get3A_481, %broadcast_in_dim3A_223 : vector<16xi32>
            %bitcast_convert_type3A_494 = tpu.bitcast %and3A_493 : vector<16xi32> -> vector<16xf32>
            %add3A_495 = arith.addf %scan3A_469, %bitcast_convert_type3A_494 : vector<16xf32>
            %mul3A_496 = arith.constant 4 : i32
            %mul3A_497 = arith.muli %scan3A_465, %mul3A_496 : i32
            %add3A_498 = arith.addi %mul3A_337, %mul3A_497 : i32
            %add3A_499 = arith.constant 1 : i32
            %add3A_500 = arith.addi %add3A_498, %add3A_499 : i32
            %get3A_501 = arith.index_cast %add3A_500 : i32 to index
            %get3A_502 = arith.constant 48 : index
            %get3A_503 = tpu.vector_load %arg14[%get3A_501, %get3A_502] {strides = array<i32>} : memref<256x64xi32, #tpu.memory_space<vmem>>, vector<1x16xi32>,
            %get3A_504 = vector.shape_cast %get3A_503 : vector<1x16xi32> to vector<16xi32>
            %get3A_505 = arith.index_cast %add3A_500 : i32 to index
            %get3A_506 = arith.constant 48 : index
            %get3A_507 = tpu.vector_load %arg16[%get3A_505, %get3A_506] {strides = array<i32>} : memref<256x64xi32, #tpu.memory_space<vmem>>, vector<1x16xi32>,
            %get3A_508 = vector.shape_cast %get3A_507 : vector<1x16xi32> to vector<16xi32>
            %shift_left3A_509 = arith.constant 16 : i32
            %shift_left3A_510 = vector.broadcast %shift_left3A_509 : i32 to vector<16xi32>
            %shift_left3A_511 = arith.shli %get3A_504, %shift_left3A_510 : vector<16xi32>
            %bitcast_convert_type3A_512 = tpu.bitcast %shift_left3A_511 : vector<16xi32> -> vector<16xf32>
            %add3A_513 = arith.addf %add3A_484, %bitcast_convert_type3A_512 : vector<16xf32>
            %and3A_514 = arith.andi %get3A_504, %broadcast_in_dim3A_223 : vector<16xi32>
            %bitcast_convert_type3A_515 = tpu.bitcast %and3A_514 : vector<16xi32> -> vector<16xf32>
            %add3A_516 = arith.addf %add3A_487, %bitcast_convert_type3A_515 : vector<16xf32>
            %shift_left3A_517 = arith.constant 16 : i32
            %shift_left3A_518 = vector.broadcast %shift_left3A_517 : i32 to vector<16xi32>
            %shift_left3A_519 = arith.shli %get3A_508, %shift_left3A_518 : vector<16xi32>
            %bitcast_convert_type3A_520 = tpu.bitcast %shift_left3A_519 : vector<16xi32> -> vector<16xf32>
            %add3A_521 = arith.addf %add3A_492, %bitcast_convert_type3A_520 : vector<16xf32>
            %and3A_522 = arith.andi %get3A_508, %broadcast_in_dim3A_223 : vector<16xi32>
            %bitcast_convert_type3A_523 = tpu.bitcast %and3A_522 : vector<16xi32> -> vector<16xf32>
            %add3A_524 = arith.addf %add3A_495, %bitcast_convert_type3A_523 : vector<16xf32>
            %mul3A_525 = arith.constant 4 : i32
            %mul3A_526 = arith.muli %scan3A_465, %mul3A_525 : i32
            %add3A_527 = arith.addi %mul3A_337, %mul3A_526 : i32
            %add3A_528 = arith.constant 2 : i32
            %add3A_529 = arith.addi %add3A_527, %add3A_528 : i32
            %get3A_530 = arith.index_cast %add3A_529 : i32 to index
            %get3A_531 = arith.constant 48 : index
            %get3A_532 = tpu.vector_load %arg14[%get3A_530, %get3A_531] {strides = array<i32>} : memref<256x64xi32, #tpu.memory_space<vmem>>, vector<1x16xi32>,
            %get3A_533 = vector.shape_cast %get3A_532 : vector<1x16xi32> to vector<16xi32>
            %get3A_534 = arith.index_cast %add3A_529 : i32 to index
            %get3A_535 = arith.constant 48 : index
            %get3A_536 = tpu.vector_load %arg16[%get3A_534, %get3A_535] {strides = array<i32>} : memref<256x64xi32, #tpu.memory_space<vmem>>, vector<1x16xi32>,
            %get3A_537 = vector.shape_cast %get3A_536 : vector<1x16xi32> to vector<16xi32>
            %shift_left3A_538 = arith.constant 16 : i32
            %shift_left3A_539 = vector.broadcast %shift_left3A_538 : i32 to vector<16xi32>
            %shift_left3A_540 = arith.shli %get3A_533, %shift_left3A_539 : vector<16xi32>
            %bitcast_convert_type3A_541 = tpu.bitcast %shift_left3A_540 : vector<16xi32> -> vector<16xf32>
            %add3A_542 = arith.addf %add3A_513, %bitcast_convert_type3A_541 : vector<16xf32>
            %and3A_543 = arith.andi %get3A_533, %broadcast_in_dim3A_223 : vector<16xi32>
            %bitcast_convert_type3A_544 = tpu.bitcast %and3A_543 : vector<16xi32> -> vector<16xf32>
            %add3A_545 = arith.addf %add3A_516, %bitcast_convert_type3A_544 : vector<16xf32>
            %shift_left3A_546 = arith.constant 16 : i32
            %shift_left3A_547 = vector.broadcast %shift_left3A_546 : i32 to vector<16xi32>
            %shift_left3A_548 = arith.shli %get3A_537, %shift_left3A_547 : vector<16xi32>
            %bitcast_convert_type3A_549 = tpu.bitcast %shift_left3A_548 : vector<16xi32> -> vector<16xf32>
            %add3A_550 = arith.addf %add3A_521, %bitcast_convert_type3A_549 : vector<16xf32>
            %and3A_551 = arith.andi %get3A_537, %broadcast_in_dim3A_223 : vector<16xi32>
            %bitcast_convert_type3A_552 = tpu.bitcast %and3A_551 : vector<16xi32> -> vector<16xf32>
            %add3A_553 = arith.addf %add3A_524, %bitcast_convert_type3A_552 : vector<16xf32>
            %mul3A_554 = arith.constant 4 : i32
            %mul3A_555 = arith.muli %scan3A_465, %mul3A_554 : i32
            %add3A_556 = arith.addi %mul3A_337, %mul3A_555 : i32
            %add3A_557 = arith.constant 3 : i32
            %add3A_558 = arith.addi %add3A_556, %add3A_557 : i32
            %get3A_559 = arith.index_cast %add3A_558 : i32 to index
            %get3A_560 = arith.constant 48 : index
            %get3A_561 = tpu.vector_load %arg14[%get3A_559, %get3A_560] {strides = array<i32>} : memref<256x64xi32, #tpu.memory_space<vmem>>, vector<1x16xi32>,
            %get3A_562 = vector.shape_cast %get3A_561 : vector<1x16xi32> to vector<16xi32>
            %get3A_563 = arith.index_cast %add3A_558 : i32 to index
            %get3A_564 = arith.constant 48 : index
            %get3A_565 = tpu.vector_load %arg16[%get3A_563, %get3A_564] {strides = array<i32>} : memref<256x64xi32, #tpu.memory_space<vmem>>, vector<1x16xi32>,
            %get3A_566 = vector.shape_cast %get3A_565 : vector<1x16xi32> to vector<16xi32>
            %shift_left3A_567 = arith.constant 16 : i32
            %shift_left3A_568 = vector.broadcast %shift_left3A_567 : i32 to vector<16xi32>
            %shift_left3A_569 = arith.shli %get3A_562, %shift_left3A_568 : vector<16xi32>
            %bitcast_convert_type3A_570 = tpu.bitcast %shift_left3A_569 : vector<16xi32> -> vector<16xf32>
            %add3A_571 = arith.addf %add3A_542, %bitcast_convert_type3A_570 : vector<16xf32>
            %and3A_572 = arith.andi %get3A_562, %broadcast_in_dim3A_223 : vector<16xi32>
            %bitcast_convert_type3A_573 = tpu.bitcast %and3A_572 : vector<16xi32> -> vector<16xf32>
            %add3A_574 = arith.addf %add3A_545, %bitcast_convert_type3A_573 : vector<16xf32>
            %shift_left3A_575 = arith.constant 16 : i32
            %shift_left3A_576 = vector.broadcast %shift_left3A_575 : i32 to vector<16xi32>
            %shift_left3A_577 = arith.shli %get3A_566, %shift_left3A_576 : vector<16xi32>
            %bitcast_convert_type3A_578 = tpu.bitcast %shift_left3A_577 : vector<16xi32> -> vector<16xf32>
            %add3A_579 = arith.addf %add3A_550, %bitcast_convert_type3A_578 : vector<16xf32>
            %and3A_580 = arith.andi %get3A_566, %broadcast_in_dim3A_223 : vector<16xi32>
            %bitcast_convert_type3A_581 = tpu.bitcast %and3A_580 : vector<16xi32> -> vector<16xf32>
            %add3A_582 = arith.addf %add3A_553, %bitcast_convert_type3A_581 : vector<16xf32>
            scf.yield %add3A_571, %add3A_574, %add3A_579, %add3A_582 : vector<16xf32>, vector<16xf32>, vector<16xf32>, vector<16xf32>
          }
          %scan3A_440 = arith.constant 8 : i32
          %mul3A_441 = arith.mulf %scan3A_439#0, %broadcast_in_dim3A_118 : vector<16xf32>
          %swap3A_442 = arith.index_cast %scan3A_335 : i32 to index
          %swap3A_443 = arith.constant 96 : index
          %swap3A_444 = tpu.vector_load %arg18[%swap3A_442, %swap3A_443] {strides = array<i32>} : memref<8x128xf32, #tpu.memory_space<vmem>>, vector<1x16xf32>,
          %swap3A_445 = vector.shape_cast %swap3A_444 : vector<1x16xf32> to vector<16xf32>
          %swap3A_446 = vector.shape_cast %mul3A_441 : vector<16xf32> to vector<1x16xf32>
          tpu.vector_store %arg18[%swap3A_442, %swap3A_443], %swap3A_446 {strides = array<i32>} : memref<8x128xf32, #tpu.memory_space<vmem>>, vector<1x16xf32>,
          %mul3A_447 = arith.mulf %scan3A_439#1, %broadcast_in_dim3A_118 : vector<16xf32>
          %swap3A_448 = arith.index_cast %scan3A_335 : i32 to index
          %swap3A_449 = arith.constant 112 : index
          %swap3A_450 = tpu.vector_load %arg18[%swap3A_448, %swap3A_449] {strides = array<i32>} : memref<8x128xf32, #tpu.memory_space<vmem>>, vector<1x16xf32>,
          %swap3A_451 = vector.shape_cast %swap3A_450 : vector<1x16xf32> to vector<16xf32>
          %swap3A_452 = vector.shape_cast %mul3A_447 : vector<16xf32> to vector<1x16xf32>
          tpu.vector_store %arg18[%swap3A_448, %swap3A_449], %swap3A_452 {strides = array<i32>} : memref<8x128xf32, #tpu.memory_space<vmem>>, vector<1x16xf32>,
          %mul3A_453 = arith.mulf %scan3A_439#2, %broadcast_in_dim3A_118 : vector<16xf32>
          %swap3A_454 = arith.index_cast %scan3A_335 : i32 to index
          %swap3A_455 = arith.constant 96 : index
          %swap3A_456 = tpu.vector_load %arg20[%swap3A_454, %swap3A_455] {strides = array<i32>} : memref<8x128xf32, #tpu.memory_space<vmem>>, vector<1x16xf32>,
          %swap3A_457 = vector.shape_cast %swap3A_456 : vector<1x16xf32> to vector<16xf32>
          %swap3A_458 = vector.shape_cast %mul3A_453 : vector<16xf32> to vector<1x16xf32>
          tpu.vector_store %arg20[%swap3A_454, %swap3A_455], %swap3A_458 {strides = array<i32>} : memref<8x128xf32, #tpu.memory_space<vmem>>, vector<1x16xf32>,
          %mul3A_459 = arith.mulf %scan3A_439#3, %broadcast_in_dim3A_118 : vector<16xf32>
          %swap3A_460 = arith.index_cast %scan3A_335 : i32 to index
          %swap3A_461 = arith.constant 112 : index
          %swap3A_462 = tpu.vector_load %arg20[%swap3A_460, %swap3A_461] {strides = array<i32>} : memref<8x128xf32, #tpu.memory_space<vmem>>, vector<1x16xf32>,
          %swap3A_463 = vector.shape_cast %swap3A_462 : vector<1x16xf32> to vector<16xf32>
          %swap3A_464 = vector.shape_cast %mul3A_459 : vector<16xf32> to vector<1x16xf32>
          tpu.vector_store %arg20[%swap3A_460, %swap3A_461], %swap3A_464 {strides = array<i32>} : memref<8x128xf32, #tpu.memory_space<vmem>>, vector<1x16xf32>,
        }
        %scan3A_229 = arith.constant 8 : i32
        "tpu.trace_stop"() : () -> ()
        %dma_start3A_230 = arith.constant 0 : i32
        %dma_start3A_231 = tpu.memref_slice %arg6[%add3A_157, %dma_start3A_230] : memref<10240x64xi32, #tpu.memory_space<hbm>> -> memref<8x64xi32, #tpu.memory_space<hbm>>
        %dma_start3A_232 = arith.constant 0 : i32
        %dma_start3A_233 = tpu.memref_slice %arg6[%add3A_157, %dma_start3A_232] : memref<10240x64xi32, #tpu.memory_space<hbm>> -> memref<8x64xi32, #tpu.memory_space<hbm>>
        tpu.enqueue_dma source(%arg12 : memref<8x64xi32, #tpu.memory_space<vmem>>) target(%dma_start3A_233 : memref<8x64xi32, #tpu.memory_space<hbm>>) target_semaphore(%arg24 : memref<!tpu.dma_semaphore, #tpu.memory_space<semaphore_mem>>)
        %dma_start3A_234 = arith.constant 0 : i32
        %dma_start3A_235 = tpu.memref_slice %arg7[%add3A_157, %dma_start3A_234] : memref<10240x128xf32, #tpu.memory_space<hbm>> -> memref<8x128xf32, #tpu.memory_space<hbm>>
        %dma_start3A_236 = arith.constant 0 : i32
        %dma_start3A_237 = tpu.memref_slice %arg7[%add3A_157, %dma_start3A_236] : memref<10240x128xf32, #tpu.memory_space<hbm>> -> memref<8x128xf32, #tpu.memory_space<hbm>>
        tpu.enqueue_dma source(%arg18 : memref<8x128xf32, #tpu.memory_space<vmem>>) target(%dma_start3A_237 : memref<8x128xf32, #tpu.memory_space<hbm>>) target_semaphore(%arg24 : memref<!tpu.dma_semaphore, #tpu.memory_space<semaphore_mem>>)
        %dma_start3A_238 = arith.constant 0 : i32
        %dma_start3A_239 = tpu.memref_slice %arg8[%add3A_157, %dma_start3A_238] : memref<10240x128xf32, #tpu.memory_space<hbm>> -> memref<8x128xf32, #tpu.memory_space<hbm>>
        %dma_start3A_240 = arith.constant 0 : i32
        %dma_start3A_241 = tpu.memref_slice %arg8[%add3A_157, %dma_start3A_240] : memref<10240x128xf32, #tpu.memory_space<hbm>> -> memref<8x128xf32, #tpu.memory_space<hbm>>
        tpu.enqueue_dma source(%arg20 : memref<8x128xf32, #tpu.memory_space<vmem>>) target(%dma_start3A_241 : memref<8x128xf32, #tpu.memory_space<hbm>>) target_semaphore(%arg24 : memref<!tpu.dma_semaphore, #tpu.memory_space<semaphore_mem>>)
        %mul3A_242 = arith.constant 2 : i32
        %mul3A_243 = arith.muli %mul3A_242, %scan3A_150 : i32
        %add3A_244 = arith.constant 1 : i32
        %add3A_245 = arith.addi %mul3A_243, %add3A_244 : i32
        %mul3A_246 = arith.constant 8 : i32
        %mul3A_247 = arith.muli %add3A_245, %mul3A_246 : i32
        %add3A_248 = arith.addi %mul3A_7, %mul3A_247 : i32
        "tpu.trace_start"() <{level = 10 : i32, message = "fire"}> : () -> ()
        %add3A_249 = arith.constant 1 : i32
        %add3A_250 = arith.addi %add3A_245, %add3A_249 : i32
        %lt3A_251 = arith.constant 40 : i32
        %lt3A_252 = arith.cmpi slt, %add3A_250, %lt3A_251 : i32
        %convert_element_type3A_253 = arith.extui %lt3A_252 : i1 to i32
        %cond3A_254 = arith.constant 0 : i32
        %cond3A_255 = arith.cmpi ne, %convert_element_type3A_253, %cond3A_254 : i32
        scf.if %cond3A_255 {
          %add3A_335 = arith.constant 1 : i32
          %add3A_336 = arith.addi %add3A_245, %add3A_335 : i32
          %dma_start3A_337 = arith.constant 0 : i32
          %dma_start3A_338 = tpu.memref_slice %arg9[%add3A_336, %dma_start3A_337] : memref<40x8xi32, #tpu.memory_space<vmem>> -> memref<1x8xi32, #tpu.memory_space<vmem>>
          %dma_start3A_339 = tpu.memref_squeeze %dma_start3A_338 : memref<1x8xi32, #tpu.memory_space<vmem>> -> memref<8xi32, #tpu.memory_space<vmem>>
          %dma_start3A_340 = arith.constant 0 : i32
          %dma_start3A_341 = arith.constant 0 : i32
          %dma_start3A_342 = tpu.memref_slice %arg5[%dma_start3A_340, %dma_start3A_341] : memref<10000x64xi32, #tpu.memory_space<hbm>> -> memref<10000x64xi32, #tpu.memory_space<hbm>>
          tpu.enqueue_indirect_dma source(%dma_start3A_342 : memref<10000x64xi32, #tpu.memory_space<hbm>>) target(%arg12 : memref<8x64xi32, #tpu.memory_space<vmem>>) offsets(%dma_start3A_339 : memref<8xi32, #tpu.memory_space<vmem>>) semaphore(%arg22 : memref<!tpu.dma_semaphore, #tpu.memory_space<semaphore_mem>>)
          %mul3A_343 = arith.constant 2 : i32
          %mul3A_344 = arith.muli %mul3A_343, %add3A_336 : i32
          %dma_start3A_345 = arith.constant 0 : i32
          %dma_start3A_346 = arith.constant 0 : i32
          %dma_start3A_347 = tpu.memref_slice %arg14[%dma_start3A_345, %dma_start3A_346] : memref<256x64xi32, #tpu.memory_space<vmem>> -> memref<128x64xi32, #tpu.memory_space<vmem>>
          %dma_start3A_348 = arith.constant 0 : i32
          %dma_start3A_349 = tpu.memref_slice %arg10[%mul3A_344, %dma_start3A_348] : memref<80x128xi32, #tpu.memory_space<vmem>> -> memref<1x128xi32, #tpu.memory_space<vmem>>
          %dma_start3A_350 = tpu.memref_squeeze %dma_start3A_349 : memref<1x128xi32, #tpu.memory_space<vmem>> -> memref<128xi32, #tpu.memory_space<vmem>>
          %dma_start3A_351 = arith.constant 0 : i32
          %dma_start3A_352 = arith.constant 0 : i32
          %dma_start3A_353 = tpu.memref_slice %arg5[%dma_start3A_351, %dma_start3A_352] : memref<10000x64xi32, #tpu.memory_space<hbm>> -> memref<10000x64xi32, #tpu.memory_space<hbm>>
          tpu.enqueue_indirect_dma source(%dma_start3A_353 : memref<10000x64xi32, #tpu.memory_space<hbm>>) target(%dma_start3A_347 : memref<128x64xi32, #tpu.memory_space<vmem>>) offsets(%dma_start3A_350 : memref<128xi32, #tpu.memory_space<vmem>>) semaphore(%arg22 : memref<!tpu.dma_semaphore, #tpu.memory_space<semaphore_mem>>)
          %mul3A_354 = arith.constant 2 : i32
          %mul3A_355 = arith.muli %mul3A_354, %add3A_336 : i32
          %add3A_356 = arith.constant 1 : i32
          %add3A_357 = arith.addi %mul3A_355, %add3A_356 : i32
          %dma_start3A_358 = arith.constant 128 : i32
          %dma_start3A_359 = arith.constant 0 : i32
          %dma_start3A_360 = tpu.memref_slice %arg14[%dma_start3A_358, %dma_start3A_359] : memref<256x64xi32, #tpu.memory_space<vmem>> -> memref<128x64xi32, #tpu.memory_space<vmem>>
          %dma_start3A_361 = arith.constant 0 : i32
          %dma_start3A_362 = tpu.memref_slice %arg10[%add3A_357, %dma_start3A_361] : memref<80x128xi32, #tpu.memory_space<vmem>> -> memref<1x128xi32, #tpu.memory_space<vmem>>
          %dma_start3A_363 = tpu.memref_squeeze %dma_start3A_362 : memref<1x128xi32, #tpu.memory_space<vmem>> -> memref<128xi32, #tpu.memory_space<vmem>>
          %dma_start3A_364 = arith.constant 0 : i32
          %dma_start3A_365 = arith.constant 0 : i32
          %dma_start3A_366 = tpu.memref_slice %arg5[%dma_start3A_364, %dma_start3A_365] : memref<10000x64xi32, #tpu.memory_space<hbm>> -> memref<10000x64xi32, #tpu.memory_space<hbm>>
          tpu.enqueue_indirect_dma source(%dma_start3A_366 : memref<10000x64xi32, #tpu.memory_space<hbm>>) target(%dma_start3A_360 : memref<128x64xi32, #tpu.memory_space<vmem>>) offsets(%dma_start3A_363 : memref<128xi32, #tpu.memory_space<vmem>>) semaphore(%arg22 : memref<!tpu.dma_semaphore, #tpu.memory_space<semaphore_mem>>)
          %mul3A_367 = arith.constant 2 : i32
          %mul3A_368 = arith.muli %mul3A_367, %add3A_336 : i32
          %dma_start3A_369 = arith.constant 0 : i32
          %dma_start3A_370 = arith.constant 0 : i32
          %dma_start3A_371 = tpu.memref_slice %arg16[%dma_start3A_369, %dma_start3A_370] : memref<256x64xi32, #tpu.memory_space<vmem>> -> memref<128x64xi32, #tpu.memory_space<vmem>>
          %dma_start3A_372 = arith.constant 0 : i32
          %dma_start3A_373 = tpu.memref_slice %arg11[%mul3A_368, %dma_start3A_372] : memref<80x128xi32, #tpu.memory_space<vmem>> -> memref<1x128xi32, #tpu.memory_space<vmem>>
          %dma_start3A_374 = tpu.memref_squeeze %dma_start3A_373 : memref<1x128xi32, #tpu.memory_space<vmem>> -> memref<128xi32, #tpu.memory_space<vmem>>
          %dma_start3A_375 = arith.constant 0 : i32
          %dma_start3A_376 = arith.constant 0 : i32
          %dma_start3A_377 = tpu.memref_slice %arg5[%dma_start3A_375, %dma_start3A_376] : memref<10000x64xi32, #tpu.memory_space<hbm>> -> memref<10000x64xi32, #tpu.memory_space<hbm>>
          tpu.enqueue_indirect_dma source(%dma_start3A_377 : memref<10000x64xi32, #tpu.memory_space<hbm>>) target(%dma_start3A_371 : memref<128x64xi32, #tpu.memory_space<vmem>>) offsets(%dma_start3A_374 : memref<128xi32, #tpu.memory_space<vmem>>) semaphore(%arg22 : memref<!tpu.dma_semaphore, #tpu.memory_space<semaphore_mem>>)
          %mul3A_378 = arith.constant 2 : i32
          %mul3A_379 = arith.muli %mul3A_378, %add3A_336 : i32
          %add3A_380 = arith.constant 1 : i32
          %add3A_381 = arith.addi %mul3A_379, %add3A_380 : i32
          %dma_start3A_382 = arith.constant 128 : i32
          %dma_start3A_383 = arith.constant 0 : i32
          %dma_start3A_384 = tpu.memref_slice %arg16[%dma_start3A_382, %dma_start3A_383] : memref<256x64xi32, #tpu.memory_space<vmem>> -> memref<128x64xi32, #tpu.memory_space<vmem>>
          %dma_start3A_385 = arith.constant 0 : i32
          %dma_start3A_386 = tpu.memref_slice %arg11[%add3A_381, %dma_start3A_385] : memref<80x128xi32, #tpu.memory_space<vmem>> -> memref<1x128xi32, #tpu.memory_space<vmem>>
          %dma_start3A_387 = tpu.memref_squeeze %dma_start3A_386 : memref<1x128xi32, #tpu.memory_space<vmem>> -> memref<128xi32, #tpu.memory_space<vmem>>
          %dma_start3A_388 = arith.constant 0 : i32
          %dma_start3A_389 = arith.constant 0 : i32
          %dma_start3A_390 = tpu.memref_slice %arg5[%dma_start3A_388, %dma_start3A_389] : memref<10000x64xi32, #tpu.memory_space<hbm>> -> memref<10000x64xi32, #tpu.memory_space<hbm>>
          tpu.enqueue_indirect_dma source(%dma_start3A_390 : memref<10000x64xi32, #tpu.memory_space<hbm>>) target(%dma_start3A_384 : memref<128x64xi32, #tpu.memory_space<vmem>>) offsets(%dma_start3A_387 : memref<128xi32, #tpu.memory_space<vmem>>) semaphore(%arg22 : memref<!tpu.dma_semaphore, #tpu.memory_space<semaphore_mem>>)
        } else {
        }
        "tpu.trace_stop"() : () -> ()
        "tpu.trace_start"() <{level = 10 : i32, message = "gwait"}> : () -> ()
        %mul3A_256 = arith.constant 2 : i32
        %mul3A_257 = arith.muli %mul3A_256, %add3A_245 : i32
        %mul3A_258 = arith.constant 2 : i32
        %mul3A_259 = arith.muli %mul3A_258, %add3A_245 : i32
        %add3A_260 = arith.constant 1 : i32
        %add3A_261 = arith.addi %mul3A_259, %add3A_260 : i32
        %mul3A_262 = arith.constant 2 : i32
        %mul3A_263 = arith.muli %mul3A_262, %add3A_245 : i32
        %mul3A_264 = arith.constant 2 : i32
        %mul3A_265 = arith.muli %mul3A_264, %add3A_245 : i32
        %add3A_266 = arith.constant 1 : i32
        %add3A_267 = arith.addi %mul3A_265, %add3A_266 : i32
        %dma_wait3A_268 = arith.constant 0 : i32
        %dma_wait3A_269 = tpu.memref_slice %arg9[%add3A_245, %dma_wait3A_268] : memref<40x8xi32, #tpu.memory_space<vmem>> -> memref<1x8xi32, #tpu.memory_space<vmem>>
        %dma_wait3A_270 = tpu.memref_squeeze %dma_wait3A_269 : memref<1x8xi32, #tpu.memory_space<vmem>> -> memref<8xi32, #tpu.memory_space<vmem>>
        %dma_wait3A_271 = arith.constant 0 : i32
        %dma_wait3A_272 = arith.constant 0 : i32
        %dma_wait3A_273 = tpu.memref_slice %arg5[%dma_wait3A_271, %dma_wait3A_272] : memref<10000x64xi32, #tpu.memory_space<hbm>> -> memref<10000x64xi32, #tpu.memory_space<hbm>>
        tpu.wait_indirect_dma semaphore(%arg23 : memref<!tpu.dma_semaphore, #tpu.memory_space<semaphore_mem>>) src(%dma_wait3A_273 : memref<10000x64xi32, #tpu.memory_space<hbm>>) dst(%arg13 : memref<8x64xi32, #tpu.memory_space<vmem>>)
        %dma_wait3A_274 = arith.constant 0 : i32
        %dma_wait3A_275 = arith.constant 0 : i32
        %dma_wait3A_276 = tpu.memref_slice %arg15[%dma_wait3A_274, %dma_wait3A_275] : memref<256x64xi32, #tpu.memory_space<vmem>> -> memref<128x64xi32, #tpu.memory_space<vmem>>
        %dma_wait3A_277 = arith.constant 0 : i32
        %dma_wait3A_278 = tpu.memref_slice %arg10[%mul3A_257, %dma_wait3A_277] : memref<80x128xi32, #tpu.memory_space<vmem>> -> memref<1x128xi32, #tpu.memory_space<vmem>>
        %dma_wait3A_279 = tpu.memref_squeeze %dma_wait3A_278 : memref<1x128xi32, #tpu.memory_space<vmem>> -> memref<128xi32, #tpu.memory_space<vmem>>
        %dma_wait3A_280 = arith.constant 0 : i32
        %dma_wait3A_281 = arith.constant 0 : i32
        %dma_wait3A_282 = tpu.memref_slice %arg5[%dma_wait3A_280, %dma_wait3A_281] : memref<10000x64xi32, #tpu.memory_space<hbm>> -> memref<10000x64xi32, #tpu.memory_space<hbm>>
        tpu.wait_indirect_dma semaphore(%arg23 : memref<!tpu.dma_semaphore, #tpu.memory_space<semaphore_mem>>) src(%dma_wait3A_282 : memref<10000x64xi32, #tpu.memory_space<hbm>>) dst(%dma_wait3A_276 : memref<128x64xi32, #tpu.memory_space<vmem>>)
        %dma_wait3A_283 = arith.constant 128 : i32
        %dma_wait3A_284 = arith.constant 0 : i32
        %dma_wait3A_285 = tpu.memref_slice %arg15[%dma_wait3A_283, %dma_wait3A_284] : memref<256x64xi32, #tpu.memory_space<vmem>> -> memref<128x64xi32, #tpu.memory_space<vmem>>
        %dma_wait3A_286 = arith.constant 0 : i32
        %dma_wait3A_287 = tpu.memref_slice %arg10[%add3A_261, %dma_wait3A_286] : memref<80x128xi32, #tpu.memory_space<vmem>> -> memref<1x128xi32, #tpu.memory_space<vmem>>
        %dma_wait3A_288 = tpu.memref_squeeze %dma_wait3A_287 : memref<1x128xi32, #tpu.memory_space<vmem>> -> memref<128xi32, #tpu.memory_space<vmem>>
        %dma_wait3A_289 = arith.constant 0 : i32
        %dma_wait3A_290 = arith.constant 0 : i32
        %dma_wait3A_291 = tpu.memref_slice %arg5[%dma_wait3A_289, %dma_wait3A_290] : memref<10000x64xi32, #tpu.memory_space<hbm>> -> memref<10000x64xi32, #tpu.memory_space<hbm>>
        tpu.wait_indirect_dma semaphore(%arg23 : memref<!tpu.dma_semaphore, #tpu.memory_space<semaphore_mem>>) src(%dma_wait3A_291 : memref<10000x64xi32, #tpu.memory_space<hbm>>) dst(%dma_wait3A_285 : memref<128x64xi32, #tpu.memory_space<vmem>>)
        %dma_wait3A_292 = arith.constant 0 : i32
        %dma_wait3A_293 = arith.constant 0 : i32
        %dma_wait3A_294 = tpu.memref_slice %arg17[%dma_wait3A_292, %dma_wait3A_293] : memref<256x64xi32, #tpu.memory_space<vmem>> -> memref<128x64xi32, #tpu.memory_space<vmem>>
        %dma_wait3A_295 = arith.constant 0 : i32
        %dma_wait3A_296 = tpu.memref_slice %arg11[%mul3A_263, %dma_wait3A_295] : memref<80x128xi32, #tpu.memory_space<vmem>> -> memref<1x128xi32, #tpu.memory_space<vmem>>
        %dma_wait3A_297 = tpu.memref_squeeze %dma_wait3A_296 : memref<1x128xi32, #tpu.memory_space<vmem>> -> memref<128xi32, #tpu.memory_space<vmem>>
        %dma_wait3A_298 = arith.constant 0 : i32
        %dma_wait3A_299 = arith.constant 0 : i32
        %dma_wait3A_300 = tpu.memref_slice %arg5[%dma_wait3A_298, %dma_wait3A_299] : memref<10000x64xi32, #tpu.memory_space<hbm>> -> memref<10000x64xi32, #tpu.memory_space<hbm>>
        tpu.wait_indirect_dma semaphore(%arg23 : memref<!tpu.dma_semaphore, #tpu.memory_space<semaphore_mem>>) src(%dma_wait3A_300 : memref<10000x64xi32, #tpu.memory_space<hbm>>) dst(%dma_wait3A_294 : memref<128x64xi32, #tpu.memory_space<vmem>>)
        %dma_wait3A_301 = arith.constant 128 : i32
        %dma_wait3A_302 = arith.constant 0 : i32
        %dma_wait3A_303 = tpu.memref_slice %arg17[%dma_wait3A_301, %dma_wait3A_302] : memref<256x64xi32, #tpu.memory_space<vmem>> -> memref<128x64xi32, #tpu.memory_space<vmem>>
        %dma_wait3A_304 = arith.constant 0 : i32
        %dma_wait3A_305 = tpu.memref_slice %arg11[%add3A_267, %dma_wait3A_304] : memref<80x128xi32, #tpu.memory_space<vmem>> -> memref<1x128xi32, #tpu.memory_space<vmem>>
        %dma_wait3A_306 = tpu.memref_squeeze %dma_wait3A_305 : memref<1x128xi32, #tpu.memory_space<vmem>> -> memref<128xi32, #tpu.memory_space<vmem>>
        %dma_wait3A_307 = arith.constant 0 : i32
        %dma_wait3A_308 = arith.constant 0 : i32
        %dma_wait3A_309 = tpu.memref_slice %arg5[%dma_wait3A_307, %dma_wait3A_308] : memref<10000x64xi32, #tpu.memory_space<hbm>> -> memref<10000x64xi32, #tpu.memory_space<hbm>>
        tpu.wait_indirect_dma semaphore(%arg23 : memref<!tpu.dma_semaphore, #tpu.memory_space<semaphore_mem>>) src(%dma_wait3A_309 : memref<10000x64xi32, #tpu.memory_space<hbm>>) dst(%dma_wait3A_303 : memref<128x64xi32, #tpu.memory_space<vmem>>)
        %ge3A_310 = arith.constant 2 : i32
        "tpu.trace_stop"() : () -> ()
        "tpu.trace_start"() <{level = 10 : i32, message = "wbwait"}> : () -> ()
        %ge3A_311 = arith.cmpi sge, %add3A_245, %ge3A_310 : i32
        %convert_element_type3A_312 = arith.extui %ge3A_311 : i1 to i32
        %cond3A_313 = arith.constant 0 : i32
        %cond3A_314 = arith.cmpi ne, %convert_element_type3A_312, %cond3A_313 : i32
        scf.if %cond3A_314 {
          %dma_wait3A_335 = arith.constant 0 : i32
          %dma_wait3A_336 = tpu.memref_slice %arg6[%add3A_248, %dma_wait3A_335] : memref<10240x64xi32, #tpu.memory_space<hbm>> -> memref<8x64xi32, #tpu.memory_space<hbm>>
          %dma_wait3A_337 = arith.constant 0 : i32
          %dma_wait3A_338 = tpu.memref_slice %arg6[%add3A_248, %dma_wait3A_337] : memref<10240x64xi32, #tpu.memory_space<hbm>> -> memref<8x64xi32, #tpu.memory_space<hbm>>
          tpu.wait_dma2 semaphore(%arg25 : memref<!tpu.dma_semaphore, #tpu.memory_space<semaphore_mem>>) src(%arg13 : memref<8x64xi32, #tpu.memory_space<vmem>>) dst(%dma_wait3A_338 : memref<8x64xi32, #tpu.memory_space<hbm>>)
          %dma_wait3A_339 = arith.constant 0 : i32
          %dma_wait3A_340 = tpu.memref_slice %arg7[%add3A_248, %dma_wait3A_339] : memref<10240x128xf32, #tpu.memory_space<hbm>> -> memref<8x128xf32, #tpu.memory_space<hbm>>
          %dma_wait3A_341 = arith.constant 0 : i32
          %dma_wait3A_342 = tpu.memref_slice %arg7[%add3A_248, %dma_wait3A_341] : memref<10240x128xf32, #tpu.memory_space<hbm>> -> memref<8x128xf32, #tpu.memory_space<hbm>>
          tpu.wait_dma2 semaphore(%arg25 : memref<!tpu.dma_semaphore, #tpu.memory_space<semaphore_mem>>) src(%arg19 : memref<8x128xf32, #tpu.memory_space<vmem>>) dst(%dma_wait3A_342 : memref<8x128xf32, #tpu.memory_space<hbm>>)
          %dma_wait3A_343 = arith.constant 0 : i32
          %dma_wait3A_344 = tpu.memref_slice %arg8[%add3A_248, %dma_wait3A_343] : memref<10240x128xf32, #tpu.memory_space<hbm>> -> memref<8x128xf32, #tpu.memory_space<hbm>>
          %dma_wait3A_345 = arith.constant 0 : i32
          %dma_wait3A_346 = tpu.memref_slice %arg8[%add3A_248, %dma_wait3A_345] : memref<10240x128xf32, #tpu.memory_space<hbm>> -> memref<8x128xf32, #tpu.memory_space<hbm>>
          tpu.wait_dma2 semaphore(%arg25 : memref<!tpu.dma_semaphore, #tpu.memory_space<semaphore_mem>>) src(%arg21 : memref<8x128xf32, #tpu.memory_space<vmem>>) dst(%dma_wait3A_346 : memref<8x128xf32, #tpu.memory_space<hbm>>)
        } else {
        }
        %broadcast_in_dim3A_315 = arith.constant -65536 : i32
        "tpu.trace_stop"() : () -> ()
        %broadcast_in_dim3A_316 = vector.broadcast %broadcast_in_dim3A_315 : i32 to vector<16xi32>
        "tpu.trace_start"() <{level = 10 : i32, message = "acc"}> : () -> ()
        %scan3A_317 = arith.constant 0 : i32
        %scan3A_318 = arith.constant 0 : i32
        %scan3A_319 = arith.constant 8 : i32
        %scan3A_320 = arith.addi %scan3A_318, %scan3A_319 : i32
        %scan3A_321 = arith.constant 1 : i32
        scf.for %scan3A_335 = %scan3A_318 to %scan3A_320 step %scan3A_321  : i32 {
          %mul3A_336 = arith.constant 32 : i32
          %mul3A_337 = arith.muli %scan3A_335, %mul3A_336 : i32
          %broadcast_in_dim3A_338 = arith.constant 0.000000e+00 : f32
          %broadcast_in_dim3A_339 = vector.broadcast %broadcast_in_dim3A_338 : f32 to vector<16xf32>
          %scan3A_340 = arith.constant 0 : i32
          %scan3A_341 = arith.constant 8 : i32
          %scan3A_342 = arith.addi %scan3A_340, %scan3A_341 : i32
          %scan3A_343 = arith.constant 1 : i32
          %scan3A_344:4 = scf.for %scan3A_465 = %scan3A_340 to %scan3A_342 step %scan3A_343 iter_args(%scan3A_466 = %broadcast_in_dim3A_339, %scan3A_467 = %broadcast_in_dim3A_339, %scan3A_468 = %broadcast_in_dim3A_339, %scan3A_469 = %broadcast_in_dim3A_339) -> (vector<16xf32>, vector<16xf32>, vector<16xf32>, vector<16xf32>)  : i32 {
            %mul3A_470 = arith.constant 4 : i32
            %mul3A_471 = arith.muli %scan3A_465, %mul3A_470 : i32
            %add3A_472 = arith.addi %mul3A_337, %mul3A_471 : i32
            %add3A_473 = arith.constant 0 : i32
            %add3A_474 = arith.addi %add3A_472, %add3A_473 : i32
            %get3A = arith.index_cast %add3A_474 : i32 to index
            %get3A_475 = arith.constant 0 : index
            %get3A_476 = tpu.vector_load %arg15[%get3A, %get3A_475] {strides = array<i32>} : memref<256x64xi32, #tpu.memory_space<vmem>>, vector<1x16xi32>,
            %get3A_477 = vector.shape_cast %get3A_476 : vector<1x16xi32> to vector<16xi32>
            %get3A_478 = arith.index_cast %add3A_474 : i32 to index
            %get3A_479 = arith.constant 0 : index
            %get3A_480 = tpu.vector_load %arg17[%get3A_478, %get3A_479] {strides = array<i32>} : memref<256x64xi32, #tpu.memory_space<vmem>>, vector<1x16xi32>,
            %get3A_481 = vector.shape_cast %get3A_480 : vector<1x16xi32> to vector<16xi32>
            %shift_left3A = arith.constant 16 : i32
            %shift_left3A_482 = vector.broadcast %shift_left3A : i32 to vector<16xi32>
            %shift_left3A_483 = arith.shli %get3A_477, %shift_left3A_482 : vector<16xi32>
            %bitcast_convert_type3A = tpu.bitcast %shift_left3A_483 : vector<16xi32> -> vector<16xf32>
            %add3A_484 = arith.addf %scan3A_466, %bitcast_convert_type3A : vector<16xf32>
            %and3A_485 = arith.andi %get3A_477, %broadcast_in_dim3A_316 : vector<16xi32>
            %bitcast_convert_type3A_486 = tpu.bitcast %and3A_485 : vector<16xi32> -> vector<16xf32>
            %add3A_487 = arith.addf %scan3A_467, %bitcast_convert_type3A_486 : vector<16xf32>
            %shift_left3A_488 = arith.constant 16 : i32
            %shift_left3A_489 = vector.broadcast %shift_left3A_488 : i32 to vector<16xi32>
            %shift_left3A_490 = arith.shli %get3A_481, %shift_left3A_489 : vector<16xi32>
            %bitcast_convert_type3A_491 = tpu.bitcast %shift_left3A_490 : vector<16xi32> -> vector<16xf32>
            %add3A_492 = arith.addf %scan3A_468, %bitcast_convert_type3A_491 : vector<16xf32>
            %and3A_493 = arith.andi %get3A_481, %broadcast_in_dim3A_316 : vector<16xi32>
            %bitcast_convert_type3A_494 = tpu.bitcast %and3A_493 : vector<16xi32> -> vector<16xf32>
            %add3A_495 = arith.addf %scan3A_469, %bitcast_convert_type3A_494 : vector<16xf32>
            %mul3A_496 = arith.constant 4 : i32
            %mul3A_497 = arith.muli %scan3A_465, %mul3A_496 : i32
            %add3A_498 = arith.addi %mul3A_337, %mul3A_497 : i32
            %add3A_499 = arith.constant 1 : i32
            %add3A_500 = arith.addi %add3A_498, %add3A_499 : i32
            %get3A_501 = arith.index_cast %add3A_500 : i32 to index
            %get3A_502 = arith.constant 0 : index
            %get3A_503 = tpu.vector_load %arg15[%get3A_501, %get3A_502] {strides = array<i32>} : memref<256x64xi32, #tpu.memory_space<vmem>>, vector<1x16xi32>,
            %get3A_504 = vector.shape_cast %get3A_503 : vector<1x16xi32> to vector<16xi32>
            %get3A_505 = arith.index_cast %add3A_500 : i32 to index
            %get3A_506 = arith.constant 0 : index
            %get3A_507 = tpu.vector_load %arg17[%get3A_505, %get3A_506] {strides = array<i32>} : memref<256x64xi32, #tpu.memory_space<vmem>>, vector<1x16xi32>,
            %get3A_508 = vector.shape_cast %get3A_507 : vector<1x16xi32> to vector<16xi32>
            %shift_left3A_509 = arith.constant 16 : i32
            %shift_left3A_510 = vector.broadcast %shift_left3A_509 : i32 to vector<16xi32>
            %shift_left3A_511 = arith.shli %get3A_504, %shift_left3A_510 : vector<16xi32>
            %bitcast_convert_type3A_512 = tpu.bitcast %shift_left3A_511 : vector<16xi32> -> vector<16xf32>
            %add3A_513 = arith.addf %add3A_484, %bitcast_convert_type3A_512 : vector<16xf32>
            %and3A_514 = arith.andi %get3A_504, %broadcast_in_dim3A_316 : vector<16xi32>
            %bitcast_convert_type3A_515 = tpu.bitcast %and3A_514 : vector<16xi32> -> vector<16xf32>
            %add3A_516 = arith.addf %add3A_487, %bitcast_convert_type3A_515 : vector<16xf32>
            %shift_left3A_517 = arith.constant 16 : i32
            %shift_left3A_518 = vector.broadcast %shift_left3A_517 : i32 to vector<16xi32>
            %shift_left3A_519 = arith.shli %get3A_508, %shift_left3A_518 : vector<16xi32>
            %bitcast_convert_type3A_520 = tpu.bitcast %shift_left3A_519 : vector<16xi32> -> vector<16xf32>
            %add3A_521 = arith.addf %add3A_492, %bitcast_convert_type3A_520 : vector<16xf32>
            %and3A_522 = arith.andi %get3A_508, %broadcast_in_dim3A_316 : vector<16xi32>
            %bitcast_convert_type3A_523 = tpu.bitcast %and3A_522 : vector<16xi32> -> vector<16xf32>
            %add3A_524 = arith.addf %add3A_495, %bitcast_convert_type3A_523 : vector<16xf32>
            %mul3A_525 = arith.constant 4 : i32
            %mul3A_526 = arith.muli %scan3A_465, %mul3A_525 : i32
            %add3A_527 = arith.addi %mul3A_337, %mul3A_526 : i32
            %add3A_528 = arith.constant 2 : i32
            %add3A_529 = arith.addi %add3A_527, %add3A_528 : i32
            %get3A_530 = arith.index_cast %add3A_529 : i32 to index
            %get3A_531 = arith.constant 0 : index
            %get3A_532 = tpu.vector_load %arg15[%get3A_530, %get3A_531] {strides = array<i32>} : memref<256x64xi32, #tpu.memory_space<vmem>>, vector<1x16xi32>,
            %get3A_533 = vector.shape_cast %get3A_532 : vector<1x16xi32> to vector<16xi32>
            %get3A_534 = arith.index_cast %add3A_529 : i32 to index
            %get3A_535 = arith.constant 0 : index
            %get3A_536 = tpu.vector_load %arg17[%get3A_534, %get3A_535] {strides = array<i32>} : memref<256x64xi32, #tpu.memory_space<vmem>>, vector<1x16xi32>,
            %get3A_537 = vector.shape_cast %get3A_536 : vector<1x16xi32> to vector<16xi32>
            %shift_left3A_538 = arith.constant 16 : i32
            %shift_left3A_539 = vector.broadcast %shift_left3A_538 : i32 to vector<16xi32>
            %shift_left3A_540 = arith.shli %get3A_533, %shift_left3A_539 : vector<16xi32>
            %bitcast_convert_type3A_541 = tpu.bitcast %shift_left3A_540 : vector<16xi32> -> vector<16xf32>
            %add3A_542 = arith.addf %add3A_513, %bitcast_convert_type3A_541 : vector<16xf32>
            %and3A_543 = arith.andi %get3A_533, %broadcast_in_dim3A_316 : vector<16xi32>
            %bitcast_convert_type3A_544 = tpu.bitcast %and3A_543 : vector<16xi32> -> vector<16xf32>
            %add3A_545 = arith.addf %add3A_516, %bitcast_convert_type3A_544 : vector<16xf32>
            %shift_left3A_546 = arith.constant 16 : i32
            %shift_left3A_547 = vector.broadcast %shift_left3A_546 : i32 to vector<16xi32>
            %shift_left3A_548 = arith.shli %get3A_537, %shift_left3A_547 : vector<16xi32>
            %bitcast_convert_type3A_549 = tpu.bitcast %shift_left3A_548 : vector<16xi32> -> vector<16xf32>
            %add3A_550 = arith.addf %add3A_521, %bitcast_convert_type3A_549 : vector<16xf32>
            %and3A_551 = arith.andi %get3A_537, %broadcast_in_dim3A_316 : vector<16xi32>
            %bitcast_convert_type3A_552 = tpu.bitcast %and3A_551 : vector<16xi32> -> vector<16xf32>
            %add3A_553 = arith.addf %add3A_524, %bitcast_convert_type3A_552 : vector<16xf32>
            %mul3A_554 = arith.constant 4 : i32
            %mul3A_555 = arith.muli %scan3A_465, %mul3A_554 : i32
            %add3A_556 = arith.addi %mul3A_337, %mul3A_555 : i32
            %add3A_557 = arith.constant 3 : i32
            %add3A_558 = arith.addi %add3A_556, %add3A_557 : i32
            %get3A_559 = arith.index_cast %add3A_558 : i32 to index
            %get3A_560 = arith.constant 0 : index
            %get3A_561 = tpu.vector_load %arg15[%get3A_559, %get3A_560] {strides = array<i32>} : memref<256x64xi32, #tpu.memory_space<vmem>>, vector<1x16xi32>,
            %get3A_562 = vector.shape_cast %get3A_561 : vector<1x16xi32> to vector<16xi32>
            %get3A_563 = arith.index_cast %add3A_558 : i32 to index
            %get3A_564 = arith.constant 0 : index
            %get3A_565 = tpu.vector_load %arg17[%get3A_563, %get3A_564] {strides = array<i32>} : memref<256x64xi32, #tpu.memory_space<vmem>>, vector<1x16xi32>,
            %get3A_566 = vector.shape_cast %get3A_565 : vector<1x16xi32> to vector<16xi32>
            %shift_left3A_567 = arith.constant 16 : i32
            %shift_left3A_568 = vector.broadcast %shift_left3A_567 : i32 to vector<16xi32>
            %shift_left3A_569 = arith.shli %get3A_562, %shift_left3A_568 : vector<16xi32>
            %bitcast_convert_type3A_570 = tpu.bitcast %shift_left3A_569 : vector<16xi32> -> vector<16xf32>
            %add3A_571 = arith.addf %add3A_542, %bitcast_convert_type3A_570 : vector<16xf32>
            %and3A_572 = arith.andi %get3A_562, %broadcast_in_dim3A_316 : vector<16xi32>
            %bitcast_convert_type3A_573 = tpu.bitcast %and3A_572 : vector<16xi32> -> vector<16xf32>
            %add3A_574 = arith.addf %add3A_545, %bitcast_convert_type3A_573 : vector<16xf32>
            %shift_left3A_575 = arith.constant 16 : i32
            %shift_left3A_576 = vector.broadcast %shift_left3A_575 : i32 to vector<16xi32>
            %shift_left3A_577 = arith.shli %get3A_566, %shift_left3A_576 : vector<16xi32>
            %bitcast_convert_type3A_578 = tpu.bitcast %shift_left3A_577 : vector<16xi32> -> vector<16xf32>
            %add3A_579 = arith.addf %add3A_550, %bitcast_convert_type3A_578 : vector<16xf32>
            %and3A_580 = arith.andi %get3A_566, %broadcast_in_dim3A_316 : vector<16xi32>
            %bitcast_convert_type3A_581 = tpu.bitcast %and3A_580 : vector<16xi32> -> vector<16xf32>
            %add3A_582 = arith.addf %add3A_553, %bitcast_convert_type3A_581 : vector<16xf32>
            scf.yield %add3A_571, %add3A_574, %add3A_579, %add3A_582 : vector<16xf32>, vector<16xf32>, vector<16xf32>, vector<16xf32>
          }
          %scan3A_345 = arith.constant 8 : i32
          %mul3A_346 = arith.mulf %scan3A_344#0, %broadcast_in_dim3A_118 : vector<16xf32>
          %swap3A = arith.index_cast %scan3A_335 : i32 to index
          %swap3A_347 = arith.constant 0 : index
          %swap3A_348 = tpu.vector_load %arg19[%swap3A, %swap3A_347] {strides = array<i32>} : memref<8x128xf32, #tpu.memory_space<vmem>>, vector<1x16xf32>,
          %swap3A_349 = vector.shape_cast %swap3A_348 : vector<1x16xf32> to vector<16xf32>
          %swap3A_350 = vector.shape_cast %mul3A_346 : vector<16xf32> to vector<1x16xf32>
          tpu.vector_store %arg19[%swap3A, %swap3A_347], %swap3A_350 {strides = array<i32>} : memref<8x128xf32, #tpu.memory_space<vmem>>, vector<1x16xf32>,
          %mul3A_351 = arith.mulf %scan3A_344#1, %broadcast_in_dim3A_118 : vector<16xf32>
          %swap3A_352 = arith.index_cast %scan3A_335 : i32 to index
          %swap3A_353 = arith.constant 16 : index
          %swap3A_354 = tpu.vector_load %arg19[%swap3A_352, %swap3A_353] {strides = array<i32>} : memref<8x128xf32, #tpu.memory_space<vmem>>, vector<1x16xf32>,
          %swap3A_355 = vector.shape_cast %swap3A_354 : vector<1x16xf32> to vector<16xf32>
          %swap3A_356 = vector.shape_cast %mul3A_351 : vector<16xf32> to vector<1x16xf32>
          tpu.vector_store %arg19[%swap3A_352, %swap3A_353], %swap3A_356 {strides = array<i32>} : memref<8x128xf32, #tpu.memory_space<vmem>>, vector<1x16xf32>,
          %mul3A_357 = arith.mulf %scan3A_344#2, %broadcast_in_dim3A_118 : vector<16xf32>
          %swap3A_358 = arith.index_cast %scan3A_335 : i32 to index
          %swap3A_359 = arith.constant 0 : index
          %swap3A_360 = tpu.vector_load %arg21[%swap3A_358, %swap3A_359] {strides = array<i32>} : memref<8x128xf32, #tpu.memory_space<vmem>>, vector<1x16xf32>,
          %swap3A_361 = vector.shape_cast %swap3A_360 : vector<1x16xf32> to vector<16xf32>
          %swap3A_362 = vector.shape_cast %mul3A_357 : vector<16xf32> to vector<1x16xf32>
          tpu.vector_store %arg21[%swap3A_358, %swap3A_359], %swap3A_362 {strides = array<i32>} : memref<8x128xf32, #tpu.memory_space<vmem>>, vector<1x16xf32>,
          %mul3A_363 = arith.mulf %scan3A_344#3, %broadcast_in_dim3A_118 : vector<16xf32>
          %swap3A_364 = arith.index_cast %scan3A_335 : i32 to index
          %swap3A_365 = arith.constant 16 : index
          %swap3A_366 = tpu.vector_load %arg21[%swap3A_364, %swap3A_365] {strides = array<i32>} : memref<8x128xf32, #tpu.memory_space<vmem>>, vector<1x16xf32>,
          %swap3A_367 = vector.shape_cast %swap3A_366 : vector<1x16xf32> to vector<16xf32>
          %swap3A_368 = vector.shape_cast %mul3A_363 : vector<16xf32> to vector<1x16xf32>
          tpu.vector_store %arg21[%swap3A_364, %swap3A_365], %swap3A_368 {strides = array<i32>} : memref<8x128xf32, #tpu.memory_space<vmem>>, vector<1x16xf32>,
          %broadcast_in_dim3A_369 = arith.constant 0.000000e+00 : f32
          %broadcast_in_dim3A_370 = vector.broadcast %broadcast_in_dim3A_369 : f32 to vector<16xf32>
          %scan3A_371 = arith.constant 0 : i32
          %scan3A_372 = arith.constant 8 : i32
          %scan3A_373 = arith.addi %scan3A_371, %scan3A_372 : i32
          %scan3A_374 = arith.constant 1 : i32
          %scan3A_375:4 = scf.for %scan3A_465 = %scan3A_371 to %scan3A_373 step %scan3A_374 iter_args(%scan3A_466 = %broadcast_in_dim3A_370, %scan3A_467 = %broadcast_in_dim3A_370, %scan3A_468 = %broadcast_in_dim3A_370, %scan3A_469 = %broadcast_in_dim3A_370) -> (vector<16xf32>, vector<16xf32>, vector<16xf32>, vector<16xf32>)  : i32 {
            %mul3A_470 = arith.constant 4 : i32
            %mul3A_471 = arith.muli %scan3A_465, %mul3A_470 : i32
            %add3A_472 = arith.addi %mul3A_337, %mul3A_471 : i32
            %add3A_473 = arith.constant 0 : i32
            %add3A_474 = arith.addi %add3A_472, %add3A_473 : i32
            %get3A = arith.index_cast %add3A_474 : i32 to index
            %get3A_475 = arith.constant 16 : index
            %get3A_476 = tpu.vector_load %arg15[%get3A, %get3A_475] {strides = array<i32>} : memref<256x64xi32, #tpu.memory_space<vmem>>, vector<1x16xi32>,
            %get3A_477 = vector.shape_cast %get3A_476 : vector<1x16xi32> to vector<16xi32>
            %get3A_478 = arith.index_cast %add3A_474 : i32 to index
            %get3A_479 = arith.constant 16 : index
            %get3A_480 = tpu.vector_load %arg17[%get3A_478, %get3A_479] {strides = array<i32>} : memref<256x64xi32, #tpu.memory_space<vmem>>, vector<1x16xi32>,
            %get3A_481 = vector.shape_cast %get3A_480 : vector<1x16xi32> to vector<16xi32>
            %shift_left3A = arith.constant 16 : i32
            %shift_left3A_482 = vector.broadcast %shift_left3A : i32 to vector<16xi32>
            %shift_left3A_483 = arith.shli %get3A_477, %shift_left3A_482 : vector<16xi32>
            %bitcast_convert_type3A = tpu.bitcast %shift_left3A_483 : vector<16xi32> -> vector<16xf32>
            %add3A_484 = arith.addf %scan3A_466, %bitcast_convert_type3A : vector<16xf32>
            %and3A_485 = arith.andi %get3A_477, %broadcast_in_dim3A_316 : vector<16xi32>
            %bitcast_convert_type3A_486 = tpu.bitcast %and3A_485 : vector<16xi32> -> vector<16xf32>
            %add3A_487 = arith.addf %scan3A_467, %bitcast_convert_type3A_486 : vector<16xf32>
            %shift_left3A_488 = arith.constant 16 : i32
            %shift_left3A_489 = vector.broadcast %shift_left3A_488 : i32 to vector<16xi32>
            %shift_left3A_490 = arith.shli %get3A_481, %shift_left3A_489 : vector<16xi32>
            %bitcast_convert_type3A_491 = tpu.bitcast %shift_left3A_490 : vector<16xi32> -> vector<16xf32>
            %add3A_492 = arith.addf %scan3A_468, %bitcast_convert_type3A_491 : vector<16xf32>
            %and3A_493 = arith.andi %get3A_481, %broadcast_in_dim3A_316 : vector<16xi32>
            %bitcast_convert_type3A_494 = tpu.bitcast %and3A_493 : vector<16xi32> -> vector<16xf32>
            %add3A_495 = arith.addf %scan3A_469, %bitcast_convert_type3A_494 : vector<16xf32>
            %mul3A_496 = arith.constant 4 : i32
            %mul3A_497 = arith.muli %scan3A_465, %mul3A_496 : i32
            %add3A_498 = arith.addi %mul3A_337, %mul3A_497 : i32
            %add3A_499 = arith.constant 1 : i32
            %add3A_500 = arith.addi %add3A_498, %add3A_499 : i32
            %get3A_501 = arith.index_cast %add3A_500 : i32 to index
            %get3A_502 = arith.constant 16 : index
            %get3A_503 = tpu.vector_load %arg15[%get3A_501, %get3A_502] {strides = array<i32>} : memref<256x64xi32, #tpu.memory_space<vmem>>, vector<1x16xi32>,
            %get3A_504 = vector.shape_cast %get3A_503 : vector<1x16xi32> to vector<16xi32>
            %get3A_505 = arith.index_cast %add3A_500 : i32 to index
            %get3A_506 = arith.constant 16 : index
            %get3A_507 = tpu.vector_load %arg17[%get3A_505, %get3A_506] {strides = array<i32>} : memref<256x64xi32, #tpu.memory_space<vmem>>, vector<1x16xi32>,
            %get3A_508 = vector.shape_cast %get3A_507 : vector<1x16xi32> to vector<16xi32>
            %shift_left3A_509 = arith.constant 16 : i32
            %shift_left3A_510 = vector.broadcast %shift_left3A_509 : i32 to vector<16xi32>
            %shift_left3A_511 = arith.shli %get3A_504, %shift_left3A_510 : vector<16xi32>
            %bitcast_convert_type3A_512 = tpu.bitcast %shift_left3A_511 : vector<16xi32> -> vector<16xf32>
            %add3A_513 = arith.addf %add3A_484, %bitcast_convert_type3A_512 : vector<16xf32>
            %and3A_514 = arith.andi %get3A_504, %broadcast_in_dim3A_316 : vector<16xi32>
            %bitcast_convert_type3A_515 = tpu.bitcast %and3A_514 : vector<16xi32> -> vector<16xf32>
            %add3A_516 = arith.addf %add3A_487, %bitcast_convert_type3A_515 : vector<16xf32>
            %shift_left3A_517 = arith.constant 16 : i32
            %shift_left3A_518 = vector.broadcast %shift_left3A_517 : i32 to vector<16xi32>
            %shift_left3A_519 = arith.shli %get3A_508, %shift_left3A_518 : vector<16xi32>
            %bitcast_convert_type3A_520 = tpu.bitcast %shift_left3A_519 : vector<16xi32> -> vector<16xf32>
            %add3A_521 = arith.addf %add3A_492, %bitcast_convert_type3A_520 : vector<16xf32>
            %and3A_522 = arith.andi %get3A_508, %broadcast_in_dim3A_316 : vector<16xi32>
            %bitcast_convert_type3A_523 = tpu.bitcast %and3A_522 : vector<16xi32> -> vector<16xf32>
            %add3A_524 = arith.addf %add3A_495, %bitcast_convert_type3A_523 : vector<16xf32>
            %mul3A_525 = arith.constant 4 : i32
            %mul3A_526 = arith.muli %scan3A_465, %mul3A_525 : i32
            %add3A_527 = arith.addi %mul3A_337, %mul3A_526 : i32
            %add3A_528 = arith.constant 2 : i32
            %add3A_529 = arith.addi %add3A_527, %add3A_528 : i32
            %get3A_530 = arith.index_cast %add3A_529 : i32 to index
            %get3A_531 = arith.constant 16 : index
            %get3A_532 = tpu.vector_load %arg15[%get3A_530, %get3A_531] {strides = array<i32>} : memref<256x64xi32, #tpu.memory_space<vmem>>, vector<1x16xi32>,
            %get3A_533 = vector.shape_cast %get3A_532 : vector<1x16xi32> to vector<16xi32>
            %get3A_534 = arith.index_cast %add3A_529 : i32 to index
            %get3A_535 = arith.constant 16 : index
            %get3A_536 = tpu.vector_load %arg17[%get3A_534, %get3A_535] {strides = array<i32>} : memref<256x64xi32, #tpu.memory_space<vmem>>, vector<1x16xi32>,
            %get3A_537 = vector.shape_cast %get3A_536 : vector<1x16xi32> to vector<16xi32>
            %shift_left3A_538 = arith.constant 16 : i32
            %shift_left3A_539 = vector.broadcast %shift_left3A_538 : i32 to vector<16xi32>
            %shift_left3A_540 = arith.shli %get3A_533, %shift_left3A_539 : vector<16xi32>
            %bitcast_convert_type3A_541 = tpu.bitcast %shift_left3A_540 : vector<16xi32> -> vector<16xf32>
            %add3A_542 = arith.addf %add3A_513, %bitcast_convert_type3A_541 : vector<16xf32>
            %and3A_543 = arith.andi %get3A_533, %broadcast_in_dim3A_316 : vector<16xi32>
            %bitcast_convert_type3A_544 = tpu.bitcast %and3A_543 : vector<16xi32> -> vector<16xf32>
            %add3A_545 = arith.addf %add3A_516, %bitcast_convert_type3A_544 : vector<16xf32>
            %shift_left3A_546 = arith.constant 16 : i32
            %shift_left3A_547 = vector.broadcast %shift_left3A_546 : i32 to vector<16xi32>
            %shift_left3A_548 = arith.shli %get3A_537, %shift_left3A_547 : vector<16xi32>
            %bitcast_convert_type3A_549 = tpu.bitcast %shift_left3A_548 : vector<16xi32> -> vector<16xf32>
            %add3A_550 = arith.addf %add3A_521, %bitcast_convert_type3A_549 : vector<16xf32>
            %and3A_551 = arith.andi %get3A_537, %broadcast_in_dim3A_316 : vector<16xi32>
            %bitcast_convert_type3A_552 = tpu.bitcast %and3A_551 : vector<16xi32> -> vector<16xf32>
            %add3A_553 = arith.addf %add3A_524, %bitcast_convert_type3A_552 : vector<16xf32>
            %mul3A_554 = arith.constant 4 : i32
            %mul3A_555 = arith.muli %scan3A_465, %mul3A_554 : i32
            %add3A_556 = arith.addi %mul3A_337, %mul3A_555 : i32
            %add3A_557 = arith.constant 3 : i32
            %add3A_558 = arith.addi %add3A_556, %add3A_557 : i32
            %get3A_559 = arith.index_cast %add3A_558 : i32 to index
            %get3A_560 = arith.constant 16 : index
            %get3A_561 = tpu.vector_load %arg15[%get3A_559, %get3A_560] {strides = array<i32>} : memref<256x64xi32, #tpu.memory_space<vmem>>, vector<1x16xi32>,
            %get3A_562 = vector.shape_cast %get3A_561 : vector<1x16xi32> to vector<16xi32>
            %get3A_563 = arith.index_cast %add3A_558 : i32 to index
            %get3A_564 = arith.constant 16 : index
            %get3A_565 = tpu.vector_load %arg17[%get3A_563, %get3A_564] {strides = array<i32>} : memref<256x64xi32, #tpu.memory_space<vmem>>, vector<1x16xi32>,
            %get3A_566 = vector.shape_cast %get3A_565 : vector<1x16xi32> to vector<16xi32>
            %shift_left3A_567 = arith.constant 16 : i32
            %shift_left3A_568 = vector.broadcast %shift_left3A_567 : i32 to vector<16xi32>
            %shift_left3A_569 = arith.shli %get3A_562, %shift_left3A_568 : vector<16xi32>
            %bitcast_convert_type3A_570 = tpu.bitcast %shift_left3A_569 : vector<16xi32> -> vector<16xf32>
            %add3A_571 = arith.addf %add3A_542, %bitcast_convert_type3A_570 : vector<16xf32>
            %and3A_572 = arith.andi %get3A_562, %broadcast_in_dim3A_316 : vector<16xi32>
            %bitcast_convert_type3A_573 = tpu.bitcast %and3A_572 : vector<16xi32> -> vector<16xf32>
            %add3A_574 = arith.addf %add3A_545, %bitcast_convert_type3A_573 : vector<16xf32>
            %shift_left3A_575 = arith.constant 16 : i32
            %shift_left3A_576 = vector.broadcast %shift_left3A_575 : i32 to vector<16xi32>
            %shift_left3A_577 = arith.shli %get3A_566, %shift_left3A_576 : vector<16xi32>
            %bitcast_convert_type3A_578 = tpu.bitcast %shift_left3A_577 : vector<16xi32> -> vector<16xf32>
            %add3A_579 = arith.addf %add3A_550, %bitcast_convert_type3A_578 : vector<16xf32>
            %and3A_580 = arith.andi %get3A_566, %broadcast_in_dim3A_316 : vector<16xi32>
            %bitcast_convert_type3A_581 = tpu.bitcast %and3A_580 : vector<16xi32> -> vector<16xf32>
            %add3A_582 = arith.addf %add3A_553, %bitcast_convert_type3A_581 : vector<16xf32>
            scf.yield %add3A_571, %add3A_574, %add3A_579, %add3A_582 : vector<16xf32>, vector<16xf32>, vector<16xf32>, vector<16xf32>
          }
          %scan3A_376 = arith.constant 8 : i32
          %mul3A_377 = arith.mulf %scan3A_375#0, %broadcast_in_dim3A_118 : vector<16xf32>
          %swap3A_378 = arith.index_cast %scan3A_335 : i32 to index
          %swap3A_379 = arith.constant 32 : index
          %swap3A_380 = tpu.vector_load %arg19[%swap3A_378, %swap3A_379] {strides = array<i32>} : memref<8x128xf32, #tpu.memory_space<vmem>>, vector<1x16xf32>,
          %swap3A_381 = vector.shape_cast %swap3A_380 : vector<1x16xf32> to vector<16xf32>
          %swap3A_382 = vector.shape_cast %mul3A_377 : vector<16xf32> to vector<1x16xf32>
          tpu.vector_store %arg19[%swap3A_378, %swap3A_379], %swap3A_382 {strides = array<i32>} : memref<8x128xf32, #tpu.memory_space<vmem>>, vector<1x16xf32>,
          %mul3A_383 = arith.mulf %scan3A_375#1, %broadcast_in_dim3A_118 : vector<16xf32>
          %swap3A_384 = arith.index_cast %scan3A_335 : i32 to index
          %swap3A_385 = arith.constant 48 : index
          %swap3A_386 = tpu.vector_load %arg19[%swap3A_384, %swap3A_385] {strides = array<i32>} : memref<8x128xf32, #tpu.memory_space<vmem>>, vector<1x16xf32>,
          %swap3A_387 = vector.shape_cast %swap3A_386 : vector<1x16xf32> to vector<16xf32>
          %swap3A_388 = vector.shape_cast %mul3A_383 : vector<16xf32> to vector<1x16xf32>
          tpu.vector_store %arg19[%swap3A_384, %swap3A_385], %swap3A_388 {strides = array<i32>} : memref<8x128xf32, #tpu.memory_space<vmem>>, vector<1x16xf32>,
          %mul3A_389 = arith.mulf %scan3A_375#2, %broadcast_in_dim3A_118 : vector<16xf32>
          %swap3A_390 = arith.index_cast %scan3A_335 : i32 to index
          %swap3A_391 = arith.constant 32 : index
          %swap3A_392 = tpu.vector_load %arg21[%swap3A_390, %swap3A_391] {strides = array<i32>} : memref<8x128xf32, #tpu.memory_space<vmem>>, vector<1x16xf32>,
          %swap3A_393 = vector.shape_cast %swap3A_392 : vector<1x16xf32> to vector<16xf32>
          %swap3A_394 = vector.shape_cast %mul3A_389 : vector<16xf32> to vector<1x16xf32>
          tpu.vector_store %arg21[%swap3A_390, %swap3A_391], %swap3A_394 {strides = array<i32>} : memref<8x128xf32, #tpu.memory_space<vmem>>, vector<1x16xf32>,
          %mul3A_395 = arith.mulf %scan3A_375#3, %broadcast_in_dim3A_118 : vector<16xf32>
          %swap3A_396 = arith.index_cast %scan3A_335 : i32 to index
          %swap3A_397 = arith.constant 48 : index
          %swap3A_398 = tpu.vector_load %arg21[%swap3A_396, %swap3A_397] {strides = array<i32>} : memref<8x128xf32, #tpu.memory_space<vmem>>, vector<1x16xf32>,
          %swap3A_399 = vector.shape_cast %swap3A_398 : vector<1x16xf32> to vector<16xf32>
          %swap3A_400 = vector.shape_cast %mul3A_395 : vector<16xf32> to vector<1x16xf32>
          tpu.vector_store %arg21[%swap3A_396, %swap3A_397], %swap3A_400 {strides = array<i32>} : memref<8x128xf32, #tpu.memory_space<vmem>>, vector<1x16xf32>,
          %broadcast_in_dim3A_401 = arith.constant 0.000000e+00 : f32
          %broadcast_in_dim3A_402 = vector.broadcast %broadcast_in_dim3A_401 : f32 to vector<16xf32>
          %scan3A_403 = arith.constant 0 : i32
          %scan3A_404 = arith.constant 8 : i32
          %scan3A_405 = arith.addi %scan3A_403, %scan3A_404 : i32
          %scan3A_406 = arith.constant 1 : i32
          %scan3A_407:4 = scf.for %scan3A_465 = %scan3A_403 to %scan3A_405 step %scan3A_406 iter_args(%scan3A_466 = %broadcast_in_dim3A_402, %scan3A_467 = %broadcast_in_dim3A_402, %scan3A_468 = %broadcast_in_dim3A_402, %scan3A_469 = %broadcast_in_dim3A_402) -> (vector<16xf32>, vector<16xf32>, vector<16xf32>, vector<16xf32>)  : i32 {
            %mul3A_470 = arith.constant 4 : i32
            %mul3A_471 = arith.muli %scan3A_465, %mul3A_470 : i32
            %add3A_472 = arith.addi %mul3A_337, %mul3A_471 : i32
            %add3A_473 = arith.constant 0 : i32
            %add3A_474 = arith.addi %add3A_472, %add3A_473 : i32
            %get3A = arith.index_cast %add3A_474 : i32 to index
            %get3A_475 = arith.constant 32 : index
            %get3A_476 = tpu.vector_load %arg15[%get3A, %get3A_475] {strides = array<i32>} : memref<256x64xi32, #tpu.memory_space<vmem>>, vector<1x16xi32>,
            %get3A_477 = vector.shape_cast %get3A_476 : vector<1x16xi32> to vector<16xi32>
            %get3A_478 = arith.index_cast %add3A_474 : i32 to index
            %get3A_479 = arith.constant 32 : index
            %get3A_480 = tpu.vector_load %arg17[%get3A_478, %get3A_479] {strides = array<i32>} : memref<256x64xi32, #tpu.memory_space<vmem>>, vector<1x16xi32>,
            %get3A_481 = vector.shape_cast %get3A_480 : vector<1x16xi32> to vector<16xi32>
            %shift_left3A = arith.constant 16 : i32
            %shift_left3A_482 = vector.broadcast %shift_left3A : i32 to vector<16xi32>
            %shift_left3A_483 = arith.shli %get3A_477, %shift_left3A_482 : vector<16xi32>
            %bitcast_convert_type3A = tpu.bitcast %shift_left3A_483 : vector<16xi32> -> vector<16xf32>
            %add3A_484 = arith.addf %scan3A_466, %bitcast_convert_type3A : vector<16xf32>
            %and3A_485 = arith.andi %get3A_477, %broadcast_in_dim3A_316 : vector<16xi32>
            %bitcast_convert_type3A_486 = tpu.bitcast %and3A_485 : vector<16xi32> -> vector<16xf32>
            %add3A_487 = arith.addf %scan3A_467, %bitcast_convert_type3A_486 : vector<16xf32>
            %shift_left3A_488 = arith.constant 16 : i32
            %shift_left3A_489 = vector.broadcast %shift_left3A_488 : i32 to vector<16xi32>
            %shift_left3A_490 = arith.shli %get3A_481, %shift_left3A_489 : vector<16xi32>
            %bitcast_convert_type3A_491 = tpu.bitcast %shift_left3A_490 : vector<16xi32> -> vector<16xf32>
            %add3A_492 = arith.addf %scan3A_468, %bitcast_convert_type3A_491 : vector<16xf32>
            %and3A_493 = arith.andi %get3A_481, %broadcast_in_dim3A_316 : vector<16xi32>
            %bitcast_convert_type3A_494 = tpu.bitcast %and3A_493 : vector<16xi32> -> vector<16xf32>
            %add3A_495 = arith.addf %scan3A_469, %bitcast_convert_type3A_494 : vector<16xf32>
            %mul3A_496 = arith.constant 4 : i32
            %mul3A_497 = arith.muli %scan3A_465, %mul3A_496 : i32
            %add3A_498 = arith.addi %mul3A_337, %mul3A_497 : i32
            %add3A_499 = arith.constant 1 : i32
            %add3A_500 = arith.addi %add3A_498, %add3A_499 : i32
            %get3A_501 = arith.index_cast %add3A_500 : i32 to index
            %get3A_502 = arith.constant 32 : index
            %get3A_503 = tpu.vector_load %arg15[%get3A_501, %get3A_502] {strides = array<i32>} : memref<256x64xi32, #tpu.memory_space<vmem>>, vector<1x16xi32>,
            %get3A_504 = vector.shape_cast %get3A_503 : vector<1x16xi32> to vector<16xi32>
            %get3A_505 = arith.index_cast %add3A_500 : i32 to index
            %get3A_506 = arith.constant 32 : index
            %get3A_507 = tpu.vector_load %arg17[%get3A_505, %get3A_506] {strides = array<i32>} : memref<256x64xi32, #tpu.memory_space<vmem>>, vector<1x16xi32>,
            %get3A_508 = vector.shape_cast %get3A_507 : vector<1x16xi32> to vector<16xi32>
            %shift_left3A_509 = arith.constant 16 : i32
            %shift_left3A_510 = vector.broadcast %shift_left3A_509 : i32 to vector<16xi32>
            %shift_left3A_511 = arith.shli %get3A_504, %shift_left3A_510 : vector<16xi32>
            %bitcast_convert_type3A_512 = tpu.bitcast %shift_left3A_511 : vector<16xi32> -> vector<16xf32>
            %add3A_513 = arith.addf %add3A_484, %bitcast_convert_type3A_512 : vector<16xf32>
            %and3A_514 = arith.andi %get3A_504, %broadcast_in_dim3A_316 : vector<16xi32>
            %bitcast_convert_type3A_515 = tpu.bitcast %and3A_514 : vector<16xi32> -> vector<16xf32>
            %add3A_516 = arith.addf %add3A_487, %bitcast_convert_type3A_515 : vector<16xf32>
            %shift_left3A_517 = arith.constant 16 : i32
            %shift_left3A_518 = vector.broadcast %shift_left3A_517 : i32 to vector<16xi32>
            %shift_left3A_519 = arith.shli %get3A_508, %shift_left3A_518 : vector<16xi32>
            %bitcast_convert_type3A_520 = tpu.bitcast %shift_left3A_519 : vector<16xi32> -> vector<16xf32>
            %add3A_521 = arith.addf %add3A_492, %bitcast_convert_type3A_520 : vector<16xf32>
            %and3A_522 = arith.andi %get3A_508, %broadcast_in_dim3A_316 : vector<16xi32>
            %bitcast_convert_type3A_523 = tpu.bitcast %and3A_522 : vector<16xi32> -> vector<16xf32>
            %add3A_524 = arith.addf %add3A_495, %bitcast_convert_type3A_523 : vector<16xf32>
            %mul3A_525 = arith.constant 4 : i32
            %mul3A_526 = arith.muli %scan3A_465, %mul3A_525 : i32
            %add3A_527 = arith.addi %mul3A_337, %mul3A_526 : i32
            %add3A_528 = arith.constant 2 : i32
            %add3A_529 = arith.addi %add3A_527, %add3A_528 : i32
            %get3A_530 = arith.index_cast %add3A_529 : i32 to index
            %get3A_531 = arith.constant 32 : index
            %get3A_532 = tpu.vector_load %arg15[%get3A_530, %get3A_531] {strides = array<i32>} : memref<256x64xi32, #tpu.memory_space<vmem>>, vector<1x16xi32>,
            %get3A_533 = vector.shape_cast %get3A_532 : vector<1x16xi32> to vector<16xi32>
            %get3A_534 = arith.index_cast %add3A_529 : i32 to index
            %get3A_535 = arith.constant 32 : index
            %get3A_536 = tpu.vector_load %arg17[%get3A_534, %get3A_535] {strides = array<i32>} : memref<256x64xi32, #tpu.memory_space<vmem>>, vector<1x16xi32>,
            %get3A_537 = vector.shape_cast %get3A_536 : vector<1x16xi32> to vector<16xi32>
            %shift_left3A_538 = arith.constant 16 : i32
            %shift_left3A_539 = vector.broadcast %shift_left3A_538 : i32 to vector<16xi32>
            %shift_left3A_540 = arith.shli %get3A_533, %shift_left3A_539 : vector<16xi32>
            %bitcast_convert_type3A_541 = tpu.bitcast %shift_left3A_540 : vector<16xi32> -> vector<16xf32>
            %add3A_542 = arith.addf %add3A_513, %bitcast_convert_type3A_541 : vector<16xf32>
            %and3A_543 = arith.andi %get3A_533, %broadcast_in_dim3A_316 : vector<16xi32>
            %bitcast_convert_type3A_544 = tpu.bitcast %and3A_543 : vector<16xi32> -> vector<16xf32>
            %add3A_545 = arith.addf %add3A_516, %bitcast_convert_type3A_544 : vector<16xf32>
            %shift_left3A_546 = arith.constant 16 : i32
            %shift_left3A_547 = vector.broadcast %shift_left3A_546 : i32 to vector<16xi32>
            %shift_left3A_548 = arith.shli %get3A_537, %shift_left3A_547 : vector<16xi32>
            %bitcast_convert_type3A_549 = tpu.bitcast %shift_left3A_548 : vector<16xi32> -> vector<16xf32>
            %add3A_550 = arith.addf %add3A_521, %bitcast_convert_type3A_549 : vector<16xf32>
            %and3A_551 = arith.andi %get3A_537, %broadcast_in_dim3A_316 : vector<16xi32>
            %bitcast_convert_type3A_552 = tpu.bitcast %and3A_551 : vector<16xi32> -> vector<16xf32>
            %add3A_553 = arith.addf %add3A_524, %bitcast_convert_type3A_552 : vector<16xf32>
            %mul3A_554 = arith.constant 4 : i32
            %mul3A_555 = arith.muli %scan3A_465, %mul3A_554 : i32
            %add3A_556 = arith.addi %mul3A_337, %mul3A_555 : i32
            %add3A_557 = arith.constant 3 : i32
            %add3A_558 = arith.addi %add3A_556, %add3A_557 : i32
            %get3A_559 = arith.index_cast %add3A_558 : i32 to index
            %get3A_560 = arith.constant 32 : index
            %get3A_561 = tpu.vector_load %arg15[%get3A_559, %get3A_560] {strides = array<i32>} : memref<256x64xi32, #tpu.memory_space<vmem>>, vector<1x16xi32>,
            %get3A_562 = vector.shape_cast %get3A_561 : vector<1x16xi32> to vector<16xi32>
            %get3A_563 = arith.index_cast %add3A_558 : i32 to index
            %get3A_564 = arith.constant 32 : index
            %get3A_565 = tpu.vector_load %arg17[%get3A_563, %get3A_564] {strides = array<i32>} : memref<256x64xi32, #tpu.memory_space<vmem>>, vector<1x16xi32>,
            %get3A_566 = vector.shape_cast %get3A_565 : vector<1x16xi32> to vector<16xi32>
            %shift_left3A_567 = arith.constant 16 : i32
            %shift_left3A_568 = vector.broadcast %shift_left3A_567 : i32 to vector<16xi32>
            %shift_left3A_569 = arith.shli %get3A_562, %shift_left3A_568 : vector<16xi32>
            %bitcast_convert_type3A_570 = tpu.bitcast %shift_left3A_569 : vector<16xi32> -> vector<16xf32>
            %add3A_571 = arith.addf %add3A_542, %bitcast_convert_type3A_570 : vector<16xf32>
            %and3A_572 = arith.andi %get3A_562, %broadcast_in_dim3A_316 : vector<16xi32>
            %bitcast_convert_type3A_573 = tpu.bitcast %and3A_572 : vector<16xi32> -> vector<16xf32>
            %add3A_574 = arith.addf %add3A_545, %bitcast_convert_type3A_573 : vector<16xf32>
            %shift_left3A_575 = arith.constant 16 : i32
            %shift_left3A_576 = vector.broadcast %shift_left3A_575 : i32 to vector<16xi32>
            %shift_left3A_577 = arith.shli %get3A_566, %shift_left3A_576 : vector<16xi32>
            %bitcast_convert_type3A_578 = tpu.bitcast %shift_left3A_577 : vector<16xi32> -> vector<16xf32>
            %add3A_579 = arith.addf %add3A_550, %bitcast_convert_type3A_578 : vector<16xf32>
            %and3A_580 = arith.andi %get3A_566, %broadcast_in_dim3A_316 : vector<16xi32>
            %bitcast_convert_type3A_581 = tpu.bitcast %and3A_580 : vector<16xi32> -> vector<16xf32>
            %add3A_582 = arith.addf %add3A_553, %bitcast_convert_type3A_581 : vector<16xf32>
            scf.yield %add3A_571, %add3A_574, %add3A_579, %add3A_582 : vector<16xf32>, vector<16xf32>, vector<16xf32>, vector<16xf32>
          }
          %scan3A_408 = arith.constant 8 : i32
          %mul3A_409 = arith.mulf %scan3A_407#0, %broadcast_in_dim3A_118 : vector<16xf32>
          %swap3A_410 = arith.index_cast %scan3A_335 : i32 to index
          %swap3A_411 = arith.constant 64 : index
          %swap3A_412 = tpu.vector_load %arg19[%swap3A_410, %swap3A_411] {strides = array<i32>} : memref<8x128xf32, #tpu.memory_space<vmem>>, vector<1x16xf32>,
          %swap3A_413 = vector.shape_cast %swap3A_412 : vector<1x16xf32> to vector<16xf32>
          %swap3A_414 = vector.shape_cast %mul3A_409 : vector<16xf32> to vector<1x16xf32>
          tpu.vector_store %arg19[%swap3A_410, %swap3A_411], %swap3A_414 {strides = array<i32>} : memref<8x128xf32, #tpu.memory_space<vmem>>, vector<1x16xf32>,
          %mul3A_415 = arith.mulf %scan3A_407#1, %broadcast_in_dim3A_118 : vector<16xf32>
          %swap3A_416 = arith.index_cast %scan3A_335 : i32 to index
          %swap3A_417 = arith.constant 80 : index
          %swap3A_418 = tpu.vector_load %arg19[%swap3A_416, %swap3A_417] {strides = array<i32>} : memref<8x128xf32, #tpu.memory_space<vmem>>, vector<1x16xf32>,
          %swap3A_419 = vector.shape_cast %swap3A_418 : vector<1x16xf32> to vector<16xf32>
          %swap3A_420 = vector.shape_cast %mul3A_415 : vector<16xf32> to vector<1x16xf32>
          tpu.vector_store %arg19[%swap3A_416, %swap3A_417], %swap3A_420 {strides = array<i32>} : memref<8x128xf32, #tpu.memory_space<vmem>>, vector<1x16xf32>,
          %mul3A_421 = arith.mulf %scan3A_407#2, %broadcast_in_dim3A_118 : vector<16xf32>
          %swap3A_422 = arith.index_cast %scan3A_335 : i32 to index
          %swap3A_423 = arith.constant 64 : index
          %swap3A_424 = tpu.vector_load %arg21[%swap3A_422, %swap3A_423] {strides = array<i32>} : memref<8x128xf32, #tpu.memory_space<vmem>>, vector<1x16xf32>,
          %swap3A_425 = vector.shape_cast %swap3A_424 : vector<1x16xf32> to vector<16xf32>
          %swap3A_426 = vector.shape_cast %mul3A_421 : vector<16xf32> to vector<1x16xf32>
          tpu.vector_store %arg21[%swap3A_422, %swap3A_423], %swap3A_426 {strides = array<i32>} : memref<8x128xf32, #tpu.memory_space<vmem>>, vector<1x16xf32>,
          %mul3A_427 = arith.mulf %scan3A_407#3, %broadcast_in_dim3A_118 : vector<16xf32>
          %swap3A_428 = arith.index_cast %scan3A_335 : i32 to index
          %swap3A_429 = arith.constant 80 : index
          %swap3A_430 = tpu.vector_load %arg21[%swap3A_428, %swap3A_429] {strides = array<i32>} : memref<8x128xf32, #tpu.memory_space<vmem>>, vector<1x16xf32>,
          %swap3A_431 = vector.shape_cast %swap3A_430 : vector<1x16xf32> to vector<16xf32>
          %swap3A_432 = vector.shape_cast %mul3A_427 : vector<16xf32> to vector<1x16xf32>
          tpu.vector_store %arg21[%swap3A_428, %swap3A_429], %swap3A_432 {strides = array<i32>} : memref<8x128xf32, #tpu.memory_space<vmem>>, vector<1x16xf32>,
          %broadcast_in_dim3A_433 = arith.constant 0.000000e+00 : f32
          %broadcast_in_dim3A_434 = vector.broadcast %broadcast_in_dim3A_433 : f32 to vector<16xf32>
          %scan3A_435 = arith.constant 0 : i32
          %scan3A_436 = arith.constant 8 : i32
          %scan3A_437 = arith.addi %scan3A_435, %scan3A_436 : i32
          %scan3A_438 = arith.constant 1 : i32
          %scan3A_439:4 = scf.for %scan3A_465 = %scan3A_435 to %scan3A_437 step %scan3A_438 iter_args(%scan3A_466 = %broadcast_in_dim3A_434, %scan3A_467 = %broadcast_in_dim3A_434, %scan3A_468 = %broadcast_in_dim3A_434, %scan3A_469 = %broadcast_in_dim3A_434) -> (vector<16xf32>, vector<16xf32>, vector<16xf32>, vector<16xf32>)  : i32 {
            %mul3A_470 = arith.constant 4 : i32
            %mul3A_471 = arith.muli %scan3A_465, %mul3A_470 : i32
            %add3A_472 = arith.addi %mul3A_337, %mul3A_471 : i32
            %add3A_473 = arith.constant 0 : i32
            %add3A_474 = arith.addi %add3A_472, %add3A_473 : i32
            %get3A = arith.index_cast %add3A_474 : i32 to index
            %get3A_475 = arith.constant 48 : index
            %get3A_476 = tpu.vector_load %arg15[%get3A, %get3A_475] {strides = array<i32>} : memref<256x64xi32, #tpu.memory_space<vmem>>, vector<1x16xi32>,
            %get3A_477 = vector.shape_cast %get3A_476 : vector<1x16xi32> to vector<16xi32>
            %get3A_478 = arith.index_cast %add3A_474 : i32 to index
            %get3A_479 = arith.constant 48 : index
            %get3A_480 = tpu.vector_load %arg17[%get3A_478, %get3A_479] {strides = array<i32>} : memref<256x64xi32, #tpu.memory_space<vmem>>, vector<1x16xi32>,
            %get3A_481 = vector.shape_cast %get3A_480 : vector<1x16xi32> to vector<16xi32>
            %shift_left3A = arith.constant 16 : i32
            %shift_left3A_482 = vector.broadcast %shift_left3A : i32 to vector<16xi32>
            %shift_left3A_483 = arith.shli %get3A_477, %shift_left3A_482 : vector<16xi32>
            %bitcast_convert_type3A = tpu.bitcast %shift_left3A_483 : vector<16xi32> -> vector<16xf32>
            %add3A_484 = arith.addf %scan3A_466, %bitcast_convert_type3A : vector<16xf32>
            %and3A_485 = arith.andi %get3A_477, %broadcast_in_dim3A_316 : vector<16xi32>
            %bitcast_convert_type3A_486 = tpu.bitcast %and3A_485 : vector<16xi32> -> vector<16xf32>
            %add3A_487 = arith.addf %scan3A_467, %bitcast_convert_type3A_486 : vector<16xf32>
            %shift_left3A_488 = arith.constant 16 : i32
            %shift_left3A_489 = vector.broadcast %shift_left3A_488 : i32 to vector<16xi32>
            %shift_left3A_490 = arith.shli %get3A_481, %shift_left3A_489 : vector<16xi32>
            %bitcast_convert_type3A_491 = tpu.bitcast %shift_left3A_490 : vector<16xi32> -> vector<16xf32>
            %add3A_492 = arith.addf %scan3A_468, %bitcast_convert_type3A_491 : vector<16xf32>
            %and3A_493 = arith.andi %get3A_481, %broadcast_in_dim3A_316 : vector<16xi32>
            %bitcast_convert_type3A_494 = tpu.bitcast %and3A_493 : vector<16xi32> -> vector<16xf32>
            %add3A_495 = arith.addf %scan3A_469, %bitcast_convert_type3A_494 : vector<16xf32>
            %mul3A_496 = arith.constant 4 : i32
            %mul3A_497 = arith.muli %scan3A_465, %mul3A_496 : i32
            %add3A_498 = arith.addi %mul3A_337, %mul3A_497 : i32
            %add3A_499 = arith.constant 1 : i32
            %add3A_500 = arith.addi %add3A_498, %add3A_499 : i32
            %get3A_501 = arith.index_cast %add3A_500 : i32 to index
            %get3A_502 = arith.constant 48 : index
            %get3A_503 = tpu.vector_load %arg15[%get3A_501, %get3A_502] {strides = array<i32>} : memref<256x64xi32, #tpu.memory_space<vmem>>, vector<1x16xi32>,
            %get3A_504 = vector.shape_cast %get3A_503 : vector<1x16xi32> to vector<16xi32>
            %get3A_505 = arith.index_cast %add3A_500 : i32 to index
            %get3A_506 = arith.constant 48 : index
            %get3A_507 = tpu.vector_load %arg17[%get3A_505, %get3A_506] {strides = array<i32>} : memref<256x64xi32, #tpu.memory_space<vmem>>, vector<1x16xi32>,
            %get3A_508 = vector.shape_cast %get3A_507 : vector<1x16xi32> to vector<16xi32>
            %shift_left3A_509 = arith.constant 16 : i32
            %shift_left3A_510 = vector.broadcast %shift_left3A_509 : i32 to vector<16xi32>
            %shift_left3A_511 = arith.shli %get3A_504, %shift_left3A_510 : vector<16xi32>
            %bitcast_convert_type3A_512 = tpu.bitcast %shift_left3A_511 : vector<16xi32> -> vector<16xf32>
            %add3A_513 = arith.addf %add3A_484, %bitcast_convert_type3A_512 : vector<16xf32>
            %and3A_514 = arith.andi %get3A_504, %broadcast_in_dim3A_316 : vector<16xi32>
            %bitcast_convert_type3A_515 = tpu.bitcast %and3A_514 : vector<16xi32> -> vector<16xf32>
            %add3A_516 = arith.addf %add3A_487, %bitcast_convert_type3A_515 : vector<16xf32>
            %shift_left3A_517 = arith.constant 16 : i32
            %shift_left3A_518 = vector.broadcast %shift_left3A_517 : i32 to vector<16xi32>
            %shift_left3A_519 = arith.shli %get3A_508, %shift_left3A_518 : vector<16xi32>
            %bitcast_convert_type3A_520 = tpu.bitcast %shift_left3A_519 : vector<16xi32> -> vector<16xf32>
            %add3A_521 = arith.addf %add3A_492, %bitcast_convert_type3A_520 : vector<16xf32>
            %and3A_522 = arith.andi %get3A_508, %broadcast_in_dim3A_316 : vector<16xi32>
            %bitcast_convert_type3A_523 = tpu.bitcast %and3A_522 : vector<16xi32> -> vector<16xf32>
            %add3A_524 = arith.addf %add3A_495, %bitcast_convert_type3A_523 : vector<16xf32>
            %mul3A_525 = arith.constant 4 : i32
            %mul3A_526 = arith.muli %scan3A_465, %mul3A_525 : i32
            %add3A_527 = arith.addi %mul3A_337, %mul3A_526 : i32
            %add3A_528 = arith.constant 2 : i32
            %add3A_529 = arith.addi %add3A_527, %add3A_528 : i32
            %get3A_530 = arith.index_cast %add3A_529 : i32 to index
            %get3A_531 = arith.constant 48 : index
            %get3A_532 = tpu.vector_load %arg15[%get3A_530, %get3A_531] {strides = array<i32>} : memref<256x64xi32, #tpu.memory_space<vmem>>, vector<1x16xi32>,
            %get3A_533 = vector.shape_cast %get3A_532 : vector<1x16xi32> to vector<16xi32>
            %get3A_534 = arith.index_cast %add3A_529 : i32 to index
            %get3A_535 = arith.constant 48 : index
            %get3A_536 = tpu.vector_load %arg17[%get3A_534, %get3A_535] {strides = array<i32>} : memref<256x64xi32, #tpu.memory_space<vmem>>, vector<1x16xi32>,
            %get3A_537 = vector.shape_cast %get3A_536 : vector<1x16xi32> to vector<16xi32>
            %shift_left3A_538 = arith.constant 16 : i32
            %shift_left3A_539 = vector.broadcast %shift_left3A_538 : i32 to vector<16xi32>
            %shift_left3A_540 = arith.shli %get3A_533, %shift_left3A_539 : vector<16xi32>
            %bitcast_convert_type3A_541 = tpu.bitcast %shift_left3A_540 : vector<16xi32> -> vector<16xf32>
            %add3A_542 = arith.addf %add3A_513, %bitcast_convert_type3A_541 : vector<16xf32>
            %and3A_543 = arith.andi %get3A_533, %broadcast_in_dim3A_316 : vector<16xi32>
            %bitcast_convert_type3A_544 = tpu.bitcast %and3A_543 : vector<16xi32> -> vector<16xf32>
            %add3A_545 = arith.addf %add3A_516, %bitcast_convert_type3A_544 : vector<16xf32>
            %shift_left3A_546 = arith.constant 16 : i32
            %shift_left3A_547 = vector.broadcast %shift_left3A_546 : i32 to vector<16xi32>
            %shift_left3A_548 = arith.shli %get3A_537, %shift_left3A_547 : vector<16xi32>
            %bitcast_convert_type3A_549 = tpu.bitcast %shift_left3A_548 : vector<16xi32> -> vector<16xf32>
            %add3A_550 = arith.addf %add3A_521, %bitcast_convert_type3A_549 : vector<16xf32>
            %and3A_551 = arith.andi %get3A_537, %broadcast_in_dim3A_316 : vector<16xi32>
            %bitcast_convert_type3A_552 = tpu.bitcast %and3A_551 : vector<16xi32> -> vector<16xf32>
            %add3A_553 = arith.addf %add3A_524, %bitcast_convert_type3A_552 : vector<16xf32>
            %mul3A_554 = arith.constant 4 : i32
            %mul3A_555 = arith.muli %scan3A_465, %mul3A_554 : i32
            %add3A_556 = arith.addi %mul3A_337, %mul3A_555 : i32
            %add3A_557 = arith.constant 3 : i32
            %add3A_558 = arith.addi %add3A_556, %add3A_557 : i32
            %get3A_559 = arith.index_cast %add3A_558 : i32 to index
            %get3A_560 = arith.constant 48 : index
            %get3A_561 = tpu.vector_load %arg15[%get3A_559, %get3A_560] {strides = array<i32>} : memref<256x64xi32, #tpu.memory_space<vmem>>, vector<1x16xi32>,
            %get3A_562 = vector.shape_cast %get3A_561 : vector<1x16xi32> to vector<16xi32>
            %get3A_563 = arith.index_cast %add3A_558 : i32 to index
            %get3A_564 = arith.constant 48 : index
            %get3A_565 = tpu.vector_load %arg17[%get3A_563, %get3A_564] {strides = array<i32>} : memref<256x64xi32, #tpu.memory_space<vmem>>, vector<1x16xi32>,
            %get3A_566 = vector.shape_cast %get3A_565 : vector<1x16xi32> to vector<16xi32>
            %shift_left3A_567 = arith.constant 16 : i32
            %shift_left3A_568 = vector.broadcast %shift_left3A_567 : i32 to vector<16xi32>
            %shift_left3A_569 = arith.shli %get3A_562, %shift_left3A_568 : vector<16xi32>
            %bitcast_convert_type3A_570 = tpu.bitcast %shift_left3A_569 : vector<16xi32> -> vector<16xf32>
            %add3A_571 = arith.addf %add3A_542, %bitcast_convert_type3A_570 : vector<16xf32>
            %and3A_572 = arith.andi %get3A_562, %broadcast_in_dim3A_316 : vector<16xi32>
            %bitcast_convert_type3A_573 = tpu.bitcast %and3A_572 : vector<16xi32> -> vector<16xf32>
            %add3A_574 = arith.addf %add3A_545, %bitcast_convert_type3A_573 : vector<16xf32>
            %shift_left3A_575 = arith.constant 16 : i32
            %shift_left3A_576 = vector.broadcast %shift_left3A_575 : i32 to vector<16xi32>
            %shift_left3A_577 = arith.shli %get3A_566, %shift_left3A_576 : vector<16xi32>
            %bitcast_convert_type3A_578 = tpu.bitcast %shift_left3A_577 : vector<16xi32> -> vector<16xf32>
            %add3A_579 = arith.addf %add3A_550, %bitcast_convert_type3A_578 : vector<16xf32>
            %and3A_580 = arith.andi %get3A_566, %broadcast_in_dim3A_316 : vector<16xi32>
            %bitcast_convert_type3A_581 = tpu.bitcast %and3A_580 : vector<16xi32> -> vector<16xf32>
            %add3A_582 = arith.addf %add3A_553, %bitcast_convert_type3A_581 : vector<16xf32>
            scf.yield %add3A_571, %add3A_574, %add3A_579, %add3A_582 : vector<16xf32>, vector<16xf32>, vector<16xf32>, vector<16xf32>
          }
          %scan3A_440 = arith.constant 8 : i32
          %mul3A_441 = arith.mulf %scan3A_439#0, %broadcast_in_dim3A_118 : vector<16xf32>
          %swap3A_442 = arith.index_cast %scan3A_335 : i32 to index
          %swap3A_443 = arith.constant 96 : index
          %swap3A_444 = tpu.vector_load %arg19[%swap3A_442, %swap3A_443] {strides = array<i32>} : memref<8x128xf32, #tpu.memory_space<vmem>>, vector<1x16xf32>,
          %swap3A_445 = vector.shape_cast %swap3A_444 : vector<1x16xf32> to vector<16xf32>
          %swap3A_446 = vector.shape_cast %mul3A_441 : vector<16xf32> to vector<1x16xf32>
          tpu.vector_store %arg19[%swap3A_442, %swap3A_443], %swap3A_446 {strides = array<i32>} : memref<8x128xf32, #tpu.memory_space<vmem>>, vector<1x16xf32>,
          %mul3A_447 = arith.mulf %scan3A_439#1, %broadcast_in_dim3A_118 : vector<16xf32>
          %swap3A_448 = arith.index_cast %scan3A_335 : i32 to index
          %swap3A_449 = arith.constant 112 : index
          %swap3A_450 = tpu.vector_load %arg19[%swap3A_448, %swap3A_449] {strides = array<i32>} : memref<8x128xf32, #tpu.memory_space<vmem>>, vector<1x16xf32>,
          %swap3A_451 = vector.shape_cast %swap3A_450 : vector<1x16xf32> to vector<16xf32>
          %swap3A_452 = vector.shape_cast %mul3A_447 : vector<16xf32> to vector<1x16xf32>
          tpu.vector_store %arg19[%swap3A_448, %swap3A_449], %swap3A_452 {strides = array<i32>} : memref<8x128xf32, #tpu.memory_space<vmem>>, vector<1x16xf32>,
          %mul3A_453 = arith.mulf %scan3A_439#2, %broadcast_in_dim3A_118 : vector<16xf32>
          %swap3A_454 = arith.index_cast %scan3A_335 : i32 to index
          %swap3A_455 = arith.constant 96 : index
          %swap3A_456 = tpu.vector_load %arg21[%swap3A_454, %swap3A_455] {strides = array<i32>} : memref<8x128xf32, #tpu.memory_space<vmem>>, vector<1x16xf32>,
          %swap3A_457 = vector.shape_cast %swap3A_456 : vector<1x16xf32> to vector<16xf32>
          %swap3A_458 = vector.shape_cast %mul3A_453 : vector<16xf32> to vector<1x16xf32>
          tpu.vector_store %arg21[%swap3A_454, %swap3A_455], %swap3A_458 {strides = array<i32>} : memref<8x128xf32, #tpu.memory_space<vmem>>, vector<1x16xf32>,
          %mul3A_459 = arith.mulf %scan3A_439#3, %broadcast_in_dim3A_118 : vector<16xf32>
          %swap3A_460 = arith.index_cast %scan3A_335 : i32 to index
          %swap3A_461 = arith.constant 112 : index
          %swap3A_462 = tpu.vector_load %arg21[%swap3A_460, %swap3A_461] {strides = array<i32>} : memref<8x128xf32, #tpu.memory_space<vmem>>, vector<1x16xf32>,
          %swap3A_463 = vector.shape_cast %swap3A_462 : vector<1x16xf32> to vector<16xf32>
          %swap3A_464 = vector.shape_cast %mul3A_459 : vector<16xf32> to vector<1x16xf32>
          tpu.vector_store %arg21[%swap3A_460, %swap3A_461], %swap3A_464 {strides = array<i32>} : memref<8x128xf32, #tpu.memory_space<vmem>>, vector<1x16xf32>,
        }
        %scan3A_322 = arith.constant 8 : i32
        "tpu.trace_stop"() : () -> ()
        %dma_start3A_323 = arith.constant 0 : i32
        %dma_start3A_324 = tpu.memref_slice %arg6[%add3A_248, %dma_start3A_323] : memref<10240x64xi32, #tpu.memory_space<hbm>> -> memref<8x64xi32, #tpu.memory_space<hbm>>
        %dma_start3A_325 = arith.constant 0 : i32
        %dma_start3A_326 = tpu.memref_slice %arg6[%add3A_248, %dma_start3A_325] : memref<10240x64xi32, #tpu.memory_space<hbm>> -> memref<8x64xi32, #tpu.memory_space<hbm>>
        tpu.enqueue_dma source(%arg13 : memref<8x64xi32, #tpu.memory_space<vmem>>) target(%dma_start3A_326 : memref<8x64xi32, #tpu.memory_space<hbm>>) target_semaphore(%arg25 : memref<!tpu.dma_semaphore, #tpu.memory_space<semaphore_mem>>)
        %dma_start3A_327 = arith.constant 0 : i32
        %dma_start3A_328 = tpu.memref_slice %arg7[%add3A_248, %dma_start3A_327] : memref<10240x128xf32, #tpu.memory_space<hbm>> -> memref<8x128xf32, #tpu.memory_space<hbm>>
        %dma_start3A_329 = arith.constant 0 : i32
        %dma_start3A_330 = tpu.memref_slice %arg7[%add3A_248, %dma_start3A_329] : memref<10240x128xf32, #tpu.memory_space<hbm>> -> memref<8x128xf32, #tpu.memory_space<hbm>>
        tpu.enqueue_dma source(%arg19 : memref<8x128xf32, #tpu.memory_space<vmem>>) target(%dma_start3A_330 : memref<8x128xf32, #tpu.memory_space<hbm>>) target_semaphore(%arg25 : memref<!tpu.dma_semaphore, #tpu.memory_space<semaphore_mem>>)
        %dma_start3A_331 = arith.constant 0 : i32
        %dma_start3A_332 = tpu.memref_slice %arg8[%add3A_248, %dma_start3A_331] : memref<10240x128xf32, #tpu.memory_space<hbm>> -> memref<8x128xf32, #tpu.memory_space<hbm>>
        %dma_start3A_333 = arith.constant 0 : i32
        %dma_start3A_334 = tpu.memref_slice %arg8[%add3A_248, %dma_start3A_333] : memref<10240x128xf32, #tpu.memory_space<hbm>> -> memref<8x128xf32, #tpu.memory_space<hbm>>
        tpu.enqueue_dma source(%arg21 : memref<8x128xf32, #tpu.memory_space<vmem>>) target(%dma_start3A_334 : memref<8x128xf32, #tpu.memory_space<hbm>>) target_semaphore(%arg25 : memref<!tpu.dma_semaphore, #tpu.memory_space<semaphore_mem>>)
      }
      %scan3A_123 = arith.constant 20 : i32
      %add3A = arith.constant 304 : i32
      %add3A_124 = arith.addi %mul3A_7, %add3A : i32
      %dma_wait3A = arith.constant 0 : i32
      %dma_wait3A_125 = tpu.memref_slice %arg6[%add3A_124, %dma_wait3A] : memref<10240x64xi32, #tpu.memory_space<hbm>> -> memref<8x64xi32, #tpu.memory_space<hbm>>
      %dma_wait3A_126 = arith.constant 0 : i32
      %dma_wait3A_127 = tpu.memref_slice %arg6[%add3A_124, %dma_wait3A_126] : memref<10240x64xi32, #tpu.memory_space<hbm>> -> memref<8x64xi32, #tpu.memory_space<hbm>>
      tpu.wait_dma2 semaphore(%arg24 : memref<!tpu.dma_semaphore, #tpu.memory_space<semaphore_mem>>) src(%arg12 : memref<8x64xi32, #tpu.memory_space<vmem>>) dst(%dma_wait3A_127 : memref<8x64xi32, #tpu.memory_space<hbm>>)
      %dma_wait3A_128 = arith.constant 0 : i32
      %dma_wait3A_129 = tpu.memref_slice %arg7[%add3A_124, %dma_wait3A_128] : memref<10240x128xf32, #tpu.memory_space<hbm>> -> memref<8x128xf32, #tpu.memory_space<hbm>>
      %dma_wait3A_130 = arith.constant 0 : i32
      %dma_wait3A_131 = tpu.memref_slice %arg7[%add3A_124, %dma_wait3A_130] : memref<10240x128xf32, #tpu.memory_space<hbm>> -> memref<8x128xf32, #tpu.memory_space<hbm>>
      tpu.wait_dma2 semaphore(%arg24 : memref<!tpu.dma_semaphore, #tpu.memory_space<semaphore_mem>>) src(%arg18 : memref<8x128xf32, #tpu.memory_space<vmem>>) dst(%dma_wait3A_131 : memref<8x128xf32, #tpu.memory_space<hbm>>)
      %dma_wait3A_132 = arith.constant 0 : i32
      %dma_wait3A_133 = tpu.memref_slice %arg8[%add3A_124, %dma_wait3A_132] : memref<10240x128xf32, #tpu.memory_space<hbm>> -> memref<8x128xf32, #tpu.memory_space<hbm>>
      %dma_wait3A_134 = arith.constant 0 : i32
      %dma_wait3A_135 = tpu.memref_slice %arg8[%add3A_124, %dma_wait3A_134] : memref<10240x128xf32, #tpu.memory_space<hbm>> -> memref<8x128xf32, #tpu.memory_space<hbm>>
      tpu.wait_dma2 semaphore(%arg24 : memref<!tpu.dma_semaphore, #tpu.memory_space<semaphore_mem>>) src(%arg20 : memref<8x128xf32, #tpu.memory_space<vmem>>) dst(%dma_wait3A_135 : memref<8x128xf32, #tpu.memory_space<hbm>>)
      %add3A_136 = arith.constant 312 : i32
      %add3A_137 = arith.addi %mul3A_7, %add3A_136 : i32
      %dma_wait3A_138 = arith.constant 0 : i32
      %dma_wait3A_139 = tpu.memref_slice %arg6[%add3A_137, %dma_wait3A_138] : memref<10240x64xi32, #tpu.memory_space<hbm>> -> memref<8x64xi32, #tpu.memory_space<hbm>>
      %dma_wait3A_140 = arith.constant 0 : i32
      %dma_wait3A_141 = tpu.memref_slice %arg6[%add3A_137, %dma_wait3A_140] : memref<10240x64xi32, #tpu.memory_space<hbm>> -> memref<8x64xi32, #tpu.memory_space<hbm>>
      tpu.wait_dma2 semaphore(%arg25 : memref<!tpu.dma_semaphore, #tpu.memory_space<semaphore_mem>>) src(%arg13 : memref<8x64xi32, #tpu.memory_space<vmem>>) dst(%dma_wait3A_141 : memref<8x64xi32, #tpu.memory_space<hbm>>)
      %dma_wait3A_142 = arith.constant 0 : i32
      %dma_wait3A_143 = tpu.memref_slice %arg7[%add3A_137, %dma_wait3A_142] : memref<10240x128xf32, #tpu.memory_space<hbm>> -> memref<8x128xf32, #tpu.memory_space<hbm>>
      %dma_wait3A_144 = arith.constant 0 : i32
      %dma_wait3A_145 = tpu.memref_slice %arg7[%add3A_137, %dma_wait3A_144] : memref<10240x128xf32, #tpu.memory_space<hbm>> -> memref<8x128xf32, #tpu.memory_space<hbm>>
      tpu.wait_dma2 semaphore(%arg25 : memref<!tpu.dma_semaphore, #tpu.memory_space<semaphore_mem>>) src(%arg19 : memref<8x128xf32, #tpu.memory_space<vmem>>) dst(%dma_wait3A_145 : memref<8x128xf32, #tpu.memory_space<hbm>>)
      %dma_wait3A_146 = arith.constant 0 : i32
      %dma_wait3A_147 = tpu.memref_slice %arg8[%add3A_137, %dma_wait3A_146] : memref<10240x128xf32, #tpu.memory_space<hbm>> -> memref<8x128xf32, #tpu.memory_space<hbm>>
      %dma_wait3A_148 = arith.constant 0 : i32
      %dma_wait3A_149 = tpu.memref_slice %arg8[%add3A_137, %dma_wait3A_148] : memref<10240x128xf32, #tpu.memory_space<hbm>> -> memref<8x128xf32, #tpu.memory_space<hbm>>
      tpu.wait_dma2 semaphore(%arg25 : memref<!tpu.dma_semaphore, #tpu.memory_space<semaphore_mem>>) src(%arg21 : memref<8x128xf32, #tpu.memory_space<vmem>>) dst(%dma_wait3A_149 : memref<8x128xf32, #tpu.memory_space<hbm>>)
    } else {
    }
    %eq3A_2 = arith.constant 1 : i32
    %eq3A_3 = arith.cmpi eq, %arg0, %eq3A_2 : i32
    %convert_element_type3A_4 = arith.extui %eq3A_3 : i1 to i32
    %cond3A_5 = arith.constant 0 : i32
    %cond3A_6 = arith.cmpi ne, %convert_element_type3A_4, %cond3A_5 : i32
    scf.if %cond3A_6 {
      %mul3A = arith.constant 320 : i32
      %mul3A_7 = arith.muli %arg1, %mul3A : i32
      %add3A = arith.constant 5120 : i32
      %add3A_8 = arith.addi %add3A, %mul3A_7 : i32
      %jit3A = arith.constant 8 : i32
      "tpu.trace_start"() <{level = 10 : i32, message = "stage_idx"}> : () -> ()
      %div3A = arith.divsi %add3A_8, %jit3A : i32
      %sign3A = arith.constant 0 : i32
      %sign3A_9 = arith.cmpi sgt, %add3A_8, %sign3A : i32
      %sign3A_10 = arith.extui %sign3A_9 : i1 to i32
      %sign3A_11 = arith.constant 0 : i32
      %sign3A_12 = arith.cmpi slt, %add3A_8, %sign3A_11 : i32
      %sign3A_13 = arith.extui %sign3A_12 : i1 to i32
      %sign3A_14 = arith.subi %sign3A_10, %sign3A_13 : i32
      %sign3A_15 = arith.constant 0 : i32
      %sign3A_16 = arith.cmpi sgt, %jit3A, %sign3A_15 : i32
      %sign3A_17 = arith.extui %sign3A_16 : i1 to i32
      %sign3A_18 = arith.constant 0 : i32
      %sign3A_19 = arith.cmpi slt, %jit3A, %sign3A_18 : i32
      %sign3A_20 = arith.extui %sign3A_19 : i1 to i32
      %sign3A_21 = arith.subi %sign3A_17, %sign3A_20 : i32
      %ne3A = arith.cmpi ne, %sign3A_14, %sign3A_21 : i32
      %rem3A = arith.remsi %add3A_8, %jit3A : i32
      %ne3A_22 = arith.constant 0 : i32
      %ne3A_23 = arith.cmpi ne, %rem3A, %ne3A_22 : i32
      %and3A = arith.andi %ne3A, %ne3A_23 : i1
      %sub3A = arith.constant 1 : i32
      %sub3A_24 = arith.subi %div3A, %sub3A : i32
      %select_n3A = arith.select %and3A, %sub3A_24, %div3A : i32
      "tpu.region"() ({
        %run_scoped3A = tpu.sem_alloc : memref<!tpu.dma_semaphore, #tpu.memory_space<semaphore_mem>>
        %dma_start3A_152 = arith.constant 0 : i32
        %dma_start3A_153 = arith.constant 0 : i32
        %dma_start3A_154 = tpu.memref_slice %arg9[%dma_start3A_152, %dma_start3A_153] : memref<40x8xi32, #tpu.memory_space<vmem>> -> memref<40x8xi32, #tpu.memory_space<vmem>>
        %dma_start3A_155 = arith.constant 0 : i32
        %dma_start3A_156 = tpu.memref_slice %arg2[%select_n3A, %dma_start3A_155] : memref<1280x8xi32, #tpu.memory_space<hbm>> -> memref<40x8xi32, #tpu.memory_space<hbm>>
        %dma_start3A_157 = arith.constant 0 : i32
        %dma_start3A_158 = arith.constant 0 : i32
        %dma_start3A_159 = tpu.memref_slice %arg9[%dma_start3A_157, %dma_start3A_158] : memref<40x8xi32, #tpu.memory_space<vmem>> -> memref<40x8xi32, #tpu.memory_space<vmem>>
        %dma_start3A_160 = arith.constant 0 : i32
        %dma_start3A_161 = tpu.memref_slice %arg2[%select_n3A, %dma_start3A_160] : memref<1280x8xi32, #tpu.memory_space<hbm>> -> memref<40x8xi32, #tpu.memory_space<hbm>>
        tpu.enqueue_dma source(%dma_start3A_161 : memref<40x8xi32, #tpu.memory_space<hbm>>) target(%dma_start3A_159 : memref<40x8xi32, #tpu.memory_space<vmem>>) target_semaphore(%run_scoped3A : memref<!tpu.dma_semaphore, #tpu.memory_space<semaphore_mem>>)
        %dma_wait3A_162 = arith.constant 0 : i32
        %dma_wait3A_163 = arith.constant 0 : i32
        %dma_wait3A_164 = tpu.memref_slice %arg9[%dma_wait3A_162, %dma_wait3A_163] : memref<40x8xi32, #tpu.memory_space<vmem>> -> memref<40x8xi32, #tpu.memory_space<vmem>>
        %dma_wait3A_165 = arith.constant 0 : i32
        %dma_wait3A_166 = tpu.memref_slice %arg2[%select_n3A, %dma_wait3A_165] : memref<1280x8xi32, #tpu.memory_space<hbm>> -> memref<40x8xi32, #tpu.memory_space<hbm>>
        %dma_wait3A_167 = arith.constant 0 : i32
        %dma_wait3A_168 = arith.constant 0 : i32
        %dma_wait3A_169 = tpu.memref_slice %arg9[%dma_wait3A_167, %dma_wait3A_168] : memref<40x8xi32, #tpu.memory_space<vmem>> -> memref<40x8xi32, #tpu.memory_space<vmem>>
        %dma_wait3A_170 = arith.constant 0 : i32
        %dma_wait3A_171 = tpu.memref_slice %arg2[%select_n3A, %dma_wait3A_170] : memref<1280x8xi32, #tpu.memory_space<hbm>> -> memref<40x8xi32, #tpu.memory_space<hbm>>
        tpu.wait_dma2 semaphore(%run_scoped3A : memref<!tpu.dma_semaphore, #tpu.memory_space<semaphore_mem>>) src(%dma_wait3A_171 : memref<40x8xi32, #tpu.memory_space<hbm>>) dst(%dma_wait3A_169 : memref<40x8xi32, #tpu.memory_space<vmem>>)
        tpu.yield
      }) : () -> ()
      %jit3A_25 = arith.constant 4 : i32
      %div3A_26 = arith.divsi %add3A_8, %jit3A_25 : i32
      %sign3A_27 = arith.constant 0 : i32
      %sign3A_28 = arith.cmpi sgt, %add3A_8, %sign3A_27 : i32
      %sign3A_29 = arith.extui %sign3A_28 : i1 to i32
      %sign3A_30 = arith.constant 0 : i32
      %sign3A_31 = arith.cmpi slt, %add3A_8, %sign3A_30 : i32
      %sign3A_32 = arith.extui %sign3A_31 : i1 to i32
      %sign3A_33 = arith.subi %sign3A_29, %sign3A_32 : i32
      %sign3A_34 = arith.constant 0 : i32
      %sign3A_35 = arith.cmpi sgt, %jit3A_25, %sign3A_34 : i32
      %sign3A_36 = arith.extui %sign3A_35 : i1 to i32
      %sign3A_37 = arith.constant 0 : i32
      %sign3A_38 = arith.cmpi slt, %jit3A_25, %sign3A_37 : i32
      %sign3A_39 = arith.extui %sign3A_38 : i1 to i32
      %sign3A_40 = arith.subi %sign3A_36, %sign3A_39 : i32
      %ne3A_41 = arith.cmpi ne, %sign3A_33, %sign3A_40 : i32
      %rem3A_42 = arith.remsi %add3A_8, %jit3A_25 : i32
      %ne3A_43 = arith.constant 0 : i32
      %ne3A_44 = arith.cmpi ne, %rem3A_42, %ne3A_43 : i32
      %and3A_45 = arith.andi %ne3A_41, %ne3A_44 : i1
      %sub3A_46 = arith.constant 1 : i32
      %sub3A_47 = arith.subi %div3A_26, %sub3A_46 : i32
      %select_n3A_48 = arith.select %and3A_45, %sub3A_47, %div3A_26 : i32
      "tpu.region"() ({
        %run_scoped3A = tpu.sem_alloc : memref<!tpu.dma_semaphore, #tpu.memory_space<semaphore_mem>>
        %dma_start3A_152 = arith.constant 0 : i32
        %dma_start3A_153 = arith.constant 0 : i32
        %dma_start3A_154 = tpu.memref_slice %arg10[%dma_start3A_152, %dma_start3A_153] : memref<80x128xi32, #tpu.memory_space<vmem>> -> memref<80x128xi32, #tpu.memory_space<vmem>>
        %dma_start3A_155 = arith.constant 0 : i32
        %dma_start3A_156 = tpu.memref_slice %arg3[%select_n3A_48, %dma_start3A_155] : memref<2560x128xi32, #tpu.memory_space<hbm>> -> memref<80x128xi32, #tpu.memory_space<hbm>>
        %dma_start3A_157 = arith.constant 0 : i32
        %dma_start3A_158 = arith.constant 0 : i32
        %dma_start3A_159 = tpu.memref_slice %arg10[%dma_start3A_157, %dma_start3A_158] : memref<80x128xi32, #tpu.memory_space<vmem>> -> memref<80x128xi32, #tpu.memory_space<vmem>>
        %dma_start3A_160 = arith.constant 0 : i32
        %dma_start3A_161 = tpu.memref_slice %arg3[%select_n3A_48, %dma_start3A_160] : memref<2560x128xi32, #tpu.memory_space<hbm>> -> memref<80x128xi32, #tpu.memory_space<hbm>>
        tpu.enqueue_dma source(%dma_start3A_161 : memref<80x128xi32, #tpu.memory_space<hbm>>) target(%dma_start3A_159 : memref<80x128xi32, #tpu.memory_space<vmem>>) target_semaphore(%run_scoped3A : memref<!tpu.dma_semaphore, #tpu.memory_space<semaphore_mem>>)
        %dma_wait3A_162 = arith.constant 0 : i32
        %dma_wait3A_163 = arith.constant 0 : i32
        %dma_wait3A_164 = tpu.memref_slice %arg10[%dma_wait3A_162, %dma_wait3A_163] : memref<80x128xi32, #tpu.memory_space<vmem>> -> memref<80x128xi32, #tpu.memory_space<vmem>>
        %dma_wait3A_165 = arith.constant 0 : i32
        %dma_wait3A_166 = tpu.memref_slice %arg3[%select_n3A_48, %dma_wait3A_165] : memref<2560x128xi32, #tpu.memory_space<hbm>> -> memref<80x128xi32, #tpu.memory_space<hbm>>
        %dma_wait3A_167 = arith.constant 0 : i32
        %dma_wait3A_168 = arith.constant 0 : i32
        %dma_wait3A_169 = tpu.memref_slice %arg10[%dma_wait3A_167, %dma_wait3A_168] : memref<80x128xi32, #tpu.memory_space<vmem>> -> memref<80x128xi32, #tpu.memory_space<vmem>>
        %dma_wait3A_170 = arith.constant 0 : i32
        %dma_wait3A_171 = tpu.memref_slice %arg3[%select_n3A_48, %dma_wait3A_170] : memref<2560x128xi32, #tpu.memory_space<hbm>> -> memref<80x128xi32, #tpu.memory_space<hbm>>
        tpu.wait_dma2 semaphore(%run_scoped3A : memref<!tpu.dma_semaphore, #tpu.memory_space<semaphore_mem>>) src(%dma_wait3A_171 : memref<80x128xi32, #tpu.memory_space<hbm>>) dst(%dma_wait3A_169 : memref<80x128xi32, #tpu.memory_space<vmem>>)
        tpu.yield
      }) : () -> ()
      %jit3A_49 = arith.constant 4 : i32
      %div3A_50 = arith.divsi %add3A_8, %jit3A_49 : i32
      %sign3A_51 = arith.constant 0 : i32
      %sign3A_52 = arith.cmpi sgt, %add3A_8, %sign3A_51 : i32
      %sign3A_53 = arith.extui %sign3A_52 : i1 to i32
      %sign3A_54 = arith.constant 0 : i32
      %sign3A_55 = arith.cmpi slt, %add3A_8, %sign3A_54 : i32
      %sign3A_56 = arith.extui %sign3A_55 : i1 to i32
      %sign3A_57 = arith.subi %sign3A_53, %sign3A_56 : i32
      %sign3A_58 = arith.constant 0 : i32
      %sign3A_59 = arith.cmpi sgt, %jit3A_49, %sign3A_58 : i32
      %sign3A_60 = arith.extui %sign3A_59 : i1 to i32
      %sign3A_61 = arith.constant 0 : i32
      %sign3A_62 = arith.cmpi slt, %jit3A_49, %sign3A_61 : i32
      %sign3A_63 = arith.extui %sign3A_62 : i1 to i32
      %sign3A_64 = arith.subi %sign3A_60, %sign3A_63 : i32
      %ne3A_65 = arith.cmpi ne, %sign3A_57, %sign3A_64 : i32
      %rem3A_66 = arith.remsi %add3A_8, %jit3A_49 : i32
      %ne3A_67 = arith.constant 0 : i32
      %ne3A_68 = arith.cmpi ne, %rem3A_66, %ne3A_67 : i32
      %and3A_69 = arith.andi %ne3A_65, %ne3A_68 : i1
      %sub3A_70 = arith.constant 1 : i32
      %sub3A_71 = arith.subi %div3A_50, %sub3A_70 : i32
      %select_n3A_72 = arith.select %and3A_69, %sub3A_71, %div3A_50 : i32
      "tpu.region"() ({
        %run_scoped3A = tpu.sem_alloc : memref<!tpu.dma_semaphore, #tpu.memory_space<semaphore_mem>>
        %dma_start3A_152 = arith.constant 0 : i32
        %dma_start3A_153 = arith.constant 0 : i32
        %dma_start3A_154 = tpu.memref_slice %arg11[%dma_start3A_152, %dma_start3A_153] : memref<80x128xi32, #tpu.memory_space<vmem>> -> memref<80x128xi32, #tpu.memory_space<vmem>>
        %dma_start3A_155 = arith.constant 0 : i32
        %dma_start3A_156 = tpu.memref_slice %arg4[%select_n3A_72, %dma_start3A_155] : memref<2560x128xi32, #tpu.memory_space<hbm>> -> memref<80x128xi32, #tpu.memory_space<hbm>>
        %dma_start3A_157 = arith.constant 0 : i32
        %dma_start3A_158 = arith.constant 0 : i32
        %dma_start3A_159 = tpu.memref_slice %arg11[%dma_start3A_157, %dma_start3A_158] : memref<80x128xi32, #tpu.memory_space<vmem>> -> memref<80x128xi32, #tpu.memory_space<vmem>>
        %dma_start3A_160 = arith.constant 0 : i32
        %dma_start3A_161 = tpu.memref_slice %arg4[%select_n3A_72, %dma_start3A_160] : memref<2560x128xi32, #tpu.memory_space<hbm>> -> memref<80x128xi32, #tpu.memory_space<hbm>>
        tpu.enqueue_dma source(%dma_start3A_161 : memref<80x128xi32, #tpu.memory_space<hbm>>) target(%dma_start3A_159 : memref<80x128xi32, #tpu.memory_space<vmem>>) target_semaphore(%run_scoped3A : memref<!tpu.dma_semaphore, #tpu.memory_space<semaphore_mem>>)
        %dma_wait3A_162 = arith.constant 0 : i32
        %dma_wait3A_163 = arith.constant 0 : i32
        %dma_wait3A_164 = tpu.memref_slice %arg11[%dma_wait3A_162, %dma_wait3A_163] : memref<80x128xi32, #tpu.memory_space<vmem>> -> memref<80x128xi32, #tpu.memory_space<vmem>>
        %dma_wait3A_165 = arith.constant 0 : i32
        %dma_wait3A_166 = tpu.memref_slice %arg4[%select_n3A_72, %dma_wait3A_165] : memref<2560x128xi32, #tpu.memory_space<hbm>> -> memref<80x128xi32, #tpu.memory_space<hbm>>
        %dma_wait3A_167 = arith.constant 0 : i32
        %dma_wait3A_168 = arith.constant 0 : i32
        %dma_wait3A_169 = tpu.memref_slice %arg11[%dma_wait3A_167, %dma_wait3A_168] : memref<80x128xi32, #tpu.memory_space<vmem>> -> memref<80x128xi32, #tpu.memory_space<vmem>>
        %dma_wait3A_170 = arith.constant 0 : i32
        %dma_wait3A_171 = tpu.memref_slice %arg4[%select_n3A_72, %dma_wait3A_170] : memref<2560x128xi32, #tpu.memory_space<hbm>> -> memref<80x128xi32, #tpu.memory_space<hbm>>
        tpu.wait_dma2 semaphore(%run_scoped3A : memref<!tpu.dma_semaphore, #tpu.memory_space<semaphore_mem>>) src(%dma_wait3A_171 : memref<80x128xi32, #tpu.memory_space<hbm>>) dst(%dma_wait3A_169 : memref<80x128xi32, #tpu.memory_space<vmem>>)
        tpu.yield
      }) : () -> ()
      %dma_start3A = arith.constant 0 : i32
      "tpu.trace_stop"() : () -> ()
      %dma_start3A_73 = arith.constant 0 : i32
      %dma_start3A_74 = tpu.memref_slice %arg9[%dma_start3A, %dma_start3A_73] : memref<40x8xi32, #tpu.memory_space<vmem>> -> memref<1x8xi32, #tpu.memory_space<vmem>>
      %dma_start3A_75 = tpu.memref_squeeze %dma_start3A_74 : memref<1x8xi32, #tpu.memory_space<vmem>> -> memref<8xi32, #tpu.memory_space<vmem>>
      %dma_start3A_76 = arith.constant 0 : i32
      %dma_start3A_77 = arith.constant 0 : i32
      %dma_start3A_78 = tpu.memref_slice %arg5[%dma_start3A_76, %dma_start3A_77] : memref<10000x64xi32, #tpu.memory_space<hbm>> -> memref<10000x64xi32, #tpu.memory_space<hbm>>
      tpu.enqueue_indirect_dma source(%dma_start3A_78 : memref<10000x64xi32, #tpu.memory_space<hbm>>) target(%arg12 : memref<8x64xi32, #tpu.memory_space<vmem>>) offsets(%dma_start3A_75 : memref<8xi32, #tpu.memory_space<vmem>>) semaphore(%arg22 : memref<!tpu.dma_semaphore, #tpu.memory_space<semaphore_mem>>)
      %dma_start3A_79 = arith.constant 0 : i32
      %dma_start3A_80 = arith.constant 0 : i32
      %dma_start3A_81 = arith.constant 0 : i32
      %dma_start3A_82 = tpu.memref_slice %arg14[%dma_start3A_80, %dma_start3A_81] : memref<256x64xi32, #tpu.memory_space<vmem>> -> memref<128x64xi32, #tpu.memory_space<vmem>>
      %dma_start3A_83 = arith.constant 0 : i32
      %dma_start3A_84 = tpu.memref_slice %arg10[%dma_start3A_79, %dma_start3A_83] : memref<80x128xi32, #tpu.memory_space<vmem>> -> memref<1x128xi32, #tpu.memory_space<vmem>>
      %dma_start3A_85 = tpu.memref_squeeze %dma_start3A_84 : memref<1x128xi32, #tpu.memory_space<vmem>> -> memref<128xi32, #tpu.memory_space<vmem>>
      %dma_start3A_86 = arith.constant 0 : i32
      %dma_start3A_87 = arith.constant 0 : i32
      %dma_start3A_88 = tpu.memref_slice %arg5[%dma_start3A_86, %dma_start3A_87] : memref<10000x64xi32, #tpu.memory_space<hbm>> -> memref<10000x64xi32, #tpu.memory_space<hbm>>
      tpu.enqueue_indirect_dma source(%dma_start3A_88 : memref<10000x64xi32, #tpu.memory_space<hbm>>) target(%dma_start3A_82 : memref<128x64xi32, #tpu.memory_space<vmem>>) offsets(%dma_start3A_85 : memref<128xi32, #tpu.memory_space<vmem>>) semaphore(%arg22 : memref<!tpu.dma_semaphore, #tpu.memory_space<semaphore_mem>>)
      %dma_start3A_89 = arith.constant 1 : i32
      %dma_start3A_90 = arith.constant 128 : i32
      %dma_start3A_91 = arith.constant 0 : i32
      %dma_start3A_92 = tpu.memref_slice %arg14[%dma_start3A_90, %dma_start3A_91] : memref<256x64xi32, #tpu.memory_space<vmem>> -> memref<128x64xi32, #tpu.memory_space<vmem>>
      %dma_start3A_93 = arith.constant 0 : i32
      %dma_start3A_94 = tpu.memref_slice %arg10[%dma_start3A_89, %dma_start3A_93] : memref<80x128xi32, #tpu.memory_space<vmem>> -> memref<1x128xi32, #tpu.memory_space<vmem>>
      %dma_start3A_95 = tpu.memref_squeeze %dma_start3A_94 : memref<1x128xi32, #tpu.memory_space<vmem>> -> memref<128xi32, #tpu.memory_space<vmem>>
      %dma_start3A_96 = arith.constant 0 : i32
      %dma_start3A_97 = arith.constant 0 : i32
      %dma_start3A_98 = tpu.memref_slice %arg5[%dma_start3A_96, %dma_start3A_97] : memref<10000x64xi32, #tpu.memory_space<hbm>> -> memref<10000x64xi32, #tpu.memory_space<hbm>>
      tpu.enqueue_indirect_dma source(%dma_start3A_98 : memref<10000x64xi32, #tpu.memory_space<hbm>>) target(%dma_start3A_92 : memref<128x64xi32, #tpu.memory_space<vmem>>) offsets(%dma_start3A_95 : memref<128xi32, #tpu.memory_space<vmem>>) semaphore(%arg22 : memref<!tpu.dma_semaphore, #tpu.memory_space<semaphore_mem>>)
      %dma_start3A_99 = arith.constant 0 : i32
      %dma_start3A_100 = arith.constant 0 : i32
      %dma_start3A_101 = arith.constant 0 : i32
      %dma_start3A_102 = tpu.memref_slice %arg16[%dma_start3A_100, %dma_start3A_101] : memref<256x64xi32, #tpu.memory_space<vmem>> -> memref<128x64xi32, #tpu.memory_space<vmem>>
      %dma_start3A_103 = arith.constant 0 : i32
      %dma_start3A_104 = tpu.memref_slice %arg11[%dma_start3A_99, %dma_start3A_103] : memref<80x128xi32, #tpu.memory_space<vmem>> -> memref<1x128xi32, #tpu.memory_space<vmem>>
      %dma_start3A_105 = tpu.memref_squeeze %dma_start3A_104 : memref<1x128xi32, #tpu.memory_space<vmem>> -> memref<128xi32, #tpu.memory_space<vmem>>
      %dma_start3A_106 = arith.constant 0 : i32
      %dma_start3A_107 = arith.constant 0 : i32
      %dma_start3A_108 = tpu.memref_slice %arg5[%dma_start3A_106, %dma_start3A_107] : memref<10000x64xi32, #tpu.memory_space<hbm>> -> memref<10000x64xi32, #tpu.memory_space<hbm>>
      tpu.enqueue_indirect_dma source(%dma_start3A_108 : memref<10000x64xi32, #tpu.memory_space<hbm>>) target(%dma_start3A_102 : memref<128x64xi32, #tpu.memory_space<vmem>>) offsets(%dma_start3A_105 : memref<128xi32, #tpu.memory_space<vmem>>) semaphore(%arg22 : memref<!tpu.dma_semaphore, #tpu.memory_space<semaphore_mem>>)
      %dma_start3A_109 = arith.constant 1 : i32
      %dma_start3A_110 = arith.constant 128 : i32
      %dma_start3A_111 = arith.constant 0 : i32
      %dma_start3A_112 = tpu.memref_slice %arg16[%dma_start3A_110, %dma_start3A_111] : memref<256x64xi32, #tpu.memory_space<vmem>> -> memref<128x64xi32, #tpu.memory_space<vmem>>
      %dma_start3A_113 = arith.constant 0 : i32
      %dma_start3A_114 = tpu.memref_slice %arg11[%dma_start3A_109, %dma_start3A_113] : memref<80x128xi32, #tpu.memory_space<vmem>> -> memref<1x128xi32, #tpu.memory_space<vmem>>
      %dma_start3A_115 = tpu.memref_squeeze %dma_start3A_114 : memref<1x128xi32, #tpu.memory_space<vmem>> -> memref<128xi32, #tpu.memory_space<vmem>>
      %dma_start3A_116 = arith.constant 0 : i32
      %dma_start3A_117 = arith.constant 0 : i32
      %dma_start3A_118 = tpu.memref_slice %arg5[%dma_start3A_116, %dma_start3A_117] : memref<10000x64xi32, #tpu.memory_space<hbm>> -> memref<10000x64xi32, #tpu.memory_space<hbm>>
      tpu.enqueue_indirect_dma source(%dma_start3A_118 : memref<10000x64xi32, #tpu.memory_space<hbm>>) target(%dma_start3A_112 : memref<128x64xi32, #tpu.memory_space<vmem>>) offsets(%dma_start3A_115 : memref<128xi32, #tpu.memory_space<vmem>>) semaphore(%arg22 : memref<!tpu.dma_semaphore, #tpu.memory_space<semaphore_mem>>)
      %broadcast_in_dim3A = arith.constant 3.125000e-02 : f32
      %broadcast_in_dim3A_119 = vector.broadcast %broadcast_in_dim3A : f32 to vector<16xf32>
      %scan3A = arith.constant 0 : i32
      %scan3A_120 = arith.constant 0 : i32
      %scan3A_121 = arith.constant 20 : i32
      %scan3A_122 = arith.addi %scan3A_120, %scan3A_121 : i32
      %scan3A_123 = arith.constant 1 : i32
      scf.for %scan3A_152 = %scan3A_120 to %scan3A_122 step %scan3A_123  : i32 {
        %mul3A_153 = arith.constant 2 : i32
        %mul3A_154 = arith.muli %mul3A_153, %scan3A_152 : i32
        %add3A_155 = arith.constant 0 : i32
        %add3A_156 = arith.addi %mul3A_154, %add3A_155 : i32
        %mul3A_157 = arith.constant 8 : i32
        %mul3A_158 = arith.muli %add3A_156, %mul3A_157 : i32
        %add3A_159 = arith.addi %add3A_8, %mul3A_158 : i32
        "tpu.trace_start"() <{level = 10 : i32, message = "fire"}> : () -> ()
        %add3A_160 = arith.constant 1 : i32
        %add3A_161 = arith.addi %add3A_156, %add3A_160 : i32
        %lt3A = arith.constant 40 : i32
        %lt3A_162 = arith.cmpi slt, %add3A_161, %lt3A : i32
        %convert_element_type3A_163 = arith.extui %lt3A_162 : i1 to i32
        %cond3A_164 = arith.constant 0 : i32
        %cond3A_165 = arith.cmpi ne, %convert_element_type3A_163, %cond3A_164 : i32
        scf.if %cond3A_165 {
          %add3A_337 = arith.constant 1 : i32
          %add3A_338 = arith.addi %add3A_156, %add3A_337 : i32
          %dma_start3A_339 = arith.constant 0 : i32
          %dma_start3A_340 = tpu.memref_slice %arg9[%add3A_338, %dma_start3A_339] : memref<40x8xi32, #tpu.memory_space<vmem>> -> memref<1x8xi32, #tpu.memory_space<vmem>>
          %dma_start3A_341 = tpu.memref_squeeze %dma_start3A_340 : memref<1x8xi32, #tpu.memory_space<vmem>> -> memref<8xi32, #tpu.memory_space<vmem>>
          %dma_start3A_342 = arith.constant 0 : i32
          %dma_start3A_343 = arith.constant 0 : i32
          %dma_start3A_344 = tpu.memref_slice %arg5[%dma_start3A_342, %dma_start3A_343] : memref<10000x64xi32, #tpu.memory_space<hbm>> -> memref<10000x64xi32, #tpu.memory_space<hbm>>
          tpu.enqueue_indirect_dma source(%dma_start3A_344 : memref<10000x64xi32, #tpu.memory_space<hbm>>) target(%arg13 : memref<8x64xi32, #tpu.memory_space<vmem>>) offsets(%dma_start3A_341 : memref<8xi32, #tpu.memory_space<vmem>>) semaphore(%arg23 : memref<!tpu.dma_semaphore, #tpu.memory_space<semaphore_mem>>)
          %mul3A_345 = arith.constant 2 : i32
          %mul3A_346 = arith.muli %mul3A_345, %add3A_338 : i32
          %dma_start3A_347 = arith.constant 0 : i32
          %dma_start3A_348 = arith.constant 0 : i32
          %dma_start3A_349 = tpu.memref_slice %arg15[%dma_start3A_347, %dma_start3A_348] : memref<256x64xi32, #tpu.memory_space<vmem>> -> memref<128x64xi32, #tpu.memory_space<vmem>>
          %dma_start3A_350 = arith.constant 0 : i32
          %dma_start3A_351 = tpu.memref_slice %arg10[%mul3A_346, %dma_start3A_350] : memref<80x128xi32, #tpu.memory_space<vmem>> -> memref<1x128xi32, #tpu.memory_space<vmem>>
          %dma_start3A_352 = tpu.memref_squeeze %dma_start3A_351 : memref<1x128xi32, #tpu.memory_space<vmem>> -> memref<128xi32, #tpu.memory_space<vmem>>
          %dma_start3A_353 = arith.constant 0 : i32
          %dma_start3A_354 = arith.constant 0 : i32
          %dma_start3A_355 = tpu.memref_slice %arg5[%dma_start3A_353, %dma_start3A_354] : memref<10000x64xi32, #tpu.memory_space<hbm>> -> memref<10000x64xi32, #tpu.memory_space<hbm>>
          tpu.enqueue_indirect_dma source(%dma_start3A_355 : memref<10000x64xi32, #tpu.memory_space<hbm>>) target(%dma_start3A_349 : memref<128x64xi32, #tpu.memory_space<vmem>>) offsets(%dma_start3A_352 : memref<128xi32, #tpu.memory_space<vmem>>) semaphore(%arg23 : memref<!tpu.dma_semaphore, #tpu.memory_space<semaphore_mem>>)
          %mul3A_356 = arith.constant 2 : i32
          %mul3A_357 = arith.muli %mul3A_356, %add3A_338 : i32
          %add3A_358 = arith.constant 1 : i32
          %add3A_359 = arith.addi %mul3A_357, %add3A_358 : i32
          %dma_start3A_360 = arith.constant 128 : i32
          %dma_start3A_361 = arith.constant 0 : i32
          %dma_start3A_362 = tpu.memref_slice %arg15[%dma_start3A_360, %dma_start3A_361] : memref<256x64xi32, #tpu.memory_space<vmem>> -> memref<128x64xi32, #tpu.memory_space<vmem>>
          %dma_start3A_363 = arith.constant 0 : i32
          %dma_start3A_364 = tpu.memref_slice %arg10[%add3A_359, %dma_start3A_363] : memref<80x128xi32, #tpu.memory_space<vmem>> -> memref<1x128xi32, #tpu.memory_space<vmem>>
          %dma_start3A_365 = tpu.memref_squeeze %dma_start3A_364 : memref<1x128xi32, #tpu.memory_space<vmem>> -> memref<128xi32, #tpu.memory_space<vmem>>
          %dma_start3A_366 = arith.constant 0 : i32
          %dma_start3A_367 = arith.constant 0 : i32
          %dma_start3A_368 = tpu.memref_slice %arg5[%dma_start3A_366, %dma_start3A_367] : memref<10000x64xi32, #tpu.memory_space<hbm>> -> memref<10000x64xi32, #tpu.memory_space<hbm>>
          tpu.enqueue_indirect_dma source(%dma_start3A_368 : memref<10000x64xi32, #tpu.memory_space<hbm>>) target(%dma_start3A_362 : memref<128x64xi32, #tpu.memory_space<vmem>>) offsets(%dma_start3A_365 : memref<128xi32, #tpu.memory_space<vmem>>) semaphore(%arg23 : memref<!tpu.dma_semaphore, #tpu.memory_space<semaphore_mem>>)
          %mul3A_369 = arith.constant 2 : i32
          %mul3A_370 = arith.muli %mul3A_369, %add3A_338 : i32
          %dma_start3A_371 = arith.constant 0 : i32
          %dma_start3A_372 = arith.constant 0 : i32
          %dma_start3A_373 = tpu.memref_slice %arg17[%dma_start3A_371, %dma_start3A_372] : memref<256x64xi32, #tpu.memory_space<vmem>> -> memref<128x64xi32, #tpu.memory_space<vmem>>
          %dma_start3A_374 = arith.constant 0 : i32
          %dma_start3A_375 = tpu.memref_slice %arg11[%mul3A_370, %dma_start3A_374] : memref<80x128xi32, #tpu.memory_space<vmem>> -> memref<1x128xi32, #tpu.memory_space<vmem>>
          %dma_start3A_376 = tpu.memref_squeeze %dma_start3A_375 : memref<1x128xi32, #tpu.memory_space<vmem>> -> memref<128xi32, #tpu.memory_space<vmem>>
          %dma_start3A_377 = arith.constant 0 : i32
          %dma_start3A_378 = arith.constant 0 : i32
          %dma_start3A_379 = tpu.memref_slice %arg5[%dma_start3A_377, %dma_start3A_378] : memref<10000x64xi32, #tpu.memory_space<hbm>> -> memref<10000x64xi32, #tpu.memory_space<hbm>>
          tpu.enqueue_indirect_dma source(%dma_start3A_379 : memref<10000x64xi32, #tpu.memory_space<hbm>>) target(%dma_start3A_373 : memref<128x64xi32, #tpu.memory_space<vmem>>) offsets(%dma_start3A_376 : memref<128xi32, #tpu.memory_space<vmem>>) semaphore(%arg23 : memref<!tpu.dma_semaphore, #tpu.memory_space<semaphore_mem>>)
          %mul3A_380 = arith.constant 2 : i32
          %mul3A_381 = arith.muli %mul3A_380, %add3A_338 : i32
          %add3A_382 = arith.constant 1 : i32
          %add3A_383 = arith.addi %mul3A_381, %add3A_382 : i32
          %dma_start3A_384 = arith.constant 128 : i32
          %dma_start3A_385 = arith.constant 0 : i32
          %dma_start3A_386 = tpu.memref_slice %arg17[%dma_start3A_384, %dma_start3A_385] : memref<256x64xi32, #tpu.memory_space<vmem>> -> memref<128x64xi32, #tpu.memory_space<vmem>>
          %dma_start3A_387 = arith.constant 0 : i32
          %dma_start3A_388 = tpu.memref_slice %arg11[%add3A_383, %dma_start3A_387] : memref<80x128xi32, #tpu.memory_space<vmem>> -> memref<1x128xi32, #tpu.memory_space<vmem>>
          %dma_start3A_389 = tpu.memref_squeeze %dma_start3A_388 : memref<1x128xi32, #tpu.memory_space<vmem>> -> memref<128xi32, #tpu.memory_space<vmem>>
          %dma_start3A_390 = arith.constant 0 : i32
          %dma_start3A_391 = arith.constant 0 : i32
          %dma_start3A_392 = tpu.memref_slice %arg5[%dma_start3A_390, %dma_start3A_391] : memref<10000x64xi32, #tpu.memory_space<hbm>> -> memref<10000x64xi32, #tpu.memory_space<hbm>>
          tpu.enqueue_indirect_dma source(%dma_start3A_392 : memref<10000x64xi32, #tpu.memory_space<hbm>>) target(%dma_start3A_386 : memref<128x64xi32, #tpu.memory_space<vmem>>) offsets(%dma_start3A_389 : memref<128xi32, #tpu.memory_space<vmem>>) semaphore(%arg23 : memref<!tpu.dma_semaphore, #tpu.memory_space<semaphore_mem>>)
        } else {
        }
        "tpu.trace_stop"() : () -> ()
        "tpu.trace_start"() <{level = 10 : i32, message = "gwait"}> : () -> ()
        %mul3A_166 = arith.constant 2 : i32
        %mul3A_167 = arith.muli %mul3A_166, %add3A_156 : i32
        %mul3A_168 = arith.constant 2 : i32
        %mul3A_169 = arith.muli %mul3A_168, %add3A_156 : i32
        %add3A_170 = arith.constant 1 : i32
        %add3A_171 = arith.addi %mul3A_169, %add3A_170 : i32
        %mul3A_172 = arith.constant 2 : i32
        %mul3A_173 = arith.muli %mul3A_172, %add3A_156 : i32
        %mul3A_174 = arith.constant 2 : i32
        %mul3A_175 = arith.muli %mul3A_174, %add3A_156 : i32
        %add3A_176 = arith.constant 1 : i32
        %add3A_177 = arith.addi %mul3A_175, %add3A_176 : i32
        %dma_wait3A_178 = arith.constant 0 : i32
        %dma_wait3A_179 = tpu.memref_slice %arg9[%add3A_156, %dma_wait3A_178] : memref<40x8xi32, #tpu.memory_space<vmem>> -> memref<1x8xi32, #tpu.memory_space<vmem>>
        %dma_wait3A_180 = tpu.memref_squeeze %dma_wait3A_179 : memref<1x8xi32, #tpu.memory_space<vmem>> -> memref<8xi32, #tpu.memory_space<vmem>>
        %dma_wait3A_181 = arith.constant 0 : i32
        %dma_wait3A_182 = arith.constant 0 : i32
        %dma_wait3A_183 = tpu.memref_slice %arg5[%dma_wait3A_181, %dma_wait3A_182] : memref<10000x64xi32, #tpu.memory_space<hbm>> -> memref<10000x64xi32, #tpu.memory_space<hbm>>
        tpu.wait_indirect_dma semaphore(%arg22 : memref<!tpu.dma_semaphore, #tpu.memory_space<semaphore_mem>>) src(%dma_wait3A_183 : memref<10000x64xi32, #tpu.memory_space<hbm>>) dst(%arg12 : memref<8x64xi32, #tpu.memory_space<vmem>>)
        %dma_wait3A_184 = arith.constant 0 : i32
        %dma_wait3A_185 = arith.constant 0 : i32
        %dma_wait3A_186 = tpu.memref_slice %arg14[%dma_wait3A_184, %dma_wait3A_185] : memref<256x64xi32, #tpu.memory_space<vmem>> -> memref<128x64xi32, #tpu.memory_space<vmem>>
        %dma_wait3A_187 = arith.constant 0 : i32
        %dma_wait3A_188 = tpu.memref_slice %arg10[%mul3A_167, %dma_wait3A_187] : memref<80x128xi32, #tpu.memory_space<vmem>> -> memref<1x128xi32, #tpu.memory_space<vmem>>
        %dma_wait3A_189 = tpu.memref_squeeze %dma_wait3A_188 : memref<1x128xi32, #tpu.memory_space<vmem>> -> memref<128xi32, #tpu.memory_space<vmem>>
        %dma_wait3A_190 = arith.constant 0 : i32
        %dma_wait3A_191 = arith.constant 0 : i32
        %dma_wait3A_192 = tpu.memref_slice %arg5[%dma_wait3A_190, %dma_wait3A_191] : memref<10000x64xi32, #tpu.memory_space<hbm>> -> memref<10000x64xi32, #tpu.memory_space<hbm>>
        tpu.wait_indirect_dma semaphore(%arg22 : memref<!tpu.dma_semaphore, #tpu.memory_space<semaphore_mem>>) src(%dma_wait3A_192 : memref<10000x64xi32, #tpu.memory_space<hbm>>) dst(%dma_wait3A_186 : memref<128x64xi32, #tpu.memory_space<vmem>>)
        %dma_wait3A_193 = arith.constant 128 : i32
        %dma_wait3A_194 = arith.constant 0 : i32
        %dma_wait3A_195 = tpu.memref_slice %arg14[%dma_wait3A_193, %dma_wait3A_194] : memref<256x64xi32, #tpu.memory_space<vmem>> -> memref<128x64xi32, #tpu.memory_space<vmem>>
        %dma_wait3A_196 = arith.constant 0 : i32
        %dma_wait3A_197 = tpu.memref_slice %arg10[%add3A_171, %dma_wait3A_196] : memref<80x128xi32, #tpu.memory_space<vmem>> -> memref<1x128xi32, #tpu.memory_space<vmem>>
        %dma_wait3A_198 = tpu.memref_squeeze %dma_wait3A_197 : memref<1x128xi32, #tpu.memory_space<vmem>> -> memref<128xi32, #tpu.memory_space<vmem>>
        %dma_wait3A_199 = arith.constant 0 : i32
        %dma_wait3A_200 = arith.constant 0 : i32
        %dma_wait3A_201 = tpu.memref_slice %arg5[%dma_wait3A_199, %dma_wait3A_200] : memref<10000x64xi32, #tpu.memory_space<hbm>> -> memref<10000x64xi32, #tpu.memory_space<hbm>>
        tpu.wait_indirect_dma semaphore(%arg22 : memref<!tpu.dma_semaphore, #tpu.memory_space<semaphore_mem>>) src(%dma_wait3A_201 : memref<10000x64xi32, #tpu.memory_space<hbm>>) dst(%dma_wait3A_195 : memref<128x64xi32, #tpu.memory_space<vmem>>)
        %dma_wait3A_202 = arith.constant 0 : i32
        %dma_wait3A_203 = arith.constant 0 : i32
        %dma_wait3A_204 = tpu.memref_slice %arg16[%dma_wait3A_202, %dma_wait3A_203] : memref<256x64xi32, #tpu.memory_space<vmem>> -> memref<128x64xi32, #tpu.memory_space<vmem>>
        %dma_wait3A_205 = arith.constant 0 : i32
        %dma_wait3A_206 = tpu.memref_slice %arg11[%mul3A_173, %dma_wait3A_205] : memref<80x128xi32, #tpu.memory_space<vmem>> -> memref<1x128xi32, #tpu.memory_space<vmem>>
        %dma_wait3A_207 = tpu.memref_squeeze %dma_wait3A_206 : memref<1x128xi32, #tpu.memory_space<vmem>> -> memref<128xi32, #tpu.memory_space<vmem>>
        %dma_wait3A_208 = arith.constant 0 : i32
        %dma_wait3A_209 = arith.constant 0 : i32
        %dma_wait3A_210 = tpu.memref_slice %arg5[%dma_wait3A_208, %dma_wait3A_209] : memref<10000x64xi32, #tpu.memory_space<hbm>> -> memref<10000x64xi32, #tpu.memory_space<hbm>>
        tpu.wait_indirect_dma semaphore(%arg22 : memref<!tpu.dma_semaphore, #tpu.memory_space<semaphore_mem>>) src(%dma_wait3A_210 : memref<10000x64xi32, #tpu.memory_space<hbm>>) dst(%dma_wait3A_204 : memref<128x64xi32, #tpu.memory_space<vmem>>)
        %dma_wait3A_211 = arith.constant 128 : i32
        %dma_wait3A_212 = arith.constant 0 : i32
        %dma_wait3A_213 = tpu.memref_slice %arg16[%dma_wait3A_211, %dma_wait3A_212] : memref<256x64xi32, #tpu.memory_space<vmem>> -> memref<128x64xi32, #tpu.memory_space<vmem>>
        %dma_wait3A_214 = arith.constant 0 : i32
        %dma_wait3A_215 = tpu.memref_slice %arg11[%add3A_177, %dma_wait3A_214] : memref<80x128xi32, #tpu.memory_space<vmem>> -> memref<1x128xi32, #tpu.memory_space<vmem>>
        %dma_wait3A_216 = tpu.memref_squeeze %dma_wait3A_215 : memref<1x128xi32, #tpu.memory_space<vmem>> -> memref<128xi32, #tpu.memory_space<vmem>>
        %dma_wait3A_217 = arith.constant 0 : i32
        %dma_wait3A_218 = arith.constant 0 : i32
        %dma_wait3A_219 = tpu.memref_slice %arg5[%dma_wait3A_217, %dma_wait3A_218] : memref<10000x64xi32, #tpu.memory_space<hbm>> -> memref<10000x64xi32, #tpu.memory_space<hbm>>
        tpu.wait_indirect_dma semaphore(%arg22 : memref<!tpu.dma_semaphore, #tpu.memory_space<semaphore_mem>>) src(%dma_wait3A_219 : memref<10000x64xi32, #tpu.memory_space<hbm>>) dst(%dma_wait3A_213 : memref<128x64xi32, #tpu.memory_space<vmem>>)
        %ge3A = arith.constant 2 : i32
        "tpu.trace_stop"() : () -> ()
        "tpu.trace_start"() <{level = 10 : i32, message = "wbwait"}> : () -> ()
        %ge3A_220 = arith.cmpi sge, %add3A_156, %ge3A : i32
        %convert_element_type3A_221 = arith.extui %ge3A_220 : i1 to i32
        %cond3A_222 = arith.constant 0 : i32
        %cond3A_223 = arith.cmpi ne, %convert_element_type3A_221, %cond3A_222 : i32
        scf.if %cond3A_223 {
          %dma_wait3A_337 = arith.constant 0 : i32
          %dma_wait3A_338 = tpu.memref_slice %arg6[%add3A_159, %dma_wait3A_337] : memref<10240x64xi32, #tpu.memory_space<hbm>> -> memref<8x64xi32, #tpu.memory_space<hbm>>
          %dma_wait3A_339 = arith.constant 0 : i32
          %dma_wait3A_340 = tpu.memref_slice %arg6[%add3A_159, %dma_wait3A_339] : memref<10240x64xi32, #tpu.memory_space<hbm>> -> memref<8x64xi32, #tpu.memory_space<hbm>>
          tpu.wait_dma2 semaphore(%arg24 : memref<!tpu.dma_semaphore, #tpu.memory_space<semaphore_mem>>) src(%arg12 : memref<8x64xi32, #tpu.memory_space<vmem>>) dst(%dma_wait3A_340 : memref<8x64xi32, #tpu.memory_space<hbm>>)
          %dma_wait3A_341 = arith.constant 0 : i32
          %dma_wait3A_342 = tpu.memref_slice %arg7[%add3A_159, %dma_wait3A_341] : memref<10240x128xf32, #tpu.memory_space<hbm>> -> memref<8x128xf32, #tpu.memory_space<hbm>>
          %dma_wait3A_343 = arith.constant 0 : i32
          %dma_wait3A_344 = tpu.memref_slice %arg7[%add3A_159, %dma_wait3A_343] : memref<10240x128xf32, #tpu.memory_space<hbm>> -> memref<8x128xf32, #tpu.memory_space<hbm>>
          tpu.wait_dma2 semaphore(%arg24 : memref<!tpu.dma_semaphore, #tpu.memory_space<semaphore_mem>>) src(%arg18 : memref<8x128xf32, #tpu.memory_space<vmem>>) dst(%dma_wait3A_344 : memref<8x128xf32, #tpu.memory_space<hbm>>)
          %dma_wait3A_345 = arith.constant 0 : i32
          %dma_wait3A_346 = tpu.memref_slice %arg8[%add3A_159, %dma_wait3A_345] : memref<10240x128xf32, #tpu.memory_space<hbm>> -> memref<8x128xf32, #tpu.memory_space<hbm>>
          %dma_wait3A_347 = arith.constant 0 : i32
          %dma_wait3A_348 = tpu.memref_slice %arg8[%add3A_159, %dma_wait3A_347] : memref<10240x128xf32, #tpu.memory_space<hbm>> -> memref<8x128xf32, #tpu.memory_space<hbm>>
          tpu.wait_dma2 semaphore(%arg24 : memref<!tpu.dma_semaphore, #tpu.memory_space<semaphore_mem>>) src(%arg20 : memref<8x128xf32, #tpu.memory_space<vmem>>) dst(%dma_wait3A_348 : memref<8x128xf32, #tpu.memory_space<hbm>>)
        } else {
        }
        %broadcast_in_dim3A_224 = arith.constant -65536 : i32
        "tpu.trace_stop"() : () -> ()
        %broadcast_in_dim3A_225 = vector.broadcast %broadcast_in_dim3A_224 : i32 to vector<16xi32>
        "tpu.trace_start"() <{level = 10 : i32, message = "acc"}> : () -> ()
        %scan3A_226 = arith.constant 0 : i32
        %scan3A_227 = arith.constant 0 : i32
        %scan3A_228 = arith.constant 8 : i32
        %scan3A_229 = arith.addi %scan3A_227, %scan3A_228 : i32
        %scan3A_230 = arith.constant 1 : i32
        scf.for %scan3A_337 = %scan3A_227 to %scan3A_229 step %scan3A_230  : i32 {
          %mul3A_338 = arith.constant 32 : i32
          %mul3A_339 = arith.muli %scan3A_337, %mul3A_338 : i32
          %broadcast_in_dim3A_340 = arith.constant 0.000000e+00 : f32
          %broadcast_in_dim3A_341 = vector.broadcast %broadcast_in_dim3A_340 : f32 to vector<16xf32>
          %scan3A_342 = arith.constant 0 : i32
          %scan3A_343 = arith.constant 8 : i32
          %scan3A_344 = arith.addi %scan3A_342, %scan3A_343 : i32
          %scan3A_345 = arith.constant 1 : i32
          %scan3A_346:4 = scf.for %scan3A_467 = %scan3A_342 to %scan3A_344 step %scan3A_345 iter_args(%scan3A_468 = %broadcast_in_dim3A_341, %scan3A_469 = %broadcast_in_dim3A_341, %scan3A_470 = %broadcast_in_dim3A_341, %scan3A_471 = %broadcast_in_dim3A_341) -> (vector<16xf32>, vector<16xf32>, vector<16xf32>, vector<16xf32>)  : i32 {
            %mul3A_472 = arith.constant 4 : i32
            %mul3A_473 = arith.muli %scan3A_467, %mul3A_472 : i32
            %add3A_474 = arith.addi %mul3A_339, %mul3A_473 : i32
            %add3A_475 = arith.constant 0 : i32
            %add3A_476 = arith.addi %add3A_474, %add3A_475 : i32
            %get3A = arith.index_cast %add3A_476 : i32 to index
            %get3A_477 = arith.constant 0 : index
            %get3A_478 = tpu.vector_load %arg14[%get3A, %get3A_477] {strides = array<i32>} : memref<256x64xi32, #tpu.memory_space<vmem>>, vector<1x16xi32>,
            %get3A_479 = vector.shape_cast %get3A_478 : vector<1x16xi32> to vector<16xi32>
            %get3A_480 = arith.index_cast %add3A_476 : i32 to index
            %get3A_481 = arith.constant 0 : index
            %get3A_482 = tpu.vector_load %arg16[%get3A_480, %get3A_481] {strides = array<i32>} : memref<256x64xi32, #tpu.memory_space<vmem>>, vector<1x16xi32>,
            %get3A_483 = vector.shape_cast %get3A_482 : vector<1x16xi32> to vector<16xi32>
            %shift_left3A = arith.constant 16 : i32
            %shift_left3A_484 = vector.broadcast %shift_left3A : i32 to vector<16xi32>
            %shift_left3A_485 = arith.shli %get3A_479, %shift_left3A_484 : vector<16xi32>
            %bitcast_convert_type3A = tpu.bitcast %shift_left3A_485 : vector<16xi32> -> vector<16xf32>
            %add3A_486 = arith.addf %scan3A_468, %bitcast_convert_type3A : vector<16xf32>
            %and3A_487 = arith.andi %get3A_479, %broadcast_in_dim3A_225 : vector<16xi32>
            %bitcast_convert_type3A_488 = tpu.bitcast %and3A_487 : vector<16xi32> -> vector<16xf32>
            %add3A_489 = arith.addf %scan3A_469, %bitcast_convert_type3A_488 : vector<16xf32>
            %shift_left3A_490 = arith.constant 16 : i32
            %shift_left3A_491 = vector.broadcast %shift_left3A_490 : i32 to vector<16xi32>
            %shift_left3A_492 = arith.shli %get3A_483, %shift_left3A_491 : vector<16xi32>
            %bitcast_convert_type3A_493 = tpu.bitcast %shift_left3A_492 : vector<16xi32> -> vector<16xf32>
            %add3A_494 = arith.addf %scan3A_470, %bitcast_convert_type3A_493 : vector<16xf32>
            %and3A_495 = arith.andi %get3A_483, %broadcast_in_dim3A_225 : vector<16xi32>
            %bitcast_convert_type3A_496 = tpu.bitcast %and3A_495 : vector<16xi32> -> vector<16xf32>
            %add3A_497 = arith.addf %scan3A_471, %bitcast_convert_type3A_496 : vector<16xf32>
            %mul3A_498 = arith.constant 4 : i32
            %mul3A_499 = arith.muli %scan3A_467, %mul3A_498 : i32
            %add3A_500 = arith.addi %mul3A_339, %mul3A_499 : i32
            %add3A_501 = arith.constant 1 : i32
            %add3A_502 = arith.addi %add3A_500, %add3A_501 : i32
            %get3A_503 = arith.index_cast %add3A_502 : i32 to index
            %get3A_504 = arith.constant 0 : index
            %get3A_505 = tpu.vector_load %arg14[%get3A_503, %get3A_504] {strides = array<i32>} : memref<256x64xi32, #tpu.memory_space<vmem>>, vector<1x16xi32>,
            %get3A_506 = vector.shape_cast %get3A_505 : vector<1x16xi32> to vector<16xi32>
            %get3A_507 = arith.index_cast %add3A_502 : i32 to index
            %get3A_508 = arith.constant 0 : index
            %get3A_509 = tpu.vector_load %arg16[%get3A_507, %get3A_508] {strides = array<i32>} : memref<256x64xi32, #tpu.memory_space<vmem>>, vector<1x16xi32>,
            %get3A_510 = vector.shape_cast %get3A_509 : vector<1x16xi32> to vector<16xi32>
            %shift_left3A_511 = arith.constant 16 : i32
            %shift_left3A_512 = vector.broadcast %shift_left3A_511 : i32 to vector<16xi32>
            %shift_left3A_513 = arith.shli %get3A_506, %shift_left3A_512 : vector<16xi32>
            %bitcast_convert_type3A_514 = tpu.bitcast %shift_left3A_513 : vector<16xi32> -> vector<16xf32>
            %add3A_515 = arith.addf %add3A_486, %bitcast_convert_type3A_514 : vector<16xf32>
            %and3A_516 = arith.andi %get3A_506, %broadcast_in_dim3A_225 : vector<16xi32>
            %bitcast_convert_type3A_517 = tpu.bitcast %and3A_516 : vector<16xi32> -> vector<16xf32>
            %add3A_518 = arith.addf %add3A_489, %bitcast_convert_type3A_517 : vector<16xf32>
            %shift_left3A_519 = arith.constant 16 : i32
            %shift_left3A_520 = vector.broadcast %shift_left3A_519 : i32 to vector<16xi32>
            %shift_left3A_521 = arith.shli %get3A_510, %shift_left3A_520 : vector<16xi32>
            %bitcast_convert_type3A_522 = tpu.bitcast %shift_left3A_521 : vector<16xi32> -> vector<16xf32>
            %add3A_523 = arith.addf %add3A_494, %bitcast_convert_type3A_522 : vector<16xf32>
            %and3A_524 = arith.andi %get3A_510, %broadcast_in_dim3A_225 : vector<16xi32>
            %bitcast_convert_type3A_525 = tpu.bitcast %and3A_524 : vector<16xi32> -> vector<16xf32>
            %add3A_526 = arith.addf %add3A_497, %bitcast_convert_type3A_525 : vector<16xf32>
            %mul3A_527 = arith.constant 4 : i32
            %mul3A_528 = arith.muli %scan3A_467, %mul3A_527 : i32
            %add3A_529 = arith.addi %mul3A_339, %mul3A_528 : i32
            %add3A_530 = arith.constant 2 : i32
            %add3A_531 = arith.addi %add3A_529, %add3A_530 : i32
            %get3A_532 = arith.index_cast %add3A_531 : i32 to index
            %get3A_533 = arith.constant 0 : index
            %get3A_534 = tpu.vector_load %arg14[%get3A_532, %get3A_533] {strides = array<i32>} : memref<256x64xi32, #tpu.memory_space<vmem>>, vector<1x16xi32>,
            %get3A_535 = vector.shape_cast %get3A_534 : vector<1x16xi32> to vector<16xi32>
            %get3A_536 = arith.index_cast %add3A_531 : i32 to index
            %get3A_537 = arith.constant 0 : index
            %get3A_538 = tpu.vector_load %arg16[%get3A_536, %get3A_537] {strides = array<i32>} : memref<256x64xi32, #tpu.memory_space<vmem>>, vector<1x16xi32>,
            %get3A_539 = vector.shape_cast %get3A_538 : vector<1x16xi32> to vector<16xi32>
            %shift_left3A_540 = arith.constant 16 : i32
            %shift_left3A_541 = vector.broadcast %shift_left3A_540 : i32 to vector<16xi32>
            %shift_left3A_542 = arith.shli %get3A_535, %shift_left3A_541 : vector<16xi32>
            %bitcast_convert_type3A_543 = tpu.bitcast %shift_left3A_542 : vector<16xi32> -> vector<16xf32>
            %add3A_544 = arith.addf %add3A_515, %bitcast_convert_type3A_543 : vector<16xf32>
            %and3A_545 = arith.andi %get3A_535, %broadcast_in_dim3A_225 : vector<16xi32>
            %bitcast_convert_type3A_546 = tpu.bitcast %and3A_545 : vector<16xi32> -> vector<16xf32>
            %add3A_547 = arith.addf %add3A_518, %bitcast_convert_type3A_546 : vector<16xf32>
            %shift_left3A_548 = arith.constant 16 : i32
            %shift_left3A_549 = vector.broadcast %shift_left3A_548 : i32 to vector<16xi32>
            %shift_left3A_550 = arith.shli %get3A_539, %shift_left3A_549 : vector<16xi32>
            %bitcast_convert_type3A_551 = tpu.bitcast %shift_left3A_550 : vector<16xi32> -> vector<16xf32>
            %add3A_552 = arith.addf %add3A_523, %bitcast_convert_type3A_551 : vector<16xf32>
            %and3A_553 = arith.andi %get3A_539, %broadcast_in_dim3A_225 : vector<16xi32>
            %bitcast_convert_type3A_554 = tpu.bitcast %and3A_553 : vector<16xi32> -> vector<16xf32>
            %add3A_555 = arith.addf %add3A_526, %bitcast_convert_type3A_554 : vector<16xf32>
            %mul3A_556 = arith.constant 4 : i32
            %mul3A_557 = arith.muli %scan3A_467, %mul3A_556 : i32
            %add3A_558 = arith.addi %mul3A_339, %mul3A_557 : i32
            %add3A_559 = arith.constant 3 : i32
            %add3A_560 = arith.addi %add3A_558, %add3A_559 : i32
            %get3A_561 = arith.index_cast %add3A_560 : i32 to index
            %get3A_562 = arith.constant 0 : index
            %get3A_563 = tpu.vector_load %arg14[%get3A_561, %get3A_562] {strides = array<i32>} : memref<256x64xi32, #tpu.memory_space<vmem>>, vector<1x16xi32>,
            %get3A_564 = vector.shape_cast %get3A_563 : vector<1x16xi32> to vector<16xi32>
            %get3A_565 = arith.index_cast %add3A_560 : i32 to index
            %get3A_566 = arith.constant 0 : index
            %get3A_567 = tpu.vector_load %arg16[%get3A_565, %get3A_566] {strides = array<i32>} : memref<256x64xi32, #tpu.memory_space<vmem>>, vector<1x16xi32>,
            %get3A_568 = vector.shape_cast %get3A_567 : vector<1x16xi32> to vector<16xi32>
            %shift_left3A_569 = arith.constant 16 : i32
            %shift_left3A_570 = vector.broadcast %shift_left3A_569 : i32 to vector<16xi32>
            %shift_left3A_571 = arith.shli %get3A_564, %shift_left3A_570 : vector<16xi32>
            %bitcast_convert_type3A_572 = tpu.bitcast %shift_left3A_571 : vector<16xi32> -> vector<16xf32>
            %add3A_573 = arith.addf %add3A_544, %bitcast_convert_type3A_572 : vector<16xf32>
            %and3A_574 = arith.andi %get3A_564, %broadcast_in_dim3A_225 : vector<16xi32>
            %bitcast_convert_type3A_575 = tpu.bitcast %and3A_574 : vector<16xi32> -> vector<16xf32>
            %add3A_576 = arith.addf %add3A_547, %bitcast_convert_type3A_575 : vector<16xf32>
            %shift_left3A_577 = arith.constant 16 : i32
            %shift_left3A_578 = vector.broadcast %shift_left3A_577 : i32 to vector<16xi32>
            %shift_left3A_579 = arith.shli %get3A_568, %shift_left3A_578 : vector<16xi32>
            %bitcast_convert_type3A_580 = tpu.bitcast %shift_left3A_579 : vector<16xi32> -> vector<16xf32>
            %add3A_581 = arith.addf %add3A_552, %bitcast_convert_type3A_580 : vector<16xf32>
            %and3A_582 = arith.andi %get3A_568, %broadcast_in_dim3A_225 : vector<16xi32>
            %bitcast_convert_type3A_583 = tpu.bitcast %and3A_582 : vector<16xi32> -> vector<16xf32>
            %add3A_584 = arith.addf %add3A_555, %bitcast_convert_type3A_583 : vector<16xf32>
            scf.yield %add3A_573, %add3A_576, %add3A_581, %add3A_584 : vector<16xf32>, vector<16xf32>, vector<16xf32>, vector<16xf32>
          }
          %scan3A_347 = arith.constant 8 : i32
          %mul3A_348 = arith.mulf %scan3A_346#0, %broadcast_in_dim3A_119 : vector<16xf32>
          %swap3A = arith.index_cast %scan3A_337 : i32 to index
          %swap3A_349 = arith.constant 0 : index
          %swap3A_350 = tpu.vector_load %arg18[%swap3A, %swap3A_349] {strides = array<i32>} : memref<8x128xf32, #tpu.memory_space<vmem>>, vector<1x16xf32>,
          %swap3A_351 = vector.shape_cast %swap3A_350 : vector<1x16xf32> to vector<16xf32>
          %swap3A_352 = vector.shape_cast %mul3A_348 : vector<16xf32> to vector<1x16xf32>
          tpu.vector_store %arg18[%swap3A, %swap3A_349], %swap3A_352 {strides = array<i32>} : memref<8x128xf32, #tpu.memory_space<vmem>>, vector<1x16xf32>,
          %mul3A_353 = arith.mulf %scan3A_346#1, %broadcast_in_dim3A_119 : vector<16xf32>
          %swap3A_354 = arith.index_cast %scan3A_337 : i32 to index
          %swap3A_355 = arith.constant 16 : index
          %swap3A_356 = tpu.vector_load %arg18[%swap3A_354, %swap3A_355] {strides = array<i32>} : memref<8x128xf32, #tpu.memory_space<vmem>>, vector<1x16xf32>,
          %swap3A_357 = vector.shape_cast %swap3A_356 : vector<1x16xf32> to vector<16xf32>
          %swap3A_358 = vector.shape_cast %mul3A_353 : vector<16xf32> to vector<1x16xf32>
          tpu.vector_store %arg18[%swap3A_354, %swap3A_355], %swap3A_358 {strides = array<i32>} : memref<8x128xf32, #tpu.memory_space<vmem>>, vector<1x16xf32>,
          %mul3A_359 = arith.mulf %scan3A_346#2, %broadcast_in_dim3A_119 : vector<16xf32>
          %swap3A_360 = arith.index_cast %scan3A_337 : i32 to index
          %swap3A_361 = arith.constant 0 : index
          %swap3A_362 = tpu.vector_load %arg20[%swap3A_360, %swap3A_361] {strides = array<i32>} : memref<8x128xf32, #tpu.memory_space<vmem>>, vector<1x16xf32>,
          %swap3A_363 = vector.shape_cast %swap3A_362 : vector<1x16xf32> to vector<16xf32>
          %swap3A_364 = vector.shape_cast %mul3A_359 : vector<16xf32> to vector<1x16xf32>
          tpu.vector_store %arg20[%swap3A_360, %swap3A_361], %swap3A_364 {strides = array<i32>} : memref<8x128xf32, #tpu.memory_space<vmem>>, vector<1x16xf32>,
          %mul3A_365 = arith.mulf %scan3A_346#3, %broadcast_in_dim3A_119 : vector<16xf32>
          %swap3A_366 = arith.index_cast %scan3A_337 : i32 to index
          %swap3A_367 = arith.constant 16 : index
          %swap3A_368 = tpu.vector_load %arg20[%swap3A_366, %swap3A_367] {strides = array<i32>} : memref<8x128xf32, #tpu.memory_space<vmem>>, vector<1x16xf32>,
          %swap3A_369 = vector.shape_cast %swap3A_368 : vector<1x16xf32> to vector<16xf32>
          %swap3A_370 = vector.shape_cast %mul3A_365 : vector<16xf32> to vector<1x16xf32>
          tpu.vector_store %arg20[%swap3A_366, %swap3A_367], %swap3A_370 {strides = array<i32>} : memref<8x128xf32, #tpu.memory_space<vmem>>, vector<1x16xf32>,
          %broadcast_in_dim3A_371 = arith.constant 0.000000e+00 : f32
          %broadcast_in_dim3A_372 = vector.broadcast %broadcast_in_dim3A_371 : f32 to vector<16xf32>
          %scan3A_373 = arith.constant 0 : i32
          %scan3A_374 = arith.constant 8 : i32
          %scan3A_375 = arith.addi %scan3A_373, %scan3A_374 : i32
          %scan3A_376 = arith.constant 1 : i32
          %scan3A_377:4 = scf.for %scan3A_467 = %scan3A_373 to %scan3A_375 step %scan3A_376 iter_args(%scan3A_468 = %broadcast_in_dim3A_372, %scan3A_469 = %broadcast_in_dim3A_372, %scan3A_470 = %broadcast_in_dim3A_372, %scan3A_471 = %broadcast_in_dim3A_372) -> (vector<16xf32>, vector<16xf32>, vector<16xf32>, vector<16xf32>)  : i32 {
            %mul3A_472 = arith.constant 4 : i32
            %mul3A_473 = arith.muli %scan3A_467, %mul3A_472 : i32
            %add3A_474 = arith.addi %mul3A_339, %mul3A_473 : i32
            %add3A_475 = arith.constant 0 : i32
            %add3A_476 = arith.addi %add3A_474, %add3A_475 : i32
            %get3A = arith.index_cast %add3A_476 : i32 to index
            %get3A_477 = arith.constant 16 : index
            %get3A_478 = tpu.vector_load %arg14[%get3A, %get3A_477] {strides = array<i32>} : memref<256x64xi32, #tpu.memory_space<vmem>>, vector<1x16xi32>,
            %get3A_479 = vector.shape_cast %get3A_478 : vector<1x16xi32> to vector<16xi32>
            %get3A_480 = arith.index_cast %add3A_476 : i32 to index
            %get3A_481 = arith.constant 16 : index
            %get3A_482 = tpu.vector_load %arg16[%get3A_480, %get3A_481] {strides = array<i32>} : memref<256x64xi32, #tpu.memory_space<vmem>>, vector<1x16xi32>,
            %get3A_483 = vector.shape_cast %get3A_482 : vector<1x16xi32> to vector<16xi32>
            %shift_left3A = arith.constant 16 : i32
            %shift_left3A_484 = vector.broadcast %shift_left3A : i32 to vector<16xi32>
            %shift_left3A_485 = arith.shli %get3A_479, %shift_left3A_484 : vector<16xi32>
            %bitcast_convert_type3A = tpu.bitcast %shift_left3A_485 : vector<16xi32> -> vector<16xf32>
            %add3A_486 = arith.addf %scan3A_468, %bitcast_convert_type3A : vector<16xf32>
            %and3A_487 = arith.andi %get3A_479, %broadcast_in_dim3A_225 : vector<16xi32>
            %bitcast_convert_type3A_488 = tpu.bitcast %and3A_487 : vector<16xi32> -> vector<16xf32>
            %add3A_489 = arith.addf %scan3A_469, %bitcast_convert_type3A_488 : vector<16xf32>
            %shift_left3A_490 = arith.constant 16 : i32
            %shift_left3A_491 = vector.broadcast %shift_left3A_490 : i32 to vector<16xi32>
            %shift_left3A_492 = arith.shli %get3A_483, %shift_left3A_491 : vector<16xi32>
            %bitcast_convert_type3A_493 = tpu.bitcast %shift_left3A_492 : vector<16xi32> -> vector<16xf32>
            %add3A_494 = arith.addf %scan3A_470, %bitcast_convert_type3A_493 : vector<16xf32>
            %and3A_495 = arith.andi %get3A_483, %broadcast_in_dim3A_225 : vector<16xi32>
            %bitcast_convert_type3A_496 = tpu.bitcast %and3A_495 : vector<16xi32> -> vector<16xf32>
            %add3A_497 = arith.addf %scan3A_471, %bitcast_convert_type3A_496 : vector<16xf32>
            %mul3A_498 = arith.constant 4 : i32
            %mul3A_499 = arith.muli %scan3A_467, %mul3A_498 : i32
            %add3A_500 = arith.addi %mul3A_339, %mul3A_499 : i32
            %add3A_501 = arith.constant 1 : i32
            %add3A_502 = arith.addi %add3A_500, %add3A_501 : i32
            %get3A_503 = arith.index_cast %add3A_502 : i32 to index
            %get3A_504 = arith.constant 16 : index
            %get3A_505 = tpu.vector_load %arg14[%get3A_503, %get3A_504] {strides = array<i32>} : memref<256x64xi32, #tpu.memory_space<vmem>>, vector<1x16xi32>,
            %get3A_506 = vector.shape_cast %get3A_505 : vector<1x16xi32> to vector<16xi32>
            %get3A_507 = arith.index_cast %add3A_502 : i32 to index
            %get3A_508 = arith.constant 16 : index
            %get3A_509 = tpu.vector_load %arg16[%get3A_507, %get3A_508] {strides = array<i32>} : memref<256x64xi32, #tpu.memory_space<vmem>>, vector<1x16xi32>,
            %get3A_510 = vector.shape_cast %get3A_509 : vector<1x16xi32> to vector<16xi32>
            %shift_left3A_511 = arith.constant 16 : i32
            %shift_left3A_512 = vector.broadcast %shift_left3A_511 : i32 to vector<16xi32>
            %shift_left3A_513 = arith.shli %get3A_506, %shift_left3A_512 : vector<16xi32>
            %bitcast_convert_type3A_514 = tpu.bitcast %shift_left3A_513 : vector<16xi32> -> vector<16xf32>
            %add3A_515 = arith.addf %add3A_486, %bitcast_convert_type3A_514 : vector<16xf32>
            %and3A_516 = arith.andi %get3A_506, %broadcast_in_dim3A_225 : vector<16xi32>
            %bitcast_convert_type3A_517 = tpu.bitcast %and3A_516 : vector<16xi32> -> vector<16xf32>
            %add3A_518 = arith.addf %add3A_489, %bitcast_convert_type3A_517 : vector<16xf32>
            %shift_left3A_519 = arith.constant 16 : i32
            %shift_left3A_520 = vector.broadcast %shift_left3A_519 : i32 to vector<16xi32>
            %shift_left3A_521 = arith.shli %get3A_510, %shift_left3A_520 : vector<16xi32>
            %bitcast_convert_type3A_522 = tpu.bitcast %shift_left3A_521 : vector<16xi32> -> vector<16xf32>
            %add3A_523 = arith.addf %add3A_494, %bitcast_convert_type3A_522 : vector<16xf32>
            %and3A_524 = arith.andi %get3A_510, %broadcast_in_dim3A_225 : vector<16xi32>
            %bitcast_convert_type3A_525 = tpu.bitcast %and3A_524 : vector<16xi32> -> vector<16xf32>
            %add3A_526 = arith.addf %add3A_497, %bitcast_convert_type3A_525 : vector<16xf32>
            %mul3A_527 = arith.constant 4 : i32
            %mul3A_528 = arith.muli %scan3A_467, %mul3A_527 : i32
            %add3A_529 = arith.addi %mul3A_339, %mul3A_528 : i32
            %add3A_530 = arith.constant 2 : i32
            %add3A_531 = arith.addi %add3A_529, %add3A_530 : i32
            %get3A_532 = arith.index_cast %add3A_531 : i32 to index
            %get3A_533 = arith.constant 16 : index
            %get3A_534 = tpu.vector_load %arg14[%get3A_532, %get3A_533] {strides = array<i32>} : memref<256x64xi32, #tpu.memory_space<vmem>>, vector<1x16xi32>,
            %get3A_535 = vector.shape_cast %get3A_534 : vector<1x16xi32> to vector<16xi32>
            %get3A_536 = arith.index_cast %add3A_531 : i32 to index
            %get3A_537 = arith.constant 16 : index
            %get3A_538 = tpu.vector_load %arg16[%get3A_536, %get3A_537] {strides = array<i32>} : memref<256x64xi32, #tpu.memory_space<vmem>>, vector<1x16xi32>,
            %get3A_539 = vector.shape_cast %get3A_538 : vector<1x16xi32> to vector<16xi32>
            %shift_left3A_540 = arith.constant 16 : i32
            %shift_left3A_541 = vector.broadcast %shift_left3A_540 : i32 to vector<16xi32>
            %shift_left3A_542 = arith.shli %get3A_535, %shift_left3A_541 : vector<16xi32>
            %bitcast_convert_type3A_543 = tpu.bitcast %shift_left3A_542 : vector<16xi32> -> vector<16xf32>
            %add3A_544 = arith.addf %add3A_515, %bitcast_convert_type3A_543 : vector<16xf32>
            %and3A_545 = arith.andi %get3A_535, %broadcast_in_dim3A_225 : vector<16xi32>
            %bitcast_convert_type3A_546 = tpu.bitcast %and3A_545 : vector<16xi32> -> vector<16xf32>
            %add3A_547 = arith.addf %add3A_518, %bitcast_convert_type3A_546 : vector<16xf32>
            %shift_left3A_548 = arith.constant 16 : i32
            %shift_left3A_549 = vector.broadcast %shift_left3A_548 : i32 to vector<16xi32>
            %shift_left3A_550 = arith.shli %get3A_539, %shift_left3A_549 : vector<16xi32>
            %bitcast_convert_type3A_551 = tpu.bitcast %shift_left3A_550 : vector<16xi32> -> vector<16xf32>
            %add3A_552 = arith.addf %add3A_523, %bitcast_convert_type3A_551 : vector<16xf32>
            %and3A_553 = arith.andi %get3A_539, %broadcast_in_dim3A_225 : vector<16xi32>
            %bitcast_convert_type3A_554 = tpu.bitcast %and3A_553 : vector<16xi32> -> vector<16xf32>
            %add3A_555 = arith.addf %add3A_526, %bitcast_convert_type3A_554 : vector<16xf32>
            %mul3A_556 = arith.constant 4 : i32
            %mul3A_557 = arith.muli %scan3A_467, %mul3A_556 : i32
            %add3A_558 = arith.addi %mul3A_339, %mul3A_557 : i32
            %add3A_559 = arith.constant 3 : i32
            %add3A_560 = arith.addi %add3A_558, %add3A_559 : i32
            %get3A_561 = arith.index_cast %add3A_560 : i32 to index
            %get3A_562 = arith.constant 16 : index
            %get3A_563 = tpu.vector_load %arg14[%get3A_561, %get3A_562] {strides = array<i32>} : memref<256x64xi32, #tpu.memory_space<vmem>>, vector<1x16xi32>,
            %get3A_564 = vector.shape_cast %get3A_563 : vector<1x16xi32> to vector<16xi32>
            %get3A_565 = arith.index_cast %add3A_560 : i32 to index
            %get3A_566 = arith.constant 16 : index
            %get3A_567 = tpu.vector_load %arg16[%get3A_565, %get3A_566] {strides = array<i32>} : memref<256x64xi32, #tpu.memory_space<vmem>>, vector<1x16xi32>,
            %get3A_568 = vector.shape_cast %get3A_567 : vector<1x16xi32> to vector<16xi32>
            %shift_left3A_569 = arith.constant 16 : i32
            %shift_left3A_570 = vector.broadcast %shift_left3A_569 : i32 to vector<16xi32>
            %shift_left3A_571 = arith.shli %get3A_564, %shift_left3A_570 : vector<16xi32>
            %bitcast_convert_type3A_572 = tpu.bitcast %shift_left3A_571 : vector<16xi32> -> vector<16xf32>
            %add3A_573 = arith.addf %add3A_544, %bitcast_convert_type3A_572 : vector<16xf32>
            %and3A_574 = arith.andi %get3A_564, %broadcast_in_dim3A_225 : vector<16xi32>
            %bitcast_convert_type3A_575 = tpu.bitcast %and3A_574 : vector<16xi32> -> vector<16xf32>
            %add3A_576 = arith.addf %add3A_547, %bitcast_convert_type3A_575 : vector<16xf32>
            %shift_left3A_577 = arith.constant 16 : i32
            %shift_left3A_578 = vector.broadcast %shift_left3A_577 : i32 to vector<16xi32>
            %shift_left3A_579 = arith.shli %get3A_568, %shift_left3A_578 : vector<16xi32>
            %bitcast_convert_type3A_580 = tpu.bitcast %shift_left3A_579 : vector<16xi32> -> vector<16xf32>
            %add3A_581 = arith.addf %add3A_552, %bitcast_convert_type3A_580 : vector<16xf32>
            %and3A_582 = arith.andi %get3A_568, %broadcast_in_dim3A_225 : vector<16xi32>
            %bitcast_convert_type3A_583 = tpu.bitcast %and3A_582 : vector<16xi32> -> vector<16xf32>
            %add3A_584 = arith.addf %add3A_555, %bitcast_convert_type3A_583 : vector<16xf32>
            scf.yield %add3A_573, %add3A_576, %add3A_581, %add3A_584 : vector<16xf32>, vector<16xf32>, vector<16xf32>, vector<16xf32>
          }
          %scan3A_378 = arith.constant 8 : i32
          %mul3A_379 = arith.mulf %scan3A_377#0, %broadcast_in_dim3A_119 : vector<16xf32>
          %swap3A_380 = arith.index_cast %scan3A_337 : i32 to index
          %swap3A_381 = arith.constant 32 : index
          %swap3A_382 = tpu.vector_load %arg18[%swap3A_380, %swap3A_381] {strides = array<i32>} : memref<8x128xf32, #tpu.memory_space<vmem>>, vector<1x16xf32>,
          %swap3A_383 = vector.shape_cast %swap3A_382 : vector<1x16xf32> to vector<16xf32>
          %swap3A_384 = vector.shape_cast %mul3A_379 : vector<16xf32> to vector<1x16xf32>
          tpu.vector_store %arg18[%swap3A_380, %swap3A_381], %swap3A_384 {strides = array<i32>} : memref<8x128xf32, #tpu.memory_space<vmem>>, vector<1x16xf32>,
          %mul3A_385 = arith.mulf %scan3A_377#1, %broadcast_in_dim3A_119 : vector<16xf32>
          %swap3A_386 = arith.index_cast %scan3A_337 : i32 to index
          %swap3A_387 = arith.constant 48 : index
          %swap3A_388 = tpu.vector_load %arg18[%swap3A_386, %swap3A_387] {strides = array<i32>} : memref<8x128xf32, #tpu.memory_space<vmem>>, vector<1x16xf32>,
          %swap3A_389 = vector.shape_cast %swap3A_388 : vector<1x16xf32> to vector<16xf32>
          %swap3A_390 = vector.shape_cast %mul3A_385 : vector<16xf32> to vector<1x16xf32>
          tpu.vector_store %arg18[%swap3A_386, %swap3A_387], %swap3A_390 {strides = array<i32>} : memref<8x128xf32, #tpu.memory_space<vmem>>, vector<1x16xf32>,
          %mul3A_391 = arith.mulf %scan3A_377#2, %broadcast_in_dim3A_119 : vector<16xf32>
          %swap3A_392 = arith.index_cast %scan3A_337 : i32 to index
          %swap3A_393 = arith.constant 32 : index
          %swap3A_394 = tpu.vector_load %arg20[%swap3A_392, %swap3A_393] {strides = array<i32>} : memref<8x128xf32, #tpu.memory_space<vmem>>, vector<1x16xf32>,
          %swap3A_395 = vector.shape_cast %swap3A_394 : vector<1x16xf32> to vector<16xf32>
          %swap3A_396 = vector.shape_cast %mul3A_391 : vector<16xf32> to vector<1x16xf32>
          tpu.vector_store %arg20[%swap3A_392, %swap3A_393], %swap3A_396 {strides = array<i32>} : memref<8x128xf32, #tpu.memory_space<vmem>>, vector<1x16xf32>,
          %mul3A_397 = arith.mulf %scan3A_377#3, %broadcast_in_dim3A_119 : vector<16xf32>
          %swap3A_398 = arith.index_cast %scan3A_337 : i32 to index
          %swap3A_399 = arith.constant 48 : index
          %swap3A_400 = tpu.vector_load %arg20[%swap3A_398, %swap3A_399] {strides = array<i32>} : memref<8x128xf32, #tpu.memory_space<vmem>>, vector<1x16xf32>,
          %swap3A_401 = vector.shape_cast %swap3A_400 : vector<1x16xf32> to vector<16xf32>
          %swap3A_402 = vector.shape_cast %mul3A_397 : vector<16xf32> to vector<1x16xf32>
          tpu.vector_store %arg20[%swap3A_398, %swap3A_399], %swap3A_402 {strides = array<i32>} : memref<8x128xf32, #tpu.memory_space<vmem>>, vector<1x16xf32>,
          %broadcast_in_dim3A_403 = arith.constant 0.000000e+00 : f32
          %broadcast_in_dim3A_404 = vector.broadcast %broadcast_in_dim3A_403 : f32 to vector<16xf32>
          %scan3A_405 = arith.constant 0 : i32
          %scan3A_406 = arith.constant 8 : i32
          %scan3A_407 = arith.addi %scan3A_405, %scan3A_406 : i32
          %scan3A_408 = arith.constant 1 : i32
          %scan3A_409:4 = scf.for %scan3A_467 = %scan3A_405 to %scan3A_407 step %scan3A_408 iter_args(%scan3A_468 = %broadcast_in_dim3A_404, %scan3A_469 = %broadcast_in_dim3A_404, %scan3A_470 = %broadcast_in_dim3A_404, %scan3A_471 = %broadcast_in_dim3A_404) -> (vector<16xf32>, vector<16xf32>, vector<16xf32>, vector<16xf32>)  : i32 {
            %mul3A_472 = arith.constant 4 : i32
            %mul3A_473 = arith.muli %scan3A_467, %mul3A_472 : i32
            %add3A_474 = arith.addi %mul3A_339, %mul3A_473 : i32
            %add3A_475 = arith.constant 0 : i32
            %add3A_476 = arith.addi %add3A_474, %add3A_475 : i32
            %get3A = arith.index_cast %add3A_476 : i32 to index
            %get3A_477 = arith.constant 32 : index
            %get3A_478 = tpu.vector_load %arg14[%get3A, %get3A_477] {strides = array<i32>} : memref<256x64xi32, #tpu.memory_space<vmem>>, vector<1x16xi32>,
            %get3A_479 = vector.shape_cast %get3A_478 : vector<1x16xi32> to vector<16xi32>
            %get3A_480 = arith.index_cast %add3A_476 : i32 to index
            %get3A_481 = arith.constant 32 : index
            %get3A_482 = tpu.vector_load %arg16[%get3A_480, %get3A_481] {strides = array<i32>} : memref<256x64xi32, #tpu.memory_space<vmem>>, vector<1x16xi32>,
            %get3A_483 = vector.shape_cast %get3A_482 : vector<1x16xi32> to vector<16xi32>
            %shift_left3A = arith.constant 16 : i32
            %shift_left3A_484 = vector.broadcast %shift_left3A : i32 to vector<16xi32>
            %shift_left3A_485 = arith.shli %get3A_479, %shift_left3A_484 : vector<16xi32>
            %bitcast_convert_type3A = tpu.bitcast %shift_left3A_485 : vector<16xi32> -> vector<16xf32>
            %add3A_486 = arith.addf %scan3A_468, %bitcast_convert_type3A : vector<16xf32>
            %and3A_487 = arith.andi %get3A_479, %broadcast_in_dim3A_225 : vector<16xi32>
            %bitcast_convert_type3A_488 = tpu.bitcast %and3A_487 : vector<16xi32> -> vector<16xf32>
            %add3A_489 = arith.addf %scan3A_469, %bitcast_convert_type3A_488 : vector<16xf32>
            %shift_left3A_490 = arith.constant 16 : i32
            %shift_left3A_491 = vector.broadcast %shift_left3A_490 : i32 to vector<16xi32>
            %shift_left3A_492 = arith.shli %get3A_483, %shift_left3A_491 : vector<16xi32>
            %bitcast_convert_type3A_493 = tpu.bitcast %shift_left3A_492 : vector<16xi32> -> vector<16xf32>
            %add3A_494 = arith.addf %scan3A_470, %bitcast_convert_type3A_493 : vector<16xf32>
            %and3A_495 = arith.andi %get3A_483, %broadcast_in_dim3A_225 : vector<16xi32>
            %bitcast_convert_type3A_496 = tpu.bitcast %and3A_495 : vector<16xi32> -> vector<16xf32>
            %add3A_497 = arith.addf %scan3A_471, %bitcast_convert_type3A_496 : vector<16xf32>
            %mul3A_498 = arith.constant 4 : i32
            %mul3A_499 = arith.muli %scan3A_467, %mul3A_498 : i32
            %add3A_500 = arith.addi %mul3A_339, %mul3A_499 : i32
            %add3A_501 = arith.constant 1 : i32
            %add3A_502 = arith.addi %add3A_500, %add3A_501 : i32
            %get3A_503 = arith.index_cast %add3A_502 : i32 to index
            %get3A_504 = arith.constant 32 : index
            %get3A_505 = tpu.vector_load %arg14[%get3A_503, %get3A_504] {strides = array<i32>} : memref<256x64xi32, #tpu.memory_space<vmem>>, vector<1x16xi32>,
            %get3A_506 = vector.shape_cast %get3A_505 : vector<1x16xi32> to vector<16xi32>
            %get3A_507 = arith.index_cast %add3A_502 : i32 to index
            %get3A_508 = arith.constant 32 : index
            %get3A_509 = tpu.vector_load %arg16[%get3A_507, %get3A_508] {strides = array<i32>} : memref<256x64xi32, #tpu.memory_space<vmem>>, vector<1x16xi32>,
            %get3A_510 = vector.shape_cast %get3A_509 : vector<1x16xi32> to vector<16xi32>
            %shift_left3A_511 = arith.constant 16 : i32
            %shift_left3A_512 = vector.broadcast %shift_left3A_511 : i32 to vector<16xi32>
            %shift_left3A_513 = arith.shli %get3A_506, %shift_left3A_512 : vector<16xi32>
            %bitcast_convert_type3A_514 = tpu.bitcast %shift_left3A_513 : vector<16xi32> -> vector<16xf32>
            %add3A_515 = arith.addf %add3A_486, %bitcast_convert_type3A_514 : vector<16xf32>
            %and3A_516 = arith.andi %get3A_506, %broadcast_in_dim3A_225 : vector<16xi32>
            %bitcast_convert_type3A_517 = tpu.bitcast %and3A_516 : vector<16xi32> -> vector<16xf32>
            %add3A_518 = arith.addf %add3A_489, %bitcast_convert_type3A_517 : vector<16xf32>
            %shift_left3A_519 = arith.constant 16 : i32
            %shift_left3A_520 = vector.broadcast %shift_left3A_519 : i32 to vector<16xi32>
            %shift_left3A_521 = arith.shli %get3A_510, %shift_left3A_520 : vector<16xi32>
            %bitcast_convert_type3A_522 = tpu.bitcast %shift_left3A_521 : vector<16xi32> -> vector<16xf32>
            %add3A_523 = arith.addf %add3A_494, %bitcast_convert_type3A_522 : vector<16xf32>
            %and3A_524 = arith.andi %get3A_510, %broadcast_in_dim3A_225 : vector<16xi32>
            %bitcast_convert_type3A_525 = tpu.bitcast %and3A_524 : vector<16xi32> -> vector<16xf32>
            %add3A_526 = arith.addf %add3A_497, %bitcast_convert_type3A_525 : vector<16xf32>
            %mul3A_527 = arith.constant 4 : i32
            %mul3A_528 = arith.muli %scan3A_467, %mul3A_527 : i32
            %add3A_529 = arith.addi %mul3A_339, %mul3A_528 : i32
            %add3A_530 = arith.constant 2 : i32
            %add3A_531 = arith.addi %add3A_529, %add3A_530 : i32
            %get3A_532 = arith.index_cast %add3A_531 : i32 to index
            %get3A_533 = arith.constant 32 : index
            %get3A_534 = tpu.vector_load %arg14[%get3A_532, %get3A_533] {strides = array<i32>} : memref<256x64xi32, #tpu.memory_space<vmem>>, vector<1x16xi32>,
            %get3A_535 = vector.shape_cast %get3A_534 : vector<1x16xi32> to vector<16xi32>
            %get3A_536 = arith.index_cast %add3A_531 : i32 to index
            %get3A_537 = arith.constant 32 : index
            %get3A_538 = tpu.vector_load %arg16[%get3A_536, %get3A_537] {strides = array<i32>} : memref<256x64xi32, #tpu.memory_space<vmem>>, vector<1x16xi32>,
            %get3A_539 = vector.shape_cast %get3A_538 : vector<1x16xi32> to vector<16xi32>
            %shift_left3A_540 = arith.constant 16 : i32
            %shift_left3A_541 = vector.broadcast %shift_left3A_540 : i32 to vector<16xi32>
            %shift_left3A_542 = arith.shli %get3A_535, %shift_left3A_541 : vector<16xi32>
            %bitcast_convert_type3A_543 = tpu.bitcast %shift_left3A_542 : vector<16xi32> -> vector<16xf32>
            %add3A_544 = arith.addf %add3A_515, %bitcast_convert_type3A_543 : vector<16xf32>
            %and3A_545 = arith.andi %get3A_535, %broadcast_in_dim3A_225 : vector<16xi32>
            %bitcast_convert_type3A_546 = tpu.bitcast %and3A_545 : vector<16xi32> -> vector<16xf32>
            %add3A_547 = arith.addf %add3A_518, %bitcast_convert_type3A_546 : vector<16xf32>
            %shift_left3A_548 = arith.constant 16 : i32
            %shift_left3A_549 = vector.broadcast %shift_left3A_548 : i32 to vector<16xi32>
            %shift_left3A_550 = arith.shli %get3A_539, %shift_left3A_549 : vector<16xi32>
            %bitcast_convert_type3A_551 = tpu.bitcast %shift_left3A_550 : vector<16xi32> -> vector<16xf32>
            %add3A_552 = arith.addf %add3A_523, %bitcast_convert_type3A_551 : vector<16xf32>
            %and3A_553 = arith.andi %get3A_539, %broadcast_in_dim3A_225 : vector<16xi32>
            %bitcast_convert_type3A_554 = tpu.bitcast %and3A_553 : vector<16xi32> -> vector<16xf32>
            %add3A_555 = arith.addf %add3A_526, %bitcast_convert_type3A_554 : vector<16xf32>
            %mul3A_556 = arith.constant 4 : i32
            %mul3A_557 = arith.muli %scan3A_467, %mul3A_556 : i32
            %add3A_558 = arith.addi %mul3A_339, %mul3A_557 : i32
            %add3A_559 = arith.constant 3 : i32
            %add3A_560 = arith.addi %add3A_558, %add3A_559 : i32
            %get3A_561 = arith.index_cast %add3A_560 : i32 to index
            %get3A_562 = arith.constant 32 : index
            %get3A_563 = tpu.vector_load %arg14[%get3A_561, %get3A_562] {strides = array<i32>} : memref<256x64xi32, #tpu.memory_space<vmem>>, vector<1x16xi32>,
            %get3A_564 = vector.shape_cast %get3A_563 : vector<1x16xi32> to vector<16xi32>
            %get3A_565 = arith.index_cast %add3A_560 : i32 to index
            %get3A_566 = arith.constant 32 : index
            %get3A_567 = tpu.vector_load %arg16[%get3A_565, %get3A_566] {strides = array<i32>} : memref<256x64xi32, #tpu.memory_space<vmem>>, vector<1x16xi32>,
            %get3A_568 = vector.shape_cast %get3A_567 : vector<1x16xi32> to vector<16xi32>
            %shift_left3A_569 = arith.constant 16 : i32
            %shift_left3A_570 = vector.broadcast %shift_left3A_569 : i32 to vector<16xi32>
            %shift_left3A_571 = arith.shli %get3A_564, %shift_left3A_570 : vector<16xi32>
            %bitcast_convert_type3A_572 = tpu.bitcast %shift_left3A_571 : vector<16xi32> -> vector<16xf32>
            %add3A_573 = arith.addf %add3A_544, %bitcast_convert_type3A_572 : vector<16xf32>
            %and3A_574 = arith.andi %get3A_564, %broadcast_in_dim3A_225 : vector<16xi32>
            %bitcast_convert_type3A_575 = tpu.bitcast %and3A_574 : vector<16xi32> -> vector<16xf32>
            %add3A_576 = arith.addf %add3A_547, %bitcast_convert_type3A_575 : vector<16xf32>
            %shift_left3A_577 = arith.constant 16 : i32
            %shift_left3A_578 = vector.broadcast %shift_left3A_577 : i32 to vector<16xi32>
            %shift_left3A_579 = arith.shli %get3A_568, %shift_left3A_578 : vector<16xi32>
            %bitcast_convert_type3A_580 = tpu.bitcast %shift_left3A_579 : vector<16xi32> -> vector<16xf32>
            %add3A_581 = arith.addf %add3A_552, %bitcast_convert_type3A_580 : vector<16xf32>
            %and3A_582 = arith.andi %get3A_568, %broadcast_in_dim3A_225 : vector<16xi32>
            %bitcast_convert_type3A_583 = tpu.bitcast %and3A_582 : vector<16xi32> -> vector<16xf32>
            %add3A_584 = arith.addf %add3A_555, %bitcast_convert_type3A_583 : vector<16xf32>
            scf.yield %add3A_573, %add3A_576, %add3A_581, %add3A_584 : vector<16xf32>, vector<16xf32>, vector<16xf32>, vector<16xf32>
          }
          %scan3A_410 = arith.constant 8 : i32
          %mul3A_411 = arith.mulf %scan3A_409#0, %broadcast_in_dim3A_119 : vector<16xf32>
          %swap3A_412 = arith.index_cast %scan3A_337 : i32 to index
          %swap3A_413 = arith.constant 64 : index
          %swap3A_414 = tpu.vector_load %arg18[%swap3A_412, %swap3A_413] {strides = array<i32>} : memref<8x128xf32, #tpu.memory_space<vmem>>, vector<1x16xf32>,
          %swap3A_415 = vector.shape_cast %swap3A_414 : vector<1x16xf32> to vector<16xf32>
          %swap3A_416 = vector.shape_cast %mul3A_411 : vector<16xf32> to vector<1x16xf32>
          tpu.vector_store %arg18[%swap3A_412, %swap3A_413], %swap3A_416 {strides = array<i32>} : memref<8x128xf32, #tpu.memory_space<vmem>>, vector<1x16xf32>,
          %mul3A_417 = arith.mulf %scan3A_409#1, %broadcast_in_dim3A_119 : vector<16xf32>
          %swap3A_418 = arith.index_cast %scan3A_337 : i32 to index
          %swap3A_419 = arith.constant 80 : index
          %swap3A_420 = tpu.vector_load %arg18[%swap3A_418, %swap3A_419] {strides = array<i32>} : memref<8x128xf32, #tpu.memory_space<vmem>>, vector<1x16xf32>,
          %swap3A_421 = vector.shape_cast %swap3A_420 : vector<1x16xf32> to vector<16xf32>
          %swap3A_422 = vector.shape_cast %mul3A_417 : vector<16xf32> to vector<1x16xf32>
          tpu.vector_store %arg18[%swap3A_418, %swap3A_419], %swap3A_422 {strides = array<i32>} : memref<8x128xf32, #tpu.memory_space<vmem>>, vector<1x16xf32>,
          %mul3A_423 = arith.mulf %scan3A_409#2, %broadcast_in_dim3A_119 : vector<16xf32>
          %swap3A_424 = arith.index_cast %scan3A_337 : i32 to index
          %swap3A_425 = arith.constant 64 : index
          %swap3A_426 = tpu.vector_load %arg20[%swap3A_424, %swap3A_425] {strides = array<i32>} : memref<8x128xf32, #tpu.memory_space<vmem>>, vector<1x16xf32>,
          %swap3A_427 = vector.shape_cast %swap3A_426 : vector<1x16xf32> to vector<16xf32>
          %swap3A_428 = vector.shape_cast %mul3A_423 : vector<16xf32> to vector<1x16xf32>
          tpu.vector_store %arg20[%swap3A_424, %swap3A_425], %swap3A_428 {strides = array<i32>} : memref<8x128xf32, #tpu.memory_space<vmem>>, vector<1x16xf32>,
          %mul3A_429 = arith.mulf %scan3A_409#3, %broadcast_in_dim3A_119 : vector<16xf32>
          %swap3A_430 = arith.index_cast %scan3A_337 : i32 to index
          %swap3A_431 = arith.constant 80 : index
          %swap3A_432 = tpu.vector_load %arg20[%swap3A_430, %swap3A_431] {strides = array<i32>} : memref<8x128xf32, #tpu.memory_space<vmem>>, vector<1x16xf32>,
          %swap3A_433 = vector.shape_cast %swap3A_432 : vector<1x16xf32> to vector<16xf32>
          %swap3A_434 = vector.shape_cast %mul3A_429 : vector<16xf32> to vector<1x16xf32>
          tpu.vector_store %arg20[%swap3A_430, %swap3A_431], %swap3A_434 {strides = array<i32>} : memref<8x128xf32, #tpu.memory_space<vmem>>, vector<1x16xf32>,
          %broadcast_in_dim3A_435 = arith.constant 0.000000e+00 : f32
          %broadcast_in_dim3A_436 = vector.broadcast %broadcast_in_dim3A_435 : f32 to vector<16xf32>
          %scan3A_437 = arith.constant 0 : i32
          %scan3A_438 = arith.constant 8 : i32
          %scan3A_439 = arith.addi %scan3A_437, %scan3A_438 : i32
          %scan3A_440 = arith.constant 1 : i32
          %scan3A_441:4 = scf.for %scan3A_467 = %scan3A_437 to %scan3A_439 step %scan3A_440 iter_args(%scan3A_468 = %broadcast_in_dim3A_436, %scan3A_469 = %broadcast_in_dim3A_436, %scan3A_470 = %broadcast_in_dim3A_436, %scan3A_471 = %broadcast_in_dim3A_436) -> (vector<16xf32>, vector<16xf32>, vector<16xf32>, vector<16xf32>)  : i32 {
            %mul3A_472 = arith.constant 4 : i32
            %mul3A_473 = arith.muli %scan3A_467, %mul3A_472 : i32
            %add3A_474 = arith.addi %mul3A_339, %mul3A_473 : i32
            %add3A_475 = arith.constant 0 : i32
            %add3A_476 = arith.addi %add3A_474, %add3A_475 : i32
            %get3A = arith.index_cast %add3A_476 : i32 to index
            %get3A_477 = arith.constant 48 : index
            %get3A_478 = tpu.vector_load %arg14[%get3A, %get3A_477] {strides = array<i32>} : memref<256x64xi32, #tpu.memory_space<vmem>>, vector<1x16xi32>,
            %get3A_479 = vector.shape_cast %get3A_478 : vector<1x16xi32> to vector<16xi32>
            %get3A_480 = arith.index_cast %add3A_476 : i32 to index
            %get3A_481 = arith.constant 48 : index
            %get3A_482 = tpu.vector_load %arg16[%get3A_480, %get3A_481] {strides = array<i32>} : memref<256x64xi32, #tpu.memory_space<vmem>>, vector<1x16xi32>,
            %get3A_483 = vector.shape_cast %get3A_482 : vector<1x16xi32> to vector<16xi32>
            %shift_left3A = arith.constant 16 : i32
            %shift_left3A_484 = vector.broadcast %shift_left3A : i32 to vector<16xi32>
            %shift_left3A_485 = arith.shli %get3A_479, %shift_left3A_484 : vector<16xi32>
            %bitcast_convert_type3A = tpu.bitcast %shift_left3A_485 : vector<16xi32> -> vector<16xf32>
            %add3A_486 = arith.addf %scan3A_468, %bitcast_convert_type3A : vector<16xf32>
            %and3A_487 = arith.andi %get3A_479, %broadcast_in_dim3A_225 : vector<16xi32>
            %bitcast_convert_type3A_488 = tpu.bitcast %and3A_487 : vector<16xi32> -> vector<16xf32>
            %add3A_489 = arith.addf %scan3A_469, %bitcast_convert_type3A_488 : vector<16xf32>
            %shift_left3A_490 = arith.constant 16 : i32
            %shift_left3A_491 = vector.broadcast %shift_left3A_490 : i32 to vector<16xi32>
            %shift_left3A_492 = arith.shli %get3A_483, %shift_left3A_491 : vector<16xi32>
            %bitcast_convert_type3A_493 = tpu.bitcast %shift_left3A_492 : vector<16xi32> -> vector<16xf32>
            %add3A_494 = arith.addf %scan3A_470, %bitcast_convert_type3A_493 : vector<16xf32>
            %and3A_495 = arith.andi %get3A_483, %broadcast_in_dim3A_225 : vector<16xi32>
            %bitcast_convert_type3A_496 = tpu.bitcast %and3A_495 : vector<16xi32> -> vector<16xf32>
            %add3A_497 = arith.addf %scan3A_471, %bitcast_convert_type3A_496 : vector<16xf32>
            %mul3A_498 = arith.constant 4 : i32
            %mul3A_499 = arith.muli %scan3A_467, %mul3A_498 : i32
            %add3A_500 = arith.addi %mul3A_339, %mul3A_499 : i32
            %add3A_501 = arith.constant 1 : i32
            %add3A_502 = arith.addi %add3A_500, %add3A_501 : i32
            %get3A_503 = arith.index_cast %add3A_502 : i32 to index
            %get3A_504 = arith.constant 48 : index
            %get3A_505 = tpu.vector_load %arg14[%get3A_503, %get3A_504] {strides = array<i32>} : memref<256x64xi32, #tpu.memory_space<vmem>>, vector<1x16xi32>,
            %get3A_506 = vector.shape_cast %get3A_505 : vector<1x16xi32> to vector<16xi32>
            %get3A_507 = arith.index_cast %add3A_502 : i32 to index
            %get3A_508 = arith.constant 48 : index
            %get3A_509 = tpu.vector_load %arg16[%get3A_507, %get3A_508] {strides = array<i32>} : memref<256x64xi32, #tpu.memory_space<vmem>>, vector<1x16xi32>,
            %get3A_510 = vector.shape_cast %get3A_509 : vector<1x16xi32> to vector<16xi32>
            %shift_left3A_511 = arith.constant 16 : i32
            %shift_left3A_512 = vector.broadcast %shift_left3A_511 : i32 to vector<16xi32>
            %shift_left3A_513 = arith.shli %get3A_506, %shift_left3A_512 : vector<16xi32>
            %bitcast_convert_type3A_514 = tpu.bitcast %shift_left3A_513 : vector<16xi32> -> vector<16xf32>
            %add3A_515 = arith.addf %add3A_486, %bitcast_convert_type3A_514 : vector<16xf32>
            %and3A_516 = arith.andi %get3A_506, %broadcast_in_dim3A_225 : vector<16xi32>
            %bitcast_convert_type3A_517 = tpu.bitcast %and3A_516 : vector<16xi32> -> vector<16xf32>
            %add3A_518 = arith.addf %add3A_489, %bitcast_convert_type3A_517 : vector<16xf32>
            %shift_left3A_519 = arith.constant 16 : i32
            %shift_left3A_520 = vector.broadcast %shift_left3A_519 : i32 to vector<16xi32>
            %shift_left3A_521 = arith.shli %get3A_510, %shift_left3A_520 : vector<16xi32>
            %bitcast_convert_type3A_522 = tpu.bitcast %shift_left3A_521 : vector<16xi32> -> vector<16xf32>
            %add3A_523 = arith.addf %add3A_494, %bitcast_convert_type3A_522 : vector<16xf32>
            %and3A_524 = arith.andi %get3A_510, %broadcast_in_dim3A_225 : vector<16xi32>
            %bitcast_convert_type3A_525 = tpu.bitcast %and3A_524 : vector<16xi32> -> vector<16xf32>
            %add3A_526 = arith.addf %add3A_497, %bitcast_convert_type3A_525 : vector<16xf32>
            %mul3A_527 = arith.constant 4 : i32
            %mul3A_528 = arith.muli %scan3A_467, %mul3A_527 : i32
            %add3A_529 = arith.addi %mul3A_339, %mul3A_528 : i32
            %add3A_530 = arith.constant 2 : i32
            %add3A_531 = arith.addi %add3A_529, %add3A_530 : i32
            %get3A_532 = arith.index_cast %add3A_531 : i32 to index
            %get3A_533 = arith.constant 48 : index
            %get3A_534 = tpu.vector_load %arg14[%get3A_532, %get3A_533] {strides = array<i32>} : memref<256x64xi32, #tpu.memory_space<vmem>>, vector<1x16xi32>,
            %get3A_535 = vector.shape_cast %get3A_534 : vector<1x16xi32> to vector<16xi32>
            %get3A_536 = arith.index_cast %add3A_531 : i32 to index
            %get3A_537 = arith.constant 48 : index
            %get3A_538 = tpu.vector_load %arg16[%get3A_536, %get3A_537] {strides = array<i32>} : memref<256x64xi32, #tpu.memory_space<vmem>>, vector<1x16xi32>,
            %get3A_539 = vector.shape_cast %get3A_538 : vector<1x16xi32> to vector<16xi32>
            %shift_left3A_540 = arith.constant 16 : i32
            %shift_left3A_541 = vector.broadcast %shift_left3A_540 : i32 to vector<16xi32>
            %shift_left3A_542 = arith.shli %get3A_535, %shift_left3A_541 : vector<16xi32>
            %bitcast_convert_type3A_543 = tpu.bitcast %shift_left3A_542 : vector<16xi32> -> vector<16xf32>
            %add3A_544 = arith.addf %add3A_515, %bitcast_convert_type3A_543 : vector<16xf32>
            %and3A_545 = arith.andi %get3A_535, %broadcast_in_dim3A_225 : vector<16xi32>
            %bitcast_convert_type3A_546 = tpu.bitcast %and3A_545 : vector<16xi32> -> vector<16xf32>
            %add3A_547 = arith.addf %add3A_518, %bitcast_convert_type3A_546 : vector<16xf32>
            %shift_left3A_548 = arith.constant 16 : i32
            %shift_left3A_549 = vector.broadcast %shift_left3A_548 : i32 to vector<16xi32>
            %shift_left3A_550 = arith.shli %get3A_539, %shift_left3A_549 : vector<16xi32>
            %bitcast_convert_type3A_551 = tpu.bitcast %shift_left3A_550 : vector<16xi32> -> vector<16xf32>
            %add3A_552 = arith.addf %add3A_523, %bitcast_convert_type3A_551 : vector<16xf32>
            %and3A_553 = arith.andi %get3A_539, %broadcast_in_dim3A_225 : vector<16xi32>
            %bitcast_convert_type3A_554 = tpu.bitcast %and3A_553 : vector<16xi32> -> vector<16xf32>
            %add3A_555 = arith.addf %add3A_526, %bitcast_convert_type3A_554 : vector<16xf32>
            %mul3A_556 = arith.constant 4 : i32
            %mul3A_557 = arith.muli %scan3A_467, %mul3A_556 : i32
            %add3A_558 = arith.addi %mul3A_339, %mul3A_557 : i32
            %add3A_559 = arith.constant 3 : i32
            %add3A_560 = arith.addi %add3A_558, %add3A_559 : i32
            %get3A_561 = arith.index_cast %add3A_560 : i32 to index
            %get3A_562 = arith.constant 48 : index
            %get3A_563 = tpu.vector_load %arg14[%get3A_561, %get3A_562] {strides = array<i32>} : memref<256x64xi32, #tpu.memory_space<vmem>>, vector<1x16xi32>,
            %get3A_564 = vector.shape_cast %get3A_563 : vector<1x16xi32> to vector<16xi32>
            %get3A_565 = arith.index_cast %add3A_560 : i32 to index
            %get3A_566 = arith.constant 48 : index
            %get3A_567 = tpu.vector_load %arg16[%get3A_565, %get3A_566] {strides = array<i32>} : memref<256x64xi32, #tpu.memory_space<vmem>>, vector<1x16xi32>,
            %get3A_568 = vector.shape_cast %get3A_567 : vector<1x16xi32> to vector<16xi32>
            %shift_left3A_569 = arith.constant 16 : i32
            %shift_left3A_570 = vector.broadcast %shift_left3A_569 : i32 to vector<16xi32>
            %shift_left3A_571 = arith.shli %get3A_564, %shift_left3A_570 : vector<16xi32>
            %bitcast_convert_type3A_572 = tpu.bitcast %shift_left3A_571 : vector<16xi32> -> vector<16xf32>
            %add3A_573 = arith.addf %add3A_544, %bitcast_convert_type3A_572 : vector<16xf32>
            %and3A_574 = arith.andi %get3A_564, %broadcast_in_dim3A_225 : vector<16xi32>
            %bitcast_convert_type3A_575 = tpu.bitcast %and3A_574 : vector<16xi32> -> vector<16xf32>
            %add3A_576 = arith.addf %add3A_547, %bitcast_convert_type3A_575 : vector<16xf32>
            %shift_left3A_577 = arith.constant 16 : i32
            %shift_left3A_578 = vector.broadcast %shift_left3A_577 : i32 to vector<16xi32>
            %shift_left3A_579 = arith.shli %get3A_568, %shift_left3A_578 : vector<16xi32>
            %bitcast_convert_type3A_580 = tpu.bitcast %shift_left3A_579 : vector<16xi32> -> vector<16xf32>
            %add3A_581 = arith.addf %add3A_552, %bitcast_convert_type3A_580 : vector<16xf32>
            %and3A_582 = arith.andi %get3A_568, %broadcast_in_dim3A_225 : vector<16xi32>
            %bitcast_convert_type3A_583 = tpu.bitcast %and3A_582 : vector<16xi32> -> vector<16xf32>
            %add3A_584 = arith.addf %add3A_555, %bitcast_convert_type3A_583 : vector<16xf32>
            scf.yield %add3A_573, %add3A_576, %add3A_581, %add3A_584 : vector<16xf32>, vector<16xf32>, vector<16xf32>, vector<16xf32>
          }
          %scan3A_442 = arith.constant 8 : i32
          %mul3A_443 = arith.mulf %scan3A_441#0, %broadcast_in_dim3A_119 : vector<16xf32>
          %swap3A_444 = arith.index_cast %scan3A_337 : i32 to index
          %swap3A_445 = arith.constant 96 : index
          %swap3A_446 = tpu.vector_load %arg18[%swap3A_444, %swap3A_445] {strides = array<i32>} : memref<8x128xf32, #tpu.memory_space<vmem>>, vector<1x16xf32>,
          %swap3A_447 = vector.shape_cast %swap3A_446 : vector<1x16xf32> to vector<16xf32>
          %swap3A_448 = vector.shape_cast %mul3A_443 : vector<16xf32> to vector<1x16xf32>
          tpu.vector_store %arg18[%swap3A_444, %swap3A_445], %swap3A_448 {strides = array<i32>} : memref<8x128xf32, #tpu.memory_space<vmem>>, vector<1x16xf32>,
          %mul3A_449 = arith.mulf %scan3A_441#1, %broadcast_in_dim3A_119 : vector<16xf32>
          %swap3A_450 = arith.index_cast %scan3A_337 : i32 to index
          %swap3A_451 = arith.constant 112 : index
          %swap3A_452 = tpu.vector_load %arg18[%swap3A_450, %swap3A_451] {strides = array<i32>} : memref<8x128xf32, #tpu.memory_space<vmem>>, vector<1x16xf32>,
          %swap3A_453 = vector.shape_cast %swap3A_452 : vector<1x16xf32> to vector<16xf32>
          %swap3A_454 = vector.shape_cast %mul3A_449 : vector<16xf32> to vector<1x16xf32>
          tpu.vector_store %arg18[%swap3A_450, %swap3A_451], %swap3A_454 {strides = array<i32>} : memref<8x128xf32, #tpu.memory_space<vmem>>, vector<1x16xf32>,
          %mul3A_455 = arith.mulf %scan3A_441#2, %broadcast_in_dim3A_119 : vector<16xf32>
          %swap3A_456 = arith.index_cast %scan3A_337 : i32 to index
          %swap3A_457 = arith.constant 96 : index
          %swap3A_458 = tpu.vector_load %arg20[%swap3A_456, %swap3A_457] {strides = array<i32>} : memref<8x128xf32, #tpu.memory_space<vmem>>, vector<1x16xf32>,
          %swap3A_459 = vector.shape_cast %swap3A_458 : vector<1x16xf32> to vector<16xf32>
          %swap3A_460 = vector.shape_cast %mul3A_455 : vector<16xf32> to vector<1x16xf32>
          tpu.vector_store %arg20[%swap3A_456, %swap3A_457], %swap3A_460 {strides = array<i32>} : memref<8x128xf32, #tpu.memory_space<vmem>>, vector<1x16xf32>,
          %mul3A_461 = arith.mulf %scan3A_441#3, %broadcast_in_dim3A_119 : vector<16xf32>
          %swap3A_462 = arith.index_cast %scan3A_337 : i32 to index
          %swap3A_463 = arith.constant 112 : index
          %swap3A_464 = tpu.vector_load %arg20[%swap3A_462, %swap3A_463] {strides = array<i32>} : memref<8x128xf32, #tpu.memory_space<vmem>>, vector<1x16xf32>,
          %swap3A_465 = vector.shape_cast %swap3A_464 : vector<1x16xf32> to vector<16xf32>
          %swap3A_466 = vector.shape_cast %mul3A_461 : vector<16xf32> to vector<1x16xf32>
          tpu.vector_store %arg20[%swap3A_462, %swap3A_463], %swap3A_466 {strides = array<i32>} : memref<8x128xf32, #tpu.memory_space<vmem>>, vector<1x16xf32>,
        }
        %scan3A_231 = arith.constant 8 : i32
        "tpu.trace_stop"() : () -> ()
        %dma_start3A_232 = arith.constant 0 : i32
        %dma_start3A_233 = tpu.memref_slice %arg6[%add3A_159, %dma_start3A_232] : memref<10240x64xi32, #tpu.memory_space<hbm>> -> memref<8x64xi32, #tpu.memory_space<hbm>>
        %dma_start3A_234 = arith.constant 0 : i32
        %dma_start3A_235 = tpu.memref_slice %arg6[%add3A_159, %dma_start3A_234] : memref<10240x64xi32, #tpu.memory_space<hbm>> -> memref<8x64xi32, #tpu.memory_space<hbm>>
        tpu.enqueue_dma source(%arg12 : memref<8x64xi32, #tpu.memory_space<vmem>>) target(%dma_start3A_235 : memref<8x64xi32, #tpu.memory_space<hbm>>) target_semaphore(%arg24 : memref<!tpu.dma_semaphore, #tpu.memory_space<semaphore_mem>>)
        %dma_start3A_236 = arith.constant 0 : i32
        %dma_start3A_237 = tpu.memref_slice %arg7[%add3A_159, %dma_start3A_236] : memref<10240x128xf32, #tpu.memory_space<hbm>> -> memref<8x128xf32, #tpu.memory_space<hbm>>
        %dma_start3A_238 = arith.constant 0 : i32
        %dma_start3A_239 = tpu.memref_slice %arg7[%add3A_159, %dma_start3A_238] : memref<10240x128xf32, #tpu.memory_space<hbm>> -> memref<8x128xf32, #tpu.memory_space<hbm>>
        tpu.enqueue_dma source(%arg18 : memref<8x128xf32, #tpu.memory_space<vmem>>) target(%dma_start3A_239 : memref<8x128xf32, #tpu.memory_space<hbm>>) target_semaphore(%arg24 : memref<!tpu.dma_semaphore, #tpu.memory_space<semaphore_mem>>)
        %dma_start3A_240 = arith.constant 0 : i32
        %dma_start3A_241 = tpu.memref_slice %arg8[%add3A_159, %dma_start3A_240] : memref<10240x128xf32, #tpu.memory_space<hbm>> -> memref<8x128xf32, #tpu.memory_space<hbm>>
        %dma_start3A_242 = arith.constant 0 : i32
        %dma_start3A_243 = tpu.memref_slice %arg8[%add3A_159, %dma_start3A_242] : memref<10240x128xf32, #tpu.memory_space<hbm>> -> memref<8x128xf32, #tpu.memory_space<hbm>>
        tpu.enqueue_dma source(%arg20 : memref<8x128xf32, #tpu.memory_space<vmem>>) target(%dma_start3A_243 : memref<8x128xf32, #tpu.memory_space<hbm>>) target_semaphore(%arg24 : memref<!tpu.dma_semaphore, #tpu.memory_space<semaphore_mem>>)
        %mul3A_244 = arith.constant 2 : i32
        %mul3A_245 = arith.muli %mul3A_244, %scan3A_152 : i32
        %add3A_246 = arith.constant 1 : i32
        %add3A_247 = arith.addi %mul3A_245, %add3A_246 : i32
        %mul3A_248 = arith.constant 8 : i32
        %mul3A_249 = arith.muli %add3A_247, %mul3A_248 : i32
        %add3A_250 = arith.addi %add3A_8, %mul3A_249 : i32
        "tpu.trace_start"() <{level = 10 : i32, message = "fire"}> : () -> ()
        %add3A_251 = arith.constant 1 : i32
        %add3A_252 = arith.addi %add3A_247, %add3A_251 : i32
        %lt3A_253 = arith.constant 40 : i32
        %lt3A_254 = arith.cmpi slt, %add3A_252, %lt3A_253 : i32
        %convert_element_type3A_255 = arith.extui %lt3A_254 : i1 to i32
        %cond3A_256 = arith.constant 0 : i32
        %cond3A_257 = arith.cmpi ne, %convert_element_type3A_255, %cond3A_256 : i32
        scf.if %cond3A_257 {
          %add3A_337 = arith.constant 1 : i32
          %add3A_338 = arith.addi %add3A_247, %add3A_337 : i32
          %dma_start3A_339 = arith.constant 0 : i32
          %dma_start3A_340 = tpu.memref_slice %arg9[%add3A_338, %dma_start3A_339] : memref<40x8xi32, #tpu.memory_space<vmem>> -> memref<1x8xi32, #tpu.memory_space<vmem>>
          %dma_start3A_341 = tpu.memref_squeeze %dma_start3A_340 : memref<1x8xi32, #tpu.memory_space<vmem>> -> memref<8xi32, #tpu.memory_space<vmem>>
          %dma_start3A_342 = arith.constant 0 : i32
          %dma_start3A_343 = arith.constant 0 : i32
          %dma_start3A_344 = tpu.memref_slice %arg5[%dma_start3A_342, %dma_start3A_343] : memref<10000x64xi32, #tpu.memory_space<hbm>> -> memref<10000x64xi32, #tpu.memory_space<hbm>>
          tpu.enqueue_indirect_dma source(%dma_start3A_344 : memref<10000x64xi32, #tpu.memory_space<hbm>>) target(%arg12 : memref<8x64xi32, #tpu.memory_space<vmem>>) offsets(%dma_start3A_341 : memref<8xi32, #tpu.memory_space<vmem>>) semaphore(%arg22 : memref<!tpu.dma_semaphore, #tpu.memory_space<semaphore_mem>>)
          %mul3A_345 = arith.constant 2 : i32
          %mul3A_346 = arith.muli %mul3A_345, %add3A_338 : i32
          %dma_start3A_347 = arith.constant 0 : i32
          %dma_start3A_348 = arith.constant 0 : i32
          %dma_start3A_349 = tpu.memref_slice %arg14[%dma_start3A_347, %dma_start3A_348] : memref<256x64xi32, #tpu.memory_space<vmem>> -> memref<128x64xi32, #tpu.memory_space<vmem>>
          %dma_start3A_350 = arith.constant 0 : i32
          %dma_start3A_351 = tpu.memref_slice %arg10[%mul3A_346, %dma_start3A_350] : memref<80x128xi32, #tpu.memory_space<vmem>> -> memref<1x128xi32, #tpu.memory_space<vmem>>
          %dma_start3A_352 = tpu.memref_squeeze %dma_start3A_351 : memref<1x128xi32, #tpu.memory_space<vmem>> -> memref<128xi32, #tpu.memory_space<vmem>>
          %dma_start3A_353 = arith.constant 0 : i32
          %dma_start3A_354 = arith.constant 0 : i32
          %dma_start3A_355 = tpu.memref_slice %arg5[%dma_start3A_353, %dma_start3A_354] : memref<10000x64xi32, #tpu.memory_space<hbm>> -> memref<10000x64xi32, #tpu.memory_space<hbm>>
          tpu.enqueue_indirect_dma source(%dma_start3A_355 : memref<10000x64xi32, #tpu.memory_space<hbm>>) target(%dma_start3A_349 : memref<128x64xi32, #tpu.memory_space<vmem>>) offsets(%dma_start3A_352 : memref<128xi32, #tpu.memory_space<vmem>>) semaphore(%arg22 : memref<!tpu.dma_semaphore, #tpu.memory_space<semaphore_mem>>)
          %mul3A_356 = arith.constant 2 : i32
          %mul3A_357 = arith.muli %mul3A_356, %add3A_338 : i32
          %add3A_358 = arith.constant 1 : i32
          %add3A_359 = arith.addi %mul3A_357, %add3A_358 : i32
          %dma_start3A_360 = arith.constant 128 : i32
          %dma_start3A_361 = arith.constant 0 : i32
          %dma_start3A_362 = tpu.memref_slice %arg14[%dma_start3A_360, %dma_start3A_361] : memref<256x64xi32, #tpu.memory_space<vmem>> -> memref<128x64xi32, #tpu.memory_space<vmem>>
          %dma_start3A_363 = arith.constant 0 : i32
          %dma_start3A_364 = tpu.memref_slice %arg10[%add3A_359, %dma_start3A_363] : memref<80x128xi32, #tpu.memory_space<vmem>> -> memref<1x128xi32, #tpu.memory_space<vmem>>
          %dma_start3A_365 = tpu.memref_squeeze %dma_start3A_364 : memref<1x128xi32, #tpu.memory_space<vmem>> -> memref<128xi32, #tpu.memory_space<vmem>>
          %dma_start3A_366 = arith.constant 0 : i32
          %dma_start3A_367 = arith.constant 0 : i32
          %dma_start3A_368 = tpu.memref_slice %arg5[%dma_start3A_366, %dma_start3A_367] : memref<10000x64xi32, #tpu.memory_space<hbm>> -> memref<10000x64xi32, #tpu.memory_space<hbm>>
          tpu.enqueue_indirect_dma source(%dma_start3A_368 : memref<10000x64xi32, #tpu.memory_space<hbm>>) target(%dma_start3A_362 : memref<128x64xi32, #tpu.memory_space<vmem>>) offsets(%dma_start3A_365 : memref<128xi32, #tpu.memory_space<vmem>>) semaphore(%arg22 : memref<!tpu.dma_semaphore, #tpu.memory_space<semaphore_mem>>)
          %mul3A_369 = arith.constant 2 : i32
          %mul3A_370 = arith.muli %mul3A_369, %add3A_338 : i32
          %dma_start3A_371 = arith.constant 0 : i32
          %dma_start3A_372 = arith.constant 0 : i32
          %dma_start3A_373 = tpu.memref_slice %arg16[%dma_start3A_371, %dma_start3A_372] : memref<256x64xi32, #tpu.memory_space<vmem>> -> memref<128x64xi32, #tpu.memory_space<vmem>>
          %dma_start3A_374 = arith.constant 0 : i32
          %dma_start3A_375 = tpu.memref_slice %arg11[%mul3A_370, %dma_start3A_374] : memref<80x128xi32, #tpu.memory_space<vmem>> -> memref<1x128xi32, #tpu.memory_space<vmem>>
          %dma_start3A_376 = tpu.memref_squeeze %dma_start3A_375 : memref<1x128xi32, #tpu.memory_space<vmem>> -> memref<128xi32, #tpu.memory_space<vmem>>
          %dma_start3A_377 = arith.constant 0 : i32
          %dma_start3A_378 = arith.constant 0 : i32
          %dma_start3A_379 = tpu.memref_slice %arg5[%dma_start3A_377, %dma_start3A_378] : memref<10000x64xi32, #tpu.memory_space<hbm>> -> memref<10000x64xi32, #tpu.memory_space<hbm>>
          tpu.enqueue_indirect_dma source(%dma_start3A_379 : memref<10000x64xi32, #tpu.memory_space<hbm>>) target(%dma_start3A_373 : memref<128x64xi32, #tpu.memory_space<vmem>>) offsets(%dma_start3A_376 : memref<128xi32, #tpu.memory_space<vmem>>) semaphore(%arg22 : memref<!tpu.dma_semaphore, #tpu.memory_space<semaphore_mem>>)
          %mul3A_380 = arith.constant 2 : i32
          %mul3A_381 = arith.muli %mul3A_380, %add3A_338 : i32
          %add3A_382 = arith.constant 1 : i32
          %add3A_383 = arith.addi %mul3A_381, %add3A_382 : i32
          %dma_start3A_384 = arith.constant 128 : i32
          %dma_start3A_385 = arith.constant 0 : i32
          %dma_start3A_386 = tpu.memref_slice %arg16[%dma_start3A_384, %dma_start3A_385] : memref<256x64xi32, #tpu.memory_space<vmem>> -> memref<128x64xi32, #tpu.memory_space<vmem>>
          %dma_start3A_387 = arith.constant 0 : i32
          %dma_start3A_388 = tpu.memref_slice %arg11[%add3A_383, %dma_start3A_387] : memref<80x128xi32, #tpu.memory_space<vmem>> -> memref<1x128xi32, #tpu.memory_space<vmem>>
          %dma_start3A_389 = tpu.memref_squeeze %dma_start3A_388 : memref<1x128xi32, #tpu.memory_space<vmem>> -> memref<128xi32, #tpu.memory_space<vmem>>
          %dma_start3A_390 = arith.constant 0 : i32
          %dma_start3A_391 = arith.constant 0 : i32
          %dma_start3A_392 = tpu.memref_slice %arg5[%dma_start3A_390, %dma_start3A_391] : memref<10000x64xi32, #tpu.memory_space<hbm>> -> memref<10000x64xi32, #tpu.memory_space<hbm>>
          tpu.enqueue_indirect_dma source(%dma_start3A_392 : memref<10000x64xi32, #tpu.memory_space<hbm>>) target(%dma_start3A_386 : memref<128x64xi32, #tpu.memory_space<vmem>>) offsets(%dma_start3A_389 : memref<128xi32, #tpu.memory_space<vmem>>) semaphore(%arg22 : memref<!tpu.dma_semaphore, #tpu.memory_space<semaphore_mem>>)
        } else {
        }
        "tpu.trace_stop"() : () -> ()
        "tpu.trace_start"() <{level = 10 : i32, message = "gwait"}> : () -> ()
        %mul3A_258 = arith.constant 2 : i32
        %mul3A_259 = arith.muli %mul3A_258, %add3A_247 : i32
        %mul3A_260 = arith.constant 2 : i32
        %mul3A_261 = arith.muli %mul3A_260, %add3A_247 : i32
        %add3A_262 = arith.constant 1 : i32
        %add3A_263 = arith.addi %mul3A_261, %add3A_262 : i32
        %mul3A_264 = arith.constant 2 : i32
        %mul3A_265 = arith.muli %mul3A_264, %add3A_247 : i32
        %mul3A_266 = arith.constant 2 : i32
        %mul3A_267 = arith.muli %mul3A_266, %add3A_247 : i32
        %add3A_268 = arith.constant 1 : i32
        %add3A_269 = arith.addi %mul3A_267, %add3A_268 : i32
        %dma_wait3A_270 = arith.constant 0 : i32
        %dma_wait3A_271 = tpu.memref_slice %arg9[%add3A_247, %dma_wait3A_270] : memref<40x8xi32, #tpu.memory_space<vmem>> -> memref<1x8xi32, #tpu.memory_space<vmem>>
        %dma_wait3A_272 = tpu.memref_squeeze %dma_wait3A_271 : memref<1x8xi32, #tpu.memory_space<vmem>> -> memref<8xi32, #tpu.memory_space<vmem>>
        %dma_wait3A_273 = arith.constant 0 : i32
        %dma_wait3A_274 = arith.constant 0 : i32
        %dma_wait3A_275 = tpu.memref_slice %arg5[%dma_wait3A_273, %dma_wait3A_274] : memref<10000x64xi32, #tpu.memory_space<hbm>> -> memref<10000x64xi32, #tpu.memory_space<hbm>>
        tpu.wait_indirect_dma semaphore(%arg23 : memref<!tpu.dma_semaphore, #tpu.memory_space<semaphore_mem>>) src(%dma_wait3A_275 : memref<10000x64xi32, #tpu.memory_space<hbm>>) dst(%arg13 : memref<8x64xi32, #tpu.memory_space<vmem>>)
        %dma_wait3A_276 = arith.constant 0 : i32
        %dma_wait3A_277 = arith.constant 0 : i32
        %dma_wait3A_278 = tpu.memref_slice %arg15[%dma_wait3A_276, %dma_wait3A_277] : memref<256x64xi32, #tpu.memory_space<vmem>> -> memref<128x64xi32, #tpu.memory_space<vmem>>
        %dma_wait3A_279 = arith.constant 0 : i32
        %dma_wait3A_280 = tpu.memref_slice %arg10[%mul3A_259, %dma_wait3A_279] : memref<80x128xi32, #tpu.memory_space<vmem>> -> memref<1x128xi32, #tpu.memory_space<vmem>>
        %dma_wait3A_281 = tpu.memref_squeeze %dma_wait3A_280 : memref<1x128xi32, #tpu.memory_space<vmem>> -> memref<128xi32, #tpu.memory_space<vmem>>
        %dma_wait3A_282 = arith.constant 0 : i32
        %dma_wait3A_283 = arith.constant 0 : i32
        %dma_wait3A_284 = tpu.memref_slice %arg5[%dma_wait3A_282, %dma_wait3A_283] : memref<10000x64xi32, #tpu.memory_space<hbm>> -> memref<10000x64xi32, #tpu.memory_space<hbm>>
        tpu.wait_indirect_dma semaphore(%arg23 : memref<!tpu.dma_semaphore, #tpu.memory_space<semaphore_mem>>) src(%dma_wait3A_284 : memref<10000x64xi32, #tpu.memory_space<hbm>>) dst(%dma_wait3A_278 : memref<128x64xi32, #tpu.memory_space<vmem>>)
        %dma_wait3A_285 = arith.constant 128 : i32
        %dma_wait3A_286 = arith.constant 0 : i32
        %dma_wait3A_287 = tpu.memref_slice %arg15[%dma_wait3A_285, %dma_wait3A_286] : memref<256x64xi32, #tpu.memory_space<vmem>> -> memref<128x64xi32, #tpu.memory_space<vmem>>
        %dma_wait3A_288 = arith.constant 0 : i32
        %dma_wait3A_289 = tpu.memref_slice %arg10[%add3A_263, %dma_wait3A_288] : memref<80x128xi32, #tpu.memory_space<vmem>> -> memref<1x128xi32, #tpu.memory_space<vmem>>
        %dma_wait3A_290 = tpu.memref_squeeze %dma_wait3A_289 : memref<1x128xi32, #tpu.memory_space<vmem>> -> memref<128xi32, #tpu.memory_space<vmem>>
        %dma_wait3A_291 = arith.constant 0 : i32
        %dma_wait3A_292 = arith.constant 0 : i32
        %dma_wait3A_293 = tpu.memref_slice %arg5[%dma_wait3A_291, %dma_wait3A_292] : memref<10000x64xi32, #tpu.memory_space<hbm>> -> memref<10000x64xi32, #tpu.memory_space<hbm>>
        tpu.wait_indirect_dma semaphore(%arg23 : memref<!tpu.dma_semaphore, #tpu.memory_space<semaphore_mem>>) src(%dma_wait3A_293 : memref<10000x64xi32, #tpu.memory_space<hbm>>) dst(%dma_wait3A_287 : memref<128x64xi32, #tpu.memory_space<vmem>>)
        %dma_wait3A_294 = arith.constant 0 : i32
        %dma_wait3A_295 = arith.constant 0 : i32
        %dma_wait3A_296 = tpu.memref_slice %arg17[%dma_wait3A_294, %dma_wait3A_295] : memref<256x64xi32, #tpu.memory_space<vmem>> -> memref<128x64xi32, #tpu.memory_space<vmem>>
        %dma_wait3A_297 = arith.constant 0 : i32
        %dma_wait3A_298 = tpu.memref_slice %arg11[%mul3A_265, %dma_wait3A_297] : memref<80x128xi32, #tpu.memory_space<vmem>> -> memref<1x128xi32, #tpu.memory_space<vmem>>
        %dma_wait3A_299 = tpu.memref_squeeze %dma_wait3A_298 : memref<1x128xi32, #tpu.memory_space<vmem>> -> memref<128xi32, #tpu.memory_space<vmem>>
        %dma_wait3A_300 = arith.constant 0 : i32
        %dma_wait3A_301 = arith.constant 0 : i32
        %dma_wait3A_302 = tpu.memref_slice %arg5[%dma_wait3A_300, %dma_wait3A_301] : memref<10000x64xi32, #tpu.memory_space<hbm>> -> memref<10000x64xi32, #tpu.memory_space<hbm>>
        tpu.wait_indirect_dma semaphore(%arg23 : memref<!tpu.dma_semaphore, #tpu.memory_space<semaphore_mem>>) src(%dma_wait3A_302 : memref<10000x64xi32, #tpu.memory_space<hbm>>) dst(%dma_wait3A_296 : memref<128x64xi32, #tpu.memory_space<vmem>>)
        %dma_wait3A_303 = arith.constant 128 : i32
        %dma_wait3A_304 = arith.constant 0 : i32
        %dma_wait3A_305 = tpu.memref_slice %arg17[%dma_wait3A_303, %dma_wait3A_304] : memref<256x64xi32, #tpu.memory_space<vmem>> -> memref<128x64xi32, #tpu.memory_space<vmem>>
        %dma_wait3A_306 = arith.constant 0 : i32
        %dma_wait3A_307 = tpu.memref_slice %arg11[%add3A_269, %dma_wait3A_306] : memref<80x128xi32, #tpu.memory_space<vmem>> -> memref<1x128xi32, #tpu.memory_space<vmem>>
        %dma_wait3A_308 = tpu.memref_squeeze %dma_wait3A_307 : memref<1x128xi32, #tpu.memory_space<vmem>> -> memref<128xi32, #tpu.memory_space<vmem>>
        %dma_wait3A_309 = arith.constant 0 : i32
        %dma_wait3A_310 = arith.constant 0 : i32
        %dma_wait3A_311 = tpu.memref_slice %arg5[%dma_wait3A_309, %dma_wait3A_310] : memref<10000x64xi32, #tpu.memory_space<hbm>> -> memref<10000x64xi32, #tpu.memory_space<hbm>>
        tpu.wait_indirect_dma semaphore(%arg23 : memref<!tpu.dma_semaphore, #tpu.memory_space<semaphore_mem>>) src(%dma_wait3A_311 : memref<10000x64xi32, #tpu.memory_space<hbm>>) dst(%dma_wait3A_305 : memref<128x64xi32, #tpu.memory_space<vmem>>)
        %ge3A_312 = arith.constant 2 : i32
        "tpu.trace_stop"() : () -> ()
        "tpu.trace_start"() <{level = 10 : i32, message = "wbwait"}> : () -> ()
        %ge3A_313 = arith.cmpi sge, %add3A_247, %ge3A_312 : i32
        %convert_element_type3A_314 = arith.extui %ge3A_313 : i1 to i32
        %cond3A_315 = arith.constant 0 : i32
        %cond3A_316 = arith.cmpi ne, %convert_element_type3A_314, %cond3A_315 : i32
        scf.if %cond3A_316 {
          %dma_wait3A_337 = arith.constant 0 : i32
          %dma_wait3A_338 = tpu.memref_slice %arg6[%add3A_250, %dma_wait3A_337] : memref<10240x64xi32, #tpu.memory_space<hbm>> -> memref<8x64xi32, #tpu.memory_space<hbm>>
          %dma_wait3A_339 = arith.constant 0 : i32
          %dma_wait3A_340 = tpu.memref_slice %arg6[%add3A_250, %dma_wait3A_339] : memref<10240x64xi32, #tpu.memory_space<hbm>> -> memref<8x64xi32, #tpu.memory_space<hbm>>
          tpu.wait_dma2 semaphore(%arg25 : memref<!tpu.dma_semaphore, #tpu.memory_space<semaphore_mem>>) src(%arg13 : memref<8x64xi32, #tpu.memory_space<vmem>>) dst(%dma_wait3A_340 : memref<8x64xi32, #tpu.memory_space<hbm>>)
          %dma_wait3A_341 = arith.constant 0 : i32
          %dma_wait3A_342 = tpu.memref_slice %arg7[%add3A_250, %dma_wait3A_341] : memref<10240x128xf32, #tpu.memory_space<hbm>> -> memref<8x128xf32, #tpu.memory_space<hbm>>
          %dma_wait3A_343 = arith.constant 0 : i32
          %dma_wait3A_344 = tpu.memref_slice %arg7[%add3A_250, %dma_wait3A_343] : memref<10240x128xf32, #tpu.memory_space<hbm>> -> memref<8x128xf32, #tpu.memory_space<hbm>>
          tpu.wait_dma2 semaphore(%arg25 : memref<!tpu.dma_semaphore, #tpu.memory_space<semaphore_mem>>) src(%arg19 : memref<8x128xf32, #tpu.memory_space<vmem>>) dst(%dma_wait3A_344 : memref<8x128xf32, #tpu.memory_space<hbm>>)
          %dma_wait3A_345 = arith.constant 0 : i32
          %dma_wait3A_346 = tpu.memref_slice %arg8[%add3A_250, %dma_wait3A_345] : memref<10240x128xf32, #tpu.memory_space<hbm>> -> memref<8x128xf32, #tpu.memory_space<hbm>>
          %dma_wait3A_347 = arith.constant 0 : i32
          %dma_wait3A_348 = tpu.memref_slice %arg8[%add3A_250, %dma_wait3A_347] : memref<10240x128xf32, #tpu.memory_space<hbm>> -> memref<8x128xf32, #tpu.memory_space<hbm>>
          tpu.wait_dma2 semaphore(%arg25 : memref<!tpu.dma_semaphore, #tpu.memory_space<semaphore_mem>>) src(%arg21 : memref<8x128xf32, #tpu.memory_space<vmem>>) dst(%dma_wait3A_348 : memref<8x128xf32, #tpu.memory_space<hbm>>)
        } else {
        }
        %broadcast_in_dim3A_317 = arith.constant -65536 : i32
        "tpu.trace_stop"() : () -> ()
        %broadcast_in_dim3A_318 = vector.broadcast %broadcast_in_dim3A_317 : i32 to vector<16xi32>
        "tpu.trace_start"() <{level = 10 : i32, message = "acc"}> : () -> ()
        %scan3A_319 = arith.constant 0 : i32
        %scan3A_320 = arith.constant 0 : i32
        %scan3A_321 = arith.constant 8 : i32
        %scan3A_322 = arith.addi %scan3A_320, %scan3A_321 : i32
        %scan3A_323 = arith.constant 1 : i32
        scf.for %scan3A_337 = %scan3A_320 to %scan3A_322 step %scan3A_323  : i32 {
          %mul3A_338 = arith.constant 32 : i32
          %mul3A_339 = arith.muli %scan3A_337, %mul3A_338 : i32
          %broadcast_in_dim3A_340 = arith.constant 0.000000e+00 : f32
          %broadcast_in_dim3A_341 = vector.broadcast %broadcast_in_dim3A_340 : f32 to vector<16xf32>
          %scan3A_342 = arith.constant 0 : i32
          %scan3A_343 = arith.constant 8 : i32
          %scan3A_344 = arith.addi %scan3A_342, %scan3A_343 : i32
          %scan3A_345 = arith.constant 1 : i32
          %scan3A_346:4 = scf.for %scan3A_467 = %scan3A_342 to %scan3A_344 step %scan3A_345 iter_args(%scan3A_468 = %broadcast_in_dim3A_341, %scan3A_469 = %broadcast_in_dim3A_341, %scan3A_470 = %broadcast_in_dim3A_341, %scan3A_471 = %broadcast_in_dim3A_341) -> (vector<16xf32>, vector<16xf32>, vector<16xf32>, vector<16xf32>)  : i32 {
            %mul3A_472 = arith.constant 4 : i32
            %mul3A_473 = arith.muli %scan3A_467, %mul3A_472 : i32
            %add3A_474 = arith.addi %mul3A_339, %mul3A_473 : i32
            %add3A_475 = arith.constant 0 : i32
            %add3A_476 = arith.addi %add3A_474, %add3A_475 : i32
            %get3A = arith.index_cast %add3A_476 : i32 to index
            %get3A_477 = arith.constant 0 : index
            %get3A_478 = tpu.vector_load %arg15[%get3A, %get3A_477] {strides = array<i32>} : memref<256x64xi32, #tpu.memory_space<vmem>>, vector<1x16xi32>,
            %get3A_479 = vector.shape_cast %get3A_478 : vector<1x16xi32> to vector<16xi32>
            %get3A_480 = arith.index_cast %add3A_476 : i32 to index
            %get3A_481 = arith.constant 0 : index
            %get3A_482 = tpu.vector_load %arg17[%get3A_480, %get3A_481] {strides = array<i32>} : memref<256x64xi32, #tpu.memory_space<vmem>>, vector<1x16xi32>,
            %get3A_483 = vector.shape_cast %get3A_482 : vector<1x16xi32> to vector<16xi32>
            %shift_left3A = arith.constant 16 : i32
            %shift_left3A_484 = vector.broadcast %shift_left3A : i32 to vector<16xi32>
            %shift_left3A_485 = arith.shli %get3A_479, %shift_left3A_484 : vector<16xi32>
            %bitcast_convert_type3A = tpu.bitcast %shift_left3A_485 : vector<16xi32> -> vector<16xf32>
            %add3A_486 = arith.addf %scan3A_468, %bitcast_convert_type3A : vector<16xf32>
            %and3A_487 = arith.andi %get3A_479, %broadcast_in_dim3A_318 : vector<16xi32>
            %bitcast_convert_type3A_488 = tpu.bitcast %and3A_487 : vector<16xi32> -> vector<16xf32>
            %add3A_489 = arith.addf %scan3A_469, %bitcast_convert_type3A_488 : vector<16xf32>
            %shift_left3A_490 = arith.constant 16 : i32
            %shift_left3A_491 = vector.broadcast %shift_left3A_490 : i32 to vector<16xi32>
            %shift_left3A_492 = arith.shli %get3A_483, %shift_left3A_491 : vector<16xi32>
            %bitcast_convert_type3A_493 = tpu.bitcast %shift_left3A_492 : vector<16xi32> -> vector<16xf32>
            %add3A_494 = arith.addf %scan3A_470, %bitcast_convert_type3A_493 : vector<16xf32>
            %and3A_495 = arith.andi %get3A_483, %broadcast_in_dim3A_318 : vector<16xi32>
            %bitcast_convert_type3A_496 = tpu.bitcast %and3A_495 : vector<16xi32> -> vector<16xf32>
            %add3A_497 = arith.addf %scan3A_471, %bitcast_convert_type3A_496 : vector<16xf32>
            %mul3A_498 = arith.constant 4 : i32
            %mul3A_499 = arith.muli %scan3A_467, %mul3A_498 : i32
            %add3A_500 = arith.addi %mul3A_339, %mul3A_499 : i32
            %add3A_501 = arith.constant 1 : i32
            %add3A_502 = arith.addi %add3A_500, %add3A_501 : i32
            %get3A_503 = arith.index_cast %add3A_502 : i32 to index
            %get3A_504 = arith.constant 0 : index
            %get3A_505 = tpu.vector_load %arg15[%get3A_503, %get3A_504] {strides = array<i32>} : memref<256x64xi32, #tpu.memory_space<vmem>>, vector<1x16xi32>,
            %get3A_506 = vector.shape_cast %get3A_505 : vector<1x16xi32> to vector<16xi32>
            %get3A_507 = arith.index_cast %add3A_502 : i32 to index
            %get3A_508 = arith.constant 0 : index
            %get3A_509 = tpu.vector_load %arg17[%get3A_507, %get3A_508] {strides = array<i32>} : memref<256x64xi32, #tpu.memory_space<vmem>>, vector<1x16xi32>,
            %get3A_510 = vector.shape_cast %get3A_509 : vector<1x16xi32> to vector<16xi32>
            %shift_left3A_511 = arith.constant 16 : i32
            %shift_left3A_512 = vector.broadcast %shift_left3A_511 : i32 to vector<16xi32>
            %shift_left3A_513 = arith.shli %get3A_506, %shift_left3A_512 : vector<16xi32>
            %bitcast_convert_type3A_514 = tpu.bitcast %shift_left3A_513 : vector<16xi32> -> vector<16xf32>
            %add3A_515 = arith.addf %add3A_486, %bitcast_convert_type3A_514 : vector<16xf32>
            %and3A_516 = arith.andi %get3A_506, %broadcast_in_dim3A_318 : vector<16xi32>
            %bitcast_convert_type3A_517 = tpu.bitcast %and3A_516 : vector<16xi32> -> vector<16xf32>
            %add3A_518 = arith.addf %add3A_489, %bitcast_convert_type3A_517 : vector<16xf32>
            %shift_left3A_519 = arith.constant 16 : i32
            %shift_left3A_520 = vector.broadcast %shift_left3A_519 : i32 to vector<16xi32>
            %shift_left3A_521 = arith.shli %get3A_510, %shift_left3A_520 : vector<16xi32>
            %bitcast_convert_type3A_522 = tpu.bitcast %shift_left3A_521 : vector<16xi32> -> vector<16xf32>
            %add3A_523 = arith.addf %add3A_494, %bitcast_convert_type3A_522 : vector<16xf32>
            %and3A_524 = arith.andi %get3A_510, %broadcast_in_dim3A_318 : vector<16xi32>
            %bitcast_convert_type3A_525 = tpu.bitcast %and3A_524 : vector<16xi32> -> vector<16xf32>
            %add3A_526 = arith.addf %add3A_497, %bitcast_convert_type3A_525 : vector<16xf32>
            %mul3A_527 = arith.constant 4 : i32
            %mul3A_528 = arith.muli %scan3A_467, %mul3A_527 : i32
            %add3A_529 = arith.addi %mul3A_339, %mul3A_528 : i32
            %add3A_530 = arith.constant 2 : i32
            %add3A_531 = arith.addi %add3A_529, %add3A_530 : i32
            %get3A_532 = arith.index_cast %add3A_531 : i32 to index
            %get3A_533 = arith.constant 0 : index
            %get3A_534 = tpu.vector_load %arg15[%get3A_532, %get3A_533] {strides = array<i32>} : memref<256x64xi32, #tpu.memory_space<vmem>>, vector<1x16xi32>,
            %get3A_535 = vector.shape_cast %get3A_534 : vector<1x16xi32> to vector<16xi32>
            %get3A_536 = arith.index_cast %add3A_531 : i32 to index
            %get3A_537 = arith.constant 0 : index
            %get3A_538 = tpu.vector_load %arg17[%get3A_536, %get3A_537] {strides = array<i32>} : memref<256x64xi32, #tpu.memory_space<vmem>>, vector<1x16xi32>,
            %get3A_539 = vector.shape_cast %get3A_538 : vector<1x16xi32> to vector<16xi32>
            %shift_left3A_540 = arith.constant 16 : i32
            %shift_left3A_541 = vector.broadcast %shift_left3A_540 : i32 to vector<16xi32>
            %shift_left3A_542 = arith.shli %get3A_535, %shift_left3A_541 : vector<16xi32>
            %bitcast_convert_type3A_543 = tpu.bitcast %shift_left3A_542 : vector<16xi32> -> vector<16xf32>
            %add3A_544 = arith.addf %add3A_515, %bitcast_convert_type3A_543 : vector<16xf32>
            %and3A_545 = arith.andi %get3A_535, %broadcast_in_dim3A_318 : vector<16xi32>
            %bitcast_convert_type3A_546 = tpu.bitcast %and3A_545 : vector<16xi32> -> vector<16xf32>
            %add3A_547 = arith.addf %add3A_518, %bitcast_convert_type3A_546 : vector<16xf32>
            %shift_left3A_548 = arith.constant 16 : i32
            %shift_left3A_549 = vector.broadcast %shift_left3A_548 : i32 to vector<16xi32>
            %shift_left3A_550 = arith.shli %get3A_539, %shift_left3A_549 : vector<16xi32>
            %bitcast_convert_type3A_551 = tpu.bitcast %shift_left3A_550 : vector<16xi32> -> vector<16xf32>
            %add3A_552 = arith.addf %add3A_523, %bitcast_convert_type3A_551 : vector<16xf32>
            %and3A_553 = arith.andi %get3A_539, %broadcast_in_dim3A_318 : vector<16xi32>
            %bitcast_convert_type3A_554 = tpu.bitcast %and3A_553 : vector<16xi32> -> vector<16xf32>
            %add3A_555 = arith.addf %add3A_526, %bitcast_convert_type3A_554 : vector<16xf32>
            %mul3A_556 = arith.constant 4 : i32
            %mul3A_557 = arith.muli %scan3A_467, %mul3A_556 : i32
            %add3A_558 = arith.addi %mul3A_339, %mul3A_557 : i32
            %add3A_559 = arith.constant 3 : i32
            %add3A_560 = arith.addi %add3A_558, %add3A_559 : i32
            %get3A_561 = arith.index_cast %add3A_560 : i32 to index
            %get3A_562 = arith.constant 0 : index
            %get3A_563 = tpu.vector_load %arg15[%get3A_561, %get3A_562] {strides = array<i32>} : memref<256x64xi32, #tpu.memory_space<vmem>>, vector<1x16xi32>,
            %get3A_564 = vector.shape_cast %get3A_563 : vector<1x16xi32> to vector<16xi32>
            %get3A_565 = arith.index_cast %add3A_560 : i32 to index
            %get3A_566 = arith.constant 0 : index
            %get3A_567 = tpu.vector_load %arg17[%get3A_565, %get3A_566] {strides = array<i32>} : memref<256x64xi32, #tpu.memory_space<vmem>>, vector<1x16xi32>,
            %get3A_568 = vector.shape_cast %get3A_567 : vector<1x16xi32> to vector<16xi32>
            %shift_left3A_569 = arith.constant 16 : i32
            %shift_left3A_570 = vector.broadcast %shift_left3A_569 : i32 to vector<16xi32>
            %shift_left3A_571 = arith.shli %get3A_564, %shift_left3A_570 : vector<16xi32>
            %bitcast_convert_type3A_572 = tpu.bitcast %shift_left3A_571 : vector<16xi32> -> vector<16xf32>
            %add3A_573 = arith.addf %add3A_544, %bitcast_convert_type3A_572 : vector<16xf32>
            %and3A_574 = arith.andi %get3A_564, %broadcast_in_dim3A_318 : vector<16xi32>
            %bitcast_convert_type3A_575 = tpu.bitcast %and3A_574 : vector<16xi32> -> vector<16xf32>
            %add3A_576 = arith.addf %add3A_547, %bitcast_convert_type3A_575 : vector<16xf32>
            %shift_left3A_577 = arith.constant 16 : i32
            %shift_left3A_578 = vector.broadcast %shift_left3A_577 : i32 to vector<16xi32>
            %shift_left3A_579 = arith.shli %get3A_568, %shift_left3A_578 : vector<16xi32>
            %bitcast_convert_type3A_580 = tpu.bitcast %shift_left3A_579 : vector<16xi32> -> vector<16xf32>
            %add3A_581 = arith.addf %add3A_552, %bitcast_convert_type3A_580 : vector<16xf32>
            %and3A_582 = arith.andi %get3A_568, %broadcast_in_dim3A_318 : vector<16xi32>
            %bitcast_convert_type3A_583 = tpu.bitcast %and3A_582 : vector<16xi32> -> vector<16xf32>
            %add3A_584 = arith.addf %add3A_555, %bitcast_convert_type3A_583 : vector<16xf32>
            scf.yield %add3A_573, %add3A_576, %add3A_581, %add3A_584 : vector<16xf32>, vector<16xf32>, vector<16xf32>, vector<16xf32>
          }
          %scan3A_347 = arith.constant 8 : i32
          %mul3A_348 = arith.mulf %scan3A_346#0, %broadcast_in_dim3A_119 : vector<16xf32>
          %swap3A = arith.index_cast %scan3A_337 : i32 to index
          %swap3A_349 = arith.constant 0 : index
          %swap3A_350 = tpu.vector_load %arg19[%swap3A, %swap3A_349] {strides = array<i32>} : memref<8x128xf32, #tpu.memory_space<vmem>>, vector<1x16xf32>,
          %swap3A_351 = vector.shape_cast %swap3A_350 : vector<1x16xf32> to vector<16xf32>
          %swap3A_352 = vector.shape_cast %mul3A_348 : vector<16xf32> to vector<1x16xf32>
          tpu.vector_store %arg19[%swap3A, %swap3A_349], %swap3A_352 {strides = array<i32>} : memref<8x128xf32, #tpu.memory_space<vmem>>, vector<1x16xf32>,
          %mul3A_353 = arith.mulf %scan3A_346#1, %broadcast_in_dim3A_119 : vector<16xf32>
          %swap3A_354 = arith.index_cast %scan3A_337 : i32 to index
          %swap3A_355 = arith.constant 16 : index
          %swap3A_356 = tpu.vector_load %arg19[%swap3A_354, %swap3A_355] {strides = array<i32>} : memref<8x128xf32, #tpu.memory_space<vmem>>, vector<1x16xf32>,
          %swap3A_357 = vector.shape_cast %swap3A_356 : vector<1x16xf32> to vector<16xf32>
          %swap3A_358 = vector.shape_cast %mul3A_353 : vector<16xf32> to vector<1x16xf32>
          tpu.vector_store %arg19[%swap3A_354, %swap3A_355], %swap3A_358 {strides = array<i32>} : memref<8x128xf32, #tpu.memory_space<vmem>>, vector<1x16xf32>,
          %mul3A_359 = arith.mulf %scan3A_346#2, %broadcast_in_dim3A_119 : vector<16xf32>
          %swap3A_360 = arith.index_cast %scan3A_337 : i32 to index
          %swap3A_361 = arith.constant 0 : index
          %swap3A_362 = tpu.vector_load %arg21[%swap3A_360, %swap3A_361] {strides = array<i32>} : memref<8x128xf32, #tpu.memory_space<vmem>>, vector<1x16xf32>,
          %swap3A_363 = vector.shape_cast %swap3A_362 : vector<1x16xf32> to vector<16xf32>
          %swap3A_364 = vector.shape_cast %mul3A_359 : vector<16xf32> to vector<1x16xf32>
          tpu.vector_store %arg21[%swap3A_360, %swap3A_361], %swap3A_364 {strides = array<i32>} : memref<8x128xf32, #tpu.memory_space<vmem>>, vector<1x16xf32>,
          %mul3A_365 = arith.mulf %scan3A_346#3, %broadcast_in_dim3A_119 : vector<16xf32>
          %swap3A_366 = arith.index_cast %scan3A_337 : i32 to index
          %swap3A_367 = arith.constant 16 : index
          %swap3A_368 = tpu.vector_load %arg21[%swap3A_366, %swap3A_367] {strides = array<i32>} : memref<8x128xf32, #tpu.memory_space<vmem>>, vector<1x16xf32>,
          %swap3A_369 = vector.shape_cast %swap3A_368 : vector<1x16xf32> to vector<16xf32>
          %swap3A_370 = vector.shape_cast %mul3A_365 : vector<16xf32> to vector<1x16xf32>
          tpu.vector_store %arg21[%swap3A_366, %swap3A_367], %swap3A_370 {strides = array<i32>} : memref<8x128xf32, #tpu.memory_space<vmem>>, vector<1x16xf32>,
          %broadcast_in_dim3A_371 = arith.constant 0.000000e+00 : f32
          %broadcast_in_dim3A_372 = vector.broadcast %broadcast_in_dim3A_371 : f32 to vector<16xf32>
          %scan3A_373 = arith.constant 0 : i32
          %scan3A_374 = arith.constant 8 : i32
          %scan3A_375 = arith.addi %scan3A_373, %scan3A_374 : i32
          %scan3A_376 = arith.constant 1 : i32
          %scan3A_377:4 = scf.for %scan3A_467 = %scan3A_373 to %scan3A_375 step %scan3A_376 iter_args(%scan3A_468 = %broadcast_in_dim3A_372, %scan3A_469 = %broadcast_in_dim3A_372, %scan3A_470 = %broadcast_in_dim3A_372, %scan3A_471 = %broadcast_in_dim3A_372) -> (vector<16xf32>, vector<16xf32>, vector<16xf32>, vector<16xf32>)  : i32 {
            %mul3A_472 = arith.constant 4 : i32
            %mul3A_473 = arith.muli %scan3A_467, %mul3A_472 : i32
            %add3A_474 = arith.addi %mul3A_339, %mul3A_473 : i32
            %add3A_475 = arith.constant 0 : i32
            %add3A_476 = arith.addi %add3A_474, %add3A_475 : i32
            %get3A = arith.index_cast %add3A_476 : i32 to index
            %get3A_477 = arith.constant 16 : index
            %get3A_478 = tpu.vector_load %arg15[%get3A, %get3A_477] {strides = array<i32>} : memref<256x64xi32, #tpu.memory_space<vmem>>, vector<1x16xi32>,
            %get3A_479 = vector.shape_cast %get3A_478 : vector<1x16xi32> to vector<16xi32>
            %get3A_480 = arith.index_cast %add3A_476 : i32 to index
            %get3A_481 = arith.constant 16 : index
            %get3A_482 = tpu.vector_load %arg17[%get3A_480, %get3A_481] {strides = array<i32>} : memref<256x64xi32, #tpu.memory_space<vmem>>, vector<1x16xi32>,
            %get3A_483 = vector.shape_cast %get3A_482 : vector<1x16xi32> to vector<16xi32>
            %shift_left3A = arith.constant 16 : i32
            %shift_left3A_484 = vector.broadcast %shift_left3A : i32 to vector<16xi32>
            %shift_left3A_485 = arith.shli %get3A_479, %shift_left3A_484 : vector<16xi32>
            %bitcast_convert_type3A = tpu.bitcast %shift_left3A_485 : vector<16xi32> -> vector<16xf32>
            %add3A_486 = arith.addf %scan3A_468, %bitcast_convert_type3A : vector<16xf32>
            %and3A_487 = arith.andi %get3A_479, %broadcast_in_dim3A_318 : vector<16xi32>
            %bitcast_convert_type3A_488 = tpu.bitcast %and3A_487 : vector<16xi32> -> vector<16xf32>
            %add3A_489 = arith.addf %scan3A_469, %bitcast_convert_type3A_488 : vector<16xf32>
            %shift_left3A_490 = arith.constant 16 : i32
            %shift_left3A_491 = vector.broadcast %shift_left3A_490 : i32 to vector<16xi32>
            %shift_left3A_492 = arith.shli %get3A_483, %shift_left3A_491 : vector<16xi32>
            %bitcast_convert_type3A_493 = tpu.bitcast %shift_left3A_492 : vector<16xi32> -> vector<16xf32>
            %add3A_494 = arith.addf %scan3A_470, %bitcast_convert_type3A_493 : vector<16xf32>
            %and3A_495 = arith.andi %get3A_483, %broadcast_in_dim3A_318 : vector<16xi32>
            %bitcast_convert_type3A_496 = tpu.bitcast %and3A_495 : vector<16xi32> -> vector<16xf32>
            %add3A_497 = arith.addf %scan3A_471, %bitcast_convert_type3A_496 : vector<16xf32>
            %mul3A_498 = arith.constant 4 : i32
            %mul3A_499 = arith.muli %scan3A_467, %mul3A_498 : i32
            %add3A_500 = arith.addi %mul3A_339, %mul3A_499 : i32
            %add3A_501 = arith.constant 1 : i32
            %add3A_502 = arith.addi %add3A_500, %add3A_501 : i32
            %get3A_503 = arith.index_cast %add3A_502 : i32 to index
            %get3A_504 = arith.constant 16 : index
            %get3A_505 = tpu.vector_load %arg15[%get3A_503, %get3A_504] {strides = array<i32>} : memref<256x64xi32, #tpu.memory_space<vmem>>, vector<1x16xi32>,
            %get3A_506 = vector.shape_cast %get3A_505 : vector<1x16xi32> to vector<16xi32>
            %get3A_507 = arith.index_cast %add3A_502 : i32 to index
            %get3A_508 = arith.constant 16 : index
            %get3A_509 = tpu.vector_load %arg17[%get3A_507, %get3A_508] {strides = array<i32>} : memref<256x64xi32, #tpu.memory_space<vmem>>, vector<1x16xi32>,
            %get3A_510 = vector.shape_cast %get3A_509 : vector<1x16xi32> to vector<16xi32>
            %shift_left3A_511 = arith.constant 16 : i32
            %shift_left3A_512 = vector.broadcast %shift_left3A_511 : i32 to vector<16xi32>
            %shift_left3A_513 = arith.shli %get3A_506, %shift_left3A_512 : vector<16xi32>
            %bitcast_convert_type3A_514 = tpu.bitcast %shift_left3A_513 : vector<16xi32> -> vector<16xf32>
            %add3A_515 = arith.addf %add3A_486, %bitcast_convert_type3A_514 : vector<16xf32>
            %and3A_516 = arith.andi %get3A_506, %broadcast_in_dim3A_318 : vector<16xi32>
            %bitcast_convert_type3A_517 = tpu.bitcast %and3A_516 : vector<16xi32> -> vector<16xf32>
            %add3A_518 = arith.addf %add3A_489, %bitcast_convert_type3A_517 : vector<16xf32>
            %shift_left3A_519 = arith.constant 16 : i32
            %shift_left3A_520 = vector.broadcast %shift_left3A_519 : i32 to vector<16xi32>
            %shift_left3A_521 = arith.shli %get3A_510, %shift_left3A_520 : vector<16xi32>
            %bitcast_convert_type3A_522 = tpu.bitcast %shift_left3A_521 : vector<16xi32> -> vector<16xf32>
            %add3A_523 = arith.addf %add3A_494, %bitcast_convert_type3A_522 : vector<16xf32>
            %and3A_524 = arith.andi %get3A_510, %broadcast_in_dim3A_318 : vector<16xi32>
            %bitcast_convert_type3A_525 = tpu.bitcast %and3A_524 : vector<16xi32> -> vector<16xf32>
            %add3A_526 = arith.addf %add3A_497, %bitcast_convert_type3A_525 : vector<16xf32>
            %mul3A_527 = arith.constant 4 : i32
            %mul3A_528 = arith.muli %scan3A_467, %mul3A_527 : i32
            %add3A_529 = arith.addi %mul3A_339, %mul3A_528 : i32
            %add3A_530 = arith.constant 2 : i32
            %add3A_531 = arith.addi %add3A_529, %add3A_530 : i32
            %get3A_532 = arith.index_cast %add3A_531 : i32 to index
            %get3A_533 = arith.constant 16 : index
            %get3A_534 = tpu.vector_load %arg15[%get3A_532, %get3A_533] {strides = array<i32>} : memref<256x64xi32, #tpu.memory_space<vmem>>, vector<1x16xi32>,
            %get3A_535 = vector.shape_cast %get3A_534 : vector<1x16xi32> to vector<16xi32>
            %get3A_536 = arith.index_cast %add3A_531 : i32 to index
            %get3A_537 = arith.constant 16 : index
            %get3A_538 = tpu.vector_load %arg17[%get3A_536, %get3A_537] {strides = array<i32>} : memref<256x64xi32, #tpu.memory_space<vmem>>, vector<1x16xi32>,
            %get3A_539 = vector.shape_cast %get3A_538 : vector<1x16xi32> to vector<16xi32>
            %shift_left3A_540 = arith.constant 16 : i32
            %shift_left3A_541 = vector.broadcast %shift_left3A_540 : i32 to vector<16xi32>
            %shift_left3A_542 = arith.shli %get3A_535, %shift_left3A_541 : vector<16xi32>
            %bitcast_convert_type3A_543 = tpu.bitcast %shift_left3A_542 : vector<16xi32> -> vector<16xf32>
            %add3A_544 = arith.addf %add3A_515, %bitcast_convert_type3A_543 : vector<16xf32>
            %and3A_545 = arith.andi %get3A_535, %broadcast_in_dim3A_318 : vector<16xi32>
            %bitcast_convert_type3A_546 = tpu.bitcast %and3A_545 : vector<16xi32> -> vector<16xf32>
            %add3A_547 = arith.addf %add3A_518, %bitcast_convert_type3A_546 : vector<16xf32>
            %shift_left3A_548 = arith.constant 16 : i32
            %shift_left3A_549 = vector.broadcast %shift_left3A_548 : i32 to vector<16xi32>
            %shift_left3A_550 = arith.shli %get3A_539, %shift_left3A_549 : vector<16xi32>
            %bitcast_convert_type3A_551 = tpu.bitcast %shift_left3A_550 : vector<16xi32> -> vector<16xf32>
            %add3A_552 = arith.addf %add3A_523, %bitcast_convert_type3A_551 : vector<16xf32>
            %and3A_553 = arith.andi %get3A_539, %broadcast_in_dim3A_318 : vector<16xi32>
            %bitcast_convert_type3A_554 = tpu.bitcast %and3A_553 : vector<16xi32> -> vector<16xf32>
            %add3A_555 = arith.addf %add3A_526, %bitcast_convert_type3A_554 : vector<16xf32>
            %mul3A_556 = arith.constant 4 : i32
            %mul3A_557 = arith.muli %scan3A_467, %mul3A_556 : i32
            %add3A_558 = arith.addi %mul3A_339, %mul3A_557 : i32
            %add3A_559 = arith.constant 3 : i32
            %add3A_560 = arith.addi %add3A_558, %add3A_559 : i32
            %get3A_561 = arith.index_cast %add3A_560 : i32 to index
            %get3A_562 = arith.constant 16 : index
            %get3A_563 = tpu.vector_load %arg15[%get3A_561, %get3A_562] {strides = array<i32>} : memref<256x64xi32, #tpu.memory_space<vmem>>, vector<1x16xi32>,
            %get3A_564 = vector.shape_cast %get3A_563 : vector<1x16xi32> to vector<16xi32>
            %get3A_565 = arith.index_cast %add3A_560 : i32 to index
            %get3A_566 = arith.constant 16 : index
            %get3A_567 = tpu.vector_load %arg17[%get3A_565, %get3A_566] {strides = array<i32>} : memref<256x64xi32, #tpu.memory_space<vmem>>, vector<1x16xi32>,
            %get3A_568 = vector.shape_cast %get3A_567 : vector<1x16xi32> to vector<16xi32>
            %shift_left3A_569 = arith.constant 16 : i32
            %shift_left3A_570 = vector.broadcast %shift_left3A_569 : i32 to vector<16xi32>
            %shift_left3A_571 = arith.shli %get3A_564, %shift_left3A_570 : vector<16xi32>
            %bitcast_convert_type3A_572 = tpu.bitcast %shift_left3A_571 : vector<16xi32> -> vector<16xf32>
            %add3A_573 = arith.addf %add3A_544, %bitcast_convert_type3A_572 : vector<16xf32>
            %and3A_574 = arith.andi %get3A_564, %broadcast_in_dim3A_318 : vector<16xi32>
            %bitcast_convert_type3A_575 = tpu.bitcast %and3A_574 : vector<16xi32> -> vector<16xf32>
            %add3A_576 = arith.addf %add3A_547, %bitcast_convert_type3A_575 : vector<16xf32>
            %shift_left3A_577 = arith.constant 16 : i32
            %shift_left3A_578 = vector.broadcast %shift_left3A_577 : i32 to vector<16xi32>
            %shift_left3A_579 = arith.shli %get3A_568, %shift_left3A_578 : vector<16xi32>
            %bitcast_convert_type3A_580 = tpu.bitcast %shift_left3A_579 : vector<16xi32> -> vector<16xf32>
            %add3A_581 = arith.addf %add3A_552, %bitcast_convert_type3A_580 : vector<16xf32>
            %and3A_582 = arith.andi %get3A_568, %broadcast_in_dim3A_318 : vector<16xi32>
            %bitcast_convert_type3A_583 = tpu.bitcast %and3A_582 : vector<16xi32> -> vector<16xf32>
            %add3A_584 = arith.addf %add3A_555, %bitcast_convert_type3A_583 : vector<16xf32>
            scf.yield %add3A_573, %add3A_576, %add3A_581, %add3A_584 : vector<16xf32>, vector<16xf32>, vector<16xf32>, vector<16xf32>
          }
          %scan3A_378 = arith.constant 8 : i32
          %mul3A_379 = arith.mulf %scan3A_377#0, %broadcast_in_dim3A_119 : vector<16xf32>
          %swap3A_380 = arith.index_cast %scan3A_337 : i32 to index
          %swap3A_381 = arith.constant 32 : index
          %swap3A_382 = tpu.vector_load %arg19[%swap3A_380, %swap3A_381] {strides = array<i32>} : memref<8x128xf32, #tpu.memory_space<vmem>>, vector<1x16xf32>,
          %swap3A_383 = vector.shape_cast %swap3A_382 : vector<1x16xf32> to vector<16xf32>
          %swap3A_384 = vector.shape_cast %mul3A_379 : vector<16xf32> to vector<1x16xf32>
          tpu.vector_store %arg19[%swap3A_380, %swap3A_381], %swap3A_384 {strides = array<i32>} : memref<8x128xf32, #tpu.memory_space<vmem>>, vector<1x16xf32>,
          %mul3A_385 = arith.mulf %scan3A_377#1, %broadcast_in_dim3A_119 : vector<16xf32>
          %swap3A_386 = arith.index_cast %scan3A_337 : i32 to index
          %swap3A_387 = arith.constant 48 : index
          %swap3A_388 = tpu.vector_load %arg19[%swap3A_386, %swap3A_387] {strides = array<i32>} : memref<8x128xf32, #tpu.memory_space<vmem>>, vector<1x16xf32>,
          %swap3A_389 = vector.shape_cast %swap3A_388 : vector<1x16xf32> to vector<16xf32>
          %swap3A_390 = vector.shape_cast %mul3A_385 : vector<16xf32> to vector<1x16xf32>
          tpu.vector_store %arg19[%swap3A_386, %swap3A_387], %swap3A_390 {strides = array<i32>} : memref<8x128xf32, #tpu.memory_space<vmem>>, vector<1x16xf32>,
          %mul3A_391 = arith.mulf %scan3A_377#2, %broadcast_in_dim3A_119 : vector<16xf32>
          %swap3A_392 = arith.index_cast %scan3A_337 : i32 to index
          %swap3A_393 = arith.constant 32 : index
          %swap3A_394 = tpu.vector_load %arg21[%swap3A_392, %swap3A_393] {strides = array<i32>} : memref<8x128xf32, #tpu.memory_space<vmem>>, vector<1x16xf32>,
          %swap3A_395 = vector.shape_cast %swap3A_394 : vector<1x16xf32> to vector<16xf32>
          %swap3A_396 = vector.shape_cast %mul3A_391 : vector<16xf32> to vector<1x16xf32>
          tpu.vector_store %arg21[%swap3A_392, %swap3A_393], %swap3A_396 {strides = array<i32>} : memref<8x128xf32, #tpu.memory_space<vmem>>, vector<1x16xf32>,
          %mul3A_397 = arith.mulf %scan3A_377#3, %broadcast_in_dim3A_119 : vector<16xf32>
          %swap3A_398 = arith.index_cast %scan3A_337 : i32 to index
          %swap3A_399 = arith.constant 48 : index
          %swap3A_400 = tpu.vector_load %arg21[%swap3A_398, %swap3A_399] {strides = array<i32>} : memref<8x128xf32, #tpu.memory_space<vmem>>, vector<1x16xf32>,
          %swap3A_401 = vector.shape_cast %swap3A_400 : vector<1x16xf32> to vector<16xf32>
          %swap3A_402 = vector.shape_cast %mul3A_397 : vector<16xf32> to vector<1x16xf32>
          tpu.vector_store %arg21[%swap3A_398, %swap3A_399], %swap3A_402 {strides = array<i32>} : memref<8x128xf32, #tpu.memory_space<vmem>>, vector<1x16xf32>,
          %broadcast_in_dim3A_403 = arith.constant 0.000000e+00 : f32
          %broadcast_in_dim3A_404 = vector.broadcast %broadcast_in_dim3A_403 : f32 to vector<16xf32>
          %scan3A_405 = arith.constant 0 : i32
          %scan3A_406 = arith.constant 8 : i32
          %scan3A_407 = arith.addi %scan3A_405, %scan3A_406 : i32
          %scan3A_408 = arith.constant 1 : i32
          %scan3A_409:4 = scf.for %scan3A_467 = %scan3A_405 to %scan3A_407 step %scan3A_408 iter_args(%scan3A_468 = %broadcast_in_dim3A_404, %scan3A_469 = %broadcast_in_dim3A_404, %scan3A_470 = %broadcast_in_dim3A_404, %scan3A_471 = %broadcast_in_dim3A_404) -> (vector<16xf32>, vector<16xf32>, vector<16xf32>, vector<16xf32>)  : i32 {
            %mul3A_472 = arith.constant 4 : i32
            %mul3A_473 = arith.muli %scan3A_467, %mul3A_472 : i32
            %add3A_474 = arith.addi %mul3A_339, %mul3A_473 : i32
            %add3A_475 = arith.constant 0 : i32
            %add3A_476 = arith.addi %add3A_474, %add3A_475 : i32
            %get3A = arith.index_cast %add3A_476 : i32 to index
            %get3A_477 = arith.constant 32 : index
            %get3A_478 = tpu.vector_load %arg15[%get3A, %get3A_477] {strides = array<i32>} : memref<256x64xi32, #tpu.memory_space<vmem>>, vector<1x16xi32>,
            %get3A_479 = vector.shape_cast %get3A_478 : vector<1x16xi32> to vector<16xi32>
            %get3A_480 = arith.index_cast %add3A_476 : i32 to index
            %get3A_481 = arith.constant 32 : index
            %get3A_482 = tpu.vector_load %arg17[%get3A_480, %get3A_481] {strides = array<i32>} : memref<256x64xi32, #tpu.memory_space<vmem>>, vector<1x16xi32>,
            %get3A_483 = vector.shape_cast %get3A_482 : vector<1x16xi32> to vector<16xi32>
            %shift_left3A = arith.constant 16 : i32
            %shift_left3A_484 = vector.broadcast %shift_left3A : i32 to vector<16xi32>
            %shift_left3A_485 = arith.shli %get3A_479, %shift_left3A_484 : vector<16xi32>
            %bitcast_convert_type3A = tpu.bitcast %shift_left3A_485 : vector<16xi32> -> vector<16xf32>
            %add3A_486 = arith.addf %scan3A_468, %bitcast_convert_type3A : vector<16xf32>
            %and3A_487 = arith.andi %get3A_479, %broadcast_in_dim3A_318 : vector<16xi32>
            %bitcast_convert_type3A_488 = tpu.bitcast %and3A_487 : vector<16xi32> -> vector<16xf32>
            %add3A_489 = arith.addf %scan3A_469, %bitcast_convert_type3A_488 : vector<16xf32>
            %shift_left3A_490 = arith.constant 16 : i32
            %shift_left3A_491 = vector.broadcast %shift_left3A_490 : i32 to vector<16xi32>
            %shift_left3A_492 = arith.shli %get3A_483, %shift_left3A_491 : vector<16xi32>
            %bitcast_convert_type3A_493 = tpu.bitcast %shift_left3A_492 : vector<16xi32> -> vector<16xf32>
            %add3A_494 = arith.addf %scan3A_470, %bitcast_convert_type3A_493 : vector<16xf32>
            %and3A_495 = arith.andi %get3A_483, %broadcast_in_dim3A_318 : vector<16xi32>
            %bitcast_convert_type3A_496 = tpu.bitcast %and3A_495 : vector<16xi32> -> vector<16xf32>
            %add3A_497 = arith.addf %scan3A_471, %bitcast_convert_type3A_496 : vector<16xf32>
            %mul3A_498 = arith.constant 4 : i32
            %mul3A_499 = arith.muli %scan3A_467, %mul3A_498 : i32
            %add3A_500 = arith.addi %mul3A_339, %mul3A_499 : i32
            %add3A_501 = arith.constant 1 : i32
            %add3A_502 = arith.addi %add3A_500, %add3A_501 : i32
            %get3A_503 = arith.index_cast %add3A_502 : i32 to index
            %get3A_504 = arith.constant 32 : index
            %get3A_505 = tpu.vector_load %arg15[%get3A_503, %get3A_504] {strides = array<i32>} : memref<256x64xi32, #tpu.memory_space<vmem>>, vector<1x16xi32>,
            %get3A_506 = vector.shape_cast %get3A_505 : vector<1x16xi32> to vector<16xi32>
            %get3A_507 = arith.index_cast %add3A_502 : i32 to index
            %get3A_508 = arith.constant 32 : index
            %get3A_509 = tpu.vector_load %arg17[%get3A_507, %get3A_508] {strides = array<i32>} : memref<256x64xi32, #tpu.memory_space<vmem>>, vector<1x16xi32>,
            %get3A_510 = vector.shape_cast %get3A_509 : vector<1x16xi32> to vector<16xi32>
            %shift_left3A_511 = arith.constant 16 : i32
            %shift_left3A_512 = vector.broadcast %shift_left3A_511 : i32 to vector<16xi32>
            %shift_left3A_513 = arith.shli %get3A_506, %shift_left3A_512 : vector<16xi32>
            %bitcast_convert_type3A_514 = tpu.bitcast %shift_left3A_513 : vector<16xi32> -> vector<16xf32>
            %add3A_515 = arith.addf %add3A_486, %bitcast_convert_type3A_514 : vector<16xf32>
            %and3A_516 = arith.andi %get3A_506, %broadcast_in_dim3A_318 : vector<16xi32>
            %bitcast_convert_type3A_517 = tpu.bitcast %and3A_516 : vector<16xi32> -> vector<16xf32>
            %add3A_518 = arith.addf %add3A_489, %bitcast_convert_type3A_517 : vector<16xf32>
            %shift_left3A_519 = arith.constant 16 : i32
            %shift_left3A_520 = vector.broadcast %shift_left3A_519 : i32 to vector<16xi32>
            %shift_left3A_521 = arith.shli %get3A_510, %shift_left3A_520 : vector<16xi32>
            %bitcast_convert_type3A_522 = tpu.bitcast %shift_left3A_521 : vector<16xi32> -> vector<16xf32>
            %add3A_523 = arith.addf %add3A_494, %bitcast_convert_type3A_522 : vector<16xf32>
            %and3A_524 = arith.andi %get3A_510, %broadcast_in_dim3A_318 : vector<16xi32>
            %bitcast_convert_type3A_525 = tpu.bitcast %and3A_524 : vector<16xi32> -> vector<16xf32>
            %add3A_526 = arith.addf %add3A_497, %bitcast_convert_type3A_525 : vector<16xf32>
            %mul3A_527 = arith.constant 4 : i32
            %mul3A_528 = arith.muli %scan3A_467, %mul3A_527 : i32
            %add3A_529 = arith.addi %mul3A_339, %mul3A_528 : i32
            %add3A_530 = arith.constant 2 : i32
            %add3A_531 = arith.addi %add3A_529, %add3A_530 : i32
            %get3A_532 = arith.index_cast %add3A_531 : i32 to index
            %get3A_533 = arith.constant 32 : index
            %get3A_534 = tpu.vector_load %arg15[%get3A_532, %get3A_533] {strides = array<i32>} : memref<256x64xi32, #tpu.memory_space<vmem>>, vector<1x16xi32>,
            %get3A_535 = vector.shape_cast %get3A_534 : vector<1x16xi32> to vector<16xi32>
            %get3A_536 = arith.index_cast %add3A_531 : i32 to index
            %get3A_537 = arith.constant 32 : index
            %get3A_538 = tpu.vector_load %arg17[%get3A_536, %get3A_537] {strides = array<i32>} : memref<256x64xi32, #tpu.memory_space<vmem>>, vector<1x16xi32>,
            %get3A_539 = vector.shape_cast %get3A_538 : vector<1x16xi32> to vector<16xi32>
            %shift_left3A_540 = arith.constant 16 : i32
            %shift_left3A_541 = vector.broadcast %shift_left3A_540 : i32 to vector<16xi32>
            %shift_left3A_542 = arith.shli %get3A_535, %shift_left3A_541 : vector<16xi32>
            %bitcast_convert_type3A_543 = tpu.bitcast %shift_left3A_542 : vector<16xi32> -> vector<16xf32>
            %add3A_544 = arith.addf %add3A_515, %bitcast_convert_type3A_543 : vector<16xf32>
            %and3A_545 = arith.andi %get3A_535, %broadcast_in_dim3A_318 : vector<16xi32>
            %bitcast_convert_type3A_546 = tpu.bitcast %and3A_545 : vector<16xi32> -> vector<16xf32>
            %add3A_547 = arith.addf %add3A_518, %bitcast_convert_type3A_546 : vector<16xf32>
            %shift_left3A_548 = arith.constant 16 : i32
            %shift_left3A_549 = vector.broadcast %shift_left3A_548 : i32 to vector<16xi32>
            %shift_left3A_550 = arith.shli %get3A_539, %shift_left3A_549 : vector<16xi32>
            %bitcast_convert_type3A_551 = tpu.bitcast %shift_left3A_550 : vector<16xi32> -> vector<16xf32>
            %add3A_552 = arith.addf %add3A_523, %bitcast_convert_type3A_551 : vector<16xf32>
            %and3A_553 = arith.andi %get3A_539, %broadcast_in_dim3A_318 : vector<16xi32>
            %bitcast_convert_type3A_554 = tpu.bitcast %and3A_553 : vector<16xi32> -> vector<16xf32>
            %add3A_555 = arith.addf %add3A_526, %bitcast_convert_type3A_554 : vector<16xf32>
            %mul3A_556 = arith.constant 4 : i32
            %mul3A_557 = arith.muli %scan3A_467, %mul3A_556 : i32
            %add3A_558 = arith.addi %mul3A_339, %mul3A_557 : i32
            %add3A_559 = arith.constant 3 : i32
            %add3A_560 = arith.addi %add3A_558, %add3A_559 : i32
            %get3A_561 = arith.index_cast %add3A_560 : i32 to index
            %get3A_562 = arith.constant 32 : index
            %get3A_563 = tpu.vector_load %arg15[%get3A_561, %get3A_562] {strides = array<i32>} : memref<256x64xi32, #tpu.memory_space<vmem>>, vector<1x16xi32>,
            %get3A_564 = vector.shape_cast %get3A_563 : vector<1x16xi32> to vector<16xi32>
            %get3A_565 = arith.index_cast %add3A_560 : i32 to index
            %get3A_566 = arith.constant 32 : index
            %get3A_567 = tpu.vector_load %arg17[%get3A_565, %get3A_566] {strides = array<i32>} : memref<256x64xi32, #tpu.memory_space<vmem>>, vector<1x16xi32>,
            %get3A_568 = vector.shape_cast %get3A_567 : vector<1x16xi32> to vector<16xi32>
            %shift_left3A_569 = arith.constant 16 : i32
            %shift_left3A_570 = vector.broadcast %shift_left3A_569 : i32 to vector<16xi32>
            %shift_left3A_571 = arith.shli %get3A_564, %shift_left3A_570 : vector<16xi32>
            %bitcast_convert_type3A_572 = tpu.bitcast %shift_left3A_571 : vector<16xi32> -> vector<16xf32>
            %add3A_573 = arith.addf %add3A_544, %bitcast_convert_type3A_572 : vector<16xf32>
            %and3A_574 = arith.andi %get3A_564, %broadcast_in_dim3A_318 : vector<16xi32>
            %bitcast_convert_type3A_575 = tpu.bitcast %and3A_574 : vector<16xi32> -> vector<16xf32>
            %add3A_576 = arith.addf %add3A_547, %bitcast_convert_type3A_575 : vector<16xf32>
            %shift_left3A_577 = arith.constant 16 : i32
            %shift_left3A_578 = vector.broadcast %shift_left3A_577 : i32 to vector<16xi32>
            %shift_left3A_579 = arith.shli %get3A_568, %shift_left3A_578 : vector<16xi32>
            %bitcast_convert_type3A_580 = tpu.bitcast %shift_left3A_579 : vector<16xi32> -> vector<16xf32>
            %add3A_581 = arith.addf %add3A_552, %bitcast_convert_type3A_580 : vector<16xf32>
            %and3A_582 = arith.andi %get3A_568, %broadcast_in_dim3A_318 : vector<16xi32>
            %bitcast_convert_type3A_583 = tpu.bitcast %and3A_582 : vector<16xi32> -> vector<16xf32>
            %add3A_584 = arith.addf %add3A_555, %bitcast_convert_type3A_583 : vector<16xf32>
            scf.yield %add3A_573, %add3A_576, %add3A_581, %add3A_584 : vector<16xf32>, vector<16xf32>, vector<16xf32>, vector<16xf32>
          }
          %scan3A_410 = arith.constant 8 : i32
          %mul3A_411 = arith.mulf %scan3A_409#0, %broadcast_in_dim3A_119 : vector<16xf32>
          %swap3A_412 = arith.index_cast %scan3A_337 : i32 to index
          %swap3A_413 = arith.constant 64 : index
          %swap3A_414 = tpu.vector_load %arg19[%swap3A_412, %swap3A_413] {strides = array<i32>} : memref<8x128xf32, #tpu.memory_space<vmem>>, vector<1x16xf32>,
          %swap3A_415 = vector.shape_cast %swap3A_414 : vector<1x16xf32> to vector<16xf32>
          %swap3A_416 = vector.shape_cast %mul3A_411 : vector<16xf32> to vector<1x16xf32>
          tpu.vector_store %arg19[%swap3A_412, %swap3A_413], %swap3A_416 {strides = array<i32>} : memref<8x128xf32, #tpu.memory_space<vmem>>, vector<1x16xf32>,
          %mul3A_417 = arith.mulf %scan3A_409#1, %broadcast_in_dim3A_119 : vector<16xf32>
          %swap3A_418 = arith.index_cast %scan3A_337 : i32 to index
          %swap3A_419 = arith.constant 80 : index
          %swap3A_420 = tpu.vector_load %arg19[%swap3A_418, %swap3A_419] {strides = array<i32>} : memref<8x128xf32, #tpu.memory_space<vmem>>, vector<1x16xf32>,
          %swap3A_421 = vector.shape_cast %swap3A_420 : vector<1x16xf32> to vector<16xf32>
          %swap3A_422 = vector.shape_cast %mul3A_417 : vector<16xf32> to vector<1x16xf32>
          tpu.vector_store %arg19[%swap3A_418, %swap3A_419], %swap3A_422 {strides = array<i32>} : memref<8x128xf32, #tpu.memory_space<vmem>>, vector<1x16xf32>,
          %mul3A_423 = arith.mulf %scan3A_409#2, %broadcast_in_dim3A_119 : vector<16xf32>
          %swap3A_424 = arith.index_cast %scan3A_337 : i32 to index
          %swap3A_425 = arith.constant 64 : index
          %swap3A_426 = tpu.vector_load %arg21[%swap3A_424, %swap3A_425] {strides = array<i32>} : memref<8x128xf32, #tpu.memory_space<vmem>>, vector<1x16xf32>,
          %swap3A_427 = vector.shape_cast %swap3A_426 : vector<1x16xf32> to vector<16xf32>
          %swap3A_428 = vector.shape_cast %mul3A_423 : vector<16xf32> to vector<1x16xf32>
          tpu.vector_store %arg21[%swap3A_424, %swap3A_425], %swap3A_428 {strides = array<i32>} : memref<8x128xf32, #tpu.memory_space<vmem>>, vector<1x16xf32>,
          %mul3A_429 = arith.mulf %scan3A_409#3, %broadcast_in_dim3A_119 : vector<16xf32>
          %swap3A_430 = arith.index_cast %scan3A_337 : i32 to index
          %swap3A_431 = arith.constant 80 : index
          %swap3A_432 = tpu.vector_load %arg21[%swap3A_430, %swap3A_431] {strides = array<i32>} : memref<8x128xf32, #tpu.memory_space<vmem>>, vector<1x16xf32>,
          %swap3A_433 = vector.shape_cast %swap3A_432 : vector<1x16xf32> to vector<16xf32>
          %swap3A_434 = vector.shape_cast %mul3A_429 : vector<16xf32> to vector<1x16xf32>
          tpu.vector_store %arg21[%swap3A_430, %swap3A_431], %swap3A_434 {strides = array<i32>} : memref<8x128xf32, #tpu.memory_space<vmem>>, vector<1x16xf32>,
          %broadcast_in_dim3A_435 = arith.constant 0.000000e+00 : f32
          %broadcast_in_dim3A_436 = vector.broadcast %broadcast_in_dim3A_435 : f32 to vector<16xf32>
          %scan3A_437 = arith.constant 0 : i32
          %scan3A_438 = arith.constant 8 : i32
          %scan3A_439 = arith.addi %scan3A_437, %scan3A_438 : i32
          %scan3A_440 = arith.constant 1 : i32
          %scan3A_441:4 = scf.for %scan3A_467 = %scan3A_437 to %scan3A_439 step %scan3A_440 iter_args(%scan3A_468 = %broadcast_in_dim3A_436, %scan3A_469 = %broadcast_in_dim3A_436, %scan3A_470 = %broadcast_in_dim3A_436, %scan3A_471 = %broadcast_in_dim3A_436) -> (vector<16xf32>, vector<16xf32>, vector<16xf32>, vector<16xf32>)  : i32 {
            %mul3A_472 = arith.constant 4 : i32
            %mul3A_473 = arith.muli %scan3A_467, %mul3A_472 : i32
            %add3A_474 = arith.addi %mul3A_339, %mul3A_473 : i32
            %add3A_475 = arith.constant 0 : i32
            %add3A_476 = arith.addi %add3A_474, %add3A_475 : i32
            %get3A = arith.index_cast %add3A_476 : i32 to index
            %get3A_477 = arith.constant 48 : index
            %get3A_478 = tpu.vector_load %arg15[%get3A, %get3A_477] {strides = array<i32>} : memref<256x64xi32, #tpu.memory_space<vmem>>, vector<1x16xi32>,
            %get3A_479 = vector.shape_cast %get3A_478 : vector<1x16xi32> to vector<16xi32>
            %get3A_480 = arith.index_cast %add3A_476 : i32 to index
            %get3A_481 = arith.constant 48 : index
            %get3A_482 = tpu.vector_load %arg17[%get3A_480, %get3A_481] {strides = array<i32>} : memref<256x64xi32, #tpu.memory_space<vmem>>, vector<1x16xi32>,
            %get3A_483 = vector.shape_cast %get3A_482 : vector<1x16xi32> to vector<16xi32>
            %shift_left3A = arith.constant 16 : i32
            %shift_left3A_484 = vector.broadcast %shift_left3A : i32 to vector<16xi32>
            %shift_left3A_485 = arith.shli %get3A_479, %shift_left3A_484 : vector<16xi32>
            %bitcast_convert_type3A = tpu.bitcast %shift_left3A_485 : vector<16xi32> -> vector<16xf32>
            %add3A_486 = arith.addf %scan3A_468, %bitcast_convert_type3A : vector<16xf32>
            %and3A_487 = arith.andi %get3A_479, %broadcast_in_dim3A_318 : vector<16xi32>
            %bitcast_convert_type3A_488 = tpu.bitcast %and3A_487 : vector<16xi32> -> vector<16xf32>
            %add3A_489 = arith.addf %scan3A_469, %bitcast_convert_type3A_488 : vector<16xf32>
            %shift_left3A_490 = arith.constant 16 : i32
            %shift_left3A_491 = vector.broadcast %shift_left3A_490 : i32 to vector<16xi32>
            %shift_left3A_492 = arith.shli %get3A_483, %shift_left3A_491 : vector<16xi32>
            %bitcast_convert_type3A_493 = tpu.bitcast %shift_left3A_492 : vector<16xi32> -> vector<16xf32>
            %add3A_494 = arith.addf %scan3A_470, %bitcast_convert_type3A_493 : vector<16xf32>
            %and3A_495 = arith.andi %get3A_483, %broadcast_in_dim3A_318 : vector<16xi32>
            %bitcast_convert_type3A_496 = tpu.bitcast %and3A_495 : vector<16xi32> -> vector<16xf32>
            %add3A_497 = arith.addf %scan3A_471, %bitcast_convert_type3A_496 : vector<16xf32>
            %mul3A_498 = arith.constant 4 : i32
            %mul3A_499 = arith.muli %scan3A_467, %mul3A_498 : i32
            %add3A_500 = arith.addi %mul3A_339, %mul3A_499 : i32
            %add3A_501 = arith.constant 1 : i32
            %add3A_502 = arith.addi %add3A_500, %add3A_501 : i32
            %get3A_503 = arith.index_cast %add3A_502 : i32 to index
            %get3A_504 = arith.constant 48 : index
            %get3A_505 = tpu.vector_load %arg15[%get3A_503, %get3A_504] {strides = array<i32>} : memref<256x64xi32, #tpu.memory_space<vmem>>, vector<1x16xi32>,
            %get3A_506 = vector.shape_cast %get3A_505 : vector<1x16xi32> to vector<16xi32>
            %get3A_507 = arith.index_cast %add3A_502 : i32 to index
            %get3A_508 = arith.constant 48 : index
            %get3A_509 = tpu.vector_load %arg17[%get3A_507, %get3A_508] {strides = array<i32>} : memref<256x64xi32, #tpu.memory_space<vmem>>, vector<1x16xi32>,
            %get3A_510 = vector.shape_cast %get3A_509 : vector<1x16xi32> to vector<16xi32>
            %shift_left3A_511 = arith.constant 16 : i32
            %shift_left3A_512 = vector.broadcast %shift_left3A_511 : i32 to vector<16xi32>
            %shift_left3A_513 = arith.shli %get3A_506, %shift_left3A_512 : vector<16xi32>
            %bitcast_convert_type3A_514 = tpu.bitcast %shift_left3A_513 : vector<16xi32> -> vector<16xf32>
            %add3A_515 = arith.addf %add3A_486, %bitcast_convert_type3A_514 : vector<16xf32>
            %and3A_516 = arith.andi %get3A_506, %broadcast_in_dim3A_318 : vector<16xi32>
            %bitcast_convert_type3A_517 = tpu.bitcast %and3A_516 : vector<16xi32> -> vector<16xf32>
            %add3A_518 = arith.addf %add3A_489, %bitcast_convert_type3A_517 : vector<16xf32>
            %shift_left3A_519 = arith.constant 16 : i32
            %shift_left3A_520 = vector.broadcast %shift_left3A_519 : i32 to vector<16xi32>
            %shift_left3A_521 = arith.shli %get3A_510, %shift_left3A_520 : vector<16xi32>
            %bitcast_convert_type3A_522 = tpu.bitcast %shift_left3A_521 : vector<16xi32> -> vector<16xf32>
            %add3A_523 = arith.addf %add3A_494, %bitcast_convert_type3A_522 : vector<16xf32>
            %and3A_524 = arith.andi %get3A_510, %broadcast_in_dim3A_318 : vector<16xi32>
            %bitcast_convert_type3A_525 = tpu.bitcast %and3A_524 : vector<16xi32> -> vector<16xf32>
            %add3A_526 = arith.addf %add3A_497, %bitcast_convert_type3A_525 : vector<16xf32>
            %mul3A_527 = arith.constant 4 : i32
            %mul3A_528 = arith.muli %scan3A_467, %mul3A_527 : i32
            %add3A_529 = arith.addi %mul3A_339, %mul3A_528 : i32
            %add3A_530 = arith.constant 2 : i32
            %add3A_531 = arith.addi %add3A_529, %add3A_530 : i32
            %get3A_532 = arith.index_cast %add3A_531 : i32 to index
            %get3A_533 = arith.constant 48 : index
            %get3A_534 = tpu.vector_load %arg15[%get3A_532, %get3A_533] {strides = array<i32>} : memref<256x64xi32, #tpu.memory_space<vmem>>, vector<1x16xi32>,
            %get3A_535 = vector.shape_cast %get3A_534 : vector<1x16xi32> to vector<16xi32>
            %get3A_536 = arith.index_cast %add3A_531 : i32 to index
            %get3A_537 = arith.constant 48 : index
            %get3A_538 = tpu.vector_load %arg17[%get3A_536, %get3A_537] {strides = array<i32>} : memref<256x64xi32, #tpu.memory_space<vmem>>, vector<1x16xi32>,
            %get3A_539 = vector.shape_cast %get3A_538 : vector<1x16xi32> to vector<16xi32>
            %shift_left3A_540 = arith.constant 16 : i32
            %shift_left3A_541 = vector.broadcast %shift_left3A_540 : i32 to vector<16xi32>
            %shift_left3A_542 = arith.shli %get3A_535, %shift_left3A_541 : vector<16xi32>
            %bitcast_convert_type3A_543 = tpu.bitcast %shift_left3A_542 : vector<16xi32> -> vector<16xf32>
            %add3A_544 = arith.addf %add3A_515, %bitcast_convert_type3A_543 : vector<16xf32>
            %and3A_545 = arith.andi %get3A_535, %broadcast_in_dim3A_318 : vector<16xi32>
            %bitcast_convert_type3A_546 = tpu.bitcast %and3A_545 : vector<16xi32> -> vector<16xf32>
            %add3A_547 = arith.addf %add3A_518, %bitcast_convert_type3A_546 : vector<16xf32>
            %shift_left3A_548 = arith.constant 16 : i32
            %shift_left3A_549 = vector.broadcast %shift_left3A_548 : i32 to vector<16xi32>
            %shift_left3A_550 = arith.shli %get3A_539, %shift_left3A_549 : vector<16xi32>
            %bitcast_convert_type3A_551 = tpu.bitcast %shift_left3A_550 : vector<16xi32> -> vector<16xf32>
            %add3A_552 = arith.addf %add3A_523, %bitcast_convert_type3A_551 : vector<16xf32>
            %and3A_553 = arith.andi %get3A_539, %broadcast_in_dim3A_318 : vector<16xi32>
            %bitcast_convert_type3A_554 = tpu.bitcast %and3A_553 : vector<16xi32> -> vector<16xf32>
            %add3A_555 = arith.addf %add3A_526, %bitcast_convert_type3A_554 : vector<16xf32>
            %mul3A_556 = arith.constant 4 : i32
            %mul3A_557 = arith.muli %scan3A_467, %mul3A_556 : i32
            %add3A_558 = arith.addi %mul3A_339, %mul3A_557 : i32
            %add3A_559 = arith.constant 3 : i32
            %add3A_560 = arith.addi %add3A_558, %add3A_559 : i32
            %get3A_561 = arith.index_cast %add3A_560 : i32 to index
            %get3A_562 = arith.constant 48 : index
            %get3A_563 = tpu.vector_load %arg15[%get3A_561, %get3A_562] {strides = array<i32>} : memref<256x64xi32, #tpu.memory_space<vmem>>, vector<1x16xi32>,
            %get3A_564 = vector.shape_cast %get3A_563 : vector<1x16xi32> to vector<16xi32>
            %get3A_565 = arith.index_cast %add3A_560 : i32 to index
            %get3A_566 = arith.constant 48 : index
            %get3A_567 = tpu.vector_load %arg17[%get3A_565, %get3A_566] {strides = array<i32>} : memref<256x64xi32, #tpu.memory_space<vmem>>, vector<1x16xi32>,
            %get3A_568 = vector.shape_cast %get3A_567 : vector<1x16xi32> to vector<16xi32>
            %shift_left3A_569 = arith.constant 16 : i32
            %shift_left3A_570 = vector.broadcast %shift_left3A_569 : i32 to vector<16xi32>
            %shift_left3A_571 = arith.shli %get3A_564, %shift_left3A_570 : vector<16xi32>
            %bitcast_convert_type3A_572 = tpu.bitcast %shift_left3A_571 : vector<16xi32> -> vector<16xf32>
            %add3A_573 = arith.addf %add3A_544, %bitcast_convert_type3A_572 : vector<16xf32>
            %and3A_574 = arith.andi %get3A_564, %broadcast_in_dim3A_318 : vector<16xi32>
            %bitcast_convert_type3A_575 = tpu.bitcast %and3A_574 : vector<16xi32> -> vector<16xf32>
            %add3A_576 = arith.addf %add3A_547, %bitcast_convert_type3A_575 : vector<16xf32>
            %shift_left3A_577 = arith.constant 16 : i32
            %shift_left3A_578 = vector.broadcast %shift_left3A_577 : i32 to vector<16xi32>
            %shift_left3A_579 = arith.shli %get3A_568, %shift_left3A_578 : vector<16xi32>
            %bitcast_convert_type3A_580 = tpu.bitcast %shift_left3A_579 : vector<16xi32> -> vector<16xf32>
            %add3A_581 = arith.addf %add3A_552, %bitcast_convert_type3A_580 : vector<16xf32>
            %and3A_582 = arith.andi %get3A_568, %broadcast_in_dim3A_318 : vector<16xi32>
            %bitcast_convert_type3A_583 = tpu.bitcast %and3A_582 : vector<16xi32> -> vector<16xf32>
            %add3A_584 = arith.addf %add3A_555, %bitcast_convert_type3A_583 : vector<16xf32>
            scf.yield %add3A_573, %add3A_576, %add3A_581, %add3A_584 : vector<16xf32>, vector<16xf32>, vector<16xf32>, vector<16xf32>
          }
          %scan3A_442 = arith.constant 8 : i32
          %mul3A_443 = arith.mulf %scan3A_441#0, %broadcast_in_dim3A_119 : vector<16xf32>
          %swap3A_444 = arith.index_cast %scan3A_337 : i32 to index
          %swap3A_445 = arith.constant 96 : index
          %swap3A_446 = tpu.vector_load %arg19[%swap3A_444, %swap3A_445] {strides = array<i32>} : memref<8x128xf32, #tpu.memory_space<vmem>>, vector<1x16xf32>,
          %swap3A_447 = vector.shape_cast %swap3A_446 : vector<1x16xf32> to vector<16xf32>
          %swap3A_448 = vector.shape_cast %mul3A_443 : vector<16xf32> to vector<1x16xf32>
          tpu.vector_store %arg19[%swap3A_444, %swap3A_445], %swap3A_448 {strides = array<i32>} : memref<8x128xf32, #tpu.memory_space<vmem>>, vector<1x16xf32>,
          %mul3A_449 = arith.mulf %scan3A_441#1, %broadcast_in_dim3A_119 : vector<16xf32>
          %swap3A_450 = arith.index_cast %scan3A_337 : i32 to index
          %swap3A_451 = arith.constant 112 : index
          %swap3A_452 = tpu.vector_load %arg19[%swap3A_450, %swap3A_451] {strides = array<i32>} : memref<8x128xf32, #tpu.memory_space<vmem>>, vector<1x16xf32>,
          %swap3A_453 = vector.shape_cast %swap3A_452 : vector<1x16xf32> to vector<16xf32>
          %swap3A_454 = vector.shape_cast %mul3A_449 : vector<16xf32> to vector<1x16xf32>
          tpu.vector_store %arg19[%swap3A_450, %swap3A_451], %swap3A_454 {strides = array<i32>} : memref<8x128xf32, #tpu.memory_space<vmem>>, vector<1x16xf32>,
          %mul3A_455 = arith.mulf %scan3A_441#2, %broadcast_in_dim3A_119 : vector<16xf32>
          %swap3A_456 = arith.index_cast %scan3A_337 : i32 to index
          %swap3A_457 = arith.constant 96 : index
          %swap3A_458 = tpu.vector_load %arg21[%swap3A_456, %swap3A_457] {strides = array<i32>} : memref<8x128xf32, #tpu.memory_space<vmem>>, vector<1x16xf32>,
          %swap3A_459 = vector.shape_cast %swap3A_458 : vector<1x16xf32> to vector<16xf32>
          %swap3A_460 = vector.shape_cast %mul3A_455 : vector<16xf32> to vector<1x16xf32>
          tpu.vector_store %arg21[%swap3A_456, %swap3A_457], %swap3A_460 {strides = array<i32>} : memref<8x128xf32, #tpu.memory_space<vmem>>, vector<1x16xf32>,
          %mul3A_461 = arith.mulf %scan3A_441#3, %broadcast_in_dim3A_119 : vector<16xf32>
          %swap3A_462 = arith.index_cast %scan3A_337 : i32 to index
          %swap3A_463 = arith.constant 112 : index
          %swap3A_464 = tpu.vector_load %arg21[%swap3A_462, %swap3A_463] {strides = array<i32>} : memref<8x128xf32, #tpu.memory_space<vmem>>, vector<1x16xf32>,
          %swap3A_465 = vector.shape_cast %swap3A_464 : vector<1x16xf32> to vector<16xf32>
          %swap3A_466 = vector.shape_cast %mul3A_461 : vector<16xf32> to vector<1x16xf32>
          tpu.vector_store %arg21[%swap3A_462, %swap3A_463], %swap3A_466 {strides = array<i32>} : memref<8x128xf32, #tpu.memory_space<vmem>>, vector<1x16xf32>,
        }
        %scan3A_324 = arith.constant 8 : i32
        "tpu.trace_stop"() : () -> ()
        %dma_start3A_325 = arith.constant 0 : i32
        %dma_start3A_326 = tpu.memref_slice %arg6[%add3A_250, %dma_start3A_325] : memref<10240x64xi32, #tpu.memory_space<hbm>> -> memref<8x64xi32, #tpu.memory_space<hbm>>
        %dma_start3A_327 = arith.constant 0 : i32
        %dma_start3A_328 = tpu.memref_slice %arg6[%add3A_250, %dma_start3A_327] : memref<10240x64xi32, #tpu.memory_space<hbm>> -> memref<8x64xi32, #tpu.memory_space<hbm>>
        tpu.enqueue_dma source(%arg13 : memref<8x64xi32, #tpu.memory_space<vmem>>) target(%dma_start3A_328 : memref<8x64xi32, #tpu.memory_space<hbm>>) target_semaphore(%arg25 : memref<!tpu.dma_semaphore, #tpu.memory_space<semaphore_mem>>)
        %dma_start3A_329 = arith.constant 0 : i32
        %dma_start3A_330 = tpu.memref_slice %arg7[%add3A_250, %dma_start3A_329] : memref<10240x128xf32, #tpu.memory_space<hbm>> -> memref<8x128xf32, #tpu.memory_space<hbm>>
        %dma_start3A_331 = arith.constant 0 : i32
        %dma_start3A_332 = tpu.memref_slice %arg7[%add3A_250, %dma_start3A_331] : memref<10240x128xf32, #tpu.memory_space<hbm>> -> memref<8x128xf32, #tpu.memory_space<hbm>>
        tpu.enqueue_dma source(%arg19 : memref<8x128xf32, #tpu.memory_space<vmem>>) target(%dma_start3A_332 : memref<8x128xf32, #tpu.memory_space<hbm>>) target_semaphore(%arg25 : memref<!tpu.dma_semaphore, #tpu.memory_space<semaphore_mem>>)
        %dma_start3A_333 = arith.constant 0 : i32
        %dma_start3A_334 = tpu.memref_slice %arg8[%add3A_250, %dma_start3A_333] : memref<10240x128xf32, #tpu.memory_space<hbm>> -> memref<8x128xf32, #tpu.memory_space<hbm>>
        %dma_start3A_335 = arith.constant 0 : i32
        %dma_start3A_336 = tpu.memref_slice %arg8[%add3A_250, %dma_start3A_335] : memref<10240x128xf32, #tpu.memory_space<hbm>> -> memref<8x128xf32, #tpu.memory_space<hbm>>
        tpu.enqueue_dma source(%arg21 : memref<8x128xf32, #tpu.memory_space<vmem>>) target(%dma_start3A_336 : memref<8x128xf32, #tpu.memory_space<hbm>>) target_semaphore(%arg25 : memref<!tpu.dma_semaphore, #tpu.memory_space<semaphore_mem>>)
      }
      %scan3A_124 = arith.constant 20 : i32
      %add3A_125 = arith.constant 304 : i32
      %add3A_126 = arith.addi %add3A_8, %add3A_125 : i32
      %dma_wait3A = arith.constant 0 : i32
      %dma_wait3A_127 = tpu.memref_slice %arg6[%add3A_126, %dma_wait3A] : memref<10240x64xi32, #tpu.memory_space<hbm>> -> memref<8x64xi32, #tpu.memory_space<hbm>>
      %dma_wait3A_128 = arith.constant 0 : i32
      %dma_wait3A_129 = tpu.memref_slice %arg6[%add3A_126, %dma_wait3A_128] : memref<10240x64xi32, #tpu.memory_space<hbm>> -> memref<8x64xi32, #tpu.memory_space<hbm>>
      tpu.wait_dma2 semaphore(%arg24 : memref<!tpu.dma_semaphore, #tpu.memory_space<semaphore_mem>>) src(%arg12 : memref<8x64xi32, #tpu.memory_space<vmem>>) dst(%dma_wait3A_129 : memref<8x64xi32, #tpu.memory_space<hbm>>)
      %dma_wait3A_130 = arith.constant 0 : i32
      %dma_wait3A_131 = tpu.memref_slice %arg7[%add3A_126, %dma_wait3A_130] : memref<10240x128xf32, #tpu.memory_space<hbm>> -> memref<8x128xf32, #tpu.memory_space<hbm>>
      %dma_wait3A_132 = arith.constant 0 : i32
      %dma_wait3A_133 = tpu.memref_slice %arg7[%add3A_126, %dma_wait3A_132] : memref<10240x128xf32, #tpu.memory_space<hbm>> -> memref<8x128xf32, #tpu.memory_space<hbm>>
      tpu.wait_dma2 semaphore(%arg24 : memref<!tpu.dma_semaphore, #tpu.memory_space<semaphore_mem>>) src(%arg18 : memref<8x128xf32, #tpu.memory_space<vmem>>) dst(%dma_wait3A_133 : memref<8x128xf32, #tpu.memory_space<hbm>>)
      %dma_wait3A_134 = arith.constant 0 : i32
      %dma_wait3A_135 = tpu.memref_slice %arg8[%add3A_126, %dma_wait3A_134] : memref<10240x128xf32, #tpu.memory_space<hbm>> -> memref<8x128xf32, #tpu.memory_space<hbm>>
      %dma_wait3A_136 = arith.constant 0 : i32
      %dma_wait3A_137 = tpu.memref_slice %arg8[%add3A_126, %dma_wait3A_136] : memref<10240x128xf32, #tpu.memory_space<hbm>> -> memref<8x128xf32, #tpu.memory_space<hbm>>
      tpu.wait_dma2 semaphore(%arg24 : memref<!tpu.dma_semaphore, #tpu.memory_space<semaphore_mem>>) src(%arg20 : memref<8x128xf32, #tpu.memory_space<vmem>>) dst(%dma_wait3A_137 : memref<8x128xf32, #tpu.memory_space<hbm>>)
      %add3A_138 = arith.constant 312 : i32
      %add3A_139 = arith.addi %add3A_8, %add3A_138 : i32
      %dma_wait3A_140 = arith.constant 0 : i32
      %dma_wait3A_141 = tpu.memref_slice %arg6[%add3A_139, %dma_wait3A_140] : memref<10240x64xi32, #tpu.memory_space<hbm>> -> memref<8x64xi32, #tpu.memory_space<hbm>>
      %dma_wait3A_142 = arith.constant 0 : i32
      %dma_wait3A_143 = tpu.memref_slice %arg6[%add3A_139, %dma_wait3A_142] : memref<10240x64xi32, #tpu.memory_space<hbm>> -> memref<8x64xi32, #tpu.memory_space<hbm>>
      tpu.wait_dma2 semaphore(%arg25 : memref<!tpu.dma_semaphore, #tpu.memory_space<semaphore_mem>>) src(%arg13 : memref<8x64xi32, #tpu.memory_space<vmem>>) dst(%dma_wait3A_143 : memref<8x64xi32, #tpu.memory_space<hbm>>)
      %dma_wait3A_144 = arith.constant 0 : i32
      %dma_wait3A_145 = tpu.memref_slice %arg7[%add3A_139, %dma_wait3A_144] : memref<10240x128xf32, #tpu.memory_space<hbm>> -> memref<8x128xf32, #tpu.memory_space<hbm>>
      %dma_wait3A_146 = arith.constant 0 : i32
      %dma_wait3A_147 = tpu.memref_slice %arg7[%add3A_139, %dma_wait3A_146] : memref<10240x128xf32, #tpu.memory_space<hbm>> -> memref<8x128xf32, #tpu.memory_space<hbm>>
      tpu.wait_dma2 semaphore(%arg25 : memref<!tpu.dma_semaphore, #tpu.memory_space<semaphore_mem>>) src(%arg19 : memref<8x128xf32, #tpu.memory_space<vmem>>) dst(%dma_wait3A_147 : memref<8x128xf32, #tpu.memory_space<hbm>>)
      %dma_wait3A_148 = arith.constant 0 : i32
      %dma_wait3A_149 = tpu.memref_slice %arg8[%add3A_139, %dma_wait3A_148] : memref<10240x128xf32, #tpu.memory_space<hbm>> -> memref<8x128xf32, #tpu.memory_space<hbm>>
      %dma_wait3A_150 = arith.constant 0 : i32
      %dma_wait3A_151 = tpu.memref_slice %arg8[%add3A_139, %dma_wait3A_150] : memref<10240x128xf32, #tpu.memory_space<hbm>> -> memref<8x128xf32, #tpu.memory_space<hbm>>
      tpu.wait_dma2 semaphore(%arg25 : memref<!tpu.dma_semaphore, #tpu.memory_space<semaphore_mem>>) src(%arg21 : memref<8x128xf32, #tpu.memory_space<vmem>>) dst(%dma_wait3A_151 : memref<8x128xf32, #tpu.memory_space<hbm>>)
    } else {
    }
    return
  }
}

module attributes {stable_mosaic.version = 14 : i64} {
  func.func @body(%arg0: i32, %arg1: memref<512x128xbf16, #tpu.memory_space<vmem>>, %arg2: memref<512x128xf32, #tpu.memory_space<vmem>>, %arg3: memref<512x128xf32, #tpu.memory_space<vmem>>, %arg4: memref<128x128xf32, #tpu.memory_space<vmem>>, %arg5: memref<128x128xf32, #tpu.memory_space<vmem>>, %arg6: memref<128x128xf32, #tpu.memory_space<vmem>>, %arg7: memref<1x384xf32, #tpu.memory_space<vmem>>, %arg8: memref<512x384xf32, #tpu.memory_space<vmem>>) attributes {dimension_semantics = [#tpu.dimension_semantics<arbitrary>], iteration_bounds = array<i64: 20>, scalar_prefetch = 0 : i64, scratch_operands = 0 : i64, tpu.core_type = #tpu.core_type<tc>, window_params = [{transform_indices = @transform_0, window_bounds = array<i64: 512, 128>}, {transform_indices = @transform_1, window_bounds = array<i64: 512, 128>}, {transform_indices = @transform_2, window_bounds = array<i64: 512, 128>}, {pipeline_mode = #tpu.pipeline_mode<synchronous>, transform_indices = @transform_3, window_bounds = array<i64: 128, 128>}, {pipeline_mode = #tpu.pipeline_mode<synchronous>, transform_indices = @transform_4, window_bounds = array<i64: 128, 128>}, {pipeline_mode = #tpu.pipeline_mode<synchronous>, transform_indices = @transform_5, window_bounds = array<i64: 128, 128>}, {pipeline_mode = #tpu.pipeline_mode<synchronous>, transform_indices = @transform_6, window_bounds = array<i64: 1, 384>}, {transform_indices = @transform_7, window_bounds = array<i64: 512, 384>}]} {
    %get3A = arith.constant 0 : index
    %get3A_0 = arith.constant 0 : index
    %get3A_1 = vector.load %arg1[%get3A, %get3A_0] : memref<512x128xbf16, #tpu.memory_space<vmem>>, vector<512x128xbf16>
    %convert_element_type3A = arith.extf %get3A_1 : vector<512x128xbf16> to vector<512x128xf32>
    %get3A_2 = arith.constant 0 : index
    %get3A_3 = arith.constant 0 : index
    %get3A_4 = vector.load %arg4[%get3A_2, %get3A_3] : memref<128x128xf32, #tpu.memory_space<vmem>>, vector<128x128xf32>
    %dot_general3A = arith.constant dense<0.000000e+00> : vector<512x128xf32>
    %dot_general3A_5 = tpu.matmul %convert_element_type3A, %get3A_4, %dot_general3A {dimension_numbers = #tpu.dot_dimension_numbers<[1], [0], [0], [1], [0, 0, 1, 1], [], []>, transpose_lhs_hint = false} : vector<512x128xf32>, vector<128x128xf32>, vector<512x128xf32> -> vector<512x128xf32>
    %get3A_6 = arith.constant 0 : index
    %get3A_7 = arith.constant 0 : index
    %get3A_8 = vector.load %arg2[%get3A_6, %get3A_7] : memref<512x128xf32, #tpu.memory_space<vmem>>, vector<512x128xf32>
    %get3A_9 = arith.constant 0 : index
    %get3A_10 = arith.constant 0 : index
    %get3A_11 = vector.load %arg5[%get3A_9, %get3A_10] : memref<128x128xf32, #tpu.memory_space<vmem>>, vector<128x128xf32>
    %dot_general3A_12 = arith.constant dense<0.000000e+00> : vector<512x128xf32>
    %dot_general3A_13 = tpu.matmul %get3A_8, %get3A_11, %dot_general3A_12 {dimension_numbers = #tpu.dot_dimension_numbers<[1], [0], [0], [1], [0, 0, 1, 1], [], []>, transpose_lhs_hint = false} : vector<512x128xf32>, vector<128x128xf32>, vector<512x128xf32> -> vector<512x128xf32>
    %get3A_14 = arith.constant 0 : index
    %get3A_15 = arith.constant 0 : index
    %get3A_16 = vector.load %arg3[%get3A_14, %get3A_15] : memref<512x128xf32, #tpu.memory_space<vmem>>, vector<512x128xf32>
    %get3A_17 = arith.constant 0 : index
    %get3A_18 = arith.constant 0 : index
    %get3A_19 = vector.load %arg6[%get3A_17, %get3A_18] : memref<128x128xf32, #tpu.memory_space<vmem>>, vector<128x128xf32>
    %dot_general3A_20 = arith.constant dense<0.000000e+00> : vector<512x128xf32>
    %dot_general3A_21 = tpu.matmul %get3A_16, %get3A_19, %dot_general3A_20 {dimension_numbers = #tpu.dot_dimension_numbers<[1], [0], [0], [1], [0, 0, 1, 1], [], []>, transpose_lhs_hint = false} : vector<512x128xf32>, vector<128x128xf32>, vector<512x128xf32> -> vector<512x128xf32>
    %concatenate3A = tpu.concatenate %dot_general3A_5, %dot_general3A_13, %dot_general3A_21 in 1 : vector<512x128xf32>, vector<512x128xf32>, vector<512x128xf32> -> vector<512x384xf32>
    %get3A_22 = arith.constant 0 : index
    %get3A_23 = arith.constant 0 : index
    %get3A_24 = vector.load %arg7[%get3A_22, %get3A_23] : memref<1x384xf32, #tpu.memory_space<vmem>>, vector<1x384xf32>
    %add3A = vector.broadcast %get3A_24 : vector<1x384xf32> to vector<512x384xf32>
    %add3A_25 = arith.addf %concatenate3A, %add3A : vector<512x384xf32>
    %ge3A = arith.constant 0.000000e+00 : f32
    %ge3A_26 = vector.broadcast %ge3A : f32 to vector<512x384xf32>
    %ge3A_27 = arith.cmpf oge, %add3A_25, %ge3A_26 : vector<512x384xf32>
    %mul3A = arith.constant 2.000000e-01 : f32
    %mul3A_28 = vector.broadcast %mul3A : f32 to vector<512x384xf32>
    %mul3A_29 = arith.mulf %mul3A_28, %add3A_25 : vector<512x384xf32>
    %select_n3A = arith.select %ge3A_27, %add3A_25, %mul3A_29 : vector<512x384xi1>, vector<512x384xf32>
    %mul3A_30 = arith.mulf %select_n3A, %select_n3A : vector<512x384xf32>
    %reduce_sum3A = arith.constant dense<0.000000e+00> : vector<512xf32>
    %reduce_sum3A_31 = vector.multi_reduction <add>, %mul3A_30, %reduce_sum3A [1] : vector<512x384xf32> to vector<512xf32>
    %broadcast_in_dim3A = vector.shape_cast %reduce_sum3A_31 : vector<512xf32> to vector<512x1xf32>
    %sqrt3A = math.sqrt %broadcast_in_dim3A : vector<512x1xf32>
    %max3A = arith.constant 9.99999996E-13 : f32
    %max3A_32 = vector.broadcast %max3A : f32 to vector<512x1xf32>
    %max3A_33 = arith.maximumf %sqrt3A, %max3A_32 : vector<512x1xf32>
    %div3A = vector.broadcast %max3A_33 : vector<512x1xf32> to vector<512x384xf32>
    %div3A_34 = arith.divf %select_n3A, %div3A : vector<512x384xf32>
    %swap3A = arith.constant 0 : index
    %swap3A_35 = arith.constant 0 : index
    %swap3A_36 = vector.load %arg8[%swap3A, %swap3A_35] : memref<512x384xf32, #tpu.memory_space<vmem>>, vector<512x384xf32>
    tpu.vector_store %arg8[%swap3A, %swap3A_35], %div3A_34 {strides = array<i32>} : memref<512x384xf32, #tpu.memory_space<vmem>>, vector<512x384xf32>,
    return
  }
  func.func @transform_0(%arg0: i32) -> (i32, i32) {
    %c0_i32 = arith.constant 0 : i32
    %c0_i32_0 = arith.constant 0 : i32
    return %arg0, %c0_i32 : i32, i32
  }
  func.func @transform_1(%arg0: i32) -> (i32, i32) {
    %c0_i32 = arith.constant 0 : i32
    %c0_i32_0 = arith.constant 0 : i32
    return %arg0, %c0_i32 : i32, i32
  }
  func.func @transform_2(%arg0: i32) -> (i32, i32) {
    %c0_i32 = arith.constant 0 : i32
    %c0_i32_0 = arith.constant 0 : i32
    return %arg0, %c0_i32 : i32, i32
  }
  func.func @transform_3(%arg0: i32) -> (i32, i32) {
    %c0_i32 = arith.constant 0 : i32
    %c0_i32_0 = arith.constant 0 : i32
    %c0_i32_1 = arith.constant 0 : i32
    return %c0_i32, %c0_i32_0 : i32, i32
  }
  func.func @transform_4(%arg0: i32) -> (i32, i32) {
    %c0_i32 = arith.constant 0 : i32
    %c0_i32_0 = arith.constant 0 : i32
    %c0_i32_1 = arith.constant 0 : i32
    return %c0_i32, %c0_i32_0 : i32, i32
  }
  func.func @transform_5(%arg0: i32) -> (i32, i32) {
    %c0_i32 = arith.constant 0 : i32
    %c0_i32_0 = arith.constant 0 : i32
    %c0_i32_1 = arith.constant 0 : i32
    return %c0_i32, %c0_i32_0 : i32, i32
  }
  func.func @transform_6(%arg0: i32) -> (i32, i32) {
    %c0_i32 = arith.constant 0 : i32
    %c0_i32_0 = arith.constant 0 : i32
    %c0_i32_1 = arith.constant 0 : i32
    return %c0_i32, %c0_i32_0 : i32, i32
  }
  func.func @transform_7(%arg0: i32) -> (i32, i32) {
    %c0_i32 = arith.constant 0 : i32
    %c0_i32_0 = arith.constant 0 : i32
    return %arg0, %c0_i32 : i32, i32
  }
}

</mosaic_0001>

<sc_bundles>
// kernel: kernel.4.cloned.1.call-start
scs
__scs_entry_jumppad:
0x0: {  	(pc) =	sbr.rel $0x88, $3  }
0x1: {  	(tag) =	ssettag $0x0;
	lr =	simm.s32 $0x1  }
0x2: {  	[smem:$0x3F99] =	sst lr;
	_ =	strace $0xD0000000  }
0x3: {  	_ = 	snop  }
0x4: {  	_ = 	snop  }
0x5: {  	_ = 	snop  }
0x6: {  	_ = 	snop  }
0x7: {  	_ = 	snop  }
__scs_overlays_trampoline_lowered:
0x8: {  	[smem:$0x3FA8] =	sst s0  }
0x9: {  	[smem:$0x3FA9] =	sst s1  }
0xa: {  	[smem:$0x3FAA] =	sst s2  }
0xb: {  	[smem:$0x3FAB] =	sst s3  }
0xc: {  	[smem:$0x3FAC] =	sst s4  }
0xd: {  	[smem:$0x3FAD] =	sst s5  }
0xe: {  	[smem:$0x3FAE] =	sst s6  }
0xf: {  	[smem:$0x3FAF] =	sst s7  }
0x10: {  	[smem:$0x3FB0] =	sst s8  }
0x11: {  	[smem:$0x3FB1] =	sst s9;
	s0 =	simm.s32 @!p0 $0x0  }
0x12: {  	s1 =	sld [smem:$0x3F97];
	s0 =	simm.s32 @p0 $0x1  }
0x13: {  	[smem:$0x3FB2] =	sst s0;
	s0 =	simm.s32 @!p1 $0x0  }
0x14: {  	s2 =	sld [smem:$0x3F96];
	s0 =	simm.s32 @p1 $0x1  }
0x15: {  	[smem:$0x3FB3] =	sst s0;
	s0 =	simm.s32 @!p2 $0x0  }
0x16: {  	s3 =	sld [smem:$0x3FDB];
	s0 =	simm.s32 @p2 $0x1  }
0x17: {  	s4 =	simm.s32 $0x1BF5;
	[smem:$0x3FB5] =	sst s0  }
0x18: {  	s0 =	sld [smem:$0x3F98];
	_ =	swait.ge [sflag:s4], $0x0  }
0x19: {  	s7 =	sld [smem:$0x3F99]  }
0x1a: {  	s8 =	sadd.s32 $0xFFFFE003, lr  }
0x1b: {  	s9 =	sadd.s32 $0xFFFFFEF7, lr;
	s5 =	simm.s32 $0xFFFFFFFF;
	p2 =	slt.u32 s8, $0xFFFFF086  }
0x1c: {  	p1 =	slt.u32 s9, $0xF7A;
	s5 =	simm.s32 @!p2 $0x0  }
0x1d: {  	s5 =	simm.s32 @p1 $0x1;
	p0 =	seq.s32 s7, s2  }
0x1e: {  	s7 =	smul.u32 @!p0 $0xF7A, s2;
	p2 =	seq.s32 @!p0 s5, $0x0  }
0x1f: {  	s9 =	smul.u32 $0xF7A, s1;
	s8 =	simm.s32 @!p0 $0x1BF5;
	p2 =	por !p2, p0  }
0x20: {  	[sflag:s8] =	ssyncset.s32 @!p0 $0xFFFFF086;
	s6 =	sadd.s32 @!p0 s3, s7;
	s7 =	simm.s32 @!p0 $0x108  }
0x21: {  	s3 =	sadd.s32 s3, s9;
	s6 =	sadd.s32 @!p0 $0x88, s6;
	s7 =	simm.s32 @p2 $0x1082  }
0x22: {  	[simem:s7], [sflag:s8] =	dma.local @!p0 [hbm:s6], $0xF7A  }
0x23: {  	s9 =	sor.u32 $0xD0000000, s2;
	s6 =	simm.s32 $0x108;
	_ =	swait.ge @!p0 [sflag:s8], $0x0  }
0x24: {  	s3 =	sadd.s32 $0x88, s3;
	s6 =	simm.s32 @!p1 $0x1082;
	[sflag:s4] =	ssyncset.s32 $0xFFFFF086  }
0x25: {  	[simem:s6], [sflag:s4] =	dma.local [hbm:s3], $0xF7A  }
0x26: {  	[smem:$0x3F99] =	sst s1;
	(tag) =	ssettag s2;
	_ =	strace s9  }
0x27: {  	s1 =	sld [smem:$0x3FA9]  }
0x28: {  	s2 =	sld [smem:$0x3FAA]  }
0x29: {  	s4 =	sld [smem:$0x3FAC]  }
0x2a: {  	p0 =	seq.s32 s5, $0x0;
	s5 =	sld [smem:$0x3FAD]  }
0x2b: {  	s6 =	sld [smem:$0x3FAE]  }
0x2c: {  	s7 =	sld [smem:$0x3FAF]  }
0x2d: {  	s3 =	simm.s32 $0x108;
	s8 =	sld [smem:$0x3FB0]  }
0x2e: {  	s3 =	simm.s32 @!p0 $0x1082;
	s9 =	sld [smem:$0x3FB1]  }
0x2f: {  	lr =	sadd.s32 s0, s3;
	s0 =	sld [smem:$0x3FA8]  }
0x30: {  	s3 =	sld [smem:$0x3FAB]  }
0x31: {  	[smem:$0x3FB4] =	sst s10  }
0x32: {  	s10 =	sld [smem:$0x3FB2];
	_ =	sdelay $0x3  }
0x33: {  	p0 =	seq.s32 s10, $0x1;
	s10 =	sld [smem:$0x3FB4];
	_ =	sdelay $0x3  }
0x34: {  	[smem:$0x3FB4] =	sst s10  }
0x35: {  	s10 =	sld [smem:$0x3FB3];
	_ =	sdelay $0x3  }
0x36: {  	p1 =	seq.s32 s10, $0x1;
	s10 =	sld [smem:$0x3FB4];
	_ =	sdelay $0x3  }
0x37: {  	[smem:$0x3FB4] =	sst s10  }
0x38: {  	s10 =	sld [smem:$0x3FB5]  }
0x39: {  	_ = 	snop;
	(pc) =	sbr.ind lr, $3  }
0x3a: {  	_ = 	snop  }
0x3b: {  	_ = 	snop  }
0x3c: {  	p2 =	seq.s32 s10, $0x1;
	s10 =	sld [smem:$0x3FB4]  }
0x3d: {  	_ =	shalt  }
0x3e: {  	_ =	shalt  }
0x3f: {  	_ =	shalt  }
0x40: {  	_ =	shalt  }
0x41: {  	_ =	shalt  }
0x42: {  	_ =	shalt  }
0x43: {  	_ =	shalt  }
0x44: {  	_ =	shalt  }
0x45: {  	_ =	shalt  }
0x46: {  	_ =	shalt  }
0x47: {  	_ =	shalt  }
0x48: {  	_ =	shalt  }
0x49: {  	_ =	shalt  }
0x4a: {  	_ =	shalt  }
0x4b: {  	_ =	shalt  }
0x4c: {  	_ =	shalt  }
0x4d: {  	_ =	shalt  }
0x4e: {  	_ =	shalt  }
0x4f: {  	_ =	shalt  }
0x50: {  	_ =	shalt  }
0x51: {  	_ =	shalt  }
0x52: {  	_ =	shalt  }
0x53: {  	_ =	shalt  }
0x54: {  	_ =	shalt  }
0x55: {  	_ =	shalt  }
0x56: {  	_ =	shalt  }
0x57: {  	_ =	shalt  }
0x58: {  	_ =	shalt  }
0x59: {  	_ =	shalt  }
0x5a: {  	_ =	shalt  }
0x5b: {  	_ =	shalt  }
0x5c: {  	_ =	shalt  }
0x5d: {  	_ =	shalt  }
0x5e: {  	_ =	shalt  }
0x5f: {  	_ =	shalt  }
0x60: {  	_ =	shalt  }
0x61: {  	_ =	shalt  }
0x62: {  	_ =	shalt  }
0x63: {  	_ =	shalt  }
0x64: {  	_ =	shalt  }
0x65: {  	_ =	shalt  }
0x66: {  	_ =	shalt  }
0x67: {  	_ =	shalt  }
0x68: {  	_ =	shalt  }
0x69: {  	_ =	shalt  }
0x6a: {  	_ =	shalt  }
0x6b: {  	_ =	shalt  }
0x6c: {  	_ =	shalt  }
0x6d: {  	_ =	shalt  }
0x6e: {  	_ =	shalt  }
0x6f: {  	_ =	shalt  }
0x70: {  	_ =	shalt  }
0x71: {  	_ =	shalt  }
0x72: {  	_ =	shalt  }
0x73: {  	_ =	shalt  }
0x74: {  	_ =	shalt  }
0x75: {  	_ =	shalt  }
0x76: {  	_ =	shalt  }
0x77: {  	_ =	shalt  }
0x78: {  	_ =	shalt  }
0x79: {  	_ =	shalt  }
0x7a: {  	_ =	shalt  }
0x7b: {  	_ =	shalt  }
0x7c: {  	_ =	shalt  }
0x7d: {  	_ =	shalt  }
0x7e: {  	_ =	shalt  }
0x7f: {  	_ =	shalt  }
0x80: {  	_ =	shalt  }
0x81: {  	_ =	shalt  }
0x82: {  	_ =	shalt  }
0x83: {  	_ =	shalt  }
0x84: {  	_ =	shalt  }
0x85: {  	_ =	shalt  }
0x86: {  	_ =	shalt  }
0x87: {  	_ =	shalt  }
.Lfunc_end0:
.L_simem_size_0:
called_computation_lowered:
.L_overlay_start_0:
0x88: {  	s2 =	sld [smem:$0x3FD9]  }
0x89: {  	s3 =	sld [smem:$0x3FFE];
	_ =	sdelay $0x1  }
0x8a: {  	s1 =	srdreg.scid  }
0x8b: {  	s0 =	sand.u32 $0x1, s1  }
0x8c: {  	s17 =	sshll.u32 s0, $0xA;
	s2 =	sadd.s32 s3, s2  }
0x8d: {  	s2 =	sadd.s32 s2, s17  }
0x8e: {  	[smem:$0x3FC0] =	sst s2  }
0x8f: {  	_ = 	snop  }
0x90: {  	s2 =	sld [smem:$0x3FD0];
	(tm) =	ssettm $0x1  }
0x91: {  	s18 =	sld [smem:$0x3FFB];
	_ =	sdelay $0x3  }
0x92: {  	_ =	strace s18  }
0x93: {  	s3 =	sld [smem:$0x3FFC];
	_ =	sdelay $0x3  }
0x94: {  	_ =	strace s3  }
0x95: {  	s3 =	sld [smem:$0x3FFD];
	_ =	sdelay $0x3  }
0x96: {  	_ =	strace s3  }
0x97: {  	_ =	strace $0x8FFFFFFF  }
0x98: {  	s19 =	sld [smem:$0x3FDB];
	_ =	sdelay $0x1  }
0x99: {  	s4 =	simm.s32 $_scs_section_size  }
0x9a: {  	s5 =	simm.s32 $_size__tile_overlayer_lowered;
	s6 =	simm.s32 $_tile_overlayer_lowered  }
0x9b: {  	s22 =	simm.s32 $0x1BFF;
	s21 =	sshll.u32 s6, $0x1;
	s3 =	sadd.s32 s4, s19  }
0x9c: {  	s7 =	simm.s32 $0x0;
	s20 =	sshll.u32 s5, $0x1;
	s5 =	sadd.s32 s21, s3  }
0x9d: {  	[timem:s7], [sflag:s22] =	dma.local [hbm:s5], s20  }
0x9e: {  	_ =	swait.ge [sflag:s22], s20  }
0x9f: {  	s4 =	ssub.s32 $0x0, s20;
	[sflag:s22] =	ssyncset.done $0x0  }
0xa0: {  	[sflag:s22] =	ssyncadd.s32 s4;
	_ =	sdelay $0x1  }
0xa1: {  	s23 =	simm.s32 $0x1B8B  }
0xa2: {  	_ =	swait.ge [sflag:s23], $0x1  }
0xa3: {  	[sflag:s23] =	ssyncset.done $0x0  }
0xa4: {  	s25 =	simm.s32 $0x1B8E;
	s24 =	sld [smem:$0x3FFE];
	[sflag:s23] =	ssyncadd.s32 $0xFFFFFFFF  }
0xa5: {  	s26 =	simm.s32 $execute0_lowered;
	[smem:$0x3FD2] =	sst s25  }
0xa6: {  	s5 =	sshll.u32 s26, $0x1;
	_ =	strace $0x80000046;
	[dreg:$0x1] =	wrdreg $0xFFFFFFFF  }
0xa7: {  	s28 =	simm.s32 $_size_execute0_lowered;
	s3 =	sadd.s32 s3, s5;
	[dreg:$0x0] =	wrdreg $0x0  }
0xa8: {  	s5 =	sshll.u32 s28, $0x1;
	[dreg:$0x2] =	wrdreg s3  }
0xa9: {  	[dreg:$0x3] =	wrdreg s5  }
0xaa: {  	[dreg:$0x4] =	wrdreg $0xC0  }
0xab: {  	_ =	task [dreg:s7], $0x5FFFF  }
0xac: {  	[dreg:$0x1] =	wrdreg $0xFFFFFFFF  }
0xad: {  	[dreg:$0x0] =	wrdreg $0x60  }
0xae: {  	[dreg:$0x2] =	wrdreg s24  }
0xaf: {  	[dreg:$0x3] =	wrdreg s2  }
0xb0: {  	[dreg:$0x4] =	wrdreg $0x9  }
0xb1: {  	_ =	task.clear_ibuf [dreg:s7], $0x5FFFF;
	_ =	strace $0x90000046  }
0xb2: {  	s29 =	simm.s32 $0x9;
	_ =	strace $0x8000005A  }
0xb3: {  	_ =	swait.ge [sflag:s29], $0x1  }
0xb4: {  	[sflag:s29] =	ssyncadd.s32 $0xFFFFFFFF  }
0xb5: {  	_ =	strace $0x9000005A  }
0xb6: {  	_ =	sfence  }
0xb7: {  	s30 =	sld [smem:$0x0];
	_ =	sdelay $0x2  }
0xb8: {  	s31 =	sshll.u32 s1, $0xD;
	s1 =	sshrl.u32 s1, $0x2  }
0xb9: {  	s3 =	sand.u32 $0x4000, s31;
	s1 =	sadd.s32 s1, s30  }
0xba: {  	s0 =	sor.u32 s3, s0;
	s1 =	sshll.u32 s1, $0x11  }
0xbb: {  	s0 =	sor.u32 s1, s0  }
0xbc: {  	s0 =	sadd.s32 $0x8F2B, s0  }
0xbd: {  	[sflag:s0] =	ssyncadd.remote.s32 $0x1  }
0xbe: {  	_ =	sfence.sel $0xFFFF  }
0xbf: {  	[dreg:$0x0] =	wrdreg $0xFFFFFFFF;
	(pc) =	sbr.abs _section_cstart, $3  }
0xc0: {  	[dreg:$0x1] =	wrdreg $0xFFFFFFFF  }
0xc1: {  	_ =	task.clear_ibuf [dreg:s7], $0x2FFFF;
	_ =	strace $0x9FFFFFFF  }
0xc2: {  	(tm) =	ssettm $0x7FFFFFFF  }
0xc3: {  	_ =	shalt  }
tec
execute0_lowered:
.L_overlay_start_1:
0x0: {  	(tag) =	ssettag $0x1  }
0x1: {  	s0 =	rddreg [dreg:$0x0]  }
0x2: {  	s1 =	rddreg [dreg:$0x1];
	s2 =	simm.s32 $0x0  }
0x3: {  	s5 =	srdreg.scid;
	s12 =	stileid.u32;
	s19 =	simm.s32 $0x8  }
0x4: {  	s20 =	simm.s32 $0x5140;
	s29 =	simm.s32 $0x5340;
	s28 =	simm.s32 $0x16140  }
0x5: {  	[smem:$0x7FF] =	sst s2;
	s3 =	sadd.s32 $0x29800, s0;
	s8 =	sadd.s32 $0x1F800, s0  }
0x6: {  	s9 =	sadd.s32 $0x1E00, s0;
	s4 =	sadd.s32 $0xBE00, s0;
	s6 =	smul.u32 $0x140, s12  }
0x7: {  	s10 =	sand.u32 $0x1, s5;
	s5 =	sadd.s32 $0x29E00, s0;
	s12 =	smul.u32 $0x500, s12  }
0x8: {  	s7 =	sadd.s32 $0x3DE00, s0;
	_ =	strace $0x80000047;
	s11 =	ssub.s32 $0x2, s10  }
0x9: {  	p0 =	seq.s32 s10, $0x1;
	s21 =	sshrl.u32 s11, $0x1;
	s23 =	sadd.s32 s8, s12  }
0xa: {  	s22 =	sshrl.u32 s6, $0x3;
	s24 =	sadd.s32 s9, s12;
	[dreg:$0x4] =	wrdreg s23  }
0xb: {  	s0 =	ssub.s32 s11, s21;
	s10 =	sadd.s32 s3, s22;
	[dreg:$0x5] =	wrdreg s24  }
0xc: {  	s21 =	simm.s32 $0x80;
	[dreg:$0x3] =	wrdreg s10;
	s10 =	sadd.s32 $0x1400, s6  }
.Ltmp0:
0xd: {  	s0 =	smax.u32 s0, $0x1;
	s25 =	sshrl.u32 s10, $0x3;
	(pc) =	sbr.rel .LBB2_1-.Ltmp0, $4  }
0xe: {  	s26 =	sshll.u32 s10, $0x2;
	[dreg:$0x9] =	wrdreg s0;
	s3 =	sadd.s32 s3, s25  }
0xf: {  	s22 =	simm.s32 $0x1;
	s30 =	sadd.s32 s8, s26;
	[dreg:$0x6] =	wrdreg s3  }
0x10: {  	s31 =	sadd.s32 s9, s26;
	s25 =	simm.s32 $0x2;
	[dreg:$0x7] =	wrdreg s30  }
0x11: {  	s26 =	simm.s32 $0x15940;
	s8 =	simm.s32 $0x0;
	[dreg:$0x8] =	wrdreg s31  }
.LBB2_46:
0x12: {  	s0 =	simm.s32 $0x3  }
0x13: {  	_ =	swait.ge [sflag:s0], $0x200  }
0x14: {  	[sflag:s0] =	ssyncset.done $0x0  }
0x15: {  	[sflag:s0] =	ssyncadd.s32 $0xFFFFFE00  }
0x16: {  	_ =	swait.ge [sflag:s0], $0x400  }
0x17: {  	[sflag:s0] =	ssyncset.done $0x0  }
0x18: {  	[sflag:s0] =	ssyncadd.s32 $0xFFFFFC00  }
0x19: {  	_ =	swait.ge [sflag:s0], $0x400  }
0x1a: {  	[sflag:s0] =	ssyncset.done $0x0  }
0x1b: {  	s3 =	simm.s32 $0x4;
	[sflag:s0] =	ssyncadd.s32 $0xFFFFFC00  }
0x1c: {  	_ =	swait.ge [sflag:s3], $0x200  }
0x1d: {  	[sflag:s3] =	ssyncset.done $0x0  }
0x1e: {  	[sflag:s3] =	ssyncadd.s32 $0xFFFFFE00  }
0x1f: {  	_ =	swait.ge [sflag:s3], $0x400  }
0x20: {  	[sflag:s3] =	ssyncset.done $0x0  }
0x21: {  	[sflag:s3] =	ssyncadd.s32 $0xFFFFFC00  }
0x22: {  	_ =	swait.ge [sflag:s3], $0x400  }
0x23: {  	s8 =	rddreg [dreg:$0xa]  }
0x24: {  	s31 =	rddreg [dreg:$0x9];
	s8 =	sadd.s32 $0x1, s8  }
0x25: {  	p1 =	sne.s32 s8, s31  }
.Ltmp1:
0x26: {  	_ = 	snop;
	(pc) =	sbr.rel @!p1 .LBB2_47-.Ltmp1, $3  }
0x27: {  	_ =	sdelay $0x1  }
0x28: {  	[sflag:s3] =	ssyncset.done $0x0  }
0x29: {  	[sflag:s3] =	ssyncadd.s32 $0xFFFFFC00  }
.LBB2_1:
.Ltmp2:
0x2a: {  	(pc) =	sbr.rel @!p0 .LBB2_2-.Ltmp2, $2  }
0x2b: {  	_ =	sdelay $0x2  }
0x2c: {  	[dreg:$0xa] =	wrdreg s8  }
0x2d: {  	_ =	strace $0x80000051  }
0x2e: {  	s12 =	simm.s32 $0x0;
	s3 =	simm.s32 $0x5;
	s0 =	rddreg [dreg:$0x6]  }
0x2f: {  	[tilespmem:s12], [sflag:$0x5] =	stream.linear.gather [hbm4b:s0+s12], $0x140, $0x200038;
	[tilespmem:$0x16540] =	vst v63  }
0x30: {  	_ =	swait.ge [sflag:s3], $0x140  }
0x31: {  	[sflag:s3] =	ssyncset.done $0x0  }
0x32: {  	s8 =	simm.s32 $0x140;
	s15 =	rddreg [dreg:$0x7];
	[sflag:s3] =	ssyncadd.s32 $0xFFFFFEC0  }
0x33: {  	[tilespmem:s8], [sflag:$0x5] =	stream.linear.gather [hbm4b:s15+s12], $0x2800, $0x200038;
	[tilespmem:$0x16540] =	vst v63  }
0x34: {  	_ =	swait.ge [sflag:s3], $0x2800  }
0x35: {  	[sflag:s3] =	ssyncset.done $0x0  }
0x36: {  	s9 =	simm.s32 $0x2940;
	s16 =	rddreg [dreg:$0x8];
	[sflag:s3] =	ssyncadd.s32 $0xFFFFD800  }
0x37: {  	[tilespmem:s9], [sflag:$0x5] =	stream.linear.gather [hbm4b:s16+s12], $0x2800, $0x200038;
	[tilespmem:$0x16540] =	vst v63  }
0x38: {  	_ =	swait.ge [sflag:s3], $0x2800  }
0x39: {  	[sflag:s3] =	ssyncset.done $0x0  }
0x3a: {  	[sflag:s3] =	ssyncadd.s32 $0xFFFFD800  }
0x3b: {  	_ =	strace $0x90000051  }
0x3c: {  	[tilespmem:s20], [sflag:$0x1] =	stream.indirect.gather [hbm4b:s4+s19], $0x40, s12, s19, $0xb8;
	[tilespmem:$0x16540] =	vst v63  }
0x3d: {  	s17 =	simm.s32 $0x5540  }
0x3e: {  	[tilespmem:s17], [sflag:$0x1] =	stream.indirect.gather [hbm4b:s4+s21], $0x40, s8, s21, $0xb8;
	[tilespmem:$0x16540] =	vst v63  }
0x3f: {  	s18 =	simm.s32 $0x1C0;
	s23 =	simm.s32 $0x7540  }
0x40: {  	[tilespmem:s23], [sflag:$0x1] =	stream.indirect.gather [hbm4b:s4+s21], $0x40, s18, s21, $0xb8;
	[tilespmem:$0x16540] =	vst v63  }
0x41: {  	s24 =	simm.s32 $0xD540  }
0x42: {  	[tilespmem:s24], [sflag:$0x1] =	stream.indirect.gather [hbm4b:s4+s21], $0x40, s9, s21, $0xb8;
	[tilespmem:$0x16540] =	vst v63  }
0x43: {  	s30 =	simm.s32 $0x29C0;
	s31 =	simm.s32 $0xF540  }
0x44: {  	[tilespmem:s31], [sflag:$0x1] =	stream.indirect.gather [hbm4b:s4+s21], $0x40, s30, s21, $0xb8;
	[tilespmem:$0x16540] =	vst v63  }
.LBB2_25:
0x45: {  	s0 =	sshllo.u32 s12, $0x1  }
0x46: {  	s13 =	sshll.u32 s0, $0x3  }
0x47: {  	_ =	strace $0x80000052;
	s0 =	sshll.u32 s0, $0x8;
	s3 =	sand.u32 $0x3FFFFFF8, s13  }
0x48: {  	[tilespmem:s29], [sflag:$0x2] =	stream.indirect.gather [hbm4b:s4+s19], $0x40, s3, s19, $0x2000b8;
	[tilespmem:$0x16540] =	vst v63  }
0x49: {  	s8 =	simm.s32 $0x9540;
	s14 =	sadd.s32 $0x140, s0  }
0x4a: {  	[tilespmem:s8], [sflag:$0x2] =	stream.indirect.gather [hbm4b:s4+s21], $0x40, s14, s21, $0x2000b8;
	[tilespmem:$0x16540] =	vst v63  }
0x4b: {  	s16 =	simm.s32 $0xB540;
	s15 =	sadd.s32 $0x1C0, s0  }
0x4c: {  	[tilespmem:s16], [sflag:$0x2] =	stream.indirect.gather [hbm4b:s4+s21], $0x40, s15, s21, $0x2000b8;
	[tilespmem:$0x16540] =	vst v63  }
0x4d: {  	s18 =	simm.s32 $0x11540;
	s17 =	sadd.s32 $0x2940, s0  }
0x4e: {  	[tilespmem:s18], [sflag:$0x2] =	stream.indirect.gather [hbm4b:s4+s21], $0x40, s17, s21, $0x2000b8;
	[tilespmem:$0x16540] =	vst v63  }
0x4f: {  	s23 =	simm.s32 $0x13540;
	s0 =	sadd.s32 $0x29C0, s0  }
0x50: {  	[tilespmem:s23], [sflag:$0x2] =	stream.indirect.gather [hbm4b:s4+s21], $0x40, s0, s21, $0x2000b8;
	[tilespmem:$0x16540] =	vst v63  }
0x51: {  	_ =	strace $0x90000052  }
0x52: {  	_ =	strace $0x80000053  }
0x53: {  	_ =	swait.ge [sflag:s22], $0x200  }
0x54: {  	[sflag:s22] =	ssyncset.done $0x0  }
0x55: {  	[sflag:s22] =	ssyncadd.s32 $0xFFFFFE00  }
0x56: {  	_ =	swait.ge [sflag:s22], $0x2000  }
0x57: {  	[sflag:s22] =	ssyncset.done $0x0  }
0x58: {  	[sflag:s22] =	ssyncadd.s32 $0xFFFFE000  }
0x59: {  	_ =	swait.ge [sflag:s22], $0x2000  }
0x5a: {  	[sflag:s22] =	ssyncset.done $0x0  }
0x5b: {  	[sflag:s22] =	ssyncadd.s32 $0xFFFFE000  }
0x5c: {  	_ =	swait.ge [sflag:s22], $0x2000  }
0x5d: {  	[sflag:s22] =	ssyncset.done $0x0  }
0x5e: {  	[sflag:s22] =	ssyncadd.s32 $0xFFFFE000  }
0x5f: {  	_ =	swait.ge [sflag:s22], $0x2000  }
0x60: {  	[sflag:s22] =	ssyncset.done $0x0  }
0x61: {  	[sflag:s22] =	ssyncadd.s32 $0xFFFFE000  }
0x62: {  	p1 =	seq.s32 s12, $0x0;
	_ =	strace $0x90000053  }
0x63: {  	s0 =	simm.s32 @!p1 $0x3;
	_ =	strace $0x80000054  }
0x64: {  	_ =	swait.ge @!p1 [sflag:s0], $0x200  }
0x65: {  	[sflag:s0] =	ssyncset.done @!p1 $0x0  }
0x66: {  	[sflag:s0] =	ssyncadd.s32 @!p1 $0xFFFFFE00  }
0x67: {  	_ =	swait.ge @!p1 [sflag:s0], $0x400  }
0x68: {  	[sflag:s0] =	ssyncset.done @!p1 $0x0  }
0x69: {  	s24 =	sshll.u32 s12, $0x4;
	s9 =	simm.s32 $0xD5E0;
	[sflag:s0] =	ssyncadd.s32 @!p1 $0xFFFFFC00  }
0x6a: {  	s11 =	simm.s32 $0x5620;
	s30 =	simm.s32 $0xD5F0;
	_ =	swait.ge @!p1 [sflag:s0], $0x400  }
0x6b: {  	s31 =	simm.s32 $0x5630;
	s14 =	sshll.u32 s12, $0x1;
	[sflag:s0] =	ssyncset.done @!p1 $0x0  }
0x6c: {  	s8 =	simm.s32 $0x5610;
	s15 =	simm.s32 $0x5600;
	[sflag:s0] =	ssyncadd.s32 @!p1 $0xFFFFFC00  }
0x6d: {  	s16 =	simm.s32 $0xD5D0;
	s17 =	sadd.s32 s10, s24;
	_ =	strace $0x90000054  }
0x6e: {  	s18 =	simm.s32 $0xD5C0;
	s0 =	simm.s32 $0x0;
	_ =	strace $0x80000055  }
.LBB2_26:
0x6f: {  	v1 =	vmov s15;
	_ =	sdelay $0x3  }
0x70: {  	v0 =	vmov s18;
	s23 =	simm.s32 $0x0  }
0x71: {  	v3 =	vld.idx.msk [tilespmem:v1+s23+$0x0 ss:$0x1], $0xffff  }
0x72: {  	v4 =	vld.idx.msk [tilespmem:v1+s23+$0xFFFFFFC0 ss:$0x1], $0xffff  }
0x73: {  	v5 =	vld.idx.msk [tilespmem:v1+s23+$0xFFFFFF80 ss:$0x1], $0xffff  }
0x74: {  	v6 =	vld.idx.msk [tilespmem:v1+s23+$0xFFFFFF40 ss:$0x1], $0xffff  }
0x75: {  	v7 =	vld.idx.msk [tilespmem:v0+s23+$0xFFFFFF80 ss:$0x1], $0xffff;
	_ =	sdelay $0x1  }
0x76: {  	v8 =	vimm.f32 $0.0e+00;
	v9 =	vld.idx.msk [tilespmem:v0+s23+$0xFFFFFFC0 ss:$0x1], $0xffff  }
0x77: {  	v12 =	vshll.u32 v4, $0x10;
	v2 =	vshll.u32 v3, $0x10;
	v3 =	vand.u32 $0xFFFF0000, v3  }
0x78: {  	v15 =	vld.idx.msk [tilespmem:v0+s23+$0x0 ss:$0x1], $0xffff;
	v10 =	vshll.u32 v5, $0x10;
	v11 =	vand.u32 $0xFFFF0000, v5;
	v13 =	vand.u32 $0xFFFF0000, v4  }
0x79: {  	s3 =	simm.s32 $0x100;
	v4 =	vshll.u32 v6, $0x10;
	v14 =	vand.u32 $0xFFFF0000, v6;
	v16 =	vshll.u32 v7, $0x10;
	v6 =	vld.idx.msk [tilespmem:v0+s23+$0x40 ss:$0x1], $0xffff  }
0x7a: {  	v5 =	vld.idx.msk [tilespmem:v1+s3+$0x0 ss:$0x1], $0xffff;
	v7 =	vand.u32 $0xFFFF0000, v7;
	v17 =	vadd.f32 v4, v8;
	v14 =	vadd.f32 v14, v8  }
0x7b: {  	v18 =	vshll.u32 v9, $0x10;
	v4 =	vld.idx.msk [tilespmem:v1+s3+$0xFFFFFFC0 ss:$0x1], $0xffff;
	v16 =	vadd.f32 v16, v8;
	v7 =	vadd.f32 v7, v8  }
0x7c: {  	v8 =	vld.idx.msk [tilespmem:v1+s3+$0xFFFFFF80 ss:$0x1], $0xffff;
	v17 =	vadd.f32 v10, v17;
	v19 =	vadd.f32 v11, v14;
	v11 =	vand.u32 $0xFFFF0000, v9  }
0x7d: {  	v9 =	vld.idx.msk [tilespmem:v1+s3+$0xFFFFFF40 ss:$0x1], $0xffff;
	v10 =	vadd.f32 v18, v16;
	v14 =	vshll.u32 v15, $0x10;
	v11 =	vadd.f32 v11, v7  }
0x7e: {  	s23 =	simm.s32 $0x800;
	v15 =	vand.u32 $0xFFFF0000, v15;
	v7 =	vld.idx.msk [tilespmem:v0+s3+$0xFFFFFF80 ss:$0x1], $0xffff;
	v12 =	vadd.f32 v12, v17;
	v13 =	vadd.f32 v13, v19  }
.LBB2_27:
0x7f: {  	p2 =	sne.s32 s23, $0x1C00;
	v10 =	vadd.f32 v14, v10;
	v11 =	vadd.f32 v15, v11;
	v14 =	vshll.u32 v6, $0x10  }
0x80: {  	v15 =	vld.idx.msk [tilespmem:v0+s3+$0xFFFFFFC0 ss:$0x1], $0xffff;
	v12 =	vadd.f32 v2, v12;
	v13 =	vadd.f32 v3, v13;
	v2 =	vand.u32 $0xFFFF0000, v6  }
0x81: {  	v10 =	vadd.f32 v14, v10;
	v11 =	vadd.f32 v2, v11  }
0x82: {  	v17 =	vshll.u32 v4, $0x10;
	v3 =	vand.u32 $0xFFFF0000, v5;
	v2 =	vshll.u32 v5, $0x10;
	v16 =	vld.idx.msk [tilespmem:v0+s3+$0x0 ss:$0x1], $0xffff  }
0x83: {  	v19 =	vand.u32 $0xFFFF0000, v4;
	v14 =	vshll.u32 v8, $0x10;
	v18 =	vand.u32 $0xFFFF0000, v8  }
0x84: {  	v4 =	vshll.u32 v9, $0x10;
	v8 =	vand.u32 $0xFFFF0000, v9;
	v9 =	vshll.u32 v7, $0x10;
	v6 =	vld.idx.msk [tilespmem:v0+s3+$0x40 ss:$0x1], $0xffff;
	s3 =	sshra.s32 s23, $0x2  }
.Ltmp3:
0x85: {  	v12 =	vadd.f32 v4, v12;
	v13 =	vadd.f32 v8, v13;
	v7 =	vand.u32 $0xFFFF0000, v7;
	v5 =	vld.idx.msk [tilespmem:v1+s3+$0x0 ss:$0x1], $0xffff;
	(pc) =	sbr.rel @p2 .LBB2_27-.Ltmp3, $4  }
0x86: {  	v10 =	vadd.f32 v9, v10;
	v7 =	vadd.f32 v7, v11;
	v11 =	vshll.u32 v15, $0x10;
	v4 =	vld.idx.msk [tilespmem:v1+s3+$0xFFFFFFC0 ss:$0x1], $0xffff  }
0x87: {  	v12 =	vadd.f32 v14, v12;
	v13 =	vadd.f32 v18, v13;
	v14 =	vand.u32 $0xFFFF0000, v15;
	v8 =	vld.idx.msk [tilespmem:v1+s3+$0xFFFFFF80 ss:$0x1], $0xffff  }
0x88: {  	v10 =	vadd.f32 v11, v10;
	v11 =	vadd.f32 v14, v7;
	v14 =	vshll.u32 v16, $0x10;
	v9 =	vld.idx.msk [tilespmem:v1+s3+$0xFFFFFF40 ss:$0x1], $0xffff  }
0x89: {  	s23 =	sadd.s32 $0x400, s23;
	v12 =	vadd.f32 v17, v12;
	v13 =	vadd.f32 v19, v13;
	v15 =	vand.u32 $0xFFFF0000, v16;
	v7 =	vld.idx.msk [tilespmem:v0+s3+$0xFFFFFF80 ss:$0x1], $0xffff  }
0x8a: {  	_ = 	snop  }
0x8b: {  	v1 =	vadd.f32 v14, v10  }
0x8c: {  	v10 =	vadd.f32 v15, v11;
	v11 =	vshll.u32 v6, $0x10;
	v6 =	vand.u32 $0xFFFF0000, v6  }
0x8d: {  	v2 =	vadd.f32 v2, v12;
	v3 =	vadd.f32 v3, v13;
	v12 =	vshll.u32 v5, $0x10  }
0x8e: {  	v5 =	vand.u32 $0xFFFF0000, v5;
	v1 =	vadd.f32 v11, v1;
	v11 =	vld.idx.msk [tilespmem:v0+s3+$0xFFFFFFC0 ss:$0x1], $0xffff;
	v6 =	vadd.f32 v6, v10  }
0x8f: {  	v10 =	vshll.u32 v4, $0x10;
	v13 =	vshll.u32 v8, $0x10;
	v14 =	vshll.u32 v9, $0x10  }
0x90: {  	v15 =	vld.idx.msk [tilespmem:v0+s3+$0x0 ss:$0x1], $0xffff;
	v8 =	vand.u32 $0xFFFF0000, v8;
	v9 =	vand.u32 $0xFFFF0000, v9;
	v2 =	vadd.f32 v14, v2  }
0x91: {  	v4 =	vand.u32 $0xFFFF0000, v4;
	v14 =	vshll.u32 v7, $0x10;
	v3 =	vadd.f32 v9, v3  }
0x92: {  	v0 =	vld.idx.msk [tilespmem:v0+s3+$0x40 ss:$0x1], $0xffff;
	v7 =	vand.u32 $0xFFFF0000, v7;
	v1 =	vadd.f32 v14, v1;
	v2 =	vadd.f32 v13, v2  }
0x93: {  	v6 =	vadd.f32 v7, v6;
	v3 =	vadd.f32 v8, v3;
	v7 =	vshll.u32 v11, $0x10  }
0x94: {  	v8 =	vand.u32 $0xFFFF0000, v11;
	v1 =	vadd.f32 v7, v1;
	v2 =	vadd.f32 v10, v2  }
0x95: {  	v6 =	vadd.f32 v8, v6;
	v7 =	vshll.u32 v15, $0x10;
	v3 =	vadd.f32 v4, v3  }
0x96: {  	v4 =	vand.u32 $0xFFFF0000, v15;
	v1 =	vadd.f32 v7, v1;
	v2 =	vadd.f32 v12, v2  }
0x97: {  	v4 =	vadd.f32 v4, v6;
	v6 =	vshll.u32 v0, $0x10;
	v3 =	vadd.f32 v5, v3  }
0x98: {  	v0 =	vand.u32 $0xFFFF0000, v0;
	v5 =	vadd.f32 v6, v1;
	v2 =	vmul.f32 $3.125000000e-02, v2  }
0x99: {  	s3 =	sshll.u32 s0, $0x7;
	v0 =	vadd.f32 v0, v4;
	v3 =	vmul.f32 $3.125000000e-02, v3;
	v1 =	vmov s8  }
0x9a: {  	[tilespmem:s3+$0x15540] =	vst v2;
	v2 =	vmul.f32 $3.125000000e-02, v5  }
0x9b: {  	[tilespmem:s3+$0x15550] =	vst v3;
	v0 =	vmul.f32 $3.125000000e-02, v0  }
0x9c: {  	[tilespmem:s3+$0x15D40] =	vst v2  }
0x9d: {  	s24 =	simm.s32 $0x0;
	[tilespmem:s3+$0x15D50] =	vst v0;
	v0 =	vmov s16  }
0x9e: {  	v4 =	vld.idx.msk [tilespmem:v1+s24+$0xFFFFFFC0 ss:$0x1], $0xffff  }
0x9f: {  	v6 =	vld.idx.msk [tilespmem:v1+s24+$0xFFFFFF40 ss:$0x1], $0xffff  }
0xa0: {  	v3 =	vld.idx.msk [tilespmem:v1+s24+$0x0 ss:$0x1], $0xffff  }
0xa1: {  	v5 =	vld.idx.msk [tilespmem:v1+s24+$0xFFFFFF80 ss:$0x1], $0xffff  }
0xa2: {  	v7 =	vld.idx.msk [tilespmem:v0+s24+$0xFFFFFF80 ss:$0x1], $0xffff  }
0xa3: {  	v8 =	vimm.f32 $0.0e+00  }
0xa4: {  	v9 =	vld.idx.msk [tilespmem:v0+s24+$0xFFFFFFC0 ss:$0x1], $0xffff;
	v12 =	vshll.u32 v4, $0x10;
	v13 =	vand.u32 $0xFFFF0000, v4;
	v4 =	vshll.u32 v6, $0x10  }
0xa5: {  	v15 =	vld.idx.msk [tilespmem:v0+s24+$0x0 ss:$0x1], $0xffff;
	v2 =	vshll.u32 v3, $0x10;
	v14 =	vand.u32 $0xFFFF0000, v6;
	v17 =	vadd.f32 v4, v8  }
0xa6: {  	s23 =	simm.s32 $0x100;
	v10 =	vshll.u32 v5, $0x10;
	v11 =	vand.u32 $0xFFFF0000, v5;
	v6 =	vld.idx.msk [tilespmem:v0+s24+$0x40 ss:$0x1], $0xffff;
	v14 =	vadd.f32 v14, v8  }
0xa7: {  	v5 =	vld.idx.msk [tilespmem:v1+s23+$0x0 ss:$0x1], $0xffff;
	v17 =	vadd.f32 v10, v17;
	v16 =	vshll.u32 v7, $0x10;
	v7 =	vand.u32 $0xFFFF0000, v7  }
0xa8: {  	v3 =	vand.u32 $0xFFFF0000, v3;
	v4 =	vld.idx.msk [tilespmem:v1+s23+$0xFFFFFFC0 ss:$0x1], $0xffff;
	v16 =	vadd.f32 v16, v8;
	v7 =	vadd.f32 v7, v8  }
0xa9: {  	v19 =	vadd.f32 v11, v14;
	v18 =	vshll.u32 v9, $0x10;
	v11 =	vand.u32 $0xFFFF0000, v9;
	v9 =	vld.idx.msk [tilespmem:v1+s23+$0xFFFFFF40 ss:$0x1], $0xffff  }
0xaa: {  	v14 =	vshll.u32 v15, $0x10;
	v8 =	vld.idx.msk [tilespmem:v1+s23+$0xFFFFFF80 ss:$0x1], $0xffff;
	v10 =	vadd.f32 v18, v16;
	v11 =	vadd.f32 v11, v7  }
0xab: {  	s24 =	simm.s32 $0x800;
	v15 =	vand.u32 $0xFFFF0000, v15;
	v12 =	vadd.f32 v12, v17;
	v13 =	vadd.f32 v13, v19;
	v7 =	vld.idx.msk [tilespmem:v0+s23+$0xFFFFFF80 ss:$0x1], $0xffff  }
.LBB2_29:
0xac: {  	p2 =	sne.s32 s24, $0x1C00;
	v10 =	vadd.f32 v14, v10;
	v11 =	vadd.f32 v15, v11;
	v14 =	vshll.u32 v6, $0x10  }
0xad: {  	v15 =	vld.idx.msk [tilespmem:v0+s23+$0xFFFFFFC0 ss:$0x1], $0xffff;
	v12 =	vadd.f32 v2, v12;
	v13 =	vadd.f32 v3, v13;
	v2 =	vand.u32 $0xFFFF0000, v6  }
0xae: {  	v10 =	vadd.f32 v14, v10;
	v11 =	vadd.f32 v2, v11  }
0xaf: {  	v17 =	vshll.u32 v4, $0x10;
	v3 =	vand.u32 $0xFFFF0000, v5;
	v2 =	vshll.u32 v5, $0x10;
	v16 =	vld.idx.msk [tilespmem:v0+s23+$0x0 ss:$0x1], $0xffff  }
0xb0: {  	v19 =	vand.u32 $0xFFFF0000, v4;
	v14 =	vshll.u32 v8, $0x10;
	v18 =	vand.u32 $0xFFFF0000, v8  }
0xb1: {  	v4 =	vshll.u32 v9, $0x10;
	v8 =	vand.u32 $0xFFFF0000, v9;
	v9 =	vshll.u32 v7, $0x10;
	v6 =	vld.idx.msk [tilespmem:v0+s23+$0x40 ss:$0x1], $0xffff;
	s23 =	sshra.s32 s24, $0x2  }
.Ltmp4:
0xb2: {  	v12 =	vadd.f32 v4, v12;
	v13 =	vadd.f32 v8, v13;
	v7 =	vand.u32 $0xFFFF0000, v7;
	v5 =	vld.idx.msk [tilespmem:v1+s23+$0x0 ss:$0x1], $0xffff;
	(pc) =	sbr.rel @p2 .LBB2_29-.Ltmp4, $4  }
0xb3: {  	v10 =	vadd.f32 v9, v10;
	v7 =	vadd.f32 v7, v11;
	v11 =	vshll.u32 v15, $0x10;
	v4 =	vld.idx.msk [tilespmem:v1+s23+$0xFFFFFFC0 ss:$0x1], $0xffff  }
0xb4: {  	v12 =	vadd.f32 v14, v12;
	v13 =	vadd.f32 v18, v13;
	v14 =	vand.u32 $0xFFFF0000, v15;
	v8 =	vld.idx.msk [tilespmem:v1+s23+$0xFFFFFF80 ss:$0x1], $0xffff  }
0xb5: {  	v10 =	vadd.f32 v11, v10;
	v11 =	vadd.f32 v14, v7;
	v14 =	vshll.u32 v16, $0x10;
	v9 =	vld.idx.msk [tilespmem:v1+s23+$0xFFFFFF40 ss:$0x1], $0xffff  }
0xb6: {  	s24 =	sadd.s32 $0x400, s24;
	v12 =	vadd.f32 v17, v12;
	v13 =	vadd.f32 v19, v13;
	v15 =	vand.u32 $0xFFFF0000, v16;
	v7 =	vld.idx.msk [tilespmem:v0+s23+$0xFFFFFF80 ss:$0x1], $0xffff  }
0xb7: {  	_ = 	snop  }
0xb8: {  	v1 =	vadd.f32 v14, v10  }
0xb9: {  	v10 =	vadd.f32 v15, v11;
	v11 =	vshll.u32 v6, $0x10;
	v6 =	vand.u32 $0xFFFF0000, v6  }
0xba: {  	v2 =	vadd.f32 v2, v12;
	v3 =	vadd.f32 v3, v13;
	v12 =	vshll.u32 v5, $0x10  }
0xbb: {  	v5 =	vand.u32 $0xFFFF0000, v5;
	v1 =	vadd.f32 v11, v1;
	v11 =	vld.idx.msk [tilespmem:v0+s23+$0xFFFFFFC0 ss:$0x1], $0xffff;
	v6 =	vadd.f32 v6, v10  }
0xbc: {  	v10 =	vshll.u32 v4, $0x10;
	v13 =	vshll.u32 v8, $0x10;
	v14 =	vshll.u32 v9, $0x10  }
0xbd: {  	v15 =	vld.idx.msk [tilespmem:v0+s23+$0x0 ss:$0x1], $0xffff;
	v8 =	vand.u32 $0xFFFF0000, v8;
	v9 =	vand.u32 $0xFFFF0000, v9;
	v2 =	vadd.f32 v14, v2  }
0xbe: {  	v4 =	vand.u32 $0xFFFF0000, v4;
	v14 =	vshll.u32 v7, $0x10;
	v3 =	vadd.f32 v9, v3  }
0xbf: {  	v0 =	vld.idx.msk [tilespmem:v0+s23+$0x40 ss:$0x1], $0xffff;
	v7 =	vand.u32 $0xFFFF0000, v7;
	v1 =	vadd.f32 v14, v1;
	v2 =	vadd.f32 v13, v2  }
0xc0: {  	v6 =	vadd.f32 v7, v6;
	v3 =	vadd.f32 v8, v3;
	v7 =	vshll.u32 v11, $0x10  }
0xc1: {  	v8 =	vand.u32 $0xFFFF0000, v11;
	v1 =	vadd.f32 v7, v1;
	v2 =	vadd.f32 v10, v2  }
0xc2: {  	v6 =	vadd.f32 v8, v6;
	v7 =	vshll.u32 v15, $0x10;
	v3 =	vadd.f32 v4, v3  }
0xc3: {  	v4 =	vand.u32 $0xFFFF0000, v15;
	v1 =	vadd.f32 v7, v1;
	v2 =	vadd.f32 v12, v2  }
0xc4: {  	v4 =	vadd.f32 v4, v6;
	v6 =	vshll.u32 v0, $0x10;
	v3 =	vadd.f32 v5, v3  }
0xc5: {  	v0 =	vand.u32 $0xFFFF0000, v0;
	v5 =	vadd.f32 v6, v1;
	v2 =	vmul.f32 $3.125000000e-02, v2  }
0xc6: {  	v0 =	vadd.f32 v0, v4;
	v3 =	vmul.f32 $3.125000000e-02, v3;
	v1 =	vmov s11  }
0xc7: {  	[tilespmem:s3+$0x15560] =	vst v2;
	v2 =	vmul.f32 $3.125000000e-02, v5  }
0xc8: {  	[tilespmem:s3+$0x15570] =	vst v3;
	v0 =	vmul.f32 $3.125000000e-02, v0  }
0xc9: {  	[tilespmem:s3+$0x15D60] =	vst v2  }
0xca: {  	s24 =	simm.s32 $0x0;
	[tilespmem:s3+$0x15D70] =	vst v0;
	v0 =	vmov s9  }
0xcb: {  	v4 =	vld.idx.msk [tilespmem:v1+s24+$0xFFFFFFC0 ss:$0x1], $0xffff  }
0xcc: {  	v6 =	vld.idx.msk [tilespmem:v1+s24+$0xFFFFFF40 ss:$0x1], $0xffff  }
0xcd: {  	v3 =	vld.idx.msk [tilespmem:v1+s24+$0x0 ss:$0x1], $0xffff  }
0xce: {  	v5 =	vld.idx.msk [tilespmem:v1+s24+$0xFFFFFF80 ss:$0x1], $0xffff  }
0xcf: {  	v7 =	vld.idx.msk [tilespmem:v0+s24+$0xFFFFFF80 ss:$0x1], $0xffff  }
0xd0: {  	v8 =	vimm.f32 $0.0e+00  }
0xd1: {  	v9 =	vld.idx.msk [tilespmem:v0+s24+$0xFFFFFFC0 ss:$0x1], $0xffff;
	v12 =	vshll.u32 v4, $0x10;
	v13 =	vand.u32 $0xFFFF0000, v4;
	v4 =	vshll.u32 v6, $0x10  }
0xd2: {  	v15 =	vld.idx.msk [tilespmem:v0+s24+$0x0 ss:$0x1], $0xffff;
	v2 =	vshll.u32 v3, $0x10;
	v14 =	vand.u32 $0xFFFF0000, v6;
	v17 =	vadd.f32 v4, v8  }
0xd3: {  	s23 =	simm.s32 $0x100;
	v10 =	vshll.u32 v5, $0x10;
	v11 =	vand.u32 $0xFFFF0000, v5;
	v6 =	vld.idx.msk [tilespmem:v0+s24+$0x40 ss:$0x1], $0xffff;
	v14 =	vadd.f32 v14, v8  }
0xd4: {  	v5 =	vld.idx.msk [tilespmem:v1+s23+$0x0 ss:$0x1], $0xffff;
	v17 =	vadd.f32 v10, v17;
	v16 =	vshll.u32 v7, $0x10;
	v7 =	vand.u32 $0xFFFF0000, v7  }
0xd5: {  	v3 =	vand.u32 $0xFFFF0000, v3;
	v4 =	vld.idx.msk [tilespmem:v1+s23+$0xFFFFFFC0 ss:$0x1], $0xffff;
	v16 =	vadd.f32 v16, v8;
	v7 =	vadd.f32 v7, v8  }
0xd6: {  	v19 =	vadd.f32 v11, v14;
	v18 =	vshll.u32 v9, $0x10;
	v11 =	vand.u32 $0xFFFF0000, v9;
	v9 =	vld.idx.msk [tilespmem:v1+s23+$0xFFFFFF40 ss:$0x1], $0xffff  }
0xd7: {  	v14 =	vshll.u32 v15, $0x10;
	v8 =	vld.idx.msk [tilespmem:v1+s23+$0xFFFFFF80 ss:$0x1], $0xffff;
	v10 =	vadd.f32 v18, v16;
	v11 =	vadd.f32 v11, v7  }
0xd8: {  	s24 =	simm.s32 $0x800;
	v15 =	vand.u32 $0xFFFF0000, v15;
	v12 =	vadd.f32 v12, v17;
	v13 =	vadd.f32 v13, v19;
	v7 =	vld.idx.msk [tilespmem:v0+s23+$0xFFFFFF80 ss:$0x1], $0xffff  }
.LBB2_31:
0xd9: {  	p2 =	sne.s32 s24, $0x1C00;
	v10 =	vadd.f32 v14, v10;
	v11 =	vadd.f32 v15, v11;
	v14 =	vshll.u32 v6, $0x10  }
0xda: {  	v15 =	vld.idx.msk [tilespmem:v0+s23+$0xFFFFFFC0 ss:$0x1], $0xffff;
	v12 =	vadd.f32 v2, v12;
	v13 =	vadd.f32 v3, v13;
	v2 =	vand.u32 $0xFFFF0000, v6  }
0xdb: {  	v10 =	vadd.f32 v14, v10;
	v11 =	vadd.f32 v2, v11  }
0xdc: {  	v17 =	vshll.u32 v4, $0x10;
	v3 =	vand.u32 $0xFFFF0000, v5;
	v2 =	vshll.u32 v5, $0x10;
	v16 =	vld.idx.msk [tilespmem:v0+s23+$0x0 ss:$0x1], $0xffff  }
0xdd: {  	v19 =	vand.u32 $0xFFFF0000, v4;
	v14 =	vshll.u32 v8, $0x10;
	v18 =	vand.u32 $0xFFFF0000, v8  }
0xde: {  	v4 =	vshll.u32 v9, $0x10;
	v8 =	vand.u32 $0xFFFF0000, v9;
	v9 =	vshll.u32 v7, $0x10;
	v6 =	vld.idx.msk [tilespmem:v0+s23+$0x40 ss:$0x1], $0xffff;
	s23 =	sshra.s32 s24, $0x2  }
.Ltmp5:
0xdf: {  	v12 =	vadd.f32 v4, v12;
	v13 =	vadd.f32 v8, v13;
	v7 =	vand.u32 $0xFFFF0000, v7;
	v5 =	vld.idx.msk [tilespmem:v1+s23+$0x0 ss:$0x1], $0xffff;
	(pc) =	sbr.rel @p2 .LBB2_31-.Ltmp5, $4  }
0xe0: {  	v10 =	vadd.f32 v9, v10;
	v7 =	vadd.f32 v7, v11;
	v11 =	vshll.u32 v15, $0x10;
	v4 =	vld.idx.msk [tilespmem:v1+s23+$0xFFFFFFC0 ss:$0x1], $0xffff  }
0xe1: {  	v12 =	vadd.f32 v14, v12;
	v13 =	vadd.f32 v18, v13;
	v14 =	vand.u32 $0xFFFF0000, v15;
	v8 =	vld.idx.msk [tilespmem:v1+s23+$0xFFFFFF80 ss:$0x1], $0xffff  }
0xe2: {  	v10 =	vadd.f32 v11, v10;
	v11 =	vadd.f32 v14, v7;
	v14 =	vshll.u32 v16, $0x10;
	v9 =	vld.idx.msk [tilespmem:v1+s23+$0xFFFFFF40 ss:$0x1], $0xffff  }
0xe3: {  	s24 =	sadd.s32 $0x400, s24;
	v12 =	vadd.f32 v17, v12;
	v13 =	vadd.f32 v19, v13;
	v15 =	vand.u32 $0xFFFF0000, v16;
	v7 =	vld.idx.msk [tilespmem:v0+s23+$0xFFFFFF80 ss:$0x1], $0xffff  }
0xe4: {  	_ = 	snop  }
0xe5: {  	v1 =	vadd.f32 v14, v10  }
0xe6: {  	v10 =	vadd.f32 v15, v11;
	v11 =	vshll.u32 v6, $0x10;
	v6 =	vand.u32 $0xFFFF0000, v6  }
0xe7: {  	v2 =	vadd.f32 v2, v12;
	v3 =	vadd.f32 v3, v13;
	v12 =	vshll.u32 v5, $0x10  }
0xe8: {  	v5 =	vand.u32 $0xFFFF0000, v5;
	v1 =	vadd.f32 v11, v1;
	v11 =	vld.idx.msk [tilespmem:v0+s23+$0xFFFFFFC0 ss:$0x1], $0xffff;
	v6 =	vadd.f32 v6, v10  }
0xe9: {  	v10 =	vshll.u32 v4, $0x10;
	v13 =	vshll.u32 v8, $0x10;
	v14 =	vshll.u32 v9, $0x10  }
0xea: {  	v15 =	vld.idx.msk [tilespmem:v0+s23+$0x0 ss:$0x1], $0xffff;
	v8 =	vand.u32 $0xFFFF0000, v8;
	v9 =	vand.u32 $0xFFFF0000, v9;
	v2 =	vadd.f32 v14, v2  }
0xeb: {  	v4 =	vand.u32 $0xFFFF0000, v4;
	v14 =	vshll.u32 v7, $0x10;
	v3 =	vadd.f32 v9, v3  }
0xec: {  	v0 =	vld.idx.msk [tilespmem:v0+s23+$0x40 ss:$0x1], $0xffff;
	v7 =	vand.u32 $0xFFFF0000, v7;
	v1 =	vadd.f32 v14, v1;
	v2 =	vadd.f32 v13, v2  }
0xed: {  	v6 =	vadd.f32 v7, v6;
	v3 =	vadd.f32 v8, v3;
	v7 =	vshll.u32 v11, $0x10  }
0xee: {  	v8 =	vand.u32 $0xFFFF0000, v11;
	v1 =	vadd.f32 v7, v1;
	v2 =	vadd.f32 v10, v2  }
0xef: {  	v6 =	vadd.f32 v8, v6;
	v7 =	vshll.u32 v15, $0x10;
	v3 =	vadd.f32 v4, v3  }
0xf0: {  	v4 =	vand.u32 $0xFFFF0000, v15;
	v1 =	vadd.f32 v7, v1;
	v2 =	vadd.f32 v12, v2  }
0xf1: {  	v4 =	vadd.f32 v4, v6;
	v6 =	vshll.u32 v0, $0x10;
	v3 =	vadd.f32 v5, v3  }
0xf2: {  	v0 =	vand.u32 $0xFFFF0000, v0;
	v5 =	vadd.f32 v6, v1;
	v2 =	vmul.f32 $3.125000000e-02, v2  }
0xf3: {  	v0 =	vadd.f32 v0, v4;
	v3 =	vmul.f32 $3.125000000e-02, v3;
	v1 =	vmov s31  }
0xf4: {  	[tilespmem:s3+$0x15580] =	vst v2;
	v2 =	vmul.f32 $3.125000000e-02, v5  }
0xf5: {  	[tilespmem:s3+$0x15590] =	vst v3;
	v0 =	vmul.f32 $3.125000000e-02, v0  }
0xf6: {  	[tilespmem:s3+$0x15D80] =	vst v2  }
0xf7: {  	s24 =	simm.s32 $0x0;
	[tilespmem:s3+$0x15D90] =	vst v0;
	v0 =	vmov s30  }
0xf8: {  	v4 =	vld.idx.msk [tilespmem:v1+s24+$0xFFFFFFC0 ss:$0x1], $0xffff  }
0xf9: {  	v6 =	vld.idx.msk [tilespmem:v1+s24+$0xFFFFFF40 ss:$0x1], $0xffff  }
0xfa: {  	v3 =	vld.idx.msk [tilespmem:v1+s24+$0x0 ss:$0x1], $0xffff  }
0xfb: {  	v5 =	vld.idx.msk [tilespmem:v1+s24+$0xFFFFFF80 ss:$0x1], $0xffff  }
0xfc: {  	v7 =	vld.idx.msk [tilespmem:v0+s24+$0xFFFFFF80 ss:$0x1], $0xffff  }
0xfd: {  	v8 =	vimm.f32 $0.0e+00  }
0xfe: {  	v9 =	vld.idx.msk [tilespmem:v0+s24+$0xFFFFFFC0 ss:$0x1], $0xffff;
	v12 =	vshll.u32 v4, $0x10;
	v13 =	vand.u32 $0xFFFF0000, v4;
	v4 =	vshll.u32 v6, $0x10  }
0xff: {  	v15 =	vld.idx.msk [tilespmem:v0+s24+$0x0 ss:$0x1], $0xffff;
	v2 =	vshll.u32 v3, $0x10;
	v14 =	vand.u32 $0xFFFF0000, v6;
	v17 =	vadd.f32 v4, v8  }
0x100: {  	s23 =	simm.s32 $0x100;
	v10 =	vshll.u32 v5, $0x10;
	v11 =	vand.u32 $0xFFFF0000, v5;
	v6 =	vld.idx.msk [tilespmem:v0+s24+$0x40 ss:$0x1], $0xffff;
	v14 =	vadd.f32 v14, v8  }
0x101: {  	v5 =	vld.idx.msk [tilespmem:v1+s23+$0x0 ss:$0x1], $0xffff;
	v17 =	vadd.f32 v10, v17;
	v16 =	vshll.u32 v7, $0x10;
	v7 =	vand.u32 $0xFFFF0000, v7  }
0x102: {  	v3 =	vand.u32 $0xFFFF0000, v3;
	v4 =	vld.idx.msk [tilespmem:v1+s23+$0xFFFFFFC0 ss:$0x1], $0xffff;
	v16 =	vadd.f32 v16, v8;
	v7 =	vadd.f32 v7, v8  }
0x103: {  	v19 =	vadd.f32 v11, v14;
	v18 =	vshll.u32 v9, $0x10;
	v11 =	vand.u32 $0xFFFF0000, v9;
	v9 =	vld.idx.msk [tilespmem:v1+s23+$0xFFFFFF40 ss:$0x1], $0xffff  }
0x104: {  	v14 =	vshll.u32 v15, $0x10;
	v8 =	vld.idx.msk [tilespmem:v1+s23+$0xFFFFFF80 ss:$0x1], $0xffff;
	v10 =	vadd.f32 v18, v16;
	v11 =	vadd.f32 v11, v7  }
0x105: {  	s24 =	simm.s32 $0x800;
	v15 =	vand.u32 $0xFFFF0000, v15;
	v12 =	vadd.f32 v12, v17;
	v13 =	vadd.f32 v13, v19;
	v7 =	vld.idx.msk [tilespmem:v0+s23+$0xFFFFFF80 ss:$0x1], $0xffff  }
.LBB2_33:
0x106: {  	p2 =	sne.s32 s24, $0x1C00;
	v10 =	vadd.f32 v14, v10;
	v11 =	vadd.f32 v15, v11;
	v14 =	vshll.u32 v6, $0x10  }
0x107: {  	v15 =	vld.idx.msk [tilespmem:v0+s23+$0xFFFFFFC0 ss:$0x1], $0xffff;
	v12 =	vadd.f32 v2, v12;
	v13 =	vadd.f32 v3, v13;
	v2 =	vand.u32 $0xFFFF0000, v6  }
0x108: {  	v10 =	vadd.f32 v14, v10;
	v11 =	vadd.f32 v2, v11  }
0x109: {  	v17 =	vshll.u32 v4, $0x10;
	v3 =	vand.u32 $0xFFFF0000, v5;
	v2 =	vshll.u32 v5, $0x10;
	v16 =	vld.idx.msk [tilespmem:v0+s23+$0x0 ss:$0x1], $0xffff  }
0x10a: {  	v19 =	vand.u32 $0xFFFF0000, v4;
	v14 =	vshll.u32 v8, $0x10;
	v18 =	vand.u32 $0xFFFF0000, v8  }
0x10b: {  	v4 =	vshll.u32 v9, $0x10;
	v8 =	vand.u32 $0xFFFF0000, v9;
	v9 =	vshll.u32 v7, $0x10;
	v6 =	vld.idx.msk [tilespmem:v0+s23+$0x40 ss:$0x1], $0xffff;
	s23 =	sshra.s32 s24, $0x2  }
.Ltmp6:
0x10c: {  	v12 =	vadd.f32 v4, v12;
	v13 =	vadd.f32 v8, v13;
	v7 =	vand.u32 $0xFFFF0000, v7;
	v5 =	vld.idx.msk [tilespmem:v1+s23+$0x0 ss:$0x1], $0xffff;
	(pc) =	sbr.rel @p2 .LBB2_33-.Ltmp6, $4  }
0x10d: {  	v10 =	vadd.f32 v9, v10;
	v7 =	vadd.f32 v7, v11;
	v11 =	vshll.u32 v15, $0x10;
	v4 =	vld.idx.msk [tilespmem:v1+s23+$0xFFFFFFC0 ss:$0x1], $0xffff  }
0x10e: {  	v12 =	vadd.f32 v14, v12;
	v13 =	vadd.f32 v18, v13;
	v14 =	vand.u32 $0xFFFF0000, v15;
	v8 =	vld.idx.msk [tilespmem:v1+s23+$0xFFFFFF80 ss:$0x1], $0xffff  }
0x10f: {  	v10 =	vadd.f32 v11, v10;
	v11 =	vadd.f32 v14, v7;
	v14 =	vshll.u32 v16, $0x10;
	v9 =	vld.idx.msk [tilespmem:v1+s23+$0xFFFFFF40 ss:$0x1], $0xffff  }
0x110: {  	s24 =	sadd.s32 $0x400, s24;
	v12 =	vadd.f32 v17, v12;
	v13 =	vadd.f32 v19, v13;
	v15 =	vand.u32 $0xFFFF0000, v16;
	v7 =	vld.idx.msk [tilespmem:v0+s23+$0xFFFFFF80 ss:$0x1], $0xffff  }
0x111: {  	_ = 	snop  }
0x112: {  	v1 =	vadd.f32 v14, v10  }
0x113: {  	v43 =	vadd.f32 v15, v11;
	v44 =	vshll.u32 v6, $0x10;
	v45 =	vand.u32 $0xFFFF0000, v6  }
0x114: {  	v48 =	vshll.u32 v5, $0x10;
	v49 =	vand.u32 $0xFFFF0000, v5;
	v2 =	vadd.f32 v2, v12  }
0x115: {  	v46 =	vld.idx.msk [tilespmem:v0+s23+$0xFFFFFFC0 ss:$0x1], $0xffff;
	v3 =	vadd.f32 v3, v13;
	v47 =	vshll.u32 v4, $0x10;
	v55 =	vand.u32 $0xFFFF0000, v4  }
0x116: {  	v1 =	vadd.f32 v44, v1;
	v6 =	vadd.f32 v45, v43;
	v51 =	vshll.u32 v9, $0x10  }
0x117: {  	v52 =	vld.idx.msk [tilespmem:v0+s23+$0x0 ss:$0x1], $0xffff;
	v50 =	vshll.u32 v8, $0x10;
	v54 =	vand.u32 $0xFFFF0000, v9;
	v2 =	vadd.f32 v51, v2  }
0x118: {  	v53 =	vand.u32 $0xFFFF0000, v8;
	v56 =	vshll.u32 v7, $0x10;
	v3 =	vadd.f32 v54, v3  }
0x119: {  	v57 =	vld.idx.msk [tilespmem:v0+s23+$0x40 ss:$0x1], $0xffff;
	v58 =	vand.u32 $0xFFFF0000, v7;
	v1 =	vadd.f32 v56, v1;
	v2 =	vadd.f32 v50, v2  }
0x11a: {  	v6 =	vadd.f32 v58, v6;
	v59 =	vshll.u32 v46, $0x10;
	v3 =	vadd.f32 v53, v3  }
0x11b: {  	v60 =	vand.u32 $0xFFFF0000, v46;
	v1 =	vadd.f32 v59, v1;
	v2 =	vadd.f32 v47, v2  }
0x11c: {  	v61 =	vshll.u32 v52, $0x10;
	v6 =	vadd.f32 v60, v6;
	v3 =	vadd.f32 v55, v3  }
0x11d: {  	v62 =	vand.u32 $0xFFFF0000, v52;
	v1 =	vadd.f32 v61, v1;
	v2 =	vadd.f32 v48, v2  }
0x11e: {  	s0 =	sadd.s32 $0x1, s0;
	v63 =	vshll.u32 v57, $0x10;
	v4 =	vadd.f32 v62, v6;
	v3 =	vadd.f32 v49, v3  }
0x11f: {  	p2 =	sne.s32 s0, $0x8;
	v0 =	vand.u32 $0xFFFF0000, v57;
	v1 =	vadd.f32 v63, v1;
	v2 =	vmul.f32 $3.125000000e-02, v2  }
.Ltmp7:
0x120: {  	v0 =	vadd.f32 v0, v4;
	v3 =	vmul.f32 $3.125000000e-02, v3;
	(pc) =	sbr.rel @p2 .LBB2_26-.Ltmp7, $4  }
0x121: {  	v1 =	vmul.f32 $3.125000000e-02, v1;
	[tilespmem:s3+$0x155A0] =	vst v2  }
0x122: {  	s18 =	sadd.s32 $0x800, s18;
	s15 =	sadd.s32 $0x800, s15;
	v0 =	vmul.f32 $3.125000000e-02, v0;
	[tilespmem:s3+$0x155B0] =	vst v3  }
0x123: {  	s16 =	sadd.s32 $0x800, s16;
	s8 =	sadd.s32 $0x800, s8;
	s9 =	sadd.s32 $0x800, s9;
	[tilespmem:s3+$0x15DA0] =	vst v1  }
0x124: {  	s11 =	sadd.s32 $0x800, s11;
	s30 =	sadd.s32 $0x800, s30;
	s31 =	sadd.s32 $0x800, s31;
	[tilespmem:s3+$0x15DB0] =	vst v0  }
0x125: {  	s0 =	sshll.u32 s17, $0x3  }
0x126: {  	_ =	strace $0x90000055;
	s30 =	sshll.u32 s17, $0x4;
	s0 =	sadd.s32 s5, s0  }
0x127: {  	[hbm4b:s0+s2] =	stream.linear.scatter [tilespmem:s20], [sflag:$0x3], $0x200, $0x38;
	[tilespmem:$0x16540] =	vst v63  }
0x128: {  	s8 =	simm.s32 $0x15540;
	s3 =	sadd.s32 s1, s30  }
0x129: {  	[hbm4b:s3+s2] =	stream.linear.scatter [tilespmem:s8], [sflag:$0x3], $0x400, $0x38;
	[tilespmem:$0x16540] =	vst v63  }
0x12a: {  	s31 =	simm.s32 $0x15D40;
	p2 =	seq.s32 s12, $0x13;
	s0 =	sadd.s32 s7, s30  }
0x12b: {  	[hbm4b:s0+s2] =	stream.linear.scatter [tilespmem:s31], [sflag:$0x3], $0x400, $0x38;
	[tilespmem:$0x16540] =	vst v63  }
0x12c: {  	s0 =	sadd.s32 @!p2 $0x2, s14  }
0x12d: {  	s9 =	simm.s32 @!p2 $0x5140;
	s8 =	simm.s32 @!p2 $0x8;
	s3 =	sshll.u32 @!p2 s0, $0x3  }
0x12e: {  	_ =	strace $0x80000056;
	s0 =	sshll.u32 @!p2 s0, $0x8;
	s3 =	sand.u32 @!p2 $0x3FFFFFF8, s3  }
0x12f: {  	[tilespmem:s9], [sflag:$0x1] =	stream.indirect.gather @!p2 [hbm4b:s4+s8], $0x40, s3, s8, $0x2000b8;
	[tilespmem:$0x16540] =	vst v63  }
0x130: {  	s3 =	sadd.s32 @!p2 $0x140, s0;
	s8 =	simm.s32 @!p2 $0x80;
	s9 =	simm.s32 @!p2 $0x5540  }
0x131: {  	[tilespmem:s9], [sflag:$0x1] =	stream.indirect.gather @!p2 [hbm4b:s4+s8], $0x40, s3, s8, $0x2000b8;
	[tilespmem:$0x16540] =	vst v63  }
0x132: {  	s3 =	sadd.s32 @!p2 $0x1C0, s0;
	s9 =	simm.s32 @!p2 $0x7540  }
0x133: {  	[tilespmem:s9], [sflag:$0x1] =	stream.indirect.gather @!p2 [hbm4b:s4+s8], $0x40, s3, s8, $0x2000b8;
	[tilespmem:$0x16540] =	vst v63  }
0x134: {  	s3 =	sadd.s32 @!p2 $0x2940, s0;
	s9 =	simm.s32 @!p2 $0xD540  }
0x135: {  	[tilespmem:s9], [sflag:$0x1] =	stream.indirect.gather @!p2 [hbm4b:s4+s8], $0x40, s3, s8, $0x2000b8;
	[tilespmem:$0x16540] =	vst v63  }
0x136: {  	s0 =	sadd.s32 @!p2 $0x29C0, s0;
	s3 =	simm.s32 @!p2 $0xF540  }
0x137: {  	[tilespmem:s3], [sflag:$0x1] =	stream.indirect.gather @!p2 [hbm4b:s4+s8], $0x40, s0, s8, $0x2000b8;
	[tilespmem:$0x16540] =	vst v63  }
0x138: {  	_ =	strace $0x90000056  }
0x139: {  	_ =	strace $0x80000057  }
0x13a: {  	_ =	swait.ge [sflag:s25], $0x200  }
0x13b: {  	[sflag:s25] =	ssyncset.done $0x0  }
0x13c: {  	[sflag:s25] =	ssyncadd.s32 $0xFFFFFE00  }
0x13d: {  	_ =	swait.ge [sflag:s25], $0x2000  }
0x13e: {  	[sflag:s25] =	ssyncset.done $0x0  }
0x13f: {  	[sflag:s25] =	ssyncadd.s32 $0xFFFFE000  }
0x140: {  	_ =	swait.ge [sflag:s25], $0x2000  }
0x141: {  	[sflag:s25] =	ssyncset.done $0x0  }
0x142: {  	[sflag:s25] =	ssyncadd.s32 $0xFFFFE000  }
0x143: {  	_ =	swait.ge [sflag:s25], $0x2000  }
0x144: {  	[sflag:s25] =	ssyncset.done $0x0  }
0x145: {  	[sflag:s25] =	ssyncadd.s32 $0xFFFFE000  }
0x146: {  	_ =	swait.ge [sflag:s25], $0x2000  }
0x147: {  	[sflag:s25] =	ssyncset.done $0x0  }
0x148: {  	[sflag:s25] =	ssyncadd.s32 $0xFFFFE000  }
0x149: {  	_ =	strace $0x90000057  }
0x14a: {  	s0 =	simm.s32 @!p1 $0x4;
	_ =	strace $0x80000058  }
0x14b: {  	_ =	swait.ge @!p1 [sflag:s0], $0x200  }
0x14c: {  	[sflag:s0] =	ssyncset.done @!p1 $0x0  }
0x14d: {  	[sflag:s0] =	ssyncadd.s32 @!p1 $0xFFFFFE00  }
0x14e: {  	_ =	swait.ge @!p1 [sflag:s0], $0x400  }
0x14f: {  	[sflag:s0] =	ssyncset.done @!p1 $0x0  }
0x150: {  	[sflag:s0] =	ssyncadd.s32 @!p1 $0xFFFFFC00  }
0x151: {  	s13 =	sadd.s32 s10, s13;
	s15 =	simm.s32 $0x115C0;
	_ =	swait.ge @!p1 [sflag:s0], $0x400  }
0x152: {  	s16 =	simm.s32 $0x9600;
	s11 =	simm.s32 $0x115E0;
	[sflag:s0] =	ssyncset.done @!p1 $0x0  }
0x153: {  	s17 =	simm.s32 $0x9620;
	s18 =	simm.s32 $0x115F0;
	[sflag:s0] =	ssyncadd.s32 @!p1 $0xFFFFFC00  }
0x154: {  	s14 =	simm.s32 $0x0;
	s9 =	simm.s32 $0x9610;
	_ =	strace $0x90000058  }
0x155: {  	s8 =	simm.s32 $0x115D0;
	s0 =	simm.s32 $0x9630;
	_ =	strace $0x80000059  }
.LBB2_36:
0x156: {  	v1 =	vmov s16;
	_ =	sdelay $0x3  }
0x157: {  	v0 =	vmov s15;
	s23 =	simm.s32 $0x0  }
0x158: {  	v3 =	vld.idx.msk [tilespmem:v1+s23+$0x0 ss:$0x1], $0xffff  }
0x159: {  	v4 =	vld.idx.msk [tilespmem:v1+s23+$0xFFFFFFC0 ss:$0x1], $0xffff  }
0x15a: {  	v5 =	vld.idx.msk [tilespmem:v1+s23+$0xFFFFFF80 ss:$0x1], $0xffff  }
0x15b: {  	v6 =	vld.idx.msk [tilespmem:v1+s23+$0xFFFFFF40 ss:$0x1], $0xffff  }
0x15c: {  	v7 =	vld.idx.msk [tilespmem:v0+s23+$0xFFFFFF80 ss:$0x1], $0xffff;
	_ =	sdelay $0x1  }
0x15d: {  	v8 =	vimm.f32 $0.0e+00;
	v9 =	vld.idx.msk [tilespmem:v0+s23+$0xFFFFFFC0 ss:$0x1], $0xffff  }
0x15e: {  	v12 =	vshll.u32 v4, $0x10;
	v2 =	vshll.u32 v3, $0x10;
	v3 =	vand.u32 $0xFFFF0000, v3  }
0x15f: {  	v15 =	vld.idx.msk [tilespmem:v0+s23+$0x0 ss:$0x1], $0xffff;
	v10 =	vshll.u32 v5, $0x10;
	v11 =	vand.u32 $0xFFFF0000, v5;
	v13 =	vand.u32 $0xFFFF0000, v4  }
0x160: {  	s3 =	simm.s32 $0x100;
	v4 =	vshll.u32 v6, $0x10;
	v14 =	vand.u32 $0xFFFF0000, v6;
	v16 =	vshll.u32 v7, $0x10;
	v6 =	vld.idx.msk [tilespmem:v0+s23+$0x40 ss:$0x1], $0xffff  }
0x161: {  	v5 =	vld.idx.msk [tilespmem:v1+s3+$0x0 ss:$0x1], $0xffff;
	v7 =	vand.u32 $0xFFFF0000, v7;
	v17 =	vadd.f32 v4, v8;
	v14 =	vadd.f32 v14, v8  }
0x162: {  	v18 =	vshll.u32 v9, $0x10;
	v4 =	vld.idx.msk [tilespmem:v1+s3+$0xFFFFFFC0 ss:$0x1], $0xffff;
	v16 =	vadd.f32 v16, v8;
	v7 =	vadd.f32 v7, v8  }
0x163: {  	v8 =	vld.idx.msk [tilespmem:v1+s3+$0xFFFFFF80 ss:$0x1], $0xffff;
	v17 =	vadd.f32 v10, v17;
	v19 =	vadd.f32 v11, v14;
	v11 =	vand.u32 $0xFFFF0000, v9  }
0x164: {  	v9 =	vld.idx.msk [tilespmem:v1+s3+$0xFFFFFF40 ss:$0x1], $0xffff;
	v10 =	vadd.f32 v18, v16;
	v14 =	vshll.u32 v15, $0x10;
	v11 =	vadd.f32 v11, v7  }
0x165: {  	s23 =	simm.s32 $0x800;
	v15 =	vand.u32 $0xFFFF0000, v15;
	v7 =	vld.idx.msk [tilespmem:v0+s3+$0xFFFFFF80 ss:$0x1], $0xffff;
	v12 =	vadd.f32 v12, v17;
	v13 =	vadd.f32 v13, v19  }
.LBB2_37:
0x166: {  	p1 =	sne.s32 s23, $0x1C00;
	v10 =	vadd.f32 v14, v10;
	v11 =	vadd.f32 v15, v11;
	v14 =	vshll.u32 v6, $0x10  }
0x167: {  	v15 =	vld.idx.msk [tilespmem:v0+s3+$0xFFFFFFC0 ss:$0x1], $0xffff;
	v12 =	vadd.f32 v2, v12;
	v13 =	vadd.f32 v3, v13;
	v2 =	vand.u32 $0xFFFF0000, v6  }
0x168: {  	v10 =	vadd.f32 v14, v10;
	v11 =	vadd.f32 v2, v11  }
0x169: {  	v17 =	vshll.u32 v4, $0x10;
	v3 =	vand.u32 $0xFFFF0000, v5;
	v2 =	vshll.u32 v5, $0x10;
	v16 =	vld.idx.msk [tilespmem:v0+s3+$0x0 ss:$0x1], $0xffff  }
0x16a: {  	v19 =	vand.u32 $0xFFFF0000, v4;
	v14 =	vshll.u32 v8, $0x10;
	v18 =	vand.u32 $0xFFFF0000, v8  }
0x16b: {  	v4 =	vshll.u32 v9, $0x10;
	v8 =	vand.u32 $0xFFFF0000, v9;
	v9 =	vshll.u32 v7, $0x10;
	v6 =	vld.idx.msk [tilespmem:v0+s3+$0x40 ss:$0x1], $0xffff;
	s3 =	sshra.s32 s23, $0x2  }
.Ltmp8:
0x16c: {  	v12 =	vadd.f32 v4, v12;
	v13 =	vadd.f32 v8, v13;
	v7 =	vand.u32 $0xFFFF0000, v7;
	v5 =	vld.idx.msk [tilespmem:v1+s3+$0x0 ss:$0x1], $0xffff;
	(pc) =	sbr.rel @p1 .LBB2_37-.Ltmp8, $4  }
0x16d: {  	v10 =	vadd.f32 v9, v10;
	v7 =	vadd.f32 v7, v11;
	v11 =	vshll.u32 v15, $0x10;
	v4 =	vld.idx.msk [tilespmem:v1+s3+$0xFFFFFFC0 ss:$0x1], $0xffff  }
0x16e: {  	v12 =	vadd.f32 v14, v12;
	v13 =	vadd.f32 v18, v13;
	v14 =	vand.u32 $0xFFFF0000, v15;
	v8 =	vld.idx.msk [tilespmem:v1+s3+$0xFFFFFF80 ss:$0x1], $0xffff  }
0x16f: {  	v10 =	vadd.f32 v11, v10;
	v11 =	vadd.f32 v14, v7;
	v14 =	vshll.u32 v16, $0x10;
	v9 =	vld.idx.msk [tilespmem:v1+s3+$0xFFFFFF40 ss:$0x1], $0xffff  }
0x170: {  	s23 =	sadd.s32 $0x400, s23;
	v12 =	vadd.f32 v17, v12;
	v13 =	vadd.f32 v19, v13;
	v15 =	vand.u32 $0xFFFF0000, v16;
	v7 =	vld.idx.msk [tilespmem:v0+s3+$0xFFFFFF80 ss:$0x1], $0xffff  }
0x171: {  	_ = 	snop  }
0x172: {  	v1 =	vadd.f32 v14, v10  }
0x173: {  	v10 =	vadd.f32 v15, v11;
	v11 =	vshll.u32 v6, $0x10;
	v6 =	vand.u32 $0xFFFF0000, v6  }
0x174: {  	v2 =	vadd.f32 v2, v12;
	v3 =	vadd.f32 v3, v13;
	v12 =	vshll.u32 v5, $0x10  }
0x175: {  	v5 =	vand.u32 $0xFFFF0000, v5;
	v1 =	vadd.f32 v11, v1;
	v11 =	vld.idx.msk [tilespmem:v0+s3+$0xFFFFFFC0 ss:$0x1], $0xffff;
	v6 =	vadd.f32 v6, v10  }
0x176: {  	v10 =	vshll.u32 v4, $0x10;
	v13 =	vshll.u32 v8, $0x10;
	v14 =	vshll.u32 v9, $0x10  }
0x177: {  	v15 =	vld.idx.msk [tilespmem:v0+s3+$0x0 ss:$0x1], $0xffff;
	v8 =	vand.u32 $0xFFFF0000, v8;
	v9 =	vand.u32 $0xFFFF0000, v9;
	v2 =	vadd.f32 v14, v2  }
0x178: {  	v4 =	vand.u32 $0xFFFF0000, v4;
	v14 =	vshll.u32 v7, $0x10;
	v3 =	vadd.f32 v9, v3  }
0x179: {  	v0 =	vld.idx.msk [tilespmem:v0+s3+$0x40 ss:$0x1], $0xffff;
	v7 =	vand.u32 $0xFFFF0000, v7;
	v1 =	vadd.f32 v14, v1;
	v2 =	vadd.f32 v13, v2  }
0x17a: {  	v6 =	vadd.f32 v7, v6;
	v3 =	vadd.f32 v8, v3;
	v7 =	vshll.u32 v11, $0x10  }
0x17b: {  	v8 =	vand.u32 $0xFFFF0000, v11;
	v1 =	vadd.f32 v7, v1;
	v2 =	vadd.f32 v10, v2  }
0x17c: {  	v6 =	vadd.f32 v8, v6;
	v7 =	vshll.u32 v15, $0x10;
	v3 =	vadd.f32 v4, v3  }
0x17d: {  	v4 =	vand.u32 $0xFFFF0000, v15;
	v1 =	vadd.f32 v7, v1;
	v2 =	vadd.f32 v12, v2  }
0x17e: {  	v4 =	vadd.f32 v4, v6;
	v6 =	vshll.u32 v0, $0x10;
	v3 =	vadd.f32 v5, v3  }
0x17f: {  	v0 =	vand.u32 $0xFFFF0000, v0;
	v5 =	vadd.f32 v6, v1;
	v2 =	vmul.f32 $3.125000000e-02, v2  }
0x180: {  	s3 =	sshll.u32 s14, $0x7;
	v0 =	vadd.f32 v0, v4;
	v3 =	vmul.f32 $3.125000000e-02, v3;
	v1 =	vmov s9  }
0x181: {  	[tilespmem:s3+$0x15940] =	vst v2;
	v2 =	vmul.f32 $3.125000000e-02, v5  }
0x182: {  	[tilespmem:s3+$0x15950] =	vst v3;
	v0 =	vmul.f32 $3.125000000e-02, v0  }
0x183: {  	[tilespmem:s3+$0x16140] =	vst v2  }
0x184: {  	s24 =	simm.s32 $0x0;
	[tilespmem:s3+$0x16150] =	vst v0;
	v0 =	vmov s8  }
0x185: {  	v4 =	vld.idx.msk [tilespmem:v1+s24+$0xFFFFFFC0 ss:$0x1], $0xffff  }
0x186: {  	v6 =	vld.idx.msk [tilespmem:v1+s24+$0xFFFFFF40 ss:$0x1], $0xffff  }
0x187: {  	v3 =	vld.idx.msk [tilespmem:v1+s24+$0x0 ss:$0x1], $0xffff  }
0x188: {  	v5 =	vld.idx.msk [tilespmem:v1+s24+$0xFFFFFF80 ss:$0x1], $0xffff  }
0x189: {  	v7 =	vld.idx.msk [tilespmem:v0+s24+$0xFFFFFF80 ss:$0x1], $0xffff  }
0x18a: {  	v8 =	vimm.f32 $0.0e+00  }
0x18b: {  	v9 =	vld.idx.msk [tilespmem:v0+s24+$0xFFFFFFC0 ss:$0x1], $0xffff;
	v12 =	vshll.u32 v4, $0x10;
	v13 =	vand.u32 $0xFFFF0000, v4;
	v4 =	vshll.u32 v6, $0x10  }
0x18c: {  	v15 =	vld.idx.msk [tilespmem:v0+s24+$0x0 ss:$0x1], $0xffff;
	v2 =	vshll.u32 v3, $0x10;
	v14 =	vand.u32 $0xFFFF0000, v6;
	v17 =	vadd.f32 v4, v8  }
0x18d: {  	s23 =	simm.s32 $0x100;
	v10 =	vshll.u32 v5, $0x10;
	v11 =	vand.u32 $0xFFFF0000, v5;
	v6 =	vld.idx.msk [tilespmem:v0+s24+$0x40 ss:$0x1], $0xffff;
	v14 =	vadd.f32 v14, v8  }
0x18e: {  	v5 =	vld.idx.msk [tilespmem:v1+s23+$0x0 ss:$0x1], $0xffff;
	v17 =	vadd.f32 v10, v17;
	v16 =	vshll.u32 v7, $0x10;
	v7 =	vand.u32 $0xFFFF0000, v7  }
0x18f: {  	v3 =	vand.u32 $0xFFFF0000, v3;
	v4 =	vld.idx.msk [tilespmem:v1+s23+$0xFFFFFFC0 ss:$0x1], $0xffff;
	v16 =	vadd.f32 v16, v8;
	v7 =	vadd.f32 v7, v8  }
0x190: {  	v19 =	vadd.f32 v11, v14;
	v18 =	vshll.u32 v9, $0x10;
	v11 =	vand.u32 $0xFFFF0000, v9;
	v9 =	vld.idx.msk [tilespmem:v1+s23+$0xFFFFFF40 ss:$0x1], $0xffff  }
0x191: {  	v14 =	vshll.u32 v15, $0x10;
	v8 =	vld.idx.msk [tilespmem:v1+s23+$0xFFFFFF80 ss:$0x1], $0xffff;
	v10 =	vadd.f32 v18, v16;
	v11 =	vadd.f32 v11, v7  }
0x192: {  	s24 =	simm.s32 $0x800;
	v15 =	vand.u32 $0xFFFF0000, v15;
	v12 =	vadd.f32 v12, v17;
	v13 =	vadd.f32 v13, v19;
	v7 =	vld.idx.msk [tilespmem:v0+s23+$0xFFFFFF80 ss:$0x1], $0xffff  }
.LBB2_39:
0x193: {  	p1 =	sne.s32 s24, $0x1C00;
	v10 =	vadd.f32 v14, v10;
	v11 =	vadd.f32 v15, v11;
	v14 =	vshll.u32 v6, $0x10  }
0x194: {  	v15 =	vld.idx.msk [tilespmem:v0+s23+$0xFFFFFFC0 ss:$0x1], $0xffff;
	v12 =	vadd.f32 v2, v12;
	v13 =	vadd.f32 v3, v13;
	v2 =	vand.u32 $0xFFFF0000, v6  }
0x195: {  	v10 =	vadd.f32 v14, v10;
	v11 =	vadd.f32 v2, v11  }
0x196: {  	v17 =	vshll.u32 v4, $0x10;
	v3 =	vand.u32 $0xFFFF0000, v5;
	v2 =	vshll.u32 v5, $0x10;
	v16 =	vld.idx.msk [tilespmem:v0+s23+$0x0 ss:$0x1], $0xffff  }
0x197: {  	v19 =	vand.u32 $0xFFFF0000, v4;
	v14 =	vshll.u32 v8, $0x10;
	v18 =	vand.u32 $0xFFFF0000, v8  }
0x198: {  	v4 =	vshll.u32 v9, $0x10;
	v8 =	vand.u32 $0xFFFF0000, v9;
	v9 =	vshll.u32 v7, $0x10;
	v6 =	vld.idx.msk [tilespmem:v0+s23+$0x40 ss:$0x1], $0xffff;
	s23 =	sshra.s32 s24, $0x2  }
.Ltmp9:
0x199: {  	v12 =	vadd.f32 v4, v12;
	v13 =	vadd.f32 v8, v13;
	v7 =	vand.u32 $0xFFFF0000, v7;
	v5 =	vld.idx.msk [tilespmem:v1+s23+$0x0 ss:$0x1], $0xffff;
	(pc) =	sbr.rel @p1 .LBB2_39-.Ltmp9, $4  }
0x19a: {  	v10 =	vadd.f32 v9, v10;
	v7 =	vadd.f32 v7, v11;
	v11 =	vshll.u32 v15, $0x10;
	v4 =	vld.idx.msk [tilespmem:v1+s23+$0xFFFFFFC0 ss:$0x1], $0xffff  }
0x19b: {  	v12 =	vadd.f32 v14, v12;
	v13 =	vadd.f32 v18, v13;
	v14 =	vand.u32 $0xFFFF0000, v15;
	v8 =	vld.idx.msk [tilespmem:v1+s23+$0xFFFFFF80 ss:$0x1], $0xffff  }
0x19c: {  	v10 =	vadd.f32 v11, v10;
	v11 =	vadd.f32 v14, v7;
	v14 =	vshll.u32 v16, $0x10;
	v9 =	vld.idx.msk [tilespmem:v1+s23+$0xFFFFFF40 ss:$0x1], $0xffff  }
0x19d: {  	s24 =	sadd.s32 $0x400, s24;
	v12 =	vadd.f32 v17, v12;
	v13 =	vadd.f32 v19, v13;
	v15 =	vand.u32 $0xFFFF0000, v16;
	v7 =	vld.idx.msk [tilespmem:v0+s23+$0xFFFFFF80 ss:$0x1], $0xffff  }
0x19e: {  	_ = 	snop  }
0x19f: {  	v1 =	vadd.f32 v14, v10  }
0x1a0: {  	v10 =	vadd.f32 v15, v11;
	v11 =	vshll.u32 v6, $0x10;
	v6 =	vand.u32 $0xFFFF0000, v6  }
0x1a1: {  	v2 =	vadd.f32 v2, v12;
	v3 =	vadd.f32 v3, v13;
	v12 =	vshll.u32 v5, $0x10  }
0x1a2: {  	v5 =	vand.u32 $0xFFFF0000, v5;
	v1 =	vadd.f32 v11, v1;
	v11 =	vld.idx.msk [tilespmem:v0+s23+$0xFFFFFFC0 ss:$0x1], $0xffff;
	v6 =	vadd.f32 v6, v10  }
0x1a3: {  	v10 =	vshll.u32 v4, $0x10;
	v13 =	vshll.u32 v8, $0x10;
	v14 =	vshll.u32 v9, $0x10  }
0x1a4: {  	v15 =	vld.idx.msk [tilespmem:v0+s23+$0x0 ss:$0x1], $0xffff;
	v8 =	vand.u32 $0xFFFF0000, v8;
	v9 =	vand.u32 $0xFFFF0000, v9;
	v2 =	vadd.f32 v14, v2  }
0x1a5: {  	v4 =	vand.u32 $0xFFFF0000, v4;
	v14 =	vshll.u32 v7, $0x10;
	v3 =	vadd.f32 v9, v3  }
0x1a6: {  	v0 =	vld.idx.msk [tilespmem:v0+s23+$0x40 ss:$0x1], $0xffff;
	v7 =	vand.u32 $0xFFFF0000, v7;
	v1 =	vadd.f32 v14, v1;
	v2 =	vadd.f32 v13, v2  }
0x1a7: {  	v6 =	vadd.f32 v7, v6;
	v3 =	vadd.f32 v8, v3;
	v7 =	vshll.u32 v11, $0x10  }
0x1a8: {  	v8 =	vand.u32 $0xFFFF0000, v11;
	v1 =	vadd.f32 v7, v1;
	v2 =	vadd.f32 v10, v2  }
0x1a9: {  	v6 =	vadd.f32 v8, v6;
	v7 =	vshll.u32 v15, $0x10;
	v3 =	vadd.f32 v4, v3  }
0x1aa: {  	v4 =	vand.u32 $0xFFFF0000, v15;
	v1 =	vadd.f32 v7, v1;
	v2 =	vadd.f32 v12, v2  }
0x1ab: {  	v4 =	vadd.f32 v4, v6;
	v6 =	vshll.u32 v0, $0x10;
	v3 =	vadd.f32 v5, v3  }
0x1ac: {  	v0 =	vand.u32 $0xFFFF0000, v0;
	v5 =	vadd.f32 v6, v1;
	v2 =	vmul.f32 $3.125000000e-02, v2  }
0x1ad: {  	v0 =	vadd.f32 v0, v4;
	v3 =	vmul.f32 $3.125000000e-02, v3;
	v1 =	vmov s17  }
0x1ae: {  	[tilespmem:s3+$0x15960] =	vst v2;
	v2 =	vmul.f32 $3.125000000e-02, v5  }
0x1af: {  	[tilespmem:s3+$0x15970] =	vst v3;
	v0 =	vmul.f32 $3.125000000e-02, v0  }
0x1b0: {  	[tilespmem:s3+$0x16160] =	vst v2  }
0x1b1: {  	s24 =	simm.s32 $0x0;
	[tilespmem:s3+$0x16170] =	vst v0;
	v0 =	vmov s11  }
0x1b2: {  	v4 =	vld.idx.msk [tilespmem:v1+s24+$0xFFFFFFC0 ss:$0x1], $0xffff  }
0x1b3: {  	v6 =	vld.idx.msk [tilespmem:v1+s24+$0xFFFFFF40 ss:$0x1], $0xffff  }
0x1b4: {  	v3 =	vld.idx.msk [tilespmem:v1+s24+$0x0 ss:$0x1], $0xffff  }
0x1b5: {  	v5 =	vld.idx.msk [tilespmem:v1+s24+$0xFFFFFF80 ss:$0x1], $0xffff  }
0x1b6: {  	v7 =	vld.idx.msk [tilespmem:v0+s24+$0xFFFFFF80 ss:$0x1], $0xffff  }
0x1b7: {  	v8 =	vimm.f32 $0.0e+00  }
0x1b8: {  	v9 =	vld.idx.msk [tilespmem:v0+s24+$0xFFFFFFC0 ss:$0x1], $0xffff;
	v12 =	vshll.u32 v4, $0x10;
	v13 =	vand.u32 $0xFFFF0000, v4;
	v4 =	vshll.u32 v6, $0x10  }
0x1b9: {  	v15 =	vld.idx.msk [tilespmem:v0+s24+$0x0 ss:$0x1], $0xffff;
	v2 =	vshll.u32 v3, $0x10;
	v14 =	vand.u32 $0xFFFF0000, v6;
	v17 =	vadd.f32 v4, v8  }
0x1ba: {  	s23 =	simm.s32 $0x100;
	v10 =	vshll.u32 v5, $0x10;
	v11 =	vand.u32 $0xFFFF0000, v5;
	v6 =	vld.idx.msk [tilespmem:v0+s24+$0x40 ss:$0x1], $0xffff;
	v14 =	vadd.f32 v14, v8  }
0x1bb: {  	v5 =	vld.idx.msk [tilespmem:v1+s23+$0x0 ss:$0x1], $0xffff;
	v17 =	vadd.f32 v10, v17;
	v16 =	vshll.u32 v7, $0x10;
	v7 =	vand.u32 $0xFFFF0000, v7  }
0x1bc: {  	v3 =	vand.u32 $0xFFFF0000, v3;
	v4 =	vld.idx.msk [tilespmem:v1+s23+$0xFFFFFFC0 ss:$0x1], $0xffff;
	v16 =	vadd.f32 v16, v8;
	v7 =	vadd.f32 v7, v8  }
0x1bd: {  	v19 =	vadd.f32 v11, v14;
	v18 =	vshll.u32 v9, $0x10;
	v11 =	vand.u32 $0xFFFF0000, v9;
	v9 =	vld.idx.msk [tilespmem:v1+s23+$0xFFFFFF40 ss:$0x1], $0xffff  }
0x1be: {  	v14 =	vshll.u32 v15, $0x10;
	v8 =	vld.idx.msk [tilespmem:v1+s23+$0xFFFFFF80 ss:$0x1], $0xffff;
	v10 =	vadd.f32 v18, v16;
	v11 =	vadd.f32 v11, v7  }
0x1bf: {  	s24 =	simm.s32 $0x800;
	v15 =	vand.u32 $0xFFFF0000, v15;
	v12 =	vadd.f32 v12, v17;
	v13 =	vadd.f32 v13, v19;
	v7 =	vld.idx.msk [tilespmem:v0+s23+$0xFFFFFF80 ss:$0x1], $0xffff  }
.LBB2_41:
0x1c0: {  	p1 =	sne.s32 s24, $0x1C00;
	v10 =	vadd.f32 v14, v10;
	v11 =	vadd.f32 v15, v11;
	v14 =	vshll.u32 v6, $0x10  }
0x1c1: {  	v15 =	vld.idx.msk [tilespmem:v0+s23+$0xFFFFFFC0 ss:$0x1], $0xffff;
	v12 =	vadd.f32 v2, v12;
	v13 =	vadd.f32 v3, v13;
	v2 =	vand.u32 $0xFFFF0000, v6  }
0x1c2: {  	v10 =	vadd.f32 v14, v10;
	v11 =	vadd.f32 v2, v11  }
0x1c3: {  	v17 =	vshll.u32 v4, $0x10;
	v3 =	vand.u32 $0xFFFF0000, v5;
	v2 =	vshll.u32 v5, $0x10;
	v16 =	vld.idx.msk [tilespmem:v0+s23+$0x0 ss:$0x1], $0xffff  }
0x1c4: {  	v19 =	vand.u32 $0xFFFF0000, v4;
	v14 =	vshll.u32 v8, $0x10;
	v18 =	vand.u32 $0xFFFF0000, v8  }
0x1c5: {  	v4 =	vshll.u32 v9, $0x10;
	v8 =	vand.u32 $0xFFFF0000, v9;
	v9 =	vshll.u32 v7, $0x10;
	v6 =	vld.idx.msk [tilespmem:v0+s23+$0x40 ss:$0x1], $0xffff;
	s23 =	sshra.s32 s24, $0x2  }
.Ltmp10:
0x1c6: {  	v12 =	vadd.f32 v4, v12;
	v13 =	vadd.f32 v8, v13;
	v7 =	vand.u32 $0xFFFF0000, v7;
	v5 =	vld.idx.msk [tilespmem:v1+s23+$0x0 ss:$0x1], $0xffff;
	(pc) =	sbr.rel @p1 .LBB2_41-.Ltmp10, $4  }
0x1c7: {  	v10 =	vadd.f32 v9, v10;
	v7 =	vadd.f32 v7, v11;
	v11 =	vshll.u32 v15, $0x10;
	v4 =	vld.idx.msk [tilespmem:v1+s23+$0xFFFFFFC0 ss:$0x1], $0xffff  }
0x1c8: {  	v12 =	vadd.f32 v14, v12;
	v13 =	vadd.f32 v18, v13;
	v14 =	vand.u32 $0xFFFF0000, v15;
	v8 =	vld.idx.msk [tilespmem:v1+s23+$0xFFFFFF80 ss:$0x1], $0xffff  }
0x1c9: {  	v10 =	vadd.f32 v11, v10;
	v11 =	vadd.f32 v14, v7;
	v14 =	vshll.u32 v16, $0x10;
	v9 =	vld.idx.msk [tilespmem:v1+s23+$0xFFFFFF40 ss:$0x1], $0xffff  }
0x1ca: {  	s24 =	sadd.s32 $0x400, s24;
	v12 =	vadd.f32 v17, v12;
	v13 =	vadd.f32 v19, v13;
	v15 =	vand.u32 $0xFFFF0000, v16;
	v7 =	vld.idx.msk [tilespmem:v0+s23+$0xFFFFFF80 ss:$0x1], $0xffff  }
0x1cb: {  	_ = 	snop  }
0x1cc: {  	v1 =	vadd.f32 v14, v10  }
0x1cd: {  	v10 =	vadd.f32 v15, v11;
	v11 =	vshll.u32 v6, $0x10;
	v6 =	vand.u32 $0xFFFF0000, v6  }
0x1ce: {  	v2 =	vadd.f32 v2, v12;
	v3 =	vadd.f32 v3, v13;
	v12 =	vshll.u32 v5, $0x10  }
0x1cf: {  	v5 =	vand.u32 $0xFFFF0000, v5;
	v1 =	vadd.f32 v11, v1;
	v11 =	vld.idx.msk [tilespmem:v0+s23+$0xFFFFFFC0 ss:$0x1], $0xffff;
	v6 =	vadd.f32 v6, v10  }
0x1d0: {  	v10 =	vshll.u32 v4, $0x10;
	v13 =	vshll.u32 v8, $0x10;
	v14 =	vshll.u32 v9, $0x10  }
0x1d1: {  	v15 =	vld.idx.msk [tilespmem:v0+s23+$0x0 ss:$0x1], $0xffff;
	v8 =	vand.u32 $0xFFFF0000, v8;
	v9 =	vand.u32 $0xFFFF0000, v9;
	v2 =	vadd.f32 v14, v2  }
0x1d2: {  	v4 =	vand.u32 $0xFFFF0000, v4;
	v14 =	vshll.u32 v7, $0x10;
	v3 =	vadd.f32 v9, v3  }
0x1d3: {  	v0 =	vld.idx.msk [tilespmem:v0+s23+$0x40 ss:$0x1], $0xffff;
	v7 =	vand.u32 $0xFFFF0000, v7;
	v1 =	vadd.f32 v14, v1;
	v2 =	vadd.f32 v13, v2  }
0x1d4: {  	v6 =	vadd.f32 v7, v6;
	v3 =	vadd.f32 v8, v3;
	v7 =	vshll.u32 v11, $0x10  }
0x1d5: {  	v8 =	vand.u32 $0xFFFF0000, v11;
	v1 =	vadd.f32 v7, v1;
	v2 =	vadd.f32 v10, v2  }
0x1d6: {  	v6 =	vadd.f32 v8, v6;
	v7 =	vshll.u32 v15, $0x10;
	v3 =	vadd.f32 v4, v3  }
0x1d7: {  	v4 =	vand.u32 $0xFFFF0000, v15;
	v1 =	vadd.f32 v7, v1;
	v2 =	vadd.f32 v12, v2  }
0x1d8: {  	v4 =	vadd.f32 v4, v6;
	v6 =	vshll.u32 v0, $0x10;
	v3 =	vadd.f32 v5, v3  }
0x1d9: {  	v0 =	vand.u32 $0xFFFF0000, v0;
	v5 =	vadd.f32 v6, v1;
	v2 =	vmul.f32 $3.125000000e-02, v2  }
0x1da: {  	v0 =	vadd.f32 v0, v4;
	v3 =	vmul.f32 $3.125000000e-02, v3;
	v1 =	vmov s0  }
0x1db: {  	[tilespmem:s3+$0x15980] =	vst v2;
	v2 =	vmul.f32 $3.125000000e-02, v5  }
0x1dc: {  	[tilespmem:s3+$0x15990] =	vst v3;
	v0 =	vmul.f32 $3.125000000e-02, v0  }
0x1dd: {  	[tilespmem:s3+$0x16180] =	vst v2  }
0x1de: {  	s24 =	simm.s32 $0x0;
	[tilespmem:s3+$0x16190] =	vst v0;
	v0 =	vmov s18  }
0x1df: {  	v4 =	vld.idx.msk [tilespmem:v1+s24+$0xFFFFFFC0 ss:$0x1], $0xffff  }
0x1e0: {  	v6 =	vld.idx.msk [tilespmem:v1+s24+$0xFFFFFF40 ss:$0x1], $0xffff  }
0x1e1: {  	v3 =	vld.idx.msk [tilespmem:v1+s24+$0x0 ss:$0x1], $0xffff  }
0x1e2: {  	v5 =	vld.idx.msk [tilespmem:v1+s24+$0xFFFFFF80 ss:$0x1], $0xffff  }
0x1e3: {  	v7 =	vld.idx.msk [tilespmem:v0+s24+$0xFFFFFF80 ss:$0x1], $0xffff  }
0x1e4: {  	v8 =	vimm.f32 $0.0e+00  }
0x1e5: {  	v9 =	vld.idx.msk [tilespmem:v0+s24+$0xFFFFFFC0 ss:$0x1], $0xffff;
	v12 =	vshll.u32 v4, $0x10;
	v13 =	vand.u32 $0xFFFF0000, v4;
	v4 =	vshll.u32 v6, $0x10  }
0x1e6: {  	v15 =	vld.idx.msk [tilespmem:v0+s24+$0x0 ss:$0x1], $0xffff;
	v2 =	vshll.u32 v3, $0x10;
	v14 =	vand.u32 $0xFFFF0000, v6;
	v17 =	vadd.f32 v4, v8  }
0x1e7: {  	s23 =	simm.s32 $0x100;
	v10 =	vshll.u32 v5, $0x10;
	v11 =	vand.u32 $0xFFFF0000, v5;
	v6 =	vld.idx.msk [tilespmem:v0+s24+$0x40 ss:$0x1], $0xffff;
	v14 =	vadd.f32 v14, v8  }
0x1e8: {  	v5 =	vld.idx.msk [tilespmem:v1+s23+$0x0 ss:$0x1], $0xffff;
	v17 =	vadd.f32 v10, v17;
	v16 =	vshll.u32 v7, $0x10;
	v7 =	vand.u32 $0xFFFF0000, v7  }
0x1e9: {  	v3 =	vand.u32 $0xFFFF0000, v3;
	v4 =	vld.idx.msk [tilespmem:v1+s23+$0xFFFFFFC0 ss:$0x1], $0xffff;
	v16 =	vadd.f32 v16, v8;
	v7 =	vadd.f32 v7, v8  }
0x1ea: {  	v19 =	vadd.f32 v11, v14;
	v18 =	vshll.u32 v9, $0x10;
	v11 =	vand.u32 $0xFFFF0000, v9;
	v9 =	vld.idx.msk [tilespmem:v1+s23+$0xFFFFFF40 ss:$0x1], $0xffff  }
0x1eb: {  	v14 =	vshll.u32 v15, $0x10;
	v8 =	vld.idx.msk [tilespmem:v1+s23+$0xFFFFFF80 ss:$0x1], $0xffff;
	v10 =	vadd.f32 v18, v16;
	v11 =	vadd.f32 v11, v7  }
0x1ec: {  	s24 =	simm.s32 $0x800;
	v15 =	vand.u32 $0xFFFF0000, v15;
	v12 =	vadd.f32 v12, v17;
	v13 =	vadd.f32 v13, v19;
	v7 =	vld.idx.msk [tilespmem:v0+s23+$0xFFFFFF80 ss:$0x1], $0xffff  }
.LBB2_43:
0x1ed: {  	p1 =	sne.s32 s24, $0x1C00;
	v10 =	vadd.f32 v14, v10;
	v11 =	vadd.f32 v15, v11;
	v14 =	vshll.u32 v6, $0x10  }
0x1ee: {  	v15 =	vld.idx.msk [tilespmem:v0+s23+$0xFFFFFFC0 ss:$0x1], $0xffff;
	v12 =	vadd.f32 v2, v12;
	v13 =	vadd.f32 v3, v13;
	v2 =	vand.u32 $0xFFFF0000, v6  }
0x1ef: {  	v10 =	vadd.f32 v14, v10;
	v11 =	vadd.f32 v2, v11  }
0x1f0: {  	v17 =	vshll.u32 v4, $0x10;
	v3 =	vand.u32 $0xFFFF0000, v5;
	v2 =	vshll.u32 v5, $0x10;
	v16 =	vld.idx.msk [tilespmem:v0+s23+$0x0 ss:$0x1], $0xffff  }
0x1f1: {  	v19 =	vand.u32 $0xFFFF0000, v4;
	v14 =	vshll.u32 v8, $0x10;
	v18 =	vand.u32 $0xFFFF0000, v8  }
0x1f2: {  	v4 =	vshll.u32 v9, $0x10;
	v8 =	vand.u32 $0xFFFF0000, v9;
	v9 =	vshll.u32 v7, $0x10;
	v6 =	vld.idx.msk [tilespmem:v0+s23+$0x40 ss:$0x1], $0xffff;
	s23 =	sshra.s32 s24, $0x2  }
.Ltmp11:
0x1f3: {  	v12 =	vadd.f32 v4, v12;
	v13 =	vadd.f32 v8, v13;
	v7 =	vand.u32 $0xFFFF0000, v7;
	v5 =	vld.idx.msk [tilespmem:v1+s23+$0x0 ss:$0x1], $0xffff;
	(pc) =	sbr.rel @p1 .LBB2_43-.Ltmp11, $4  }
0x1f4: {  	v10 =	vadd.f32 v9, v10;
	v7 =	vadd.f32 v7, v11;
	v11 =	vshll.u32 v15, $0x10;
	v4 =	vld.idx.msk [tilespmem:v1+s23+$0xFFFFFFC0 ss:$0x1], $0xffff  }
0x1f5: {  	v12 =	vadd.f32 v14, v12;
	v13 =	vadd.f32 v18, v13;
	v14 =	vand.u32 $0xFFFF0000, v15;
	v8 =	vld.idx.msk [tilespmem:v1+s23+$0xFFFFFF80 ss:$0x1], $0xffff  }
0x1f6: {  	v10 =	vadd.f32 v11, v10;
	v11 =	vadd.f32 v14, v7;
	v14 =	vshll.u32 v16, $0x10;
	v9 =	vld.idx.msk [tilespmem:v1+s23+$0xFFFFFF40 ss:$0x1], $0xffff  }
0x1f7: {  	s24 =	sadd.s32 $0x400, s24;
	v12 =	vadd.f32 v17, v12;
	v13 =	vadd.f32 v19, v13;
	v15 =	vand.u32 $0xFFFF0000, v16;
	v7 =	vld.idx.msk [tilespmem:v0+s23+$0xFFFFFF80 ss:$0x1], $0xffff  }
0x1f8: {  	_ = 	snop  }
0x1f9: {  	v1 =	vadd.f32 v14, v10  }
0x1fa: {  	v43 =	vadd.f32 v15, v11;
	v44 =	vshll.u32 v6, $0x10;
	v45 =	vand.u32 $0xFFFF0000, v6  }
0x1fb: {  	v48 =	vshll.u32 v5, $0x10;
	v49 =	vand.u32 $0xFFFF0000, v5;
	v2 =	vadd.f32 v2, v12  }
0x1fc: {  	v46 =	vld.idx.msk [tilespmem:v0+s23+$0xFFFFFFC0 ss:$0x1], $0xffff;
	v3 =	vadd.f32 v3, v13;
	v47 =	vshll.u32 v4, $0x10;
	v55 =	vand.u32 $0xFFFF0000, v4  }
0x1fd: {  	v1 =	vadd.f32 v44, v1;
	v6 =	vadd.f32 v45, v43;
	v51 =	vshll.u32 v9, $0x10  }
0x1fe: {  	v52 =	vld.idx.msk [tilespmem:v0+s23+$0x0 ss:$0x1], $0xffff;
	v50 =	vshll.u32 v8, $0x10;
	v54 =	vand.u32 $0xFFFF0000, v9;
	v2 =	vadd.f32 v51, v2  }
0x1ff: {  	v53 =	vand.u32 $0xFFFF0000, v8;
	v56 =	vshll.u32 v7, $0x10;
	v3 =	vadd.f32 v54, v3  }
0x200: {  	v57 =	vld.idx.msk [tilespmem:v0+s23+$0x40 ss:$0x1], $0xffff;
	v58 =	vand.u32 $0xFFFF0000, v7;
	v1 =	vadd.f32 v56, v1;
	v2 =	vadd.f32 v50, v2  }
0x201: {  	v6 =	vadd.f32 v58, v6;
	v59 =	vshll.u32 v46, $0x10;
	v3 =	vadd.f32 v53, v3  }
0x202: {  	v60 =	vand.u32 $0xFFFF0000, v46;
	v1 =	vadd.f32 v59, v1;
	v2 =	vadd.f32 v47, v2  }
0x203: {  	v61 =	vshll.u32 v52, $0x10;
	v6 =	vadd.f32 v60, v6;
	v3 =	vadd.f32 v55, v3  }
0x204: {  	v62 =	vand.u32 $0xFFFF0000, v52;
	v1 =	vadd.f32 v61, v1;
	v2 =	vadd.f32 v48, v2  }
0x205: {  	s14 =	sadd.s32 $0x1, s14;
	v63 =	vshll.u32 v57, $0x10;
	v4 =	vadd.f32 v62, v6;
	v3 =	vadd.f32 v49, v3  }
0x206: {  	p1 =	sne.s32 s14, $0x8;
	v0 =	vand.u32 $0xFFFF0000, v57;
	v1 =	vadd.f32 v63, v1;
	v2 =	vmul.f32 $3.125000000e-02, v2  }
.Ltmp12:
0x207: {  	v0 =	vadd.f32 v0, v4;
	v3 =	vmul.f32 $3.125000000e-02, v3;
	(pc) =	sbr.rel @p1 .LBB2_36-.Ltmp12, $4  }
0x208: {  	v1 =	vmul.f32 $3.125000000e-02, v1;
	[tilespmem:s3+$0x159A0] =	vst v2  }
0x209: {  	s15 =	sadd.s32 $0x800, s15;
	s16 =	sadd.s32 $0x800, s16;
	v0 =	vmul.f32 $3.125000000e-02, v0;
	[tilespmem:s3+$0x159B0] =	vst v3  }
0x20a: {  	s8 =	sadd.s32 $0x800, s8;
	s9 =	sadd.s32 $0x800, s9;
	s11 =	sadd.s32 $0x800, s11;
	[tilespmem:s3+$0x161A0] =	vst v1  }
0x20b: {  	s17 =	sadd.s32 $0x800, s17;
	s18 =	sadd.s32 $0x800, s18;
	s0 =	sadd.s32 $0x800, s0;
	[tilespmem:s3+$0x161B0] =	vst v0  }
0x20c: {  	s0 =	sshll.u32 s13, $0x3;
	s12 =	sadd.s32 $0x1, s12  }
0x20d: {  	_ =	strace $0x90000059;
	s0 =	sadd.s32 s5, s0;
	p1 =	sne.s32 s12, $0x14  }
0x20e: {  	[hbm4b:s0+s2] =	stream.linear.scatter [tilespmem:s29], [sflag:$0x4], $0x200, $0x38;
	[tilespmem:$0x16540] =	vst v63  }
.Ltmp13:
0x20f: {  	s31 =	sshll.u32 s13, $0x4;
	(pc) =	sbr.rel @p1 .LBB2_25-.Ltmp13, $4  }
.Ltmp14:
0x210: {  	s3 =	sadd.s32 s1, s31;
	(pc) =	sbr.rel @!p1 .LBB2_46-.Ltmp14, $4  }
0x211: {  	[hbm4b:s3+s2] =	stream.linear.scatter [tilespmem:s26], [sflag:$0x4], $0x400, $0x38;
	[tilespmem:$0x16540] =	vst v63  }
0x212: {  	s0 =	sadd.s32 s7, s31  }
0x213: {  	[hbm4b:s0+s2] =	stream.linear.scatter [tilespmem:s28], [sflag:$0x4], $0x400, $0x38;
	[tilespmem:$0x16540] =	vst v63  }
0x214: {  	_ = 	snop  }
.LBB2_2:
0x215: {  	_ =	strace $0x80000048  }
0x216: {  	s12 =	simm.s32 $0x0;
	s3 =	simm.s32 $0x5;
	s0 =	rddreg [dreg:$0x3]  }
0x217: {  	[tilespmem:s12], [sflag:$0x5] =	stream.linear.gather [hbm4b:s0+s12], $0x140, $0x200038;
	[tilespmem:$0x16540] =	vst v63  }
0x218: {  	_ =	swait.ge [sflag:s3], $0x140  }
0x219: {  	[sflag:s3] =	ssyncset.done $0x0  }
0x21a: {  	s8 =	simm.s32 $0x140;
	s15 =	rddreg [dreg:$0x4];
	[sflag:s3] =	ssyncadd.s32 $0xFFFFFEC0  }
0x21b: {  	[tilespmem:s8], [sflag:$0x5] =	stream.linear.gather [hbm4b:s15+s12], $0x2800, $0x200038;
	[tilespmem:$0x16540] =	vst v63  }
0x21c: {  	_ =	swait.ge [sflag:s3], $0x2800  }
0x21d: {  	[sflag:s3] =	ssyncset.done $0x0  }
0x21e: {  	s9 =	simm.s32 $0x2940;
	s16 =	rddreg [dreg:$0x5];
	[sflag:s3] =	ssyncadd.s32 $0xFFFFD800  }
0x21f: {  	[tilespmem:s9], [sflag:$0x5] =	stream.linear.gather [hbm4b:s16+s12], $0x2800, $0x200038;
	[tilespmem:$0x16540] =	vst v63  }
0x220: {  	_ =	swait.ge [sflag:s3], $0x2800  }
0x221: {  	[sflag:s3] =	ssyncset.done $0x0  }
0x222: {  	[sflag:s3] =	ssyncadd.s32 $0xFFFFD800  }
0x223: {  	_ =	strace $0x90000048  }
0x224: {  	[tilespmem:s20], [sflag:$0x1] =	stream.indirect.gather [hbm4b:s4+s19], $0x40, s12, s19, $0xb8;
	[tilespmem:$0x16540] =	vst v63  }
0x225: {  	s17 =	simm.s32 $0x5540  }
0x226: {  	[tilespmem:s17], [sflag:$0x1] =	stream.indirect.gather [hbm4b:s4+s21], $0x40, s8, s21, $0xb8;
	[tilespmem:$0x16540] =	vst v63  }
0x227: {  	s18 =	simm.s32 $0x1C0;
	s23 =	simm.s32 $0x7540  }
0x228: {  	[tilespmem:s23], [sflag:$0x1] =	stream.indirect.gather [hbm4b:s4+s21], $0x40, s18, s21, $0xb8;
	[tilespmem:$0x16540] =	vst v63  }
0x229: {  	s24 =	simm.s32 $0xD540  }
0x22a: {  	[tilespmem:s24], [sflag:$0x1] =	stream.indirect.gather [hbm4b:s4+s21], $0x40, s9, s21, $0xb8;
	[tilespmem:$0x16540] =	vst v63  }
0x22b: {  	s30 =	simm.s32 $0x29C0;
	s31 =	simm.s32 $0xF540  }
0x22c: {  	[tilespmem:s31], [sflag:$0x1] =	stream.indirect.gather [hbm4b:s4+s21], $0x40, s30, s21, $0xb8;
	[tilespmem:$0x16540] =	vst v63  }
.LBB2_3:
0x22d: {  	s0 =	sshllo.u32 s12, $0x1  }
0x22e: {  	s13 =	sshll.u32 s0, $0x3  }
0x22f: {  	_ =	strace $0x80000049;
	s0 =	sshll.u32 s0, $0x8;
	s3 =	sand.u32 $0x3FFFFFF8, s13  }
0x230: {  	[tilespmem:s29], [sflag:$0x2] =	stream.indirect.gather [hbm4b:s4+s19], $0x40, s3, s19, $0x2000b8;
	[tilespmem:$0x16540] =	vst v63  }
0x231: {  	s8 =	simm.s32 $0x9540;
	s14 =	sadd.s32 $0x140, s0  }
0x232: {  	[tilespmem:s8], [sflag:$0x2] =	stream.indirect.gather [hbm4b:s4+s21], $0x40, s14, s21, $0x2000b8;
	[tilespmem:$0x16540] =	vst v63  }
0x233: {  	s16 =	simm.s32 $0xB540;
	s15 =	sadd.s32 $0x1C0, s0  }
0x234: {  	[tilespmem:s16], [sflag:$0x2] =	stream.indirect.gather [hbm4b:s4+s21], $0x40, s15, s21, $0x2000b8;
	[tilespmem:$0x16540] =	vst v63  }
0x235: {  	s18 =	simm.s32 $0x11540;
	s17 =	sadd.s32 $0x2940, s0  }
0x236: {  	[tilespmem:s18], [sflag:$0x2] =	stream.indirect.gather [hbm4b:s4+s21], $0x40, s17, s21, $0x2000b8;
	[tilespmem:$0x16540] =	vst v63  }
0x237: {  	s23 =	simm.s32 $0x13540;
	s0 =	sadd.s32 $0x29C0, s0  }
0x238: {  	[tilespmem:s23], [sflag:$0x2] =	stream.indirect.gather [hbm4b:s4+s21], $0x40, s0, s21, $0x2000b8;
	[tilespmem:$0x16540] =	vst v63  }
0x239: {  	_ =	strace $0x90000049  }
0x23a: {  	_ =	strace $0x8000004A  }
0x23b: {  	_ =	swait.ge [sflag:s22], $0x200  }
0x23c: {  	[sflag:s22] =	ssyncset.done $0x0  }
0x23d: {  	[sflag:s22] =	ssyncadd.s32 $0xFFFFFE00  }
0x23e: {  	_ =	swait.ge [sflag:s22], $0x2000  }
0x23f: {  	[sflag:s22] =	ssyncset.done $0x0  }
0x240: {  	[sflag:s22] =	ssyncadd.s32 $0xFFFFE000  }
0x241: {  	_ =	swait.ge [sflag:s22], $0x2000  }
0x242: {  	[sflag:s22] =	ssyncset.done $0x0  }
0x243: {  	[sflag:s22] =	ssyncadd.s32 $0xFFFFE000  }
0x244: {  	_ =	swait.ge [sflag:s22], $0x2000  }
0x245: {  	[sflag:s22] =	ssyncset.done $0x0  }
0x246: {  	[sflag:s22] =	ssyncadd.s32 $0xFFFFE000  }
0x247: {  	_ =	swait.ge [sflag:s22], $0x2000  }
0x248: {  	[sflag:s22] =	ssyncset.done $0x0  }
0x249: {  	[sflag:s22] =	ssyncadd.s32 $0xFFFFE000  }
0x24a: {  	p1 =	seq.s32 s12, $0x0;
	_ =	strace $0x9000004A  }
0x24b: {  	s0 =	simm.s32 @!p1 $0x3;
	_ =	strace $0x8000004B  }
0x24c: {  	_ =	swait.ge @!p1 [sflag:s0], $0x200  }
0x24d: {  	[sflag:s0] =	ssyncset.done @!p1 $0x0  }
0x24e: {  	[sflag:s0] =	ssyncadd.s32 @!p1 $0xFFFFFE00  }
0x24f: {  	_ =	swait.ge @!p1 [sflag:s0], $0x400  }
0x250: {  	[sflag:s0] =	ssyncset.done @!p1 $0x0  }
0x251: {  	s24 =	sshll.u32 s12, $0x4;
	s9 =	simm.s32 $0xD5E0;
	[sflag:s0] =	ssyncadd.s32 @!p1 $0xFFFFFC00  }
0x252: {  	s11 =	simm.s32 $0x5620;
	s30 =	simm.s32 $0xD5F0;
	_ =	swait.ge @!p1 [sflag:s0], $0x400  }
0x253: {  	s31 =	simm.s32 $0x5630;
	s14 =	sshll.u32 s12, $0x1;
	[sflag:s0] =	ssyncset.done @!p1 $0x0  }
0x254: {  	s8 =	simm.s32 $0x5610;
	s15 =	simm.s32 $0x5600;
	[sflag:s0] =	ssyncadd.s32 @!p1 $0xFFFFFC00  }
0x255: {  	s16 =	simm.s32 $0xD5D0;
	s17 =	sadd.s32 s6, s24;
	_ =	strace $0x9000004B  }
0x256: {  	s18 =	simm.s32 $0xD5C0;
	s0 =	simm.s32 $0x0;
	_ =	strace $0x8000004C  }
.LBB2_4:
0x257: {  	v1 =	vmov s15;
	_ =	sdelay $0x3  }
0x258: {  	v0 =	vmov s18;
	s23 =	simm.s32 $0x0  }
0x259: {  	v3 =	vld.idx.msk [tilespmem:v1+s23+$0x0 ss:$0x1], $0xffff  }
0x25a: {  	v4 =	vld.idx.msk [tilespmem:v1+s23+$0xFFFFFFC0 ss:$0x1], $0xffff  }
0x25b: {  	v5 =	vld.idx.msk [tilespmem:v1+s23+$0xFFFFFF80 ss:$0x1], $0xffff  }
0x25c: {  	v6 =	vld.idx.msk [tilespmem:v1+s23+$0xFFFFFF40 ss:$0x1], $0xffff  }
0x25d: {  	v7 =	vld.idx.msk [tilespmem:v0+s23+$0xFFFFFF80 ss:$0x1], $0xffff;
	_ =	sdelay $0x1  }
0x25e: {  	v8 =	vimm.f32 $0.0e+00;
	v9 =	vld.idx.msk [tilespmem:v0+s23+$0xFFFFFFC0 ss:$0x1], $0xffff  }
0x25f: {  	v12 =	vshll.u32 v4, $0x10;
	v2 =	vshll.u32 v3, $0x10;
	v3 =	vand.u32 $0xFFFF0000, v3  }
0x260: {  	v15 =	vld.idx.msk [tilespmem:v0+s23+$0x0 ss:$0x1], $0xffff;
	v10 =	vshll.u32 v5, $0x10;
	v11 =	vand.u32 $0xFFFF0000, v5;
	v13 =	vand.u32 $0xFFFF0000, v4  }
0x261: {  	s3 =	simm.s32 $0x100;
	v4 =	vshll.u32 v6, $0x10;
	v14 =	vand.u32 $0xFFFF0000, v6;
	v16 =	vshll.u32 v7, $0x10;
	v6 =	vld.idx.msk [tilespmem:v0+s23+$0x40 ss:$0x1], $0xffff  }
0x262: {  	v5 =	vld.idx.msk [tilespmem:v1+s3+$0x0 ss:$0x1], $0xffff;
	v7 =	vand.u32 $0xFFFF0000, v7;
	v17 =	vadd.f32 v4, v8;
	v14 =	vadd.f32 v14, v8  }
0x263: {  	v18 =	vshll.u32 v9, $0x10;
	v4 =	vld.idx.msk [tilespmem:v1+s3+$0xFFFFFFC0 ss:$0x1], $0xffff;
	v16 =	vadd.f32 v16, v8;
	v7 =	vadd.f32 v7, v8  }
0x264: {  	v8 =	vld.idx.msk [tilespmem:v1+s3+$0xFFFFFF80 ss:$0x1], $0xffff;
	v17 =	vadd.f32 v10, v17;
	v19 =	vadd.f32 v11, v14;
	v11 =	vand.u32 $0xFFFF0000, v9  }
0x265: {  	v9 =	vld.idx.msk [tilespmem:v1+s3+$0xFFFFFF40 ss:$0x1], $0xffff;
	v10 =	vadd.f32 v18, v16;
	v14 =	vshll.u32 v15, $0x10;
	v11 =	vadd.f32 v11, v7  }
0x266: {  	s23 =	simm.s32 $0x800;
	v15 =	vand.u32 $0xFFFF0000, v15;
	v7 =	vld.idx.msk [tilespmem:v0+s3+$0xFFFFFF80 ss:$0x1], $0xffff;
	v12 =	vadd.f32 v12, v17;
	v13 =	vadd.f32 v13, v19  }
.LBB2_5:
0x267: {  	p2 =	sne.s32 s23, $0x1C00;
	v10 =	vadd.f32 v14, v10;
	v11 =	vadd.f32 v15, v11;
	v14 =	vshll.u32 v6, $0x10  }
0x268: {  	v15 =	vld.idx.msk [tilespmem:v0+s3+$0xFFFFFFC0 ss:$0x1], $0xffff;
	v12 =	vadd.f32 v2, v12;
	v13 =	vadd.f32 v3, v13;
	v2 =	vand.u32 $0xFFFF0000, v6  }
0x269: {  	v10 =	vadd.f32 v14, v10;
	v11 =	vadd.f32 v2, v11  }
0x26a: {  	v17 =	vshll.u32 v4, $0x10;
	v3 =	vand.u32 $0xFFFF0000, v5;
	v2 =	vshll.u32 v5, $0x10;
	v16 =	vld.idx.msk [tilespmem:v0+s3+$0x0 ss:$0x1], $0xffff  }
0x26b: {  	v19 =	vand.u32 $0xFFFF0000, v4;
	v14 =	vshll.u32 v8, $0x10;
	v18 =	vand.u32 $0xFFFF0000, v8  }
0x26c: {  	v4 =	vshll.u32 v9, $0x10;
	v8 =	vand.u32 $0xFFFF0000, v9;
	v9 =	vshll.u32 v7, $0x10;
	v6 =	vld.idx.msk [tilespmem:v0+s3+$0x40 ss:$0x1], $0xffff;
	s3 =	sshra.s32 s23, $0x2  }
.Ltmp15:
0x26d: {  	v12 =	vadd.f32 v4, v12;
	v13 =	vadd.f32 v8, v13;
	v7 =	vand.u32 $0xFFFF0000, v7;
	v5 =	vld.idx.msk [tilespmem:v1+s3+$0x0 ss:$0x1], $0xffff;
	(pc) =	sbr.rel @p2 .LBB2_5-.Ltmp15, $4  }
0x26e: {  	v10 =	vadd.f32 v9, v10;
	v7 =	vadd.f32 v7, v11;
	v11 =	vshll.u32 v15, $0x10;
	v4 =	vld.idx.msk [tilespmem:v1+s3+$0xFFFFFFC0 ss:$0x1], $0xffff  }
0x26f: {  	v12 =	vadd.f32 v14, v12;
	v13 =	vadd.f32 v18, v13;
	v14 =	vand.u32 $0xFFFF0000, v15;
	v8 =	vld.idx.msk [tilespmem:v1+s3+$0xFFFFFF80 ss:$0x1], $0xffff  }
0x270: {  	v10 =	vadd.f32 v11, v10;
	v11 =	vadd.f32 v14, v7;
	v14 =	vshll.u32 v16, $0x10;
	v9 =	vld.idx.msk [tilespmem:v1+s3+$0xFFFFFF40 ss:$0x1], $0xffff  }
0x271: {  	s23 =	sadd.s32 $0x400, s23;
	v12 =	vadd.f32 v17, v12;
	v13 =	vadd.f32 v19, v13;
	v15 =	vand.u32 $0xFFFF0000, v16;
	v7 =	vld.idx.msk [tilespmem:v0+s3+$0xFFFFFF80 ss:$0x1], $0xffff  }
0x272: {  	_ = 	snop  }
0x273: {  	v1 =	vadd.f32 v14, v10  }
0x274: {  	v10 =	vadd.f32 v15, v11;
	v11 =	vshll.u32 v6, $0x10;
	v6 =	vand.u32 $0xFFFF0000, v6  }
0x275: {  	v2 =	vadd.f32 v2, v12;
	v3 =	vadd.f32 v3, v13;
	v12 =	vshll.u32 v5, $0x10  }
0x276: {  	v5 =	vand.u32 $0xFFFF0000, v5;
	v1 =	vadd.f32 v11, v1;
	v11 =	vld.idx.msk [tilespmem:v0+s3+$0xFFFFFFC0 ss:$0x1], $0xffff;
	v6 =	vadd.f32 v6, v10  }
0x277: {  	v10 =	vshll.u32 v4, $0x10;
	v13 =	vshll.u32 v8, $0x10;
	v14 =	vshll.u32 v9, $0x10  }
0x278: {  	v15 =	vld.idx.msk [tilespmem:v0+s3+$0x0 ss:$0x1], $0xffff;
	v8 =	vand.u32 $0xFFFF0000, v8;
	v9 =	vand.u32 $0xFFFF0000, v9;
	v2 =	vadd.f32 v14, v2  }
0x279: {  	v4 =	vand.u32 $0xFFFF0000, v4;
	v14 =	vshll.u32 v7, $0x10;
	v3 =	vadd.f32 v9, v3  }
0x27a: {  	v0 =	vld.idx.msk [tilespmem:v0+s3+$0x40 ss:$0x1], $0xffff;
	v7 =	vand.u32 $0xFFFF0000, v7;
	v1 =	vadd.f32 v14, v1;
	v2 =	vadd.f32 v13, v2  }
0x27b: {  	v6 =	vadd.f32 v7, v6;
	v3 =	vadd.f32 v8, v3;
	v7 =	vshll.u32 v11, $0x10  }
0x27c: {  	v8 =	vand.u32 $0xFFFF0000, v11;
	v1 =	vadd.f32 v7, v1;
	v2 =	vadd.f32 v10, v2  }
0x27d: {  	v6 =	vadd.f32 v8, v6;
	v7 =	vshll.u32 v15, $0x10;
	v3 =	vadd.f32 v4, v3  }
0x27e: {  	v4 =	vand.u32 $0xFFFF0000, v15;
	v1 =	vadd.f32 v7, v1;
	v2 =	vadd.f32 v12, v2  }
0x27f: {  	v4 =	vadd.f32 v4, v6;
	v6 =	vshll.u32 v0, $0x10;
	v3 =	vadd.f32 v5, v3  }
0x280: {  	v0 =	vand.u32 $0xFFFF0000, v0;
	v5 =	vadd.f32 v6, v1;
	v2 =	vmul.f32 $3.125000000e-02, v2  }
0x281: {  	s3 =	sshll.u32 s0, $0x7;
	v0 =	vadd.f32 v0, v4;
	v3 =	vmul.f32 $3.125000000e-02, v3;
	v1 =	vmov s8  }
0x282: {  	[tilespmem:s3+$0x15540] =	vst v2;
	v2 =	vmul.f32 $3.125000000e-02, v5  }
0x283: {  	[tilespmem:s3+$0x15550] =	vst v3;
	v0 =	vmul.f32 $3.125000000e-02, v0  }
0x284: {  	[tilespmem:s3+$0x15D40] =	vst v2  }
0x285: {  	s24 =	simm.s32 $0x0;
	[tilespmem:s3+$0x15D50] =	vst v0;
	v0 =	vmov s16  }
0x286: {  	v4 =	vld.idx.msk [tilespmem:v1+s24+$0xFFFFFFC0 ss:$0x1], $0xffff  }
0x287: {  	v6 =	vld.idx.msk [tilespmem:v1+s24+$0xFFFFFF40 ss:$0x1], $0xffff  }
0x288: {  	v3 =	vld.idx.msk [tilespmem:v1+s24+$0x0 ss:$0x1], $0xffff  }
0x289: {  	v5 =	vld.idx.msk [tilespmem:v1+s24+$0xFFFFFF80 ss:$0x1], $0xffff  }
0x28a: {  	v7 =	vld.idx.msk [tilespmem:v0+s24+$0xFFFFFF80 ss:$0x1], $0xffff  }
0x28b: {  	v8 =	vimm.f32 $0.0e+00  }
0x28c: {  	v9 =	vld.idx.msk [tilespmem:v0+s24+$0xFFFFFFC0 ss:$0x1], $0xffff;
	v12 =	vshll.u32 v4, $0x10;
	v13 =	vand.u32 $0xFFFF0000, v4;
	v4 =	vshll.u32 v6, $0x10  }
0x28d: {  	v15 =	vld.idx.msk [tilespmem:v0+s24+$0x0 ss:$0x1], $0xffff;
	v2 =	vshll.u32 v3, $0x10;
	v14 =	vand.u32 $0xFFFF0000, v6;
	v17 =	vadd.f32 v4, v8  }
0x28e: {  	s23 =	simm.s32 $0x100;
	v10 =	vshll.u32 v5, $0x10;
	v11 =	vand.u32 $0xFFFF0000, v5;
	v6 =	vld.idx.msk [tilespmem:v0+s24+$0x40 ss:$0x1], $0xffff;
	v14 =	vadd.f32 v14, v8  }
0x28f: {  	v5 =	vld.idx.msk [tilespmem:v1+s23+$0x0 ss:$0x1], $0xffff;
	v17 =	vadd.f32 v10, v17;
	v16 =	vshll.u32 v7, $0x10;
	v7 =	vand.u32 $0xFFFF0000, v7  }
0x290: {  	v3 =	vand.u32 $0xFFFF0000, v3;
	v4 =	vld.idx.msk [tilespmem:v1+s23+$0xFFFFFFC0 ss:$0x1], $0xffff;
	v16 =	vadd.f32 v16, v8;
	v7 =	vadd.f32 v7, v8  }
0x291: {  	v19 =	vadd.f32 v11, v14;
	v18 =	vshll.u32 v9, $0x10;
	v11 =	vand.u32 $0xFFFF0000, v9;
	v9 =	vld.idx.msk [tilespmem:v1+s23+$0xFFFFFF40 ss:$0x1], $0xffff  }
0x292: {  	v14 =	vshll.u32 v15, $0x10;
	v8 =	vld.idx.msk [tilespmem:v1+s23+$0xFFFFFF80 ss:$0x1], $0xffff;
	v10 =	vadd.f32 v18, v16;
	v11 =	vadd.f32 v11, v7  }
0x293: {  	s24 =	simm.s32 $0x800;
	v15 =	vand.u32 $0xFFFF0000, v15;
	v12 =	vadd.f32 v12, v17;
	v13 =	vadd.f32 v13, v19;
	v7 =	vld.idx.msk [tilespmem:v0+s23+$0xFFFFFF80 ss:$0x1], $0xffff  }
.LBB2_7:
0x294: {  	p2 =	sne.s32 s24, $0x1C00;
	v10 =	vadd.f32 v14, v10;
	v11 =	vadd.f32 v15, v11;
	v14 =	vshll.u32 v6, $0x10  }
0x295: {  	v15 =	vld.idx.msk [tilespmem:v0+s23+$0xFFFFFFC0 ss:$0x1], $0xffff;
	v12 =	vadd.f32 v2, v12;
	v13 =	vadd.f32 v3, v13;
	v2 =	vand.u32 $0xFFFF0000, v6  }
0x296: {  	v10 =	vadd.f32 v14, v10;
	v11 =	vadd.f32 v2, v11  }
0x297: {  	v17 =	vshll.u32 v4, $0x10;
	v3 =	vand.u32 $0xFFFF0000, v5;
	v2 =	vshll.u32 v5, $0x10;
	v16 =	vld.idx.msk [tilespmem:v0+s23+$0x0 ss:$0x1], $0xffff  }
0x298: {  	v19 =	vand.u32 $0xFFFF0000, v4;
	v14 =	vshll.u32 v8, $0x10;
	v18 =	vand.u32 $0xFFFF0000, v8  }
0x299: {  	v4 =	vshll.u32 v9, $0x10;
	v8 =	vand.u32 $0xFFFF0000, v9;
	v9 =	vshll.u32 v7, $0x10;
	v6 =	vld.idx.msk [tilespmem:v0+s23+$0x40 ss:$0x1], $0xffff;
	s23 =	sshra.s32 s24, $0x2  }
.Ltmp16:
0x29a: {  	v12 =	vadd.f32 v4, v12;
	v13 =	vadd.f32 v8, v13;
	v7 =	vand.u32 $0xFFFF0000, v7;
	v5 =	vld.idx.msk [tilespmem:v1+s23+$0x0 ss:$0x1], $0xffff;
	(pc) =	sbr.rel @p2 .LBB2_7-.Ltmp16, $4  }
0x29b: {  	v10 =	vadd.f32 v9, v10;
	v7 =	vadd.f32 v7, v11;
	v11 =	vshll.u32 v15, $0x10;
	v4 =	vld.idx.msk [tilespmem:v1+s23+$0xFFFFFFC0 ss:$0x1], $0xffff  }
0x29c: {  	v12 =	vadd.f32 v14, v12;
	v13 =	vadd.f32 v18, v13;
	v14 =	vand.u32 $0xFFFF0000, v15;
	v8 =	vld.idx.msk [tilespmem:v1+s23+$0xFFFFFF80 ss:$0x1], $0xffff  }
0x29d: {  	v10 =	vadd.f32 v11, v10;
	v11 =	vadd.f32 v14, v7;
	v14 =	vshll.u32 v16, $0x10;
	v9 =	vld.idx.msk [tilespmem:v1+s23+$0xFFFFFF40 ss:$0x1], $0xffff  }
0x29e: {  	s24 =	sadd.s32 $0x400, s24;
	v12 =	vadd.f32 v17, v12;
	v13 =	vadd.f32 v19, v13;
	v15 =	vand.u32 $0xFFFF0000, v16;
	v7 =	vld.idx.msk [tilespmem:v0+s23+$0xFFFFFF80 ss:$0x1], $0xffff  }
0x29f: {  	_ = 	snop  }
0x2a0: {  	v1 =	vadd.f32 v14, v10  }
0x2a1: {  	v10 =	vadd.f32 v15, v11;
	v11 =	vshll.u32 v6, $0x10;
	v6 =	vand.u32 $0xFFFF0000, v6  }
0x2a2: {  	v2 =	vadd.f32 v2, v12;
	v3 =	vadd.f32 v3, v13;
	v12 =	vshll.u32 v5, $0x10  }
0x2a3: {  	v5 =	vand.u32 $0xFFFF0000, v5;
	v1 =	vadd.f32 v11, v1;
	v11 =	vld.idx.msk [tilespmem:v0+s23+$0xFFFFFFC0 ss:$0x1], $0xffff;
	v6 =	vadd.f32 v6, v10  }
0x2a4: {  	v10 =	vshll.u32 v4, $0x10;
	v13 =	vshll.u32 v8, $0x10;
	v14 =	vshll.u32 v9, $0x10  }
0x2a5: {  	v15 =	vld.idx.msk [tilespmem:v0+s23+$0x0 ss:$0x1], $0xffff;
	v8 =	vand.u32 $0xFFFF0000, v8;
	v9 =	vand.u32 $0xFFFF0000, v9;
	v2 =	vadd.f32 v14, v2  }
0x2a6: {  	v4 =	vand.u32 $0xFFFF0000, v4;
	v14 =	vshll.u32 v7, $0x10;
	v3 =	vadd.f32 v9, v3  }
0x2a7: {  	v0 =	vld.idx.msk [tilespmem:v0+s23+$0x40 ss:$0x1], $0xffff;
	v7 =	vand.u32 $0xFFFF0000, v7;
	v1 =	vadd.f32 v14, v1;
	v2 =	vadd.f32 v13, v2  }
0x2a8: {  	v6 =	vadd.f32 v7, v6;
	v3 =	vadd.f32 v8, v3;
	v7 =	vshll.u32 v11, $0x10  }
0x2a9: {  	v8 =	vand.u32 $0xFFFF0000, v11;
	v1 =	vadd.f32 v7, v1;
	v2 =	vadd.f32 v10, v2  }
0x2aa: {  	v6 =	vadd.f32 v8, v6;
	v7 =	vshll.u32 v15, $0x10;
	v3 =	vadd.f32 v4, v3  }
0x2ab: {  	v4 =	vand.u32 $0xFFFF0000, v15;
	v1 =	vadd.f32 v7, v1;
	v2 =	vadd.f32 v12, v2  }
0x2ac: {  	v4 =	vadd.f32 v4, v6;
	v6 =	vshll.u32 v0, $0x10;
	v3 =	vadd.f32 v5, v3  }
0x2ad: {  	v0 =	vand.u32 $0xFFFF0000, v0;
	v5 =	vadd.f32 v6, v1;
	v2 =	vmul.f32 $3.125000000e-02, v2  }
0x2ae: {  	v0 =	vadd.f32 v0, v4;
	v3 =	vmul.f32 $3.125000000e-02, v3;
	v1 =	vmov s11  }
0x2af: {  	[tilespmem:s3+$0x15560] =	vst v2;
	v2 =	vmul.f32 $3.125000000e-02, v5  }
0x2b0: {  	[tilespmem:s3+$0x15570] =	vst v3;
	v0 =	vmul.f32 $3.125000000e-02, v0  }
0x2b1: {  	[tilespmem:s3+$0x15D60] =	vst v2  }
0x2b2: {  	s24 =	simm.s32 $0x0;
	[tilespmem:s3+$0x15D70] =	vst v0;
	v0 =	vmov s9  }
0x2b3: {  	v4 =	vld.idx.msk [tilespmem:v1+s24+$0xFFFFFFC0 ss:$0x1], $0xffff  }
0x2b4: {  	v6 =	vld.idx.msk [tilespmem:v1+s24+$0xFFFFFF40 ss:$0x1], $0xffff  }
0x2b5: {  	v3 =	vld.idx.msk [tilespmem:v1+s24+$0x0 ss:$0x1], $0xffff  }
0x2b6: {  	v5 =	vld.idx.msk [tilespmem:v1+s24+$0xFFFFFF80 ss:$0x1], $0xffff  }
0x2b7: {  	v7 =	vld.idx.msk [tilespmem:v0+s24+$0xFFFFFF80 ss:$0x1], $0xffff  }
0x2b8: {  	v8 =	vimm.f32 $0.0e+00  }
0x2b9: {  	v9 =	vld.idx.msk [tilespmem:v0+s24+$0xFFFFFFC0 ss:$0x1], $0xffff;
	v12 =	vshll.u32 v4, $0x10;
	v13 =	vand.u32 $0xFFFF0000, v4;
	v4 =	vshll.u32 v6, $0x10  }
0x2ba: {  	v15 =	vld.idx.msk [tilespmem:v0+s24+$0x0 ss:$0x1], $0xffff;
	v2 =	vshll.u32 v3, $0x10;
	v14 =	vand.u32 $0xFFFF0000, v6;
	v17 =	vadd.f32 v4, v8  }
0x2bb: {  	s23 =	simm.s32 $0x100;
	v10 =	vshll.u32 v5, $0x10;
	v11 =	vand.u32 $0xFFFF0000, v5;
	v6 =	vld.idx.msk [tilespmem:v0+s24+$0x40 ss:$0x1], $0xffff;
	v14 =	vadd.f32 v14, v8  }
0x2bc: {  	v5 =	vld.idx.msk [tilespmem:v1+s23+$0x0 ss:$0x1], $0xffff;
	v17 =	vadd.f32 v10, v17;
	v16 =	vshll.u32 v7, $0x10;
	v7 =	vand.u32 $0xFFFF0000, v7  }
0x2bd: {  	v3 =	vand.u32 $0xFFFF0000, v3;
	v4 =	vld.idx.msk [tilespmem:v1+s23+$0xFFFFFFC0 ss:$0x1], $0xffff;
	v16 =	vadd.f32 v16, v8;
	v7 =	vadd.f32 v7, v8  }
0x2be: {  	v19 =	vadd.f32 v11, v14;
	v18 =	vshll.u32 v9, $0x10;
	v11 =	vand.u32 $0xFFFF0000, v9;
	v9 =	vld.idx.msk [tilespmem:v1+s23+$0xFFFFFF40 ss:$0x1], $0xffff  }
0x2bf: {  	v14 =	vshll.u32 v15, $0x10;
	v8 =	vld.idx.msk [tilespmem:v1+s23+$0xFFFFFF80 ss:$0x1], $0xffff;
	v10 =	vadd.f32 v18, v16;
	v11 =	vadd.f32 v11, v7  }
0x2c0: {  	s24 =	simm.s32 $0x800;
	v15 =	vand.u32 $0xFFFF0000, v15;
	v12 =	vadd.f32 v12, v17;
	v13 =	vadd.f32 v13, v19;
	v7 =	vld.idx.msk [tilespmem:v0+s23+$0xFFFFFF80 ss:$0x1], $0xffff  }
.LBB2_9:
0x2c1: {  	p2 =	sne.s32 s24, $0x1C00;
	v10 =	vadd.f32 v14, v10;
	v11 =	vadd.f32 v15, v11;
	v14 =	vshll.u32 v6, $0x10  }
0x2c2: {  	v15 =	vld.idx.msk [tilespmem:v0+s23+$0xFFFFFFC0 ss:$0x1], $0xffff;
	v12 =	vadd.f32 v2, v12;
	v13 =	vadd.f32 v3, v13;
	v2 =	vand.u32 $0xFFFF0000, v6  }
0x2c3: {  	v10 =	vadd.f32 v14, v10;
	v11 =	vadd.f32 v2, v11  }
0x2c4: {  	v17 =	vshll.u32 v4, $0x10;
	v3 =	vand.u32 $0xFFFF0000, v5;
	v2 =	vshll.u32 v5, $0x10;
	v16 =	vld.idx.msk [tilespmem:v0+s23+$0x0 ss:$0x1], $0xffff  }
0x2c5: {  	v19 =	vand.u32 $0xFFFF0000, v4;
	v14 =	vshll.u32 v8, $0x10;
	v18 =	vand.u32 $0xFFFF0000, v8  }
0x2c6: {  	v4 =	vshll.u32 v9, $0x10;
	v8 =	vand.u32 $0xFFFF0000, v9;
	v9 =	vshll.u32 v7, $0x10;
	v6 =	vld.idx.msk [tilespmem:v0+s23+$0x40 ss:$0x1], $0xffff;
	s23 =	sshra.s32 s24, $0x2  }
.Ltmp17:
0x2c7: {  	v12 =	vadd.f32 v4, v12;
	v13 =	vadd.f32 v8, v13;
	v7 =	vand.u32 $0xFFFF0000, v7;
	v5 =	vld.idx.msk [tilespmem:v1+s23+$0x0 ss:$0x1], $0xffff;
	(pc) =	sbr.rel @p2 .LBB2_9-.Ltmp17, $4  }
0x2c8: {  	v10 =	vadd.f32 v9, v10;
	v7 =	vadd.f32 v7, v11;
	v11 =	vshll.u32 v15, $0x10;
	v4 =	vld.idx.msk [tilespmem:v1+s23+$0xFFFFFFC0 ss:$0x1], $0xffff  }
0x2c9: {  	v12 =	vadd.f32 v14, v12;
	v13 =	vadd.f32 v18, v13;
	v14 =	vand.u32 $0xFFFF0000, v15;
	v8 =	vld.idx.msk [tilespmem:v1+s23+$0xFFFFFF80 ss:$0x1], $0xffff  }
0x2ca: {  	v10 =	vadd.f32 v11, v10;
	v11 =	vadd.f32 v14, v7;
	v14 =	vshll.u32 v16, $0x10;
	v9 =	vld.idx.msk [tilespmem:v1+s23+$0xFFFFFF40 ss:$0x1], $0xffff  }
0x2cb: {  	s24 =	sadd.s32 $0x400, s24;
	v12 =	vadd.f32 v17, v12;
	v13 =	vadd.f32 v19, v13;
	v15 =	vand.u32 $0xFFFF0000, v16;
	v7 =	vld.idx.msk [tilespmem:v0+s23+$0xFFFFFF80 ss:$0x1], $0xffff  }
0x2cc: {  	_ = 	snop  }
0x2cd: {  	v1 =	vadd.f32 v14, v10  }
0x2ce: {  	v10 =	vadd.f32 v15, v11;
	v11 =	vshll.u32 v6, $0x10;
	v6 =	vand.u32 $0xFFFF0000, v6  }
0x2cf: {  	v2 =	vadd.f32 v2, v12;
	v3 =	vadd.f32 v3, v13;
	v12 =	vshll.u32 v5, $0x10  }
0x2d0: {  	v5 =	vand.u32 $0xFFFF0000, v5;
	v1 =	vadd.f32 v11, v1;
	v11 =	vld.idx.msk [tilespmem:v0+s23+$0xFFFFFFC0 ss:$0x1], $0xffff;
	v6 =	vadd.f32 v6, v10  }
0x2d1: {  	v10 =	vshll.u32 v4, $0x10;
	v13 =	vshll.u32 v8, $0x10;
	v14 =	vshll.u32 v9, $0x10  }
0x2d2: {  	v15 =	vld.idx.msk [tilespmem:v0+s23+$0x0 ss:$0x1], $0xffff;
	v8 =	vand.u32 $0xFFFF0000, v8;
	v9 =	vand.u32 $0xFFFF0000, v9;
	v2 =	vadd.f32 v14, v2  }
0x2d3: {  	v4 =	vand.u32 $0xFFFF0000, v4;
	v14 =	vshll.u32 v7, $0x10;
	v3 =	vadd.f32 v9, v3  }
0x2d4: {  	v0 =	vld.idx.msk [tilespmem:v0+s23+$0x40 ss:$0x1], $0xffff;
	v7 =	vand.u32 $0xFFFF0000, v7;
	v1 =	vadd.f32 v14, v1;
	v2 =	vadd.f32 v13, v2  }
0x2d5: {  	v6 =	vadd.f32 v7, v6;
	v3 =	vadd.f32 v8, v3;
	v7 =	vshll.u32 v11, $0x10  }
0x2d6: {  	v8 =	vand.u32 $0xFFFF0000, v11;
	v1 =	vadd.f32 v7, v1;
	v2 =	vadd.f32 v10, v2  }
0x2d7: {  	v6 =	vadd.f32 v8, v6;
	v7 =	vshll.u32 v15, $0x10;
	v3 =	vadd.f32 v4, v3  }
0x2d8: {  	v4 =	vand.u32 $0xFFFF0000, v15;
	v1 =	vadd.f32 v7, v1;
	v2 =	vadd.f32 v12, v2  }
0x2d9: {  	v4 =	vadd.f32 v4, v6;
	v6 =	vshll.u32 v0, $0x10;
	v3 =	vadd.f32 v5, v3  }
0x2da: {  	v0 =	vand.u32 $0xFFFF0000, v0;
	v5 =	vadd.f32 v6, v1;
	v2 =	vmul.f32 $3.125000000e-02, v2  }
0x2db: {  	v0 =	vadd.f32 v0, v4;
	v3 =	vmul.f32 $3.125000000e-02, v3;
	v1 =	vmov s31  }
0x2dc: {  	[tilespmem:s3+$0x15580] =	vst v2;
	v2 =	vmul.f32 $3.125000000e-02, v5  }
0x2dd: {  	[tilespmem:s3+$0x15590] =	vst v3;
	v0 =	vmul.f32 $3.125000000e-02, v0  }
0x2de: {  	[tilespmem:s3+$0x15D80] =	vst v2  }
0x2df: {  	s24 =	simm.s32 $0x0;
	[tilespmem:s3+$0x15D90] =	vst v0;
	v0 =	vmov s30  }
0x2e0: {  	v4 =	vld.idx.msk [tilespmem:v1+s24+$0xFFFFFFC0 ss:$0x1], $0xffff  }
0x2e1: {  	v6 =	vld.idx.msk [tilespmem:v1+s24+$0xFFFFFF40 ss:$0x1], $0xffff  }
0x2e2: {  	v3 =	vld.idx.msk [tilespmem:v1+s24+$0x0 ss:$0x1], $0xffff  }
0x2e3: {  	v5 =	vld.idx.msk [tilespmem:v1+s24+$0xFFFFFF80 ss:$0x1], $0xffff  }
0x2e4: {  	v7 =	vld.idx.msk [tilespmem:v0+s24+$0xFFFFFF80 ss:$0x1], $0xffff  }
0x2e5: {  	v8 =	vimm.f32 $0.0e+00  }
0x2e6: {  	v9 =	vld.idx.msk [tilespmem:v0+s24+$0xFFFFFFC0 ss:$0x1], $0xffff;
	v12 =	vshll.u32 v4, $0x10;
	v13 =	vand.u32 $0xFFFF0000, v4;
	v4 =	vshll.u32 v6, $0x10  }
0x2e7: {  	v15 =	vld.idx.msk [tilespmem:v0+s24+$0x0 ss:$0x1], $0xffff;
	v2 =	vshll.u32 v3, $0x10;
	v14 =	vand.u32 $0xFFFF0000, v6;
	v17 =	vadd.f32 v4, v8  }
0x2e8: {  	s23 =	simm.s32 $0x100;
	v10 =	vshll.u32 v5, $0x10;
	v11 =	vand.u32 $0xFFFF0000, v5;
	v6 =	vld.idx.msk [tilespmem:v0+s24+$0x40 ss:$0x1], $0xffff;
	v14 =	vadd.f32 v14, v8  }
0x2e9: {  	v5 =	vld.idx.msk [tilespmem:v1+s23+$0x0 ss:$0x1], $0xffff;
	v17 =	vadd.f32 v10, v17;
	v16 =	vshll.u32 v7, $0x10;
	v7 =	vand.u32 $0xFFFF0000, v7  }
0x2ea: {  	v3 =	vand.u32 $0xFFFF0000, v3;
	v4 =	vld.idx.msk [tilespmem:v1+s23+$0xFFFFFFC0 ss:$0x1], $0xffff;
	v16 =	vadd.f32 v16, v8;
	v7 =	vadd.f32 v7, v8  }
0x2eb: {  	v19 =	vadd.f32 v11, v14;
	v18 =	vshll.u32 v9, $0x10;
	v11 =	vand.u32 $0xFFFF0000, v9;
	v9 =	vld.idx.msk [tilespmem:v1+s23+$0xFFFFFF40 ss:$0x1], $0xffff  }
0x2ec: {  	v14 =	vshll.u32 v15, $0x10;
	v8 =	vld.idx.msk [tilespmem:v1+s23+$0xFFFFFF80 ss:$0x1], $0xffff;
	v10 =	vadd.f32 v18, v16;
	v11 =	vadd.f32 v11, v7  }
0x2ed: {  	s24 =	simm.s32 $0x800;
	v15 =	vand.u32 $0xFFFF0000, v15;
	v12 =	vadd.f32 v12, v17;
	v13 =	vadd.f32 v13, v19;
	v7 =	vld.idx.msk [tilespmem:v0+s23+$0xFFFFFF80 ss:$0x1], $0xffff  }
.LBB2_11:
0x2ee: {  	p2 =	sne.s32 s24, $0x1C00;
	v10 =	vadd.f32 v14, v10;
	v11 =	vadd.f32 v15, v11;
	v14 =	vshll.u32 v6, $0x10  }
0x2ef: {  	v15 =	vld.idx.msk [tilespmem:v0+s23+$0xFFFFFFC0 ss:$0x1], $0xffff;
	v12 =	vadd.f32 v2, v12;
	v13 =	vadd.f32 v3, v13;
	v2 =	vand.u32 $0xFFFF0000, v6  }
0x2f0: {  	v10 =	vadd.f32 v14, v10;
	v11 =	vadd.f32 v2, v11  }
0x2f1: {  	v17 =	vshll.u32 v4, $0x10;
	v3 =	vand.u32 $0xFFFF0000, v5;
	v2 =	vshll.u32 v5, $0x10;
	v16 =	vld.idx.msk [tilespmem:v0+s23+$0x0 ss:$0x1], $0xffff  }
0x2f2: {  	v19 =	vand.u32 $0xFFFF0000, v4;
	v14 =	vshll.u32 v8, $0x10;
	v18 =	vand.u32 $0xFFFF0000, v8  }
0x2f3: {  	v4 =	vshll.u32 v9, $0x10;
	v8 =	vand.u32 $0xFFFF0000, v9;
	v9 =	vshll.u32 v7, $0x10;
	v6 =	vld.idx.msk [tilespmem:v0+s23+$0x40 ss:$0x1], $0xffff;
	s23 =	sshra.s32 s24, $0x2  }
.Ltmp18:
0x2f4: {  	v12 =	vadd.f32 v4, v12;
	v13 =	vadd.f32 v8, v13;
	v7 =	vand.u32 $0xFFFF0000, v7;
	v5 =	vld.idx.msk [tilespmem:v1+s23+$0x0 ss:$0x1], $0xffff;
	(pc) =	sbr.rel @p2 .LBB2_11-.Ltmp18, $4  }
0x2f5: {  	v10 =	vadd.f32 v9, v10;
	v7 =	vadd.f32 v7, v11;
	v11 =	vshll.u32 v15, $0x10;
	v4 =	vld.idx.msk [tilespmem:v1+s23+$0xFFFFFFC0 ss:$0x1], $0xffff  }
0x2f6: {  	v12 =	vadd.f32 v14, v12;
	v13 =	vadd.f32 v18, v13;
	v14 =	vand.u32 $0xFFFF0000, v15;
	v8 =	vld.idx.msk [tilespmem:v1+s23+$0xFFFFFF80 ss:$0x1], $0xffff  }
0x2f7: {  	v10 =	vadd.f32 v11, v10;
	v11 =	vadd.f32 v14, v7;
	v14 =	vshll.u32 v16, $0x10;
	v9 =	vld.idx.msk [tilespmem:v1+s23+$0xFFFFFF40 ss:$0x1], $0xffff  }
0x2f8: {  	s24 =	sadd.s32 $0x400, s24;
	v12 =	vadd.f32 v17, v12;
	v13 =	vadd.f32 v19, v13;
	v15 =	vand.u32 $0xFFFF0000, v16;
	v7 =	vld.idx.msk [tilespmem:v0+s23+$0xFFFFFF80 ss:$0x1], $0xffff  }
0x2f9: {  	_ = 	snop  }
0x2fa: {  	v1 =	vadd.f32 v14, v10  }
0x2fb: {  	v43 =	vadd.f32 v15, v11;
	v44 =	vshll.u32 v6, $0x10;
	v45 =	vand.u32 $0xFFFF0000, v6  }
0x2fc: {  	v48 =	vshll.u32 v5, $0x10;
	v49 =	vand.u32 $0xFFFF0000, v5;
	v2 =	vadd.f32 v2, v12  }
0x2fd: {  	v46 =	vld.idx.msk [tilespmem:v0+s23+$0xFFFFFFC0 ss:$0x1], $0xffff;
	v3 =	vadd.f32 v3, v13;
	v47 =	vshll.u32 v4, $0x10;
	v55 =	vand.u32 $0xFFFF0000, v4  }
0x2fe: {  	v1 =	vadd.f32 v44, v1;
	v6 =	vadd.f32 v45, v43;
	v51 =	vshll.u32 v9, $0x10  }
0x2ff: {  	v52 =	vld.idx.msk [tilespmem:v0+s23+$0x0 ss:$0x1], $0xffff;
	v50 =	vshll.u32 v8, $0x10;
	v54 =	vand.u32 $0xFFFF0000, v9;
	v2 =	vadd.f32 v51, v2  }
0x300: {  	v53 =	vand.u32 $0xFFFF0000, v8;
	v56 =	vshll.u32 v7, $0x10;
	v3 =	vadd.f32 v54, v3  }
0x301: {  	v57 =	vld.idx.msk [tilespmem:v0+s23+$0x40 ss:$0x1], $0xffff;
	v58 =	vand.u32 $0xFFFF0000, v7;
	v1 =	vadd.f32 v56, v1;
	v2 =	vadd.f32 v50, v2  }
0x302: {  	v6 =	vadd.f32 v58, v6;
	v59 =	vshll.u32 v46, $0x10;
	v3 =	vadd.f32 v53, v3  }
0x303: {  	v60 =	vand.u32 $0xFFFF0000, v46;
	v1 =	vadd.f32 v59, v1;
	v2 =	vadd.f32 v47, v2  }
0x304: {  	v61 =	vshll.u32 v52, $0x10;
	v6 =	vadd.f32 v60, v6;
	v3 =	vadd.f32 v55, v3  }
0x305: {  	v62 =	vand.u32 $0xFFFF0000, v52;
	v1 =	vadd.f32 v61, v1;
	v2 =	vadd.f32 v48, v2  }
0x306: {  	s0 =	sadd.s32 $0x1, s0;
	v63 =	vshll.u32 v57, $0x10;
	v4 =	vadd.f32 v62, v6;
	v3 =	vadd.f32 v49, v3  }
0x307: {  	p2 =	sne.s32 s0, $0x8;
	v0 =	vand.u32 $0xFFFF0000, v57;
	v1 =	vadd.f32 v63, v1;
	v2 =	vmul.f32 $3.125000000e-02, v2  }
.Ltmp19:
0x308: {  	v0 =	vadd.f32 v0, v4;
	v3 =	vmul.f32 $3.125000000e-02, v3;
	(pc) =	sbr.rel @p2 .LBB2_4-.Ltmp19, $4  }
0x309: {  	v1 =	vmul.f32 $3.125000000e-02, v1;
	[tilespmem:s3+$0x155A0] =	vst v2  }
0x30a: {  	s18 =	sadd.s32 $0x800, s18;
	s15 =	sadd.s32 $0x800, s15;
	v0 =	vmul.f32 $3.125000000e-02, v0;
	[tilespmem:s3+$0x155B0] =	vst v3  }
0x30b: {  	s16 =	sadd.s32 $0x800, s16;
	s8 =	sadd.s32 $0x800, s8;
	s9 =	sadd.s32 $0x800, s9;
	[tilespmem:s3+$0x15DA0] =	vst v1  }
0x30c: {  	s11 =	sadd.s32 $0x800, s11;
	s30 =	sadd.s32 $0x800, s30;
	s31 =	sadd.s32 $0x800, s31;
	[tilespmem:s3+$0x15DB0] =	vst v0  }
0x30d: {  	s0 =	sshll.u32 s17, $0x3  }
0x30e: {  	_ =	strace $0x9000004C;
	s30 =	sshll.u32 s17, $0x4;
	s0 =	sadd.s32 s5, s0  }
0x30f: {  	[hbm4b:s0+s2] =	stream.linear.scatter [tilespmem:s20], [sflag:$0x3], $0x200, $0x38;
	[tilespmem:$0x16540] =	vst v63  }
0x310: {  	s8 =	simm.s32 $0x15540;
	s3 =	sadd.s32 s1, s30  }
0x311: {  	[hbm4b:s3+s2] =	stream.linear.scatter [tilespmem:s8], [sflag:$0x3], $0x400, $0x38;
	[tilespmem:$0x16540] =	vst v63  }
0x312: {  	s31 =	simm.s32 $0x15D40;
	p2 =	seq.s32 s12, $0x13;
	s0 =	sadd.s32 s7, s30  }
0x313: {  	[hbm4b:s0+s2] =	stream.linear.scatter [tilespmem:s31], [sflag:$0x3], $0x400, $0x38;
	[tilespmem:$0x16540] =	vst v63  }
0x314: {  	s0 =	sadd.s32 @!p2 $0x2, s14  }
0x315: {  	s9 =	simm.s32 @!p2 $0x5140;
	s8 =	simm.s32 @!p2 $0x8;
	s3 =	sshll.u32 @!p2 s0, $0x3  }
0x316: {  	_ =	strace $0x8000004D;
	s0 =	sshll.u32 @!p2 s0, $0x8;
	s3 =	sand.u32 @!p2 $0x3FFFFFF8, s3  }
0x317: {  	[tilespmem:s9], [sflag:$0x1] =	stream.indirect.gather @!p2 [hbm4b:s4+s8], $0x40, s3, s8, $0x2000b8;
	[tilespmem:$0x16540] =	vst v63  }
0x318: {  	s3 =	sadd.s32 @!p2 $0x140, s0;
	s8 =	simm.s32 @!p2 $0x80;
	s9 =	simm.s32 @!p2 $0x5540  }
0x319: {  	[tilespmem:s9], [sflag:$0x1] =	stream.indirect.gather @!p2 [hbm4b:s4+s8], $0x40, s3, s8, $0x2000b8;
	[tilespmem:$0x16540] =	vst v63  }
0x31a: {  	s3 =	sadd.s32 @!p2 $0x1C0, s0;
	s9 =	simm.s32 @!p2 $0x7540  }
0x31b: {  	[tilespmem:s9], [sflag:$0x1] =	stream.indirect.gather @!p2 [hbm4b:s4+s8], $0x40, s3, s8, $0x2000b8;
	[tilespmem:$0x16540] =	vst v63  }
0x31c: {  	s3 =	sadd.s32 @!p2 $0x2940, s0;
	s9 =	simm.s32 @!p2 $0xD540  }
0x31d: {  	[tilespmem:s9], [sflag:$0x1] =	stream.indirect.gather @!p2 [hbm4b:s4+s8], $0x40, s3, s8, $0x2000b8;
	[tilespmem:$0x16540] =	vst v63  }
0x31e: {  	s0 =	sadd.s32 @!p2 $0x29C0, s0;
	s3 =	simm.s32 @!p2 $0xF540  }
0x31f: {  	[tilespmem:s3], [sflag:$0x1] =	stream.indirect.gather @!p2 [hbm4b:s4+s8], $0x40, s0, s8, $0x2000b8;
	[tilespmem:$0x16540] =	vst v63  }
0x320: {  	_ =	strace $0x9000004D  }
0x321: {  	_ =	strace $0x8000004E  }
0x322: {  	_ =	swait.ge [sflag:s25], $0x200  }
0x323: {  	[sflag:s25] =	ssyncset.done $0x0  }
0x324: {  	[sflag:s25] =	ssyncadd.s32 $0xFFFFFE00  }
0x325: {  	_ =	swait.ge [sflag:s25], $0x2000  }
0x326: {  	[sflag:s25] =	ssyncset.done $0x0  }
0x327: {  	[sflag:s25] =	ssyncadd.s32 $0xFFFFE000  }
0x328: {  	_ =	swait.ge [sflag:s25], $0x2000  }
0x329: {  	[sflag:s25] =	ssyncset.done $0x0  }
0x32a: {  	[sflag:s25] =	ssyncadd.s32 $0xFFFFE000  }
0x32b: {  	_ =	swait.ge [sflag:s25], $0x2000  }
0x32c: {  	[sflag:s25] =	ssyncset.done $0x0  }
0x32d: {  	[sflag:s25] =	ssyncadd.s32 $0xFFFFE000  }
0x32e: {  	_ =	swait.ge [sflag:s25], $0x2000  }
0x32f: {  	[sflag:s25] =	ssyncset.done $0x0  }
0x330: {  	[sflag:s25] =	ssyncadd.s32 $0xFFFFE000  }
0x331: {  	_ =	strace $0x9000004E  }
0x332: {  	s0 =	simm.s32 @!p1 $0x4;
	_ =	strace $0x8000004F  }
0x333: {  	_ =	swait.ge @!p1 [sflag:s0], $0x200  }
0x334: {  	[sflag:s0] =	ssyncset.done @!p1 $0x0  }
0x335: {  	[sflag:s0] =	ssyncadd.s32 @!p1 $0xFFFFFE00  }
0x336: {  	_ =	swait.ge @!p1 [sflag:s0], $0x400  }
0x337: {  	[sflag:s0] =	ssyncset.done @!p1 $0x0  }
0x338: {  	[sflag:s0] =	ssyncadd.s32 @!p1 $0xFFFFFC00  }
0x339: {  	s13 =	sadd.s32 s6, s13;
	s15 =	simm.s32 $0x115C0;
	_ =	swait.ge @!p1 [sflag:s0], $0x400  }
0x33a: {  	s16 =	simm.s32 $0x9600;
	s11 =	simm.s32 $0x115E0;
	[sflag:s0] =	ssyncset.done @!p1 $0x0  }
0x33b: {  	s17 =	simm.s32 $0x9620;
	s18 =	simm.s32 $0x115F0;
	[sflag:s0] =	ssyncadd.s32 @!p1 $0xFFFFFC00  }
0x33c: {  	s14 =	simm.s32 $0x0;
	s9 =	simm.s32 $0x9610;
	_ =	strace $0x9000004F  }
0x33d: {  	s8 =	simm.s32 $0x115D0;
	s0 =	simm.s32 $0x9630;
	_ =	strace $0x80000050  }
.LBB2_14:
0x33e: {  	v1 =	vmov s16;
	_ =	sdelay $0x3  }
0x33f: {  	v0 =	vmov s15;
	s23 =	simm.s32 $0x0  }
0x340: {  	v3 =	vld.idx.msk [tilespmem:v1+s23+$0x0 ss:$0x1], $0xffff  }
0x341: {  	v4 =	vld.idx.msk [tilespmem:v1+s23+$0xFFFFFFC0 ss:$0x1], $0xffff  }
0x342: {  	v5 =	vld.idx.msk [tilespmem:v1+s23+$0xFFFFFF80 ss:$0x1], $0xffff  }
0x343: {  	v6 =	vld.idx.msk [tilespmem:v1+s23+$0xFFFFFF40 ss:$0x1], $0xffff  }
0x344: {  	v7 =	vld.idx.msk [tilespmem:v0+s23+$0xFFFFFF80 ss:$0x1], $0xffff;
	_ =	sdelay $0x1  }
0x345: {  	v8 =	vimm.f32 $0.0e+00;
	v9 =	vld.idx.msk [tilespmem:v0+s23+$0xFFFFFFC0 ss:$0x1], $0xffff  }
0x346: {  	v12 =	vshll.u32 v4, $0x10;
	v2 =	vshll.u32 v3, $0x10;
	v3 =	vand.u32 $0xFFFF0000, v3  }
0x347: {  	v15 =	vld.idx.msk [tilespmem:v0+s23+$0x0 ss:$0x1], $0xffff;
	v10 =	vshll.u32 v5, $0x10;
	v11 =	vand.u32 $0xFFFF0000, v5;
	v13 =	vand.u32 $0xFFFF0000, v4  }
0x348: {  	s3 =	simm.s32 $0x100;
	v4 =	vshll.u32 v6, $0x10;
	v14 =	vand.u32 $0xFFFF0000, v6;
	v16 =	vshll.u32 v7, $0x10;
	v6 =	vld.idx.msk [tilespmem:v0+s23+$0x40 ss:$0x1], $0xffff  }
0x349: {  	v5 =	vld.idx.msk [tilespmem:v1+s3+$0x0 ss:$0x1], $0xffff;
	v7 =	vand.u32 $0xFFFF0000, v7;
	v17 =	vadd.f32 v4, v8;
	v14 =	vadd.f32 v14, v8  }
0x34a: {  	v18 =	vshll.u32 v9, $0x10;
	v4 =	vld.idx.msk [tilespmem:v1+s3+$0xFFFFFFC0 ss:$0x1], $0xffff;
	v16 =	vadd.f32 v16, v8;
	v7 =	vadd.f32 v7, v8  }
0x34b: {  	v8 =	vld.idx.msk [tilespmem:v1+s3+$0xFFFFFF80 ss:$0x1], $0xffff;
	v17 =	vadd.f32 v10, v17;
	v19 =	vadd.f32 v11, v14;
	v11 =	vand.u32 $0xFFFF0000, v9  }
0x34c: {  	v9 =	vld.idx.msk [tilespmem:v1+s3+$0xFFFFFF40 ss:$0x1], $0xffff;
	v10 =	vadd.f32 v18, v16;
	v14 =	vshll.u32 v15, $0x10;
	v11 =	vadd.f32 v11, v7  }
0x34d: {  	s23 =	simm.s32 $0x800;
	v15 =	vand.u32 $0xFFFF0000, v15;
	v7 =	vld.idx.msk [tilespmem:v0+s3+$0xFFFFFF80 ss:$0x1], $0xffff;
	v12 =	vadd.f32 v12, v17;
	v13 =	vadd.f32 v13, v19  }
.LBB2_15:
0x34e: {  	p1 =	sne.s32 s23, $0x1C00;
	v10 =	vadd.f32 v14, v10;
	v11 =	vadd.f32 v15, v11;
	v14 =	vshll.u32 v6, $0x10  }
0x34f: {  	v15 =	vld.idx.msk [tilespmem:v0+s3+$0xFFFFFFC0 ss:$0x1], $0xffff;
	v12 =	vadd.f32 v2, v12;
	v13 =	vadd.f32 v3, v13;
	v2 =	vand.u32 $0xFFFF0000, v6  }
0x350: {  	v10 =	vadd.f32 v14, v10;
	v11 =	vadd.f32 v2, v11  }
0x351: {  	v17 =	vshll.u32 v4, $0x10;
	v3 =	vand.u32 $0xFFFF0000, v5;
	v2 =	vshll.u32 v5, $0x10;
	v16 =	vld.idx.msk [tilespmem:v0+s3+$0x0 ss:$0x1], $0xffff  }
0x352: {  	v19 =	vand.u32 $0xFFFF0000, v4;
	v14 =	vshll.u32 v8, $0x10;
	v18 =	vand.u32 $0xFFFF0000, v8  }
0x353: {  	v4 =	vshll.u32 v9, $0x10;
	v8 =	vand.u32 $0xFFFF0000, v9;
	v9 =	vshll.u32 v7, $0x10;
	v6 =	vld.idx.msk [tilespmem:v0+s3+$0x40 ss:$0x1], $0xffff;
	s3 =	sshra.s32 s23, $0x2  }
.Ltmp20:
0x354: {  	v12 =	vadd.f32 v4, v12;
	v13 =	vadd.f32 v8, v13;
	v7 =	vand.u32 $0xFFFF0000, v7;
	v5 =	vld.idx.msk [tilespmem:v1+s3+$0x0 ss:$0x1], $0xffff;
	(pc) =	sbr.rel @p1 .LBB2_15-.Ltmp20, $4  }
0x355: {  	v10 =	vadd.f32 v9, v10;
	v7 =	vadd.f32 v7, v11;
	v11 =	vshll.u32 v15, $0x10;
	v4 =	vld.idx.msk [tilespmem:v1+s3+$0xFFFFFFC0 ss:$0x1], $0xffff  }
0x356: {  	v12 =	vadd.f32 v14, v12;
	v13 =	vadd.f32 v18, v13;
	v14 =	vand.u32 $0xFFFF0000, v15;
	v8 =	vld.idx.msk [tilespmem:v1+s3+$0xFFFFFF80 ss:$0x1], $0xffff  }
0x357: {  	v10 =	vadd.f32 v11, v10;
	v11 =	vadd.f32 v14, v7;
	v14 =	vshll.u32 v16, $0x10;
	v9 =	vld.idx.msk [tilespmem:v1+s3+$0xFFFFFF40 ss:$0x1], $0xffff  }
0x358: {  	s23 =	sadd.s32 $0x400, s23;
	v12 =	vadd.f32 v17, v12;
	v13 =	vadd.f32 v19, v13;
	v15 =	vand.u32 $0xFFFF0000, v16;
	v7 =	vld.idx.msk [tilespmem:v0+s3+$0xFFFFFF80 ss:$0x1], $0xffff  }
0x359: {  	_ = 	snop  }
0x35a: {  	v1 =	vadd.f32 v14, v10  }
0x35b: {  	v10 =	vadd.f32 v15, v11;
	v11 =	vshll.u32 v6, $0x10;
	v6 =	vand.u32 $0xFFFF0000, v6  }
0x35c: {  	v2 =	vadd.f32 v2, v12;
	v3 =	vadd.f32 v3, v13;
	v12 =	vshll.u32 v5, $0x10  }
0x35d: {  	v5 =	vand.u32 $0xFFFF0000, v5;
	v1 =	vadd.f32 v11, v1;
	v11 =	vld.idx.msk [tilespmem:v0+s3+$0xFFFFFFC0 ss:$0x1], $0xffff;
	v6 =	vadd.f32 v6, v10  }
0x35e: {  	v10 =	vshll.u32 v4, $0x10;
	v13 =	vshll.u32 v8, $0x10;
	v14 =	vshll.u32 v9, $0x10  }
0x35f: {  	v15 =	vld.idx.msk [tilespmem:v0+s3+$0x0 ss:$0x1], $0xffff;
	v8 =	vand.u32 $0xFFFF0000, v8;
	v9 =	vand.u32 $0xFFFF0000, v9;
	v2 =	vadd.f32 v14, v2  }
0x360: {  	v4 =	vand.u32 $0xFFFF0000, v4;
	v14 =	vshll.u32 v7, $0x10;
	v3 =	vadd.f32 v9, v3  }
0x361: {  	v0 =	vld.idx.msk [tilespmem:v0+s3+$0x40 ss:$0x1], $0xffff;
	v7 =	vand.u32 $0xFFFF0000, v7;
	v1 =	vadd.f32 v14, v1;
	v2 =	vadd.f32 v13, v2  }
0x362: {  	v6 =	vadd.f32 v7, v6;
	v3 =	vadd.f32 v8, v3;
	v7 =	vshll.u32 v11, $0x10  }
0x363: {  	v8 =	vand.u32 $0xFFFF0000, v11;
	v1 =	vadd.f32 v7, v1;
	v2 =	vadd.f32 v10, v2  }
0x364: {  	v6 =	vadd.f32 v8, v6;
	v7 =	vshll.u32 v15, $0x10;
	v3 =	vadd.f32 v4, v3  }
0x365: {  	v4 =	vand.u32 $0xFFFF0000, v15;
	v1 =	vadd.f32 v7, v1;
	v2 =	vadd.f32 v12, v2  }
0x366: {  	v4 =	vadd.f32 v4, v6;
	v6 =	vshll.u32 v0, $0x10;
	v3 =	vadd.f32 v5, v3  }
0x367: {  	v0 =	vand.u32 $0xFFFF0000, v0;
	v5 =	vadd.f32 v6, v1;
	v2 =	vmul.f32 $3.125000000e-02, v2  }
0x368: {  	s3 =	sshll.u32 s14, $0x7;
	v0 =	vadd.f32 v0, v4;
	v3 =	vmul.f32 $3.125000000e-02, v3;
	v1 =	vmov s9  }
0x369: {  	[tilespmem:s3+$0x15940] =	vst v2;
	v2 =	vmul.f32 $3.125000000e-02, v5  }
0x36a: {  	[tilespmem:s3+$0x15950] =	vst v3;
	v0 =	vmul.f32 $3.125000000e-02, v0  }
0x36b: {  	[tilespmem:s3+$0x16140] =	vst v2  }
0x36c: {  	s24 =	simm.s32 $0x0;
	[tilespmem:s3+$0x16150] =	vst v0;
	v0 =	vmov s8  }
0x36d: {  	v4 =	vld.idx.msk [tilespmem:v1+s24+$0xFFFFFFC0 ss:$0x1], $0xffff  }
0x36e: {  	v6 =	vld.idx.msk [tilespmem:v1+s24+$0xFFFFFF40 ss:$0x1], $0xffff  }
0x36f: {  	v3 =	vld.idx.msk [tilespmem:v1+s24+$0x0 ss:$0x1], $0xffff  }
0x370: {  	v5 =	vld.idx.msk [tilespmem:v1+s24+$0xFFFFFF80 ss:$0x1], $0xffff  }
0x371: {  	v7 =	vld.idx.msk [tilespmem:v0+s24+$0xFFFFFF80 ss:$0x1], $0xffff  }
0x372: {  	v8 =	vimm.f32 $0.0e+00  }
0x373: {  	v9 =	vld.idx.msk [tilespmem:v0+s24+$0xFFFFFFC0 ss:$0x1], $0xffff;
	v12 =	vshll.u32 v4, $0x10;
	v13 =	vand.u32 $0xFFFF0000, v4;
	v4 =	vshll.u32 v6, $0x10  }
0x374: {  	v15 =	vld.idx.msk [tilespmem:v0+s24+$0x0 ss:$0x1], $0xffff;
	v2 =	vshll.u32 v3, $0x10;
	v14 =	vand.u32 $0xFFFF0000, v6;
	v17 =	vadd.f32 v4, v8  }
0x375: {  	s23 =	simm.s32 $0x100;
	v10 =	vshll.u32 v5, $0x10;
	v11 =	vand.u32 $0xFFFF0000, v5;
	v6 =	vld.idx.msk [tilespmem:v0+s24+$0x40 ss:$0x1], $0xffff;
	v14 =	vadd.f32 v14, v8  }
0x376: {  	v5 =	vld.idx.msk [tilespmem:v1+s23+$0x0 ss:$0x1], $0xffff;
	v17 =	vadd.f32 v10, v17;
	v16 =	vshll.u32 v7, $0x10;
	v7 =	vand.u32 $0xFFFF0000, v7  }
0x377: {  	v3 =	vand.u32 $0xFFFF0000, v3;
	v4 =	vld.idx.msk [tilespmem:v1+s23+$0xFFFFFFC0 ss:$0x1], $0xffff;
	v16 =	vadd.f32 v16, v8;
	v7 =	vadd.f32 v7, v8  }
0x378: {  	v19 =	vadd.f32 v11, v14;
	v18 =	vshll.u32 v9, $0x10;
	v11 =	vand.u32 $0xFFFF0000, v9;
	v9 =	vld.idx.msk [tilespmem:v1+s23+$0xFFFFFF40 ss:$0x1], $0xffff  }
0x379: {  	v14 =	vshll.u32 v15, $0x10;
	v8 =	vld.idx.msk [tilespmem:v1+s23+$0xFFFFFF80 ss:$0x1], $0xffff;
	v10 =	vadd.f32 v18, v16;
	v11 =	vadd.f32 v11, v7  }
0x37a: {  	s24 =	simm.s32 $0x800;
	v15 =	vand.u32 $0xFFFF0000, v15;
	v12 =	vadd.f32 v12, v17;
	v13 =	vadd.f32 v13, v19;
	v7 =	vld.idx.msk [tilespmem:v0+s23+$0xFFFFFF80 ss:$0x1], $0xffff  }
.LBB2_17:
0x37b: {  	p1 =	sne.s32 s24, $0x1C00;
	v10 =	vadd.f32 v14, v10;
	v11 =	vadd.f32 v15, v11;
	v14 =	vshll.u32 v6, $0x10  }
0x37c: {  	v15 =	vld.idx.msk [tilespmem:v0+s23+$0xFFFFFFC0 ss:$0x1], $0xffff;
	v12 =	vadd.f32 v2, v12;
	v13 =	vadd.f32 v3, v13;
	v2 =	vand.u32 $0xFFFF0000, v6  }
0x37d: {  	v10 =	vadd.f32 v14, v10;
	v11 =	vadd.f32 v2, v11  }
0x37e: {  	v17 =	vshll.u32 v4, $0x10;
	v3 =	vand.u32 $0xFFFF0000, v5;
	v2 =	vshll.u32 v5, $0x10;
	v16 =	vld.idx.msk [tilespmem:v0+s23+$0x0 ss:$0x1], $0xffff  }
0x37f: {  	v19 =	vand.u32 $0xFFFF0000, v4;
	v14 =	vshll.u32 v8, $0x10;
	v18 =	vand.u32 $0xFFFF0000, v8  }
0x380: {  	v4 =	vshll.u32 v9, $0x10;
	v8 =	vand.u32 $0xFFFF0000, v9;
	v9 =	vshll.u32 v7, $0x10;
	v6 =	vld.idx.msk [tilespmem:v0+s23+$0x40 ss:$0x1], $0xffff;
	s23 =	sshra.s32 s24, $0x2  }
.Ltmp21:
0x381: {  	v12 =	vadd.f32 v4, v12;
	v13 =	vadd.f32 v8, v13;
	v7 =	vand.u32 $0xFFFF0000, v7;
	v5 =	vld.idx.msk [tilespmem:v1+s23+$0x0 ss:$0x1], $0xffff;
	(pc) =	sbr.rel @p1 .LBB2_17-.Ltmp21, $4  }
0x382: {  	v10 =	vadd.f32 v9, v10;
	v7 =	vadd.f32 v7, v11;
	v11 =	vshll.u32 v15, $0x10;
	v4 =	vld.idx.msk [tilespmem:v1+s23+$0xFFFFFFC0 ss:$0x1], $0xffff  }
0x383: {  	v12 =	vadd.f32 v14, v12;
	v13 =	vadd.f32 v18, v13;
	v14 =	vand.u32 $0xFFFF0000, v15;
	v8 =	vld.idx.msk [tilespmem:v1+s23+$0xFFFFFF80 ss:$0x1], $0xffff  }
0x384: {  	v10 =	vadd.f32 v11, v10;
	v11 =	vadd.f32 v14, v7;
	v14 =	vshll.u32 v16, $0x10;
	v9 =	vld.idx.msk [tilespmem:v1+s23+$0xFFFFFF40 ss:$0x1], $0xffff  }
0x385: {  	s24 =	sadd.s32 $0x400, s24;
	v12 =	vadd.f32 v17, v12;
	v13 =	vadd.f32 v19, v13;
	v15 =	vand.u32 $0xFFFF0000, v16;
	v7 =	vld.idx.msk [tilespmem:v0+s23+$0xFFFFFF80 ss:$0x1], $0xffff  }
0x386: {  	_ = 	snop  }
0x387: {  	v1 =	vadd.f32 v14, v10  }
0x388: {  	v10 =	vadd.f32 v15, v11;
	v11 =	vshll.u32 v6, $0x10;
	v6 =	vand.u32 $0xFFFF0000, v6  }
0x389: {  	v2 =	vadd.f32 v2, v12;
	v3 =	vadd.f32 v3, v13;
	v12 =	vshll.u32 v5, $0x10  }
0x38a: {  	v5 =	vand.u32 $0xFFFF0000, v5;
	v1 =	vadd.f32 v11, v1;
	v11 =	vld.idx.msk [tilespmem:v0+s23+$0xFFFFFFC0 ss:$0x1], $0xffff;
	v6 =	vadd.f32 v6, v10  }
0x38b: {  	v10 =	vshll.u32 v4, $0x10;
	v13 =	vshll.u32 v8, $0x10;
	v14 =	vshll.u32 v9, $0x10  }
0x38c: {  	v15 =	vld.idx.msk [tilespmem:v0+s23+$0x0 ss:$0x1], $0xffff;
	v8 =	vand.u32 $0xFFFF0000, v8;
	v9 =	vand.u32 $0xFFFF0000, v9;
	v2 =	vadd.f32 v14, v2  }
0x38d: {  	v4 =	vand.u32 $0xFFFF0000, v4;
	v14 =	vshll.u32 v7, $0x10;
	v3 =	vadd.f32 v9, v3  }
0x38e: {  	v0 =	vld.idx.msk [tilespmem:v0+s23+$0x40 ss:$0x1], $0xffff;
	v7 =	vand.u32 $0xFFFF0000, v7;
	v1 =	vadd.f32 v14, v1;
	v2 =	vadd.f32 v13, v2  }
0x38f: {  	v6 =	vadd.f32 v7, v6;
	v3 =	vadd.f32 v8, v3;
	v7 =	vshll.u32 v11, $0x10  }
0x390: {  	v8 =	vand.u32 $0xFFFF0000, v11;
	v1 =	vadd.f32 v7, v1;
	v2 =	vadd.f32 v10, v2  }
0x391: {  	v6 =	vadd.f32 v8, v6;
	v7 =	vshll.u32 v15, $0x10;
	v3 =	vadd.f32 v4, v3  }
0x392: {  	v4 =	vand.u32 $0xFFFF0000, v15;
	v1 =	vadd.f32 v7, v1;
	v2 =	vadd.f32 v12, v2  }
0x393: {  	v4 =	vadd.f32 v4, v6;
	v6 =	vshll.u32 v0, $0x10;
	v3 =	vadd.f32 v5, v3  }
0x394: {  	v0 =	vand.u32 $0xFFFF0000, v0;
	v5 =	vadd.f32 v6, v1;
	v2 =	vmul.f32 $3.125000000e-02, v2  }
0x395: {  	v0 =	vadd.f32 v0, v4;
	v3 =	vmul.f32 $3.125000000e-02, v3;
	v1 =	vmov s17  }
0x396: {  	[tilespmem:s3+$0x15960] =	vst v2;
	v2 =	vmul.f32 $3.125000000e-02, v5  }
0x397: {  	[tilespmem:s3+$0x15970] =	vst v3;
	v0 =	vmul.f32 $3.125000000e-02, v0  }
0x398: {  	[tilespmem:s3+$0x16160] =	vst v2  }
0x399: {  	s24 =	simm.s32 $0x0;
	[tilespmem:s3+$0x16170] =	vst v0;
	v0 =	vmov s11  }
0x39a: {  	v4 =	vld.idx.msk [tilespmem:v1+s24+$0xFFFFFFC0 ss:$0x1], $0xffff  }
0x39b: {  	v6 =	vld.idx.msk [tilespmem:v1+s24+$0xFFFFFF40 ss:$0x1], $0xffff  }
0x39c: {  	v3 =	vld.idx.msk [tilespmem:v1+s24+$0x0 ss:$0x1], $0xffff  }
0x39d: {  	v5 =	vld.idx.msk [tilespmem:v1+s24+$0xFFFFFF80 ss:$0x1], $0xffff  }
0x39e: {  	v7 =	vld.idx.msk [tilespmem:v0+s24+$0xFFFFFF80 ss:$0x1], $0xffff  }
0x39f: {  	v8 =	vimm.f32 $0.0e+00  }
0x3a0: {  	v9 =	vld.idx.msk [tilespmem:v0+s24+$0xFFFFFFC0 ss:$0x1], $0xffff;
	v12 =	vshll.u32 v4, $0x10;
	v13 =	vand.u32 $0xFFFF0000, v4;
	v4 =	vshll.u32 v6, $0x10  }
0x3a1: {  	v15 =	vld.idx.msk [tilespmem:v0+s24+$0x0 ss:$0x1], $0xffff;
	v2 =	vshll.u32 v3, $0x10;
	v14 =	vand.u32 $0xFFFF0000, v6;
	v17 =	vadd.f32 v4, v8  }
0x3a2: {  	s23 =	simm.s32 $0x100;
	v10 =	vshll.u32 v5, $0x10;
	v11 =	vand.u32 $0xFFFF0000, v5;
	v6 =	vld.idx.msk [tilespmem:v0+s24+$0x40 ss:$0x1], $0xffff;
	v14 =	vadd.f32 v14, v8  }
0x3a3: {  	v5 =	vld.idx.msk [tilespmem:v1+s23+$0x0 ss:$0x1], $0xffff;
	v17 =	vadd.f32 v10, v17;
	v16 =	vshll.u32 v7, $0x10;
	v7 =	vand.u32 $0xFFFF0000, v7  }
0x3a4: {  	v3 =	vand.u32 $0xFFFF0000, v3;
	v4 =	vld.idx.msk [tilespmem:v1+s23+$0xFFFFFFC0 ss:$0x1], $0xffff;
	v16 =	vadd.f32 v16, v8;
	v7 =	vadd.f32 v7, v8  }
0x3a5: {  	v19 =	vadd.f32 v11, v14;
	v18 =	vshll.u32 v9, $0x10;
	v11 =	vand.u32 $0xFFFF0000, v9;
	v9 =	vld.idx.msk [tilespmem:v1+s23+$0xFFFFFF40 ss:$0x1], $0xffff  }
0x3a6: {  	v14 =	vshll.u32 v15, $0x10;
	v8 =	vld.idx.msk [tilespmem:v1+s23+$0xFFFFFF80 ss:$0x1], $0xffff;
	v10 =	vadd.f32 v18, v16;
	v11 =	vadd.f32 v11, v7  }
0x3a7: {  	s24 =	simm.s32 $0x800;
	v15 =	vand.u32 $0xFFFF0000, v15;
	v12 =	vadd.f32 v12, v17;
	v13 =	vadd.f32 v13, v19;
	v7 =	vld.idx.msk [tilespmem:v0+s23+$0xFFFFFF80 ss:$0x1], $0xffff  }
.LBB2_19:
0x3a8: {  	p1 =	sne.s32 s24, $0x1C00;
	v10 =	vadd.f32 v14, v10;
	v11 =	vadd.f32 v15, v11;
	v14 =	vshll.u32 v6, $0x10  }
0x3a9: {  	v15 =	vld.idx.msk [tilespmem:v0+s23+$0xFFFFFFC0 ss:$0x1], $0xffff;
	v12 =	vadd.f32 v2, v12;
	v13 =	vadd.f32 v3, v13;
	v2 =	vand.u32 $0xFFFF0000, v6  }
0x3aa: {  	v10 =	vadd.f32 v14, v10;
	v11 =	vadd.f32 v2, v11  }
0x3ab: {  	v17 =	vshll.u32 v4, $0x10;
	v3 =	vand.u32 $0xFFFF0000, v5;
	v2 =	vshll.u32 v5, $0x10;
	v16 =	vld.idx.msk [tilespmem:v0+s23+$0x0 ss:$0x1], $0xffff  }
0x3ac: {  	v19 =	vand.u32 $0xFFFF0000, v4;
	v14 =	vshll.u32 v8, $0x10;
	v18 =	vand.u32 $0xFFFF0000, v8  }
0x3ad: {  	v4 =	vshll.u32 v9, $0x10;
	v8 =	vand.u32 $0xFFFF0000, v9;
	v9 =	vshll.u32 v7, $0x10;
	v6 =	vld.idx.msk [tilespmem:v0+s23+$0x40 ss:$0x1], $0xffff;
	s23 =	sshra.s32 s24, $0x2  }
.Ltmp22:
0x3ae: {  	v12 =	vadd.f32 v4, v12;
	v13 =	vadd.f32 v8, v13;
	v7 =	vand.u32 $0xFFFF0000, v7;
	v5 =	vld.idx.msk [tilespmem:v1+s23+$0x0 ss:$0x1], $0xffff;
	(pc) =	sbr.rel @p1 .LBB2_19-.Ltmp22, $4  }
0x3af: {  	v10 =	vadd.f32 v9, v10;
	v7 =	vadd.f32 v7, v11;
	v11 =	vshll.u32 v15, $0x10;
	v4 =	vld.idx.msk [tilespmem:v1+s23+$0xFFFFFFC0 ss:$0x1], $0xffff  }
0x3b0: {  	v12 =	vadd.f32 v14, v12;
	v13 =	vadd.f32 v18, v13;
	v14 =	vand.u32 $0xFFFF0000, v15;
	v8 =	vld.idx.msk [tilespmem:v1+s23+$0xFFFFFF80 ss:$0x1], $0xffff  }
0x3b1: {  	v10 =	vadd.f32 v11, v10;
	v11 =	vadd.f32 v14, v7;
	v14 =	vshll.u32 v16, $0x10;
	v9 =	vld.idx.msk [tilespmem:v1+s23+$0xFFFFFF40 ss:$0x1], $0xffff  }
0x3b2: {  	s24 =	sadd.s32 $0x400, s24;
	v12 =	vadd.f32 v17, v12;
	v13 =	vadd.f32 v19, v13;
	v15 =	vand.u32 $0xFFFF0000, v16;
	v7 =	vld.idx.msk [tilespmem:v0+s23+$0xFFFFFF80 ss:$0x1], $0xffff  }
0x3b3: {  	_ = 	snop  }
0x3b4: {  	v1 =	vadd.f32 v14, v10  }
0x3b5: {  	v10 =	vadd.f32 v15, v11;
	v11 =	vshll.u32 v6, $0x10;
	v6 =	vand.u32 $0xFFFF0000, v6  }
0x3b6: {  	v2 =	vadd.f32 v2, v12;
	v3 =	vadd.f32 v3, v13;
	v12 =	vshll.u32 v5, $0x10  }
0x3b7: {  	v5 =	vand.u32 $0xFFFF0000, v5;
	v1 =	vadd.f32 v11, v1;
	v11 =	vld.idx.msk [tilespmem:v0+s23+$0xFFFFFFC0 ss:$0x1], $0xffff;
	v6 =	vadd.f32 v6, v10  }
0x3b8: {  	v10 =	vshll.u32 v4, $0x10;
	v13 =	vshll.u32 v8, $0x10;
	v14 =	vshll.u32 v9, $0x10  }
0x3b9: {  	v15 =	vld.idx.msk [tilespmem:v0+s23+$0x0 ss:$0x1], $0xffff;
	v8 =	vand.u32 $0xFFFF0000, v8;
	v9 =	vand.u32 $0xFFFF0000, v9;
	v2 =	vadd.f32 v14, v2  }
0x3ba: {  	v4 =	vand.u32 $0xFFFF0000, v4;
	v14 =	vshll.u32 v7, $0x10;
	v3 =	vadd.f32 v9, v3  }
0x3bb: {  	v0 =	vld.idx.msk [tilespmem:v0+s23+$0x40 ss:$0x1], $0xffff;
	v7 =	vand.u32 $0xFFFF0000, v7;
	v1 =	vadd.f32 v14, v1;
	v2 =	vadd.f32 v13, v2  }
0x3bc: {  	v6 =	vadd.f32 v7, v6;
	v3 =	vadd.f32 v8, v3;
	v7 =	vshll.u32 v11, $0x10  }
0x3bd: {  	v8 =	vand.u32 $0xFFFF0000, v11;
	v1 =	vadd.f32 v7, v1;
	v2 =	vadd.f32 v10, v2  }
0x3be: {  	v6 =	vadd.f32 v8, v6;
	v7 =	vshll.u32 v15, $0x10;
	v3 =	vadd.f32 v4, v3  }
0x3bf: {  	v4 =	vand.u32 $0xFFFF0000, v15;
	v1 =	vadd.f32 v7, v1;
	v2 =	vadd.f32 v12, v2  }
0x3c0: {  	v4 =	vadd.f32 v4, v6;
	v6 =	vshll.u32 v0, $0x10;
	v3 =	vadd.f32 v5, v3  }
0x3c1: {  	v0 =	vand.u32 $0xFFFF0000, v0;
	v5 =	vadd.f32 v6, v1;
	v2 =	vmul.f32 $3.125000000e-02, v2  }
0x3c2: {  	v0 =	vadd.f32 v0, v4;
	v3 =	vmul.f32 $3.125000000e-02, v3;
	v1 =	vmov s0  }
0x3c3: {  	[tilespmem:s3+$0x15980] =	vst v2;
	v2 =	vmul.f32 $3.125000000e-02, v5  }
0x3c4: {  	[tilespmem:s3+$0x15990] =	vst v3;
	v0 =	vmul.f32 $3.125000000e-02, v0  }
0x3c5: {  	[tilespmem:s3+$0x16180] =	vst v2  }
0x3c6: {  	s24 =	simm.s32 $0x0;
	[tilespmem:s3+$0x16190] =	vst v0;
	v0 =	vmov s18  }
0x3c7: {  	v4 =	vld.idx.msk [tilespmem:v1+s24+$0xFFFFFFC0 ss:$0x1], $0xffff  }
0x3c8: {  	v6 =	vld.idx.msk [tilespmem:v1+s24+$0xFFFFFF40 ss:$0x1], $0xffff  }
0x3c9: {  	v3 =	vld.idx.msk [tilespmem:v1+s24+$0x0 ss:$0x1], $0xffff  }
0x3ca: {  	v5 =	vld.idx.msk [tilespmem:v1+s24+$0xFFFFFF80 ss:$0x1], $0xffff  }
0x3cb: {  	v7 =	vld.idx.msk [tilespmem:v0+s24+$0xFFFFFF80 ss:$0x1], $0xffff  }
0x3cc: {  	v8 =	vimm.f32 $0.0e+00  }
0x3cd: {  	v9 =	vld.idx.msk [tilespmem:v0+s24+$0xFFFFFFC0 ss:$0x1], $0xffff;
	v12 =	vshll.u32 v4, $0x10;
	v13 =	vand.u32 $0xFFFF0000, v4;
	v4 =	vshll.u32 v6, $0x10  }
0x3ce: {  	v15 =	vld.idx.msk [tilespmem:v0+s24+$0x0 ss:$0x1], $0xffff;
	v2 =	vshll.u32 v3, $0x10;
	v14 =	vand.u32 $0xFFFF0000, v6;
	v17 =	vadd.f32 v4, v8  }
0x3cf: {  	s23 =	simm.s32 $0x100;
	v10 =	vshll.u32 v5, $0x10;
	v11 =	vand.u32 $0xFFFF0000, v5;
	v6 =	vld.idx.msk [tilespmem:v0+s24+$0x40 ss:$0x1], $0xffff;
	v14 =	vadd.f32 v14, v8  }
0x3d0: {  	v5 =	vld.idx.msk [tilespmem:v1+s23+$0x0 ss:$0x1], $0xffff;
	v17 =	vadd.f32 v10, v17;
	v16 =	vshll.u32 v7, $0x10;
	v7 =	vand.u32 $0xFFFF0000, v7  }
0x3d1: {  	v3 =	vand.u32 $0xFFFF0000, v3;
	v4 =	vld.idx.msk [tilespmem:v1+s23+$0xFFFFFFC0 ss:$0x1], $0xffff;
	v16 =	vadd.f32 v16, v8;
	v7 =	vadd.f32 v7, v8  }
0x3d2: {  	v19 =	vadd.f32 v11, v14;
	v18 =	vshll.u32 v9, $0x10;
	v11 =	vand.u32 $0xFFFF0000, v9;
	v9 =	vld.idx.msk [tilespmem:v1+s23+$0xFFFFFF40 ss:$0x1], $0xffff  }
0x3d3: {  	v14 =	vshll.u32 v15, $0x10;
	v8 =	vld.idx.msk [tilespmem:v1+s23+$0xFFFFFF80 ss:$0x1], $0xffff;
	v10 =	vadd.f32 v18, v16;
	v11 =	vadd.f32 v11, v7  }
0x3d4: {  	s24 =	simm.s32 $0x800;
	v15 =	vand.u32 $0xFFFF0000, v15;
	v12 =	vadd.f32 v12, v17;
	v13 =	vadd.f32 v13, v19;
	v7 =	vld.idx.msk [tilespmem:v0+s23+$0xFFFFFF80 ss:$0x1], $0xffff  }
.LBB2_21:
0x3d5: {  	p1 =	sne.s32 s24, $0x1C00;
	v10 =	vadd.f32 v14, v10;
	v11 =	vadd.f32 v15, v11;
	v14 =	vshll.u32 v6, $0x10  }
0x3d6: {  	v15 =	vld.idx.msk [tilespmem:v0+s23+$0xFFFFFFC0 ss:$0x1], $0xffff;
	v12 =	vadd.f32 v2, v12;
	v13 =	vadd.f32 v3, v13;
	v2 =	vand.u32 $0xFFFF0000, v6  }
0x3d7: {  	v10 =	vadd.f32 v14, v10;
	v11 =	vadd.f32 v2, v11  }
0x3d8: {  	v17 =	vshll.u32 v4, $0x10;
	v3 =	vand.u32 $0xFFFF0000, v5;
	v2 =	vshll.u32 v5, $0x10;
	v16 =	vld.idx.msk [tilespmem:v0+s23+$0x0 ss:$0x1], $0xffff  }
0x3d9: {  	v19 =	vand.u32 $0xFFFF0000, v4;
	v14 =	vshll.u32 v8, $0x10;
	v18 =	vand.u32 $0xFFFF0000, v8  }
0x3da: {  	v4 =	vshll.u32 v9, $0x10;
	v8 =	vand.u32 $0xFFFF0000, v9;
	v9 =	vshll.u32 v7, $0x10;
	v6 =	vld.idx.msk [tilespmem:v0+s23+$0x40 ss:$0x1], $0xffff;
	s23 =	sshra.s32 s24, $0x2  }
.Ltmp23:
0x3db: {  	v12 =	vadd.f32 v4, v12;
	v13 =	vadd.f32 v8, v13;
	v7 =	vand.u32 $0xFFFF0000, v7;
	v5 =	vld.idx.msk [tilespmem:v1+s23+$0x0 ss:$0x1], $0xffff;
	(pc) =	sbr.rel @p1 .LBB2_21-.Ltmp23, $4  }
0x3dc: {  	v10 =	vadd.f32 v9, v10;
	v7 =	vadd.f32 v7, v11;
	v11 =	vshll.u32 v15, $0x10;
	v4 =	vld.idx.msk [tilespmem:v1+s23+$0xFFFFFFC0 ss:$0x1], $0xffff  }
0x3dd: {  	v12 =	vadd.f32 v14, v12;
	v13 =	vadd.f32 v18, v13;
	v14 =	vand.u32 $0xFFFF0000, v15;
	v8 =	vld.idx.msk [tilespmem:v1+s23+$0xFFFFFF80 ss:$0x1], $0xffff  }
0x3de: {  	v10 =	vadd.f32 v11, v10;
	v11 =	vadd.f32 v14, v7;
	v14 =	vshll.u32 v16, $0x10;
	v9 =	vld.idx.msk [tilespmem:v1+s23+$0xFFFFFF40 ss:$0x1], $0xffff  }
0x3df: {  	s24 =	sadd.s32 $0x400, s24;
	v12 =	vadd.f32 v17, v12;
	v13 =	vadd.f32 v19, v13;
	v15 =	vand.u32 $0xFFFF0000, v16;
	v7 =	vld.idx.msk [tilespmem:v0+s23+$0xFFFFFF80 ss:$0x1], $0xffff  }
0x3e0: {  	_ = 	snop  }
0x3e1: {  	v1 =	vadd.f32 v14, v10  }
0x3e2: {  	v43 =	vadd.f32 v15, v11;
	v44 =	vshll.u32 v6, $0x10;
	v45 =	vand.u32 $0xFFFF0000, v6  }
0x3e3: {  	v48 =	vshll.u32 v5, $0x10;
	v49 =	vand.u32 $0xFFFF0000, v5;
	v2 =	vadd.f32 v2, v12  }
0x3e4: {  	v46 =	vld.idx.msk [tilespmem:v0+s23+$0xFFFFFFC0 ss:$0x1], $0xffff;
	v3 =	vadd.f32 v3, v13;
	v47 =	vshll.u32 v4, $0x10;
	v55 =	vand.u32 $0xFFFF0000, v4  }
0x3e5: {  	v1 =	vadd.f32 v44, v1;
	v6 =	vadd.f32 v45, v43;
	v51 =	vshll.u32 v9, $0x10  }
0x3e6: {  	v52 =	vld.idx.msk [tilespmem:v0+s23+$0x0 ss:$0x1], $0xffff;
	v50 =	vshll.u32 v8, $0x10;
	v54 =	vand.u32 $0xFFFF0000, v9;
	v2 =	vadd.f32 v51, v2  }
0x3e7: {  	v53 =	vand.u32 $0xFFFF0000, v8;
	v56 =	vshll.u32 v7, $0x10;
	v3 =	vadd.f32 v54, v3  }
0x3e8: {  	v57 =	vld.idx.msk [tilespmem:v0+s23+$0x40 ss:$0x1], $0xffff;
	v58 =	vand.u32 $0xFFFF0000, v7;
	v1 =	vadd.f32 v56, v1;
	v2 =	vadd.f32 v50, v2  }
0x3e9: {  	v6 =	vadd.f32 v58, v6;
	v59 =	vshll.u32 v46, $0x10;
	v3 =	vadd.f32 v53, v3  }
0x3ea: {  	v60 =	vand.u32 $0xFFFF0000, v46;
	v1 =	vadd.f32 v59, v1;
	v2 =	vadd.f32 v47, v2  }
0x3eb: {  	v61 =	vshll.u32 v52, $0x10;
	v6 =	vadd.f32 v60, v6;
	v3 =	vadd.f32 v55, v3  }
0x3ec: {  	v62 =	vand.u32 $0xFFFF0000, v52;
	v1 =	vadd.f32 v61, v1;
	v2 =	vadd.f32 v48, v2  }
0x3ed: {  	s14 =	sadd.s32 $0x1, s14;
	v63 =	vshll.u32 v57, $0x10;
	v4 =	vadd.f32 v62, v6;
	v3 =	vadd.f32 v49, v3  }
0x3ee: {  	p1 =	sne.s32 s14, $0x8;
	v0 =	vand.u32 $0xFFFF0000, v57;
	v1 =	vadd.f32 v63, v1;
	v2 =	vmul.f32 $3.125000000e-02, v2  }
.Ltmp24:
0x3ef: {  	v0 =	vadd.f32 v0, v4;
	v3 =	vmul.f32 $3.125000000e-02, v3;
	(pc) =	sbr.rel @p1 .LBB2_14-.Ltmp24, $4  }
0x3f0: {  	v1 =	vmul.f32 $3.125000000e-02, v1;
	[tilespmem:s3+$0x159A0] =	vst v2  }
0x3f1: {  	s15 =	sadd.s32 $0x800, s15;
	s16 =	sadd.s32 $0x800, s16;
	v0 =	vmul.f32 $3.125000000e-02, v0;
	[tilespmem:s3+$0x159B0] =	vst v3  }
0x3f2: {  	s8 =	sadd.s32 $0x800, s8;
	s9 =	sadd.s32 $0x800, s9;
	s11 =	sadd.s32 $0x800, s11;
	[tilespmem:s3+$0x161A0] =	vst v1  }
0x3f3: {  	s17 =	sadd.s32 $0x800, s17;
	s18 =	sadd.s32 $0x800, s18;
	s0 =	sadd.s32 $0x800, s0;
	[tilespmem:s3+$0x161B0] =	vst v0  }
0x3f4: {  	s0 =	sshll.u32 s13, $0x3;
	s12 =	sadd.s32 $0x1, s12  }
0x3f5: {  	_ =	strace $0x90000050;
	s0 =	sadd.s32 s5, s0;
	p1 =	seq.s32 s12, $0x14  }
0x3f6: {  	[hbm4b:s0+s2] =	stream.linear.scatter [tilespmem:s29], [sflag:$0x4], $0x200, $0x38;
	[tilespmem:$0x16540] =	vst v63  }
.Ltmp25:
0x3f7: {  	s31 =	sshll.u32 s13, $0x4;
	(pc) =	sbr.rel @!p1 .LBB2_3-.Ltmp25, $4  }
.Ltmp26:
0x3f8: {  	s3 =	sadd.s32 s1, s31;
	(pc) =	sbr.rel @p1 .LBB2_46-.Ltmp26, $4  }
0x3f9: {  	[hbm4b:s3+s2] =	stream.linear.scatter [tilespmem:s26], [sflag:$0x4], $0x400, $0x38;
	[tilespmem:$0x16540] =	vst v63  }
0x3fa: {  	s0 =	sadd.s32 s7, s31  }
0x3fb: {  	[hbm4b:s0+s2] =	stream.linear.scatter [tilespmem:s28], [sflag:$0x4], $0x400, $0x38;
	[tilespmem:$0x16540] =	vst v63  }
0x3fc: {  	_ = 	snop  }
.LBB2_47:
0x3fd: {  	_ =	sfence.sel $0x180000  }
0x3fe: {  	[bflag:$0x0] =	sbarrier.arrive $0xFFFF  }
0x3ff: {  	_ =	strace $0x90000047  }
0x400: {  	s0 =	stileid.u32;
	[bflag:$0x2] =	sbarrier.arrive $0xFFFF  }
0x401: {  	p0 =	sne.s32 s0, $0x0;
	s0 =	rddreg [dreg:$0x2]  }
0x402: {  	s0 =	sadd.s32 @!p0 $0x100000, s0  }
0x403: {  	[sflag:s0] =	ssyncadd.tile.s32 @!p0 $0x1;
	_ =	shalt  }
.Lfunc_end2:
_tile_overlayer_lowered:
.L_overlay_start_2:
0x404: {  	(tag) =	ssettag $0x2  }
0x405: {  	s0 =	rddreg [dreg:$0x0];
	s2 =	stileid.u32  }
0x406: {  	s1 =	rddreg [dreg:$0x1];
	p0 =	sne.s32 s2, $0x0  }
0x407: {  	s3 =	rddreg [dreg:$0x2];
	[bflag:$0x3] =	sbarrier.arrive $0xFFFF;
	s2 =	simm.s32 @!p0 $0x1C05  }
0x408: {  	[timem:s3], [sflag:s2] =	dma.local @!p0 [hbm:s0], s1  }
0x409: {  	s0 =	simm.s32 @!p0 $0x5  }
0x40a: {  	_ =	swait.ge @!p0 [sflag:s0], s1  }
0x40b: {  	s1 =	ssub.s32 @!p0 $0x0, s1;
	[sflag:s0] =	ssyncset.done @!p0 $0x0  }
0x40c: {  	[sflag:s0] =	ssyncadd.s32 @!p0 s1  }
0x40d: {  	[bflag:$0x3] =	sbarrier.arrive $0xFFFF  }
0x40e: {  	_ =	shalt  }

</sc_bundles>
